<compile_context>
chip_gen: v7x
topology: tpu7x:2x2x1
jax: 0.10.2.dev20260603
libtpu: 0.0.44.dev20260713+nightly
codegen_flags: <defaults>
</compile_context>

<pallas_src>
import functools

import jax
import jax.numpy as jnp
from jax import lax
from jax.experimental import pallas as pl
from jax.experimental.pallas import tpu as pltpu
from jax.experimental.pallas import tpu_sc as plsc

K = 4
TC_ROWS = 32
N_CHUNKS = 16
N_WORKERS = 32
LANES = 16


def _compute_chunk(buf, gbase, *, seq_len, hidden):
    n_col_groups = hidden // LANES
    is_batch_end = ((gbase + TC_ROWS) & (seq_len - 1)) == 0

    @pl.when(is_batch_end)
    def _zero_halo():
        def zcol(c, _):
            z = jnp.zeros((LANES,), jnp.float32)
            for r in range(K):
                buf[TC_ROWS + r, pl.ds(c * LANES, LANES)] = z
            return 0
        lax.fori_loop(0, n_col_groups, zcol, 0)

    def make_col_body(t0, t1):
        def col_body(c, _):
            cs = c * LANES
            x1 = buf[t0 + 1, pl.ds(cs, LANES)]
            x2 = buf[t0 + 2, pl.ds(cs, LANES)]
            x3 = buf[t0 + 3, pl.ds(cs, LANES)]
            q1 = x1 + x2
            q2 = x2 + x3
            xl = x3
            for t in range(t0, t1):
                v = buf[t + K, pl.ds(cs, LANES)]
                qn = xl + v
                buf[t, pl.ds(cs, LANES)] = (q1 + qn) * 0.25
                q1, q2, xl = q2, qn, v
            return 0
        return col_body

    lax.fori_loop(0, n_col_groups, make_col_body(0, TC_ROWS // 2), 0)
    yield
    lax.fori_loop(0, n_col_groups, make_col_body(TC_ROWS // 2, TC_ROWS), 0)

    @pl.when(is_batch_end)
    def _fixup():
        factors = (4.0 / 3.0, 2.0, 4.0, 0.0)

        def fcol(c, _):
            cs = c * LANES
            for i, f in enumerate(factors):
                r = TC_ROWS - K + i
                buf[r, pl.ds(cs, LANES)] = buf[r, pl.ds(cs, LANES)] * f
            return 0
        lax.fori_loop(0, n_col_groups, fcol, 0)


def _start_load(h_hbm, buf, sem, gbase, n_rows):
    pltpu.make_async_copy(
        h_hbm.at[pl.ds(gbase, TC_ROWS)], buf.at[pl.ds(0, TC_ROWS)], sem
    ).start()
    hstart = jnp.minimum(gbase + TC_ROWS, n_rows - 8)
    pltpu.make_async_copy(
        h_hbm.at[pl.ds(hstart, K)], buf.at[pl.ds(TC_ROWS, K)], sem
    ).start()


def _wait_load(h_hbm, buf, sem, gbase, n_rows):
    pltpu.make_async_copy(
        h_hbm.at[pl.ds(0, TC_ROWS)], buf.at[pl.ds(0, TC_ROWS)], sem
    ).wait()
    pltpu.make_async_copy(
        h_hbm.at[pl.ds(0, K)], buf.at[pl.ds(TC_ROWS, K)], sem
    ).wait()


HALF = TC_ROWS // 2


def _start_scatter_half(out_hbm, buf, sem, gbase, half):
    r0 = half * HALF
    pltpu.make_async_copy(
        buf.at[pl.ds(r0, HALF)], out_hbm.at[pl.ds(gbase + r0, HALF)], sem
    ).start()


def _wait_scatter(out_hbm, buf, sem):
    for _ in range(2):
        pltpu.make_async_copy(
            buf.at[pl.ds(0, HALF)], out_hbm.at[pl.ds(0, HALF)], sem
        ).wait()


def _sc_body(h_hbm, out_hbm, b0, b1, b2, l0, l1, l2, s0, s1, s2,
             *, n_rows, seq_len, hidden, rows_per_worker):
    nc = 2
    wid = lax.axis_index("s") * nc + lax.axis_index("c")
    base = wid * rows_per_worker
    bufs = (b0, b1, b2)
    lsems = (l0, l1, l2)
    ssems = (s0, s1, s2)
    compute = functools.partial(_compute_chunk, seq_len=seq_len, hidden=hidden)

    def run_chunk(c, slot):
        g = base + c * TC_ROWS
        pslot = (slot + 2) % 3

        _wait_load(h_hbm, bufs[slot], lsems[slot], g, n_rows)
        gen = compute(bufs[slot], g)
        next(gen)
        _start_scatter_half(out_hbm, bufs[slot], ssems[slot], g, 0)
        for _ in gen:
            pass
        _start_scatter_half(out_hbm, bufs[slot], ssems[slot], g, 1)

        @pl.when(c > 0)
        def _free_prev():
            _wait_scatter(out_hbm, bufs[pslot], ssems[pslot])

        @pl.when(c < N_CHUNKS - 2)
        def _prefetch():
            _start_load(h_hbm, bufs[pslot], lsems[pslot], g + 2 * TC_ROWS,
                        n_rows)

    _start_load(h_hbm, b0, l0, base, n_rows)
    _start_load(h_hbm, b1, l1, base + TC_ROWS, n_rows)

    def trip_body(t, _):
        c = 3 * t
        run_chunk(c, 0)
        run_chunk(c + 1, 1)
        run_chunk(c + 2, 2)
        return 0

    lax.fori_loop(0, (N_CHUNKS - 1) // 3, trip_body, 0)
    run_chunk(N_CHUNKS - 1, (N_CHUNKS - 1) % 3)
    _wait_scatter(out_hbm, bufs[(N_CHUNKS - 1) % 3], ssems[(N_CHUNKS - 1) % 3])


def kernel(hidden_states):
    B, S, H = hidden_states.shape
    n_rows = B * S
    rows_per_worker = n_rows // N_WORKERS
    flat = hidden_states.reshape(n_rows, H)

    mesh = plsc.VectorSubcoreMesh(core_axis_name="c", subcore_axis_name="s")
    body = functools.partial(
        _sc_body,
        n_rows=n_rows,
        seq_len=S,
        hidden=H,
        rows_per_worker=rows_per_worker,
    )
    run = pl.kernel(
        body,
        mesh=mesh,
        out_type=jax.ShapeDtypeStruct((n_rows, H), jnp.float32),
        scratch_types=[
            pltpu.VMEM((TC_ROWS + K, H), jnp.float32),
            pltpu.VMEM((TC_ROWS + K, H), jnp.float32),
            pltpu.VMEM((TC_ROWS + K, H), jnp.float32),
            pltpu.SemaphoreType.DMA,
            pltpu.SemaphoreType.DMA,
            pltpu.SemaphoreType.DMA,
            pltpu.SemaphoreType.DMA,
            pltpu.SemaphoreType.DMA,
            pltpu.SemaphoreType.DMA,
        ],
    )
    out = run(flat)
    return out.reshape(B, S, H)

# --- scband reference (transcript-rebuilt; emitter-appended) ---
"""Pipeline reference for scband-future-encoder-54778012893467 (READ-ONLY COPY).

The authoritative reference and input builder live on the scoring server;
editing this copy changes nothing except your own understanding.
"""

import jax, jax.numpy as jnp
import numpy as np

FUTURE_K = 4

def setup_inputs(seed: int = 0) -> dict:
    key = jax.random.key(seed)
    hidden_states = jax.random.normal(key, (4, 4096, 1024), dtype=jnp.float32)
    return {"hidden_states": hidden_states}

def reference(hidden_states):
    # Faithful translation of FutureEncoder.forward with summary_method='mean'.
    # For each t in [0, S-2]: summary[t] = mean(hidden_states[:, t+1 : min(t+1+k, S), :]).
    # Last position (t = S-1) stays zero, matching the torch loop bounds.
    B, S, H = hidden_states.shape
    k = FUTURE_K
    total = jnp.zeros_like(hidden_states)
    # Sum of up to k future tokens via shifted slices (exact same summation order
    # as summing the window elements i = t+1 .. t+k).
    for i in range(1, k + 1):
        shifted = jnp.concatenate(
            [hidden_states[:, i:, :], jnp.zeros((B, i, H), dtype=hidden_states.dtype)],
            axis=1,
        )
        total = total + shifted
    t = jnp.arange(S)
    end = jnp.minimum(t + 1 + k, S)
    lengths = end - (t + 1)  # 0 at t = S-1
    safe_len = jnp.maximum(lengths, 1).astype(hidden_states.dtype)
    mean = total / safe_len[None, :, None]
    future_summaries = jnp.where((lengths > 0)[None, :, None], mean, jnp.zeros_like(mean))
    return future_summaries

if __name__ == "__main__":
    import jax
    _d = setup_inputs()
    print(jax.jit(kernel)(*tuple(_d.values())))

</pallas_src>

<mosaic_0001>
#map = affine_map<(d0, d1) -> (0, 0)>
module attributes {stable_mosaic.version = 14 : i64} {
  func.func @_sc_body(%arg0: i32, %arg1: i32, %arg2: memref<16384x1024xf32, #tpu.memory_space<hbm>>, %arg3: memref<16384x1024xf32, #tpu.memory_space<hbm>>, %arg4: memref<36x1024xf32, #tpu.memory_space<vmem>>, %arg5: memref<36x1024xf32, #tpu.memory_space<vmem>>, %arg6: memref<36x1024xf32, #tpu.memory_space<vmem>>, %arg7: memref<!tpu.dma_semaphore, #tpu.memory_space<semaphore_mem>>, %arg8: memref<!tpu.dma_semaphore, #tpu.memory_space<semaphore_mem>>, %arg9: memref<!tpu.dma_semaphore, #tpu.memory_space<semaphore_mem>>, %arg10: memref<!tpu.dma_semaphore, #tpu.memory_space<semaphore_mem>>, %arg11: memref<!tpu.dma_semaphore, #tpu.memory_space<semaphore_mem>>, %arg12: memref<!tpu.dma_semaphore, #tpu.memory_space<semaphore_mem>>) attributes {dimension_semantics = [#tpu.dimension_semantics<core_parallel>, #tpu.dimension_semantics<subcore_parallel>], iteration_bounds = array<i64: 2, 16>, scalar_prefetch = 0 : i64, scratch_operands = 9 : i64, tpu.core_type = #tpu.core_type<sc_vector_subcore>, window_params = [{transform_indices = #map}, {transform_indices = #map}]} {
    %mul3A = arith.constant 2 : i32
    %mul3A_0 = arith.muli %arg1, %mul3A : i32
    %add3A = arith.addi %mul3A_0, %arg0 : i32
    %mul3A_1 = arith.constant 512 : i32
    %mul3A_2 = arith.muli %add3A, %mul3A_1 : i32
    %dma_start3A = arith.constant 0 : i32
    %dma_start3A_3 = arith.constant 0 : i32
    %dma_start3A_4 = tpu.memref_slice %arg4[%dma_start3A, %dma_start3A_3] : memref<36x1024xf32, #tpu.memory_space<vmem>> -> memref<32x1024xf32, #tpu.memory_space<vmem>>
    %dma_start3A_5 = arith.constant 0 : i32
    %dma_start3A_6 = tpu.memref_slice %arg2[%mul3A_2, %dma_start3A_5] : memref<16384x1024xf32, #tpu.memory_space<hbm>> -> memref<32x1024xf32, #tpu.memory_space<hbm>>
    %dma_start3A_7 = arith.constant 0 : i32
    %dma_start3A_8 = arith.constant 0 : i32
    %dma_start3A_9 = tpu.memref_slice %arg4[%dma_start3A_7, %dma_start3A_8] : memref<36x1024xf32, #tpu.memory_space<vmem>> -> memref<32x1024xf32, #tpu.memory_space<vmem>>
    %dma_start3A_10 = arith.constant 0 : i32
    %dma_start3A_11 = tpu.memref_slice %arg2[%mul3A_2, %dma_start3A_10] : memref<16384x1024xf32, #tpu.memory_space<hbm>> -> memref<32x1024xf32, #tpu.memory_space<hbm>>
    tpu.enqueue_dma source(%dma_start3A_11 : memref<32x1024xf32, #tpu.memory_space<hbm>>) target(%dma_start3A_9 : memref<32x1024xf32, #tpu.memory_space<vmem>>) target_semaphore(%arg7 : memref<!tpu.dma_semaphore, #tpu.memory_space<semaphore_mem>>)
    %add3A_12 = arith.constant 32 : i32
    %add3A_13 = arith.addi %mul3A_2, %add3A_12 : i32
    %min3A = arith.constant 16376 : i32
    %min3A_14 = arith.minsi %add3A_13, %min3A : i32
    %dma_start3A_15 = arith.constant 32 : i32
    %dma_start3A_16 = arith.constant 0 : i32
    %dma_start3A_17 = tpu.memref_slice %arg4[%dma_start3A_15, %dma_start3A_16] : memref<36x1024xf32, #tpu.memory_space<vmem>> -> memref<4x1024xf32, #tpu.memory_space<vmem>>
    %dma_start3A_18 = arith.constant 0 : i32
    %dma_start3A_19 = tpu.memref_slice %arg2[%min3A_14, %dma_start3A_18] : memref<16384x1024xf32, #tpu.memory_space<hbm>> -> memref<4x1024xf32, #tpu.memory_space<hbm>>
    %dma_start3A_20 = arith.constant 32 : i32
    %dma_start3A_21 = arith.constant 0 : i32
    %dma_start3A_22 = tpu.memref_slice %arg4[%dma_start3A_20, %dma_start3A_21] : memref<36x1024xf32, #tpu.memory_space<vmem>> -> memref<4x1024xf32, #tpu.memory_space<vmem>>
    %dma_start3A_23 = arith.constant 0 : i32
    %dma_start3A_24 = tpu.memref_slice %arg2[%min3A_14, %dma_start3A_23] : memref<16384x1024xf32, #tpu.memory_space<hbm>> -> memref<4x1024xf32, #tpu.memory_space<hbm>>
    tpu.enqueue_dma source(%dma_start3A_24 : memref<4x1024xf32, #tpu.memory_space<hbm>>) target(%dma_start3A_22 : memref<4x1024xf32, #tpu.memory_space<vmem>>) target_semaphore(%arg7 : memref<!tpu.dma_semaphore, #tpu.memory_space<semaphore_mem>>)
    %add3A_25 = arith.constant 32 : i32
    %add3A_26 = arith.addi %mul3A_2, %add3A_25 : i32
    %dma_start3A_27 = arith.constant 0 : i32
    %dma_start3A_28 = arith.constant 0 : i32
    %dma_start3A_29 = tpu.memref_slice %arg5[%dma_start3A_27, %dma_start3A_28] : memref<36x1024xf32, #tpu.memory_space<vmem>> -> memref<32x1024xf32, #tpu.memory_space<vmem>>
    %dma_start3A_30 = arith.constant 0 : i32
    %dma_start3A_31 = tpu.memref_slice %arg2[%add3A_26, %dma_start3A_30] : memref<16384x1024xf32, #tpu.memory_space<hbm>> -> memref<32x1024xf32, #tpu.memory_space<hbm>>
    %dma_start3A_32 = arith.constant 0 : i32
    %dma_start3A_33 = arith.constant 0 : i32
    %dma_start3A_34 = tpu.memref_slice %arg5[%dma_start3A_32, %dma_start3A_33] : memref<36x1024xf32, #tpu.memory_space<vmem>> -> memref<32x1024xf32, #tpu.memory_space<vmem>>
    %dma_start3A_35 = arith.constant 0 : i32
    %dma_start3A_36 = tpu.memref_slice %arg2[%add3A_26, %dma_start3A_35] : memref<16384x1024xf32, #tpu.memory_space<hbm>> -> memref<32x1024xf32, #tpu.memory_space<hbm>>
    tpu.enqueue_dma source(%dma_start3A_36 : memref<32x1024xf32, #tpu.memory_space<hbm>>) target(%dma_start3A_34 : memref<32x1024xf32, #tpu.memory_space<vmem>>) target_semaphore(%arg8 : memref<!tpu.dma_semaphore, #tpu.memory_space<semaphore_mem>>)
    %add3A_37 = arith.constant 32 : i32
    %add3A_38 = arith.addi %add3A_26, %add3A_37 : i32
    %min3A_39 = arith.constant 16376 : i32
    %min3A_40 = arith.minsi %add3A_38, %min3A_39 : i32
    %dma_start3A_41 = arith.constant 32 : i32
    %dma_start3A_42 = arith.constant 0 : i32
    %dma_start3A_43 = tpu.memref_slice %arg5[%dma_start3A_41, %dma_start3A_42] : memref<36x1024xf32, #tpu.memory_space<vmem>> -> memref<4x1024xf32, #tpu.memory_space<vmem>>
    %dma_start3A_44 = arith.constant 0 : i32
    %dma_start3A_45 = tpu.memref_slice %arg2[%min3A_40, %dma_start3A_44] : memref<16384x1024xf32, #tpu.memory_space<hbm>> -> memref<4x1024xf32, #tpu.memory_space<hbm>>
    %dma_start3A_46 = arith.constant 32 : i32
    %dma_start3A_47 = arith.constant 0 : i32
    %dma_start3A_48 = tpu.memref_slice %arg5[%dma_start3A_46, %dma_start3A_47] : memref<36x1024xf32, #tpu.memory_space<vmem>> -> memref<4x1024xf32, #tpu.memory_space<vmem>>
    %dma_start3A_49 = arith.constant 0 : i32
    %dma_start3A_50 = tpu.memref_slice %arg2[%min3A_40, %dma_start3A_49] : memref<16384x1024xf32, #tpu.memory_space<hbm>> -> memref<4x1024xf32, #tpu.memory_space<hbm>>
    tpu.enqueue_dma source(%dma_start3A_50 : memref<4x1024xf32, #tpu.memory_space<hbm>>) target(%dma_start3A_48 : memref<4x1024xf32, #tpu.memory_space<vmem>>) target_semaphore(%arg8 : memref<!tpu.dma_semaphore, #tpu.memory_space<semaphore_mem>>)
    %scan3A = arith.constant 0 : i32
    %scan3A_51 = arith.constant 0 : i32
    %scan3A_52 = arith.constant 5 : i32
    %scan3A_53 = arith.addi %scan3A_51, %scan3A_52 : i32
    %scan3A_54 = arith.constant 1 : i32
    %scan3A_55 = scf.for %scan3A_176 = %scan3A_51 to %scan3A_53 step %scan3A_54 iter_args(%scan3A_177 = %scan3A) -> (i32)  : i32 {
      %mul3A_178 = arith.constant 3 : i32
      %mul3A_179 = arith.muli %mul3A_178, %scan3A_176 : i32
      %mul3A_180 = arith.constant 32 : i32
      %mul3A_181 = arith.muli %mul3A_179, %mul3A_180 : i32
      %add3A_182 = arith.addi %mul3A_2, %mul3A_181 : i32
      %dma_wait3A_183 = arith.constant 0 : i32
      %dma_wait3A_184 = arith.constant 0 : i32
      %dma_wait3A_185 = tpu.memref_slice %arg4[%dma_wait3A_183, %dma_wait3A_184] : memref<36x1024xf32, #tpu.memory_space<vmem>> -> memref<32x1024xf32, #tpu.memory_space<vmem>>
      %dma_wait3A_186 = arith.constant 0 : i32
      %dma_wait3A_187 = arith.constant 0 : i32
      %dma_wait3A_188 = tpu.memref_slice %arg2[%dma_wait3A_186, %dma_wait3A_187] : memref<16384x1024xf32, #tpu.memory_space<hbm>> -> memref<32x1024xf32, #tpu.memory_space<hbm>>
      %dma_wait3A_189 = arith.constant 0 : i32
      %dma_wait3A_190 = arith.constant 0 : i32
      %dma_wait3A_191 = tpu.memref_slice %arg4[%dma_wait3A_189, %dma_wait3A_190] : memref<36x1024xf32, #tpu.memory_space<vmem>> -> memref<32x1024xf32, #tpu.memory_space<vmem>>
      %dma_wait3A_192 = arith.constant 0 : i32
      %dma_wait3A_193 = arith.constant 0 : i32
      %dma_wait3A_194 = tpu.memref_slice %arg2[%dma_wait3A_192, %dma_wait3A_193] : memref<16384x1024xf32, #tpu.memory_space<hbm>> -> memref<32x1024xf32, #tpu.memory_space<hbm>>
      tpu.wait_dma2 semaphore(%arg7 : memref<!tpu.dma_semaphore, #tpu.memory_space<semaphore_mem>>) src(%dma_wait3A_194 : memref<32x1024xf32, #tpu.memory_space<hbm>>) dst(%dma_wait3A_191 : memref<32x1024xf32, #tpu.memory_space<vmem>>)
      %dma_wait3A_195 = arith.constant 32 : i32
      %dma_wait3A_196 = arith.constant 0 : i32
      %dma_wait3A_197 = tpu.memref_slice %arg4[%dma_wait3A_195, %dma_wait3A_196] : memref<36x1024xf32, #tpu.memory_space<vmem>> -> memref<4x1024xf32, #tpu.memory_space<vmem>>
      %dma_wait3A_198 = arith.constant 0 : i32
      %dma_wait3A_199 = arith.constant 0 : i32
      %dma_wait3A_200 = tpu.memref_slice %arg2[%dma_wait3A_198, %dma_wait3A_199] : memref<16384x1024xf32, #tpu.memory_space<hbm>> -> memref<4x1024xf32, #tpu.memory_space<hbm>>
      %dma_wait3A_201 = arith.constant 32 : i32
      %dma_wait3A_202 = arith.constant 0 : i32
      %dma_wait3A_203 = tpu.memref_slice %arg4[%dma_wait3A_201, %dma_wait3A_202] : memref<36x1024xf32, #tpu.memory_space<vmem>> -> memref<4x1024xf32, #tpu.memory_space<vmem>>
      %dma_wait3A_204 = arith.constant 0 : i32
      %dma_wait3A_205 = arith.constant 0 : i32
      %dma_wait3A_206 = tpu.memref_slice %arg2[%dma_wait3A_204, %dma_wait3A_205] : memref<16384x1024xf32, #tpu.memory_space<hbm>> -> memref<4x1024xf32, #tpu.memory_space<hbm>>
      tpu.wait_dma2 semaphore(%arg7 : memref<!tpu.dma_semaphore, #tpu.memory_space<semaphore_mem>>) src(%dma_wait3A_206 : memref<4x1024xf32, #tpu.memory_space<hbm>>) dst(%dma_wait3A_203 : memref<4x1024xf32, #tpu.memory_space<vmem>>)
      %add3A_207 = arith.constant 32 : i32
      %add3A_208 = arith.addi %add3A_182, %add3A_207 : i32
      %and3A_209 = arith.constant 4095 : i32
      %and3A_210 = arith.andi %add3A_208, %and3A_209 : i32
      %eq3A_211 = arith.constant 0 : i32
      %eq3A_212 = arith.cmpi eq, %and3A_210, %eq3A_211 : i32
      %convert_element_type3A_213 = arith.extui %eq3A_212 : i1 to i32
      %cond3A_214 = arith.constant 0 : i32
      %cond3A_215 = arith.cmpi ne, %convert_element_type3A_213, %cond3A_214 : i32
      scf.if %cond3A_215 {
        %scan3A_444 = arith.constant 0 : i32
        %scan3A_445 = arith.constant 0 : i32
        %scan3A_446 = arith.constant 64 : i32
        %scan3A_447 = arith.addi %scan3A_445, %scan3A_446 : i32
        %scan3A_448 = arith.constant 1 : i32
        %scan3A_449 = scf.for %scan3A_451 = %scan3A_445 to %scan3A_447 step %scan3A_448 iter_args(%scan3A_452 = %scan3A_444) -> (i32)  : i32 {
          %broadcast_in_dim3A = arith.constant 0.000000e+00 : f32
          %broadcast_in_dim3A_453 = vector.broadcast %broadcast_in_dim3A : f32 to vector<16xf32>
          %mul3A_454 = arith.constant 16 : i32
          %mul3A_455 = arith.muli %scan3A_451, %mul3A_454 : i32
          %swap3A = arith.constant 32 : i32
          %swap3A_456 = arith.index_cast %swap3A : i32 to index
          %swap3A_457 = arith.index_cast %mul3A_455 : i32 to index
          %swap3A_458 = tpu.vector_load %arg4[%swap3A_456, %swap3A_457] {strides = array<i32>} : memref<36x1024xf32, #tpu.memory_space<vmem>>, vector<1x16xf32>,
          %swap3A_459 = vector.shape_cast %swap3A_458 : vector<1x16xf32> to vector<16xf32>
          %swap3A_460 = vector.shape_cast %broadcast_in_dim3A_453 : vector<16xf32> to vector<1x16xf32>
          tpu.vector_store %arg4[%swap3A_456, %swap3A_457], %swap3A_460 {strides = array<i32>} : memref<36x1024xf32, #tpu.memory_space<vmem>>, vector<1x16xf32>,
          %mul3A_461 = arith.constant 16 : i32
          %mul3A_462 = arith.muli %scan3A_451, %mul3A_461 : i32
          %swap3A_463 = arith.constant 33 : i32
          %swap3A_464 = arith.index_cast %swap3A_463 : i32 to index
          %swap3A_465 = arith.index_cast %mul3A_462 : i32 to index
          %swap3A_466 = tpu.vector_load %arg4[%swap3A_464, %swap3A_465] {strides = array<i32>} : memref<36x1024xf32, #tpu.memory_space<vmem>>, vector<1x16xf32>,
          %swap3A_467 = vector.shape_cast %swap3A_466 : vector<1x16xf32> to vector<16xf32>
          %swap3A_468 = vector.shape_cast %broadcast_in_dim3A_453 : vector<16xf32> to vector<1x16xf32>
          tpu.vector_store %arg4[%swap3A_464, %swap3A_465], %swap3A_468 {strides = array<i32>} : memref<36x1024xf32, #tpu.memory_space<vmem>>, vector<1x16xf32>,
          %mul3A_469 = arith.constant 16 : i32
          %mul3A_470 = arith.muli %scan3A_451, %mul3A_469 : i32
          %swap3A_471 = arith.constant 34 : i32
          %swap3A_472 = arith.index_cast %swap3A_471 : i32 to index
          %swap3A_473 = arith.index_cast %mul3A_470 : i32 to index
          %swap3A_474 = tpu.vector_load %arg4[%swap3A_472, %swap3A_473] {strides = array<i32>} : memref<36x1024xf32, #tpu.memory_space<vmem>>, vector<1x16xf32>,
          %swap3A_475 = vector.shape_cast %swap3A_474 : vector<1x16xf32> to vector<16xf32>
          %swap3A_476 = vector.shape_cast %broadcast_in_dim3A_453 : vector<16xf32> to vector<1x16xf32>
          tpu.vector_store %arg4[%swap3A_472, %swap3A_473], %swap3A_476 {strides = array<i32>} : memref<36x1024xf32, #tpu.memory_space<vmem>>, vector<1x16xf32>,
          %mul3A_477 = arith.constant 16 : i32
          %mul3A_478 = arith.muli %scan3A_451, %mul3A_477 : i32
          %swap3A_479 = arith.constant 35 : i32
          %swap3A_480 = arith.index_cast %swap3A_479 : i32 to index
          %swap3A_481 = arith.index_cast %mul3A_478 : i32 to index
          %swap3A_482 = tpu.vector_load %arg4[%swap3A_480, %swap3A_481] {strides = array<i32>} : memref<36x1024xf32, #tpu.memory_space<vmem>>, vector<1x16xf32>,
          %swap3A_483 = vector.shape_cast %swap3A_482 : vector<1x16xf32> to vector<16xf32>
          %swap3A_484 = vector.shape_cast %broadcast_in_dim3A_453 : vector<16xf32> to vector<1x16xf32>
          tpu.vector_store %arg4[%swap3A_480, %swap3A_481], %swap3A_484 {strides = array<i32>} : memref<36x1024xf32, #tpu.memory_space<vmem>>, vector<1x16xf32>,
          %scan3A_485 = arith.constant 0 : i32
          scf.yield %scan3A_485 : i32
        }
        %scan3A_450 = arith.constant 64 : i32
      } else {
      }
      %scan3A_216 = arith.constant 0 : i32
      %scan3A_217 = arith.constant 0 : i32
      %scan3A_218 = arith.constant 64 : i32
      %scan3A_219 = arith.addi %scan3A_217, %scan3A_218 : i32
      %scan3A_220 = arith.constant 1 : i32
      %scan3A_221 = scf.for %scan3A_444 = %scan3A_217 to %scan3A_219 step %scan3A_220 iter_args(%scan3A_445 = %scan3A_216) -> (i32)  : i32 {
        %mul3A_446 = arith.constant 16 : i32
        %mul3A_447 = arith.muli %scan3A_444, %mul3A_446 : i32
        %get3A = arith.constant 1 : i32
        %get3A_448 = arith.index_cast %get3A : i32 to index
        %get3A_449 = arith.index_cast %mul3A_447 : i32 to index
        %get3A_450 = tpu.vector_load %arg4[%get3A_448, %get3A_449] {strides = array<i32>} : memref<36x1024xf32, #tpu.memory_space<vmem>>, vector<1x16xf32>,
        %get3A_451 = vector.shape_cast %get3A_450 : vector<1x16xf32> to vector<16xf32>
        %get3A_452 = arith.constant 2 : i32
        %get3A_453 = arith.index_cast %get3A_452 : i32 to index
        %get3A_454 = arith.index_cast %mul3A_447 : i32 to index
        %get3A_455 = tpu.vector_load %arg4[%get3A_453, %get3A_454] {strides = array<i32>} : memref<36x1024xf32, #tpu.memory_space<vmem>>, vector<1x16xf32>,
        %get3A_456 = vector.shape_cast %get3A_455 : vector<1x16xf32> to vector<16xf32>
        %get3A_457 = arith.constant 3 : i32
        %get3A_458 = arith.index_cast %get3A_457 : i32 to index
        %get3A_459 = arith.index_cast %mul3A_447 : i32 to index
        %get3A_460 = tpu.vector_load %arg4[%get3A_458, %get3A_459] {strides = array<i32>} : memref<36x1024xf32, #tpu.memory_space<vmem>>, vector<1x16xf32>,
        %get3A_461 = vector.shape_cast %get3A_460 : vector<1x16xf32> to vector<16xf32>
        %add3A_462 = arith.addf %get3A_451, %get3A_456 : vector<16xf32>
        %add3A_463 = arith.addf %get3A_456, %get3A_461 : vector<16xf32>
        %get3A_464 = arith.constant 4 : i32
        %get3A_465 = arith.index_cast %get3A_464 : i32 to index
        %get3A_466 = arith.index_cast %mul3A_447 : i32 to index
        %get3A_467 = tpu.vector_load %arg4[%get3A_465, %get3A_466] {strides = array<i32>} : memref<36x1024xf32, #tpu.memory_space<vmem>>, vector<1x16xf32>,
        %get3A_468 = vector.shape_cast %get3A_467 : vector<1x16xf32> to vector<16xf32>
        %add3A_469 = arith.addf %get3A_461, %get3A_468 : vector<16xf32>
        %add3A_470 = arith.addf %add3A_462, %add3A_469 : vector<16xf32>
        %mul3A_471 = arith.constant 2.500000e-01 : f32
        %mul3A_472 = vector.broadcast %mul3A_471 : f32 to vector<16xf32>
        %mul3A_473 = arith.mulf %add3A_470, %mul3A_472 : vector<16xf32>
        %swap3A = arith.constant 0 : i32
        %swap3A_474 = arith.index_cast %swap3A : i32 to index
        %swap3A_475 = arith.index_cast %mul3A_447 : i32 to index
        %swap3A_476 = tpu.vector_load %arg4[%swap3A_474, %swap3A_475] {strides = array<i32>} : memref<36x1024xf32, #tpu.memory_space<vmem>>, vector<1x16xf32>,
        %swap3A_477 = vector.shape_cast %swap3A_476 : vector<1x16xf32> to vector<16xf32>
        %swap3A_478 = vector.shape_cast %mul3A_473 : vector<16xf32> to vector<1x16xf32>
        tpu.vector_store %arg4[%swap3A_474, %swap3A_475], %swap3A_478 {strides = array<i32>} : memref<36x1024xf32, #tpu.memory_space<vmem>>, vector<1x16xf32>,
        %get3A_479 = arith.constant 5 : i32
        %get3A_480 = arith.index_cast %get3A_479 : i32 to index
        %get3A_481 = arith.index_cast %mul3A_447 : i32 to index
        %get3A_482 = tpu.vector_load %arg4[%get3A_480, %get3A_481] {strides = array<i32>} : memref<36x1024xf32, #tpu.memory_space<vmem>>, vector<1x16xf32>,
        %get3A_483 = vector.shape_cast %get3A_482 : vector<1x16xf32> to vector<16xf32>
        %add3A_484 = arith.addf %get3A_468, %get3A_483 : vector<16xf32>
        %add3A_485 = arith.addf %add3A_463, %add3A_484 : vector<16xf32>
        %mul3A_486 = arith.constant 2.500000e-01 : f32
        %mul3A_487 = vector.broadcast %mul3A_486 : f32 to vector<16xf32>
        %mul3A_488 = arith.mulf %add3A_485, %mul3A_487 : vector<16xf32>
        %swap3A_489 = arith.constant 1 : i32
        %swap3A_490 = arith.index_cast %swap3A_489 : i32 to index
        %swap3A_491 = arith.index_cast %mul3A_447 : i32 to index
        %swap3A_492 = tpu.vector_load %arg4[%swap3A_490, %swap3A_491] {strides = array<i32>} : memref<36x1024xf32, #tpu.memory_space<vmem>>, vector<1x16xf32>,
        %swap3A_493 = vector.shape_cast %swap3A_492 : vector<1x16xf32> to vector<16xf32>
        %swap3A_494 = vector.shape_cast %mul3A_488 : vector<16xf32> to vector<1x16xf32>
        tpu.vector_store %arg4[%swap3A_490, %swap3A_491], %swap3A_494 {strides = array<i32>} : memref<36x1024xf32, #tpu.memory_space<vmem>>, vector<1x16xf32>,
        %get3A_495 = arith.constant 6 : i32
        %get3A_496 = arith.index_cast %get3A_495 : i32 to index
        %get3A_497 = arith.index_cast %mul3A_447 : i32 to index
        %get3A_498 = tpu.vector_load %arg4[%get3A_496, %get3A_497] {strides = array<i32>} : memref<36x1024xf32, #tpu.memory_space<vmem>>, vector<1x16xf32>,
        %get3A_499 = vector.shape_cast %get3A_498 : vector<1x16xf32> to vector<16xf32>
        %add3A_500 = arith.addf %get3A_483, %get3A_499 : vector<16xf32>
        %add3A_501 = arith.addf %add3A_469, %add3A_500 : vector<16xf32>
        %mul3A_502 = arith.constant 2.500000e-01 : f32
        %mul3A_503 = vector.broadcast %mul3A_502 : f32 to vector<16xf32>
        %mul3A_504 = arith.mulf %add3A_501, %mul3A_503 : vector<16xf32>
        %swap3A_505 = arith.constant 2 : i32
        %swap3A_506 = arith.index_cast %swap3A_505 : i32 to index
        %swap3A_507 = arith.index_cast %mul3A_447 : i32 to index
        %swap3A_508 = tpu.vector_load %arg4[%swap3A_506, %swap3A_507] {strides = array<i32>} : memref<36x1024xf32, #tpu.memory_space<vmem>>, vector<1x16xf32>,
        %swap3A_509 = vector.shape_cast %swap3A_508 : vector<1x16xf32> to vector<16xf32>
        %swap3A_510 = vector.shape_cast %mul3A_504 : vector<16xf32> to vector<1x16xf32>
        tpu.vector_store %arg4[%swap3A_506, %swap3A_507], %swap3A_510 {strides = array<i32>} : memref<36x1024xf32, #tpu.memory_space<vmem>>, vector<1x16xf32>,
        %get3A_511 = arith.constant 7 : i32
        %get3A_512 = arith.index_cast %get3A_511 : i32 to index
        %get3A_513 = arith.index_cast %mul3A_447 : i32 to index
        %get3A_514 = tpu.vector_load %arg4[%get3A_512, %get3A_513] {strides = array<i32>} : memref<36x1024xf32, #tpu.memory_space<vmem>>, vector<1x16xf32>,
        %get3A_515 = vector.shape_cast %get3A_514 : vector<1x16xf32> to vector<16xf32>
        %add3A_516 = arith.addf %get3A_499, %get3A_515 : vector<16xf32>
        %add3A_517 = arith.addf %add3A_484, %add3A_516 : vector<16xf32>
        %mul3A_518 = arith.constant 2.500000e-01 : f32
        %mul3A_519 = vector.broadcast %mul3A_518 : f32 to vector<16xf32>
        %mul3A_520 = arith.mulf %add3A_517, %mul3A_519 : vector<16xf32>
        %swap3A_521 = arith.constant 3 : i32
        %swap3A_522 = arith.index_cast %swap3A_521 : i32 to index
        %swap3A_523 = arith.index_cast %mul3A_447 : i32 to index
        %swap3A_524 = tpu.vector_load %arg4[%swap3A_522, %swap3A_523] {strides = array<i32>} : memref<36x1024xf32, #tpu.memory_space<vmem>>, vector<1x16xf32>,
        %swap3A_525 = vector.shape_cast %swap3A_524 : vector<1x16xf32> to vector<16xf32>
        %swap3A_526 = vector.shape_cast %mul3A_520 : vector<16xf32> to vector<1x16xf32>
        tpu.vector_store %arg4[%swap3A_522, %swap3A_523], %swap3A_526 {strides = array<i32>} : memref<36x1024xf32, #tpu.memory_space<vmem>>, vector<1x16xf32>,
        %get3A_527 = arith.constant 8 : i32
        %get3A_528 = arith.index_cast %get3A_527 : i32 to index
        %get3A_529 = arith.index_cast %mul3A_447 : i32 to index
        %get3A_530 = tpu.vector_load %arg4[%get3A_528, %get3A_529] {strides = array<i32>} : memref<36x1024xf32, #tpu.memory_space<vmem>>, vector<1x16xf32>,
        %get3A_531 = vector.shape_cast %get3A_530 : vector<1x16xf32> to vector<16xf32>
        %add3A_532 = arith.addf %get3A_515, %get3A_531 : vector<16xf32>
        %add3A_533 = arith.addf %add3A_500, %add3A_532 : vector<16xf32>
        %mul3A_534 = arith.constant 2.500000e-01 : f32
        %mul3A_535 = vector.broadcast %mul3A_534 : f32 to vector<16xf32>
        %mul3A_536 = arith.mulf %add3A_533, %mul3A_535 : vector<16xf32>
        %swap3A_537 = arith.constant 4 : i32
        %swap3A_538 = arith.index_cast %swap3A_537 : i32 to index
        %swap3A_539 = arith.index_cast %mul3A_447 : i32 to index
        %swap3A_540 = tpu.vector_load %arg4[%swap3A_538, %swap3A_539] {strides = array<i32>} : memref<36x1024xf32, #tpu.memory_space<vmem>>, vector<1x16xf32>,
        %swap3A_541 = vector.shape_cast %swap3A_540 : vector<1x16xf32> to vector<16xf32>
        %swap3A_542 = vector.shape_cast %mul3A_536 : vector<16xf32> to vector<1x16xf32>
        tpu.vector_store %arg4[%swap3A_538, %swap3A_539], %swap3A_542 {strides = array<i32>} : memref<36x1024xf32, #tpu.memory_space<vmem>>, vector<1x16xf32>,
        %get3A_543 = arith.constant 9 : i32
        %get3A_544 = arith.index_cast %get3A_543 : i32 to index
        %get3A_545 = arith.index_cast %mul3A_447 : i32 to index
        %get3A_546 = tpu.vector_load %arg4[%get3A_544, %get3A_545] {strides = array<i32>} : memref<36x1024xf32, #tpu.memory_space<vmem>>, vector<1x16xf32>,
        %get3A_547 = vector.shape_cast %get3A_546 : vector<1x16xf32> to vector<16xf32>
        %add3A_548 = arith.addf %get3A_531, %get3A_547 : vector<16xf32>
        %add3A_549 = arith.addf %add3A_516, %add3A_548 : vector<16xf32>
        %mul3A_550 = arith.constant 2.500000e-01 : f32
        %mul3A_551 = vector.broadcast %mul3A_550 : f32 to vector<16xf32>
        %mul3A_552 = arith.mulf %add3A_549, %mul3A_551 : vector<16xf32>
        %swap3A_553 = arith.constant 5 : i32
        %swap3A_554 = arith.index_cast %swap3A_553 : i32 to index
        %swap3A_555 = arith.index_cast %mul3A_447 : i32 to index
        %swap3A_556 = tpu.vector_load %arg4[%swap3A_554, %swap3A_555] {strides = array<i32>} : memref<36x1024xf32, #tpu.memory_space<vmem>>, vector<1x16xf32>,
        %swap3A_557 = vector.shape_cast %swap3A_556 : vector<1x16xf32> to vector<16xf32>
        %swap3A_558 = vector.shape_cast %mul3A_552 : vector<16xf32> to vector<1x16xf32>
        tpu.vector_store %arg4[%swap3A_554, %swap3A_555], %swap3A_558 {strides = array<i32>} : memref<36x1024xf32, #tpu.memory_space<vmem>>, vector<1x16xf32>,
        %get3A_559 = arith.constant 10 : i32
        %get3A_560 = arith.index_cast %get3A_559 : i32 to index
        %get3A_561 = arith.index_cast %mul3A_447 : i32 to index
        %get3A_562 = tpu.vector_load %arg4[%get3A_560, %get3A_561] {strides = array<i32>} : memref<36x1024xf32, #tpu.memory_space<vmem>>, vector<1x16xf32>,
        %get3A_563 = vector.shape_cast %get3A_562 : vector<1x16xf32> to vector<16xf32>
        %add3A_564 = arith.addf %get3A_547, %get3A_563 : vector<16xf32>
        %add3A_565 = arith.addf %add3A_532, %add3A_564 : vector<16xf32>
        %mul3A_566 = arith.constant 2.500000e-01 : f32
        %mul3A_567 = vector.broadcast %mul3A_566 : f32 to vector<16xf32>
        %mul3A_568 = arith.mulf %add3A_565, %mul3A_567 : vector<16xf32>
        %swap3A_569 = arith.constant 6 : i32
        %swap3A_570 = arith.index_cast %swap3A_569 : i32 to index
        %swap3A_571 = arith.index_cast %mul3A_447 : i32 to index
        %swap3A_572 = tpu.vector_load %arg4[%swap3A_570, %swap3A_571] {strides = array<i32>} : memref<36x1024xf32, #tpu.memory_space<vmem>>, vector<1x16xf32>,
        %swap3A_573 = vector.shape_cast %swap3A_572 : vector<1x16xf32> to vector<16xf32>
        %swap3A_574 = vector.shape_cast %mul3A_568 : vector<16xf32> to vector<1x16xf32>
        tpu.vector_store %arg4[%swap3A_570, %swap3A_571], %swap3A_574 {strides = array<i32>} : memref<36x1024xf32, #tpu.memory_space<vmem>>, vector<1x16xf32>,
        %get3A_575 = arith.constant 11 : i32
        %get3A_576 = arith.index_cast %get3A_575 : i32 to index
        %get3A_577 = arith.index_cast %mul3A_447 : i32 to index
        %get3A_578 = tpu.vector_load %arg4[%get3A_576, %get3A_577] {strides = array<i32>} : memref<36x1024xf32, #tpu.memory_space<vmem>>, vector<1x16xf32>,
        %get3A_579 = vector.shape_cast %get3A_578 : vector<1x16xf32> to vector<16xf32>
        %add3A_580 = arith.addf %get3A_563, %get3A_579 : vector<16xf32>
        %add3A_581 = arith.addf %add3A_548, %add3A_580 : vector<16xf32>
        %mul3A_582 = arith.constant 2.500000e-01 : f32
        %mul3A_583 = vector.broadcast %mul3A_582 : f32 to vector<16xf32>
        %mul3A_584 = arith.mulf %add3A_581, %mul3A_583 : vector<16xf32>
        %swap3A_585 = arith.constant 7 : i32
        %swap3A_586 = arith.index_cast %swap3A_585 : i32 to index
        %swap3A_587 = arith.index_cast %mul3A_447 : i32 to index
        %swap3A_588 = tpu.vector_load %arg4[%swap3A_586, %swap3A_587] {strides = array<i32>} : memref<36x1024xf32, #tpu.memory_space<vmem>>, vector<1x16xf32>,
        %swap3A_589 = vector.shape_cast %swap3A_588 : vector<1x16xf32> to vector<16xf32>
        %swap3A_590 = vector.shape_cast %mul3A_584 : vector<16xf32> to vector<1x16xf32>
        tpu.vector_store %arg4[%swap3A_586, %swap3A_587], %swap3A_590 {strides = array<i32>} : memref<36x1024xf32, #tpu.memory_space<vmem>>, vector<1x16xf32>,
        %get3A_591 = arith.constant 12 : i32
        %get3A_592 = arith.index_cast %get3A_591 : i32 to index
        %get3A_593 = arith.index_cast %mul3A_447 : i32 to index
        %get3A_594 = tpu.vector_load %arg4[%get3A_592, %get3A_593] {strides = array<i32>} : memref<36x1024xf32, #tpu.memory_space<vmem>>, vector<1x16xf32>,
        %get3A_595 = vector.shape_cast %get3A_594 : vector<1x16xf32> to vector<16xf32>
        %add3A_596 = arith.addf %get3A_579, %get3A_595 : vector<16xf32>
        %add3A_597 = arith.addf %add3A_564, %add3A_596 : vector<16xf32>
        %mul3A_598 = arith.constant 2.500000e-01 : f32
        %mul3A_599 = vector.broadcast %mul3A_598 : f32 to vector<16xf32>
        %mul3A_600 = arith.mulf %add3A_597, %mul3A_599 : vector<16xf32>
        %swap3A_601 = arith.constant 8 : i32
        %swap3A_602 = arith.index_cast %swap3A_601 : i32 to index
        %swap3A_603 = arith.index_cast %mul3A_447 : i32 to index
        %swap3A_604 = tpu.vector_load %arg4[%swap3A_602, %swap3A_603] {strides = array<i32>} : memref<36x1024xf32, #tpu.memory_space<vmem>>, vector<1x16xf32>,
        %swap3A_605 = vector.shape_cast %swap3A_604 : vector<1x16xf32> to vector<16xf32>
        %swap3A_606 = vector.shape_cast %mul3A_600 : vector<16xf32> to vector<1x16xf32>
        tpu.vector_store %arg4[%swap3A_602, %swap3A_603], %swap3A_606 {strides = array<i32>} : memref<36x1024xf32, #tpu.memory_space<vmem>>, vector<1x16xf32>,
        %get3A_607 = arith.constant 13 : i32
        %get3A_608 = arith.index_cast %get3A_607 : i32 to index
        %get3A_609 = arith.index_cast %mul3A_447 : i32 to index
        %get3A_610 = tpu.vector_load %arg4[%get3A_608, %get3A_609] {strides = array<i32>} : memref<36x1024xf32, #tpu.memory_space<vmem>>, vector<1x16xf32>,
        %get3A_611 = vector.shape_cast %get3A_610 : vector<1x16xf32> to vector<16xf32>
        %add3A_612 = arith.addf %get3A_595, %get3A_611 : vector<16xf32>
        %add3A_613 = arith.addf %add3A_580, %add3A_612 : vector<16xf32>
        %mul3A_614 = arith.constant 2.500000e-01 : f32
        %mul3A_615 = vector.broadcast %mul3A_614 : f32 to vector<16xf32>
        %mul3A_616 = arith.mulf %add3A_613, %mul3A_615 : vector<16xf32>
        %swap3A_617 = arith.constant 9 : i32
        %swap3A_618 = arith.index_cast %swap3A_617 : i32 to index
        %swap3A_619 = arith.index_cast %mul3A_447 : i32 to index
        %swap3A_620 = tpu.vector_load %arg4[%swap3A_618, %swap3A_619] {strides = array<i32>} : memref<36x1024xf32, #tpu.memory_space<vmem>>, vector<1x16xf32>,
        %swap3A_621 = vector.shape_cast %swap3A_620 : vector<1x16xf32> to vector<16xf32>
        %swap3A_622 = vector.shape_cast %mul3A_616 : vector<16xf32> to vector<1x16xf32>
        tpu.vector_store %arg4[%swap3A_618, %swap3A_619], %swap3A_622 {strides = array<i32>} : memref<36x1024xf32, #tpu.memory_space<vmem>>, vector<1x16xf32>,
        %get3A_623 = arith.constant 14 : i32
        %get3A_624 = arith.index_cast %get3A_623 : i32 to index
        %get3A_625 = arith.index_cast %mul3A_447 : i32 to index
        %get3A_626 = tpu.vector_load %arg4[%get3A_624, %get3A_625] {strides = array<i32>} : memref<36x1024xf32, #tpu.memory_space<vmem>>, vector<1x16xf32>,
        %get3A_627 = vector.shape_cast %get3A_626 : vector<1x16xf32> to vector<16xf32>
        %add3A_628 = arith.addf %get3A_611, %get3A_627 : vector<16xf32>
        %add3A_629 = arith.addf %add3A_596, %add3A_628 : vector<16xf32>
        %mul3A_630 = arith.constant 2.500000e-01 : f32
        %mul3A_631 = vector.broadcast %mul3A_630 : f32 to vector<16xf32>
        %mul3A_632 = arith.mulf %add3A_629, %mul3A_631 : vector<16xf32>
        %swap3A_633 = arith.constant 10 : i32
        %swap3A_634 = arith.index_cast %swap3A_633 : i32 to index
        %swap3A_635 = arith.index_cast %mul3A_447 : i32 to index
        %swap3A_636 = tpu.vector_load %arg4[%swap3A_634, %swap3A_635] {strides = array<i32>} : memref<36x1024xf32, #tpu.memory_space<vmem>>, vector<1x16xf32>,
        %swap3A_637 = vector.shape_cast %swap3A_636 : vector<1x16xf32> to vector<16xf32>
        %swap3A_638 = vector.shape_cast %mul3A_632 : vector<16xf32> to vector<1x16xf32>
        tpu.vector_store %arg4[%swap3A_634, %swap3A_635], %swap3A_638 {strides = array<i32>} : memref<36x1024xf32, #tpu.memory_space<vmem>>, vector<1x16xf32>,
        %get3A_639 = arith.constant 15 : i32
        %get3A_640 = arith.index_cast %get3A_639 : i32 to index
        %get3A_641 = arith.index_cast %mul3A_447 : i32 to index
        %get3A_642 = tpu.vector_load %arg4[%get3A_640, %get3A_641] {strides = array<i32>} : memref<36x1024xf32, #tpu.memory_space<vmem>>, vector<1x16xf32>,
        %get3A_643 = vector.shape_cast %get3A_642 : vector<1x16xf32> to vector<16xf32>
        %add3A_644 = arith.addf %get3A_627, %get3A_643 : vector<16xf32>
        %add3A_645 = arith.addf %add3A_612, %add3A_644 : vector<16xf32>
        %mul3A_646 = arith.constant 2.500000e-01 : f32
        %mul3A_647 = vector.broadcast %mul3A_646 : f32 to vector<16xf32>
        %mul3A_648 = arith.mulf %add3A_645, %mul3A_647 : vector<16xf32>
        %swap3A_649 = arith.constant 11 : i32
        %swap3A_650 = arith.index_cast %swap3A_649 : i32 to index
        %swap3A_651 = arith.index_cast %mul3A_447 : i32 to index
        %swap3A_652 = tpu.vector_load %arg4[%swap3A_650, %swap3A_651] {strides = array<i32>} : memref<36x1024xf32, #tpu.memory_space<vmem>>, vector<1x16xf32>,
        %swap3A_653 = vector.shape_cast %swap3A_652 : vector<1x16xf32> to vector<16xf32>
        %swap3A_654 = vector.shape_cast %mul3A_648 : vector<16xf32> to vector<1x16xf32>
        tpu.vector_store %arg4[%swap3A_650, %swap3A_651], %swap3A_654 {strides = array<i32>} : memref<36x1024xf32, #tpu.memory_space<vmem>>, vector<1x16xf32>,
        %get3A_655 = arith.constant 16 : i32
        %get3A_656 = arith.index_cast %get3A_655 : i32 to index
        %get3A_657 = arith.index_cast %mul3A_447 : i32 to index
        %get3A_658 = tpu.vector_load %arg4[%get3A_656, %get3A_657] {strides = array<i32>} : memref<36x1024xf32, #tpu.memory_space<vmem>>, vector<1x16xf32>,
        %get3A_659 = vector.shape_cast %get3A_658 : vector<1x16xf32> to vector<16xf32>
        %add3A_660 = arith.addf %get3A_643, %get3A_659 : vector<16xf32>
        %add3A_661 = arith.addf %add3A_628, %add3A_660 : vector<16xf32>
        %mul3A_662 = arith.constant 2.500000e-01 : f32
        %mul3A_663 = vector.broadcast %mul3A_662 : f32 to vector<16xf32>
        %mul3A_664 = arith.mulf %add3A_661, %mul3A_663 : vector<16xf32>
        %swap3A_665 = arith.constant 12 : i32
        %swap3A_666 = arith.index_cast %swap3A_665 : i32 to index
        %swap3A_667 = arith.index_cast %mul3A_447 : i32 to index
        %swap3A_668 = tpu.vector_load %arg4[%swap3A_666, %swap3A_667] {strides = array<i32>} : memref<36x1024xf32, #tpu.memory_space<vmem>>, vector<1x16xf32>,
        %swap3A_669 = vector.shape_cast %swap3A_668 : vector<1x16xf32> to vector<16xf32>
        %swap3A_670 = vector.shape_cast %mul3A_664 : vector<16xf32> to vector<1x16xf32>
        tpu.vector_store %arg4[%swap3A_666, %swap3A_667], %swap3A_670 {strides = array<i32>} : memref<36x1024xf32, #tpu.memory_space<vmem>>, vector<1x16xf32>,
        %get3A_671 = arith.constant 17 : i32
        %get3A_672 = arith.index_cast %get3A_671 : i32 to index
        %get3A_673 = arith.index_cast %mul3A_447 : i32 to index
        %get3A_674 = tpu.vector_load %arg4[%get3A_672, %get3A_673] {strides = array<i32>} : memref<36x1024xf32, #tpu.memory_space<vmem>>, vector<1x16xf32>,
        %get3A_675 = vector.shape_cast %get3A_674 : vector<1x16xf32> to vector<16xf32>
        %add3A_676 = arith.addf %get3A_659, %get3A_675 : vector<16xf32>
        %add3A_677 = arith.addf %add3A_644, %add3A_676 : vector<16xf32>
        %mul3A_678 = arith.constant 2.500000e-01 : f32
        %mul3A_679 = vector.broadcast %mul3A_678 : f32 to vector<16xf32>
        %mul3A_680 = arith.mulf %add3A_677, %mul3A_679 : vector<16xf32>
        %swap3A_681 = arith.constant 13 : i32
        %swap3A_682 = arith.index_cast %swap3A_681 : i32 to index
        %swap3A_683 = arith.index_cast %mul3A_447 : i32 to index
        %swap3A_684 = tpu.vector_load %arg4[%swap3A_682, %swap3A_683] {strides = array<i32>} : memref<36x1024xf32, #tpu.memory_space<vmem>>, vector<1x16xf32>,
        %swap3A_685 = vector.shape_cast %swap3A_684 : vector<1x16xf32> to vector<16xf32>
        %swap3A_686 = vector.shape_cast %mul3A_680 : vector<16xf32> to vector<1x16xf32>
        tpu.vector_store %arg4[%swap3A_682, %swap3A_683], %swap3A_686 {strides = array<i32>} : memref<36x1024xf32, #tpu.memory_space<vmem>>, vector<1x16xf32>,
        %get3A_687 = arith.constant 18 : i32
        %get3A_688 = arith.index_cast %get3A_687 : i32 to index
        %get3A_689 = arith.index_cast %mul3A_447 : i32 to index
        %get3A_690 = tpu.vector_load %arg4[%get3A_688, %get3A_689] {strides = array<i32>} : memref<36x1024xf32, #tpu.memory_space<vmem>>, vector<1x16xf32>,
        %get3A_691 = vector.shape_cast %get3A_690 : vector<1x16xf32> to vector<16xf32>
        %add3A_692 = arith.addf %get3A_675, %get3A_691 : vector<16xf32>
        %add3A_693 = arith.addf %add3A_660, %add3A_692 : vector<16xf32>
        %mul3A_694 = arith.constant 2.500000e-01 : f32
        %mul3A_695 = vector.broadcast %mul3A_694 : f32 to vector<16xf32>
        %mul3A_696 = arith.mulf %add3A_693, %mul3A_695 : vector<16xf32>
        %swap3A_697 = arith.constant 14 : i32
        %swap3A_698 = arith.index_cast %swap3A_697 : i32 to index
        %swap3A_699 = arith.index_cast %mul3A_447 : i32 to index
        %swap3A_700 = tpu.vector_load %arg4[%swap3A_698, %swap3A_699] {strides = array<i32>} : memref<36x1024xf32, #tpu.memory_space<vmem>>, vector<1x16xf32>,
        %swap3A_701 = vector.shape_cast %swap3A_700 : vector<1x16xf32> to vector<16xf32>
        %swap3A_702 = vector.shape_cast %mul3A_696 : vector<16xf32> to vector<1x16xf32>
        tpu.vector_store %arg4[%swap3A_698, %swap3A_699], %swap3A_702 {strides = array<i32>} : memref<36x1024xf32, #tpu.memory_space<vmem>>, vector<1x16xf32>,
        %get3A_703 = arith.constant 19 : i32
        %get3A_704 = arith.index_cast %get3A_703 : i32 to index
        %get3A_705 = arith.index_cast %mul3A_447 : i32 to index
        %get3A_706 = tpu.vector_load %arg4[%get3A_704, %get3A_705] {strides = array<i32>} : memref<36x1024xf32, #tpu.memory_space<vmem>>, vector<1x16xf32>,
        %get3A_707 = vector.shape_cast %get3A_706 : vector<1x16xf32> to vector<16xf32>
        %add3A_708 = arith.addf %get3A_691, %get3A_707 : vector<16xf32>
        %add3A_709 = arith.addf %add3A_676, %add3A_708 : vector<16xf32>
        %mul3A_710 = arith.constant 2.500000e-01 : f32
        %mul3A_711 = vector.broadcast %mul3A_710 : f32 to vector<16xf32>
        %mul3A_712 = arith.mulf %add3A_709, %mul3A_711 : vector<16xf32>
        %swap3A_713 = arith.constant 15 : i32
        %swap3A_714 = arith.index_cast %swap3A_713 : i32 to index
        %swap3A_715 = arith.index_cast %mul3A_447 : i32 to index
        %swap3A_716 = tpu.vector_load %arg4[%swap3A_714, %swap3A_715] {strides = array<i32>} : memref<36x1024xf32, #tpu.memory_space<vmem>>, vector<1x16xf32>,
        %swap3A_717 = vector.shape_cast %swap3A_716 : vector<1x16xf32> to vector<16xf32>
        %swap3A_718 = vector.shape_cast %mul3A_712 : vector<16xf32> to vector<1x16xf32>
        tpu.vector_store %arg4[%swap3A_714, %swap3A_715], %swap3A_718 {strides = array<i32>} : memref<36x1024xf32, #tpu.memory_space<vmem>>, vector<1x16xf32>,
        %scan3A_719 = arith.constant 0 : i32
        scf.yield %scan3A_719 : i32
      }
      %scan3A_222 = arith.constant 64 : i32
      %add3A_223 = arith.constant 0 : i32
      %add3A_224 = arith.addi %add3A_182, %add3A_223 : i32
      %dma_start3A_225 = arith.constant 0 : i32
      %dma_start3A_226 = arith.constant 0 : i32
      %dma_start3A_227 = tpu.memref_slice %arg4[%dma_start3A_225, %dma_start3A_226] : memref<36x1024xf32, #tpu.memory_space<vmem>> -> memref<16x1024xf32, #tpu.memory_space<vmem>>
      %dma_start3A_228 = arith.constant 0 : i32
      %dma_start3A_229 = tpu.memref_slice %arg3[%add3A_224, %dma_start3A_228] : memref<16384x1024xf32, #tpu.memory_space<hbm>> -> memref<16x1024xf32, #tpu.memory_space<hbm>>
      %dma_start3A_230 = arith.constant 0 : i32
      %dma_start3A_231 = tpu.memref_slice %arg3[%add3A_224, %dma_start3A_230] : memref<16384x1024xf32, #tpu.memory_space<hbm>> -> memref<16x1024xf32, #tpu.memory_space<hbm>>
      %dma_start3A_232 = arith.constant 0 : i32
      %dma_start3A_233 = arith.constant 0 : i32
      %dma_start3A_234 = tpu.memref_slice %arg4[%dma_start3A_232, %dma_start3A_233] : memref<36x1024xf32, #tpu.memory_space<vmem>> -> memref<16x1024xf32, #tpu.memory_space<vmem>>
      tpu.enqueue_dma source(%dma_start3A_234 : memref<16x1024xf32, #tpu.memory_space<vmem>>) target(%dma_start3A_231 : memref<16x1024xf32, #tpu.memory_space<hbm>>) target_semaphore(%arg10 : memref<!tpu.dma_semaphore, #tpu.memory_space<semaphore_mem>>)
      %scan3A_235 = arith.constant 0 : i32
      %scan3A_236 = arith.constant 0 : i32
      %scan3A_237 = arith.constant 64 : i32
      %scan3A_238 = arith.addi %scan3A_236, %scan3A_237 : i32
      %scan3A_239 = arith.constant 1 : i32
      %scan3A_240 = scf.for %scan3A_444 = %scan3A_236 to %scan3A_238 step %scan3A_239 iter_args(%scan3A_445 = %scan3A_235) -> (i32)  : i32 {
        %mul3A_446 = arith.constant 16 : i32
        %mul3A_447 = arith.muli %scan3A_444, %mul3A_446 : i32
        %get3A = arith.constant 17 : i32
        %get3A_448 = arith.index_cast %get3A : i32 to index
        %get3A_449 = arith.index_cast %mul3A_447 : i32 to index
        %get3A_450 = tpu.vector_load %arg4[%get3A_448, %get3A_449] {strides = array<i32>} : memref<36x1024xf32, #tpu.memory_space<vmem>>, vector<1x16xf32>,
        %get3A_451 = vector.shape_cast %get3A_450 : vector<1x16xf32> to vector<16xf32>
        %get3A_452 = arith.constant 18 : i32
        %get3A_453 = arith.index_cast %get3A_452 : i32 to index
        %get3A_454 = arith.index_cast %mul3A_447 : i32 to index
        %get3A_455 = tpu.vector_load %arg4[%get3A_453, %get3A_454] {strides = array<i32>} : memref<36x1024xf32, #tpu.memory_space<vmem>>, vector<1x16xf32>,
        %get3A_456 = vector.shape_cast %get3A_455 : vector<1x16xf32> to vector<16xf32>
        %get3A_457 = arith.constant 19 : i32
        %get3A_458 = arith.index_cast %get3A_457 : i32 to index
        %get3A_459 = arith.index_cast %mul3A_447 : i32 to index
        %get3A_460 = tpu.vector_load %arg4[%get3A_458, %get3A_459] {strides = array<i32>} : memref<36x1024xf32, #tpu.memory_space<vmem>>, vector<1x16xf32>,
        %get3A_461 = vector.shape_cast %get3A_460 : vector<1x16xf32> to vector<16xf32>
        %add3A_462 = arith.addf %get3A_451, %get3A_456 : vector<16xf32>
        %add3A_463 = arith.addf %get3A_456, %get3A_461 : vector<16xf32>
        %get3A_464 = arith.constant 20 : i32
        %get3A_465 = arith.index_cast %get3A_464 : i32 to index
        %get3A_466 = arith.index_cast %mul3A_447 : i32 to index
        %get3A_467 = tpu.vector_load %arg4[%get3A_465, %get3A_466] {strides = array<i32>} : memref<36x1024xf32, #tpu.memory_space<vmem>>, vector<1x16xf32>,
        %get3A_468 = vector.shape_cast %get3A_467 : vector<1x16xf32> to vector<16xf32>
        %add3A_469 = arith.addf %get3A_461, %get3A_468 : vector<16xf32>
        %add3A_470 = arith.addf %add3A_462, %add3A_469 : vector<16xf32>
        %mul3A_471 = arith.constant 2.500000e-01 : f32
        %mul3A_472 = vector.broadcast %mul3A_471 : f32 to vector<16xf32>
        %mul3A_473 = arith.mulf %add3A_470, %mul3A_472 : vector<16xf32>
        %swap3A = arith.constant 16 : i32
        %swap3A_474 = arith.index_cast %swap3A : i32 to index
        %swap3A_475 = arith.index_cast %mul3A_447 : i32 to index
        %swap3A_476 = tpu.vector_load %arg4[%swap3A_474, %swap3A_475] {strides = array<i32>} : memref<36x1024xf32, #tpu.memory_space<vmem>>, vector<1x16xf32>,
        %swap3A_477 = vector.shape_cast %swap3A_476 : vector<1x16xf32> to vector<16xf32>
        %swap3A_478 = vector.shape_cast %mul3A_473 : vector<16xf32> to vector<1x16xf32>
        tpu.vector_store %arg4[%swap3A_474, %swap3A_475], %swap3A_478 {strides = array<i32>} : memref<36x1024xf32, #tpu.memory_space<vmem>>, vector<1x16xf32>,
        %get3A_479 = arith.constant 21 : i32
        %get3A_480 = arith.index_cast %get3A_479 : i32 to index
        %get3A_481 = arith.index_cast %mul3A_447 : i32 to index
        %get3A_482 = tpu.vector_load %arg4[%get3A_480, %get3A_481] {strides = array<i32>} : memref<36x1024xf32, #tpu.memory_space<vmem>>, vector<1x16xf32>,
        %get3A_483 = vector.shape_cast %get3A_482 : vector<1x16xf32> to vector<16xf32>
        %add3A_484 = arith.addf %get3A_468, %get3A_483 : vector<16xf32>
        %add3A_485 = arith.addf %add3A_463, %add3A_484 : vector<16xf32>
        %mul3A_486 = arith.constant 2.500000e-01 : f32
        %mul3A_487 = vector.broadcast %mul3A_486 : f32 to vector<16xf32>
        %mul3A_488 = arith.mulf %add3A_485, %mul3A_487 : vector<16xf32>
        %swap3A_489 = arith.constant 17 : i32
        %swap3A_490 = arith.index_cast %swap3A_489 : i32 to index
        %swap3A_491 = arith.index_cast %mul3A_447 : i32 to index
        %swap3A_492 = tpu.vector_load %arg4[%swap3A_490, %swap3A_491] {strides = array<i32>} : memref<36x1024xf32, #tpu.memory_space<vmem>>, vector<1x16xf32>,
        %swap3A_493 = vector.shape_cast %swap3A_492 : vector<1x16xf32> to vector<16xf32>
        %swap3A_494 = vector.shape_cast %mul3A_488 : vector<16xf32> to vector<1x16xf32>
        tpu.vector_store %arg4[%swap3A_490, %swap3A_491], %swap3A_494 {strides = array<i32>} : memref<36x1024xf32, #tpu.memory_space<vmem>>, vector<1x16xf32>,
        %get3A_495 = arith.constant 22 : i32
        %get3A_496 = arith.index_cast %get3A_495 : i32 to index
        %get3A_497 = arith.index_cast %mul3A_447 : i32 to index
        %get3A_498 = tpu.vector_load %arg4[%get3A_496, %get3A_497] {strides = array<i32>} : memref<36x1024xf32, #tpu.memory_space<vmem>>, vector<1x16xf32>,
        %get3A_499 = vector.shape_cast %get3A_498 : vector<1x16xf32> to vector<16xf32>
        %add3A_500 = arith.addf %get3A_483, %get3A_499 : vector<16xf32>
        %add3A_501 = arith.addf %add3A_469, %add3A_500 : vector<16xf32>
        %mul3A_502 = arith.constant 2.500000e-01 : f32
        %mul3A_503 = vector.broadcast %mul3A_502 : f32 to vector<16xf32>
        %mul3A_504 = arith.mulf %add3A_501, %mul3A_503 : vector<16xf32>
        %swap3A_505 = arith.constant 18 : i32
        %swap3A_506 = arith.index_cast %swap3A_505 : i32 to index
        %swap3A_507 = arith.index_cast %mul3A_447 : i32 to index
        %swap3A_508 = tpu.vector_load %arg4[%swap3A_506, %swap3A_507] {strides = array<i32>} : memref<36x1024xf32, #tpu.memory_space<vmem>>, vector<1x16xf32>,
        %swap3A_509 = vector.shape_cast %swap3A_508 : vector<1x16xf32> to vector<16xf32>
        %swap3A_510 = vector.shape_cast %mul3A_504 : vector<16xf32> to vector<1x16xf32>
        tpu.vector_store %arg4[%swap3A_506, %swap3A_507], %swap3A_510 {strides = array<i32>} : memref<36x1024xf32, #tpu.memory_space<vmem>>, vector<1x16xf32>,
        %get3A_511 = arith.constant 23 : i32
        %get3A_512 = arith.index_cast %get3A_511 : i32 to index
        %get3A_513 = arith.index_cast %mul3A_447 : i32 to index
        %get3A_514 = tpu.vector_load %arg4[%get3A_512, %get3A_513] {strides = array<i32>} : memref<36x1024xf32, #tpu.memory_space<vmem>>, vector<1x16xf32>,
        %get3A_515 = vector.shape_cast %get3A_514 : vector<1x16xf32> to vector<16xf32>
        %add3A_516 = arith.addf %get3A_499, %get3A_515 : vector<16xf32>
        %add3A_517 = arith.addf %add3A_484, %add3A_516 : vector<16xf32>
        %mul3A_518 = arith.constant 2.500000e-01 : f32
        %mul3A_519 = vector.broadcast %mul3A_518 : f32 to vector<16xf32>
        %mul3A_520 = arith.mulf %add3A_517, %mul3A_519 : vector<16xf32>
        %swap3A_521 = arith.constant 19 : i32
        %swap3A_522 = arith.index_cast %swap3A_521 : i32 to index
        %swap3A_523 = arith.index_cast %mul3A_447 : i32 to index
        %swap3A_524 = tpu.vector_load %arg4[%swap3A_522, %swap3A_523] {strides = array<i32>} : memref<36x1024xf32, #tpu.memory_space<vmem>>, vector<1x16xf32>,
        %swap3A_525 = vector.shape_cast %swap3A_524 : vector<1x16xf32> to vector<16xf32>
        %swap3A_526 = vector.shape_cast %mul3A_520 : vector<16xf32> to vector<1x16xf32>
        tpu.vector_store %arg4[%swap3A_522, %swap3A_523], %swap3A_526 {strides = array<i32>} : memref<36x1024xf32, #tpu.memory_space<vmem>>, vector<1x16xf32>,
        %get3A_527 = arith.constant 24 : i32
        %get3A_528 = arith.index_cast %get3A_527 : i32 to index
        %get3A_529 = arith.index_cast %mul3A_447 : i32 to index
        %get3A_530 = tpu.vector_load %arg4[%get3A_528, %get3A_529] {strides = array<i32>} : memref<36x1024xf32, #tpu.memory_space<vmem>>, vector<1x16xf32>,
        %get3A_531 = vector.shape_cast %get3A_530 : vector<1x16xf32> to vector<16xf32>
        %add3A_532 = arith.addf %get3A_515, %get3A_531 : vector<16xf32>
        %add3A_533 = arith.addf %add3A_500, %add3A_532 : vector<16xf32>
        %mul3A_534 = arith.constant 2.500000e-01 : f32
        %mul3A_535 = vector.broadcast %mul3A_534 : f32 to vector<16xf32>
        %mul3A_536 = arith.mulf %add3A_533, %mul3A_535 : vector<16xf32>
        %swap3A_537 = arith.constant 20 : i32
        %swap3A_538 = arith.index_cast %swap3A_537 : i32 to index
        %swap3A_539 = arith.index_cast %mul3A_447 : i32 to index
        %swap3A_540 = tpu.vector_load %arg4[%swap3A_538, %swap3A_539] {strides = array<i32>} : memref<36x1024xf32, #tpu.memory_space<vmem>>, vector<1x16xf32>,
        %swap3A_541 = vector.shape_cast %swap3A_540 : vector<1x16xf32> to vector<16xf32>
        %swap3A_542 = vector.shape_cast %mul3A_536 : vector<16xf32> to vector<1x16xf32>
        tpu.vector_store %arg4[%swap3A_538, %swap3A_539], %swap3A_542 {strides = array<i32>} : memref<36x1024xf32, #tpu.memory_space<vmem>>, vector<1x16xf32>,
        %get3A_543 = arith.constant 25 : i32
        %get3A_544 = arith.index_cast %get3A_543 : i32 to index
        %get3A_545 = arith.index_cast %mul3A_447 : i32 to index
        %get3A_546 = tpu.vector_load %arg4[%get3A_544, %get3A_545] {strides = array<i32>} : memref<36x1024xf32, #tpu.memory_space<vmem>>, vector<1x16xf32>,
        %get3A_547 = vector.shape_cast %get3A_546 : vector<1x16xf32> to vector<16xf32>
        %add3A_548 = arith.addf %get3A_531, %get3A_547 : vector<16xf32>
        %add3A_549 = arith.addf %add3A_516, %add3A_548 : vector<16xf32>
        %mul3A_550 = arith.constant 2.500000e-01 : f32
        %mul3A_551 = vector.broadcast %mul3A_550 : f32 to vector<16xf32>
        %mul3A_552 = arith.mulf %add3A_549, %mul3A_551 : vector<16xf32>
        %swap3A_553 = arith.constant 21 : i32
        %swap3A_554 = arith.index_cast %swap3A_553 : i32 to index
        %swap3A_555 = arith.index_cast %mul3A_447 : i32 to index
        %swap3A_556 = tpu.vector_load %arg4[%swap3A_554, %swap3A_555] {strides = array<i32>} : memref<36x1024xf32, #tpu.memory_space<vmem>>, vector<1x16xf32>,
        %swap3A_557 = vector.shape_cast %swap3A_556 : vector<1x16xf32> to vector<16xf32>
        %swap3A_558 = vector.shape_cast %mul3A_552 : vector<16xf32> to vector<1x16xf32>
        tpu.vector_store %arg4[%swap3A_554, %swap3A_555], %swap3A_558 {strides = array<i32>} : memref<36x1024xf32, #tpu.memory_space<vmem>>, vector<1x16xf32>,
        %get3A_559 = arith.constant 26 : i32
        %get3A_560 = arith.index_cast %get3A_559 : i32 to index
        %get3A_561 = arith.index_cast %mul3A_447 : i32 to index
        %get3A_562 = tpu.vector_load %arg4[%get3A_560, %get3A_561] {strides = array<i32>} : memref<36x1024xf32, #tpu.memory_space<vmem>>, vector<1x16xf32>,
        %get3A_563 = vector.shape_cast %get3A_562 : vector<1x16xf32> to vector<16xf32>
        %add3A_564 = arith.addf %get3A_547, %get3A_563 : vector<16xf32>
        %add3A_565 = arith.addf %add3A_532, %add3A_564 : vector<16xf32>
        %mul3A_566 = arith.constant 2.500000e-01 : f32
        %mul3A_567 = vector.broadcast %mul3A_566 : f32 to vector<16xf32>
        %mul3A_568 = arith.mulf %add3A_565, %mul3A_567 : vector<16xf32>
        %swap3A_569 = arith.constant 22 : i32
        %swap3A_570 = arith.index_cast %swap3A_569 : i32 to index
        %swap3A_571 = arith.index_cast %mul3A_447 : i32 to index
        %swap3A_572 = tpu.vector_load %arg4[%swap3A_570, %swap3A_571] {strides = array<i32>} : memref<36x1024xf32, #tpu.memory_space<vmem>>, vector<1x16xf32>,
        %swap3A_573 = vector.shape_cast %swap3A_572 : vector<1x16xf32> to vector<16xf32>
        %swap3A_574 = vector.shape_cast %mul3A_568 : vector<16xf32> to vector<1x16xf32>
        tpu.vector_store %arg4[%swap3A_570, %swap3A_571], %swap3A_574 {strides = array<i32>} : memref<36x1024xf32, #tpu.memory_space<vmem>>, vector<1x16xf32>,
        %get3A_575 = arith.constant 27 : i32
        %get3A_576 = arith.index_cast %get3A_575 : i32 to index
        %get3A_577 = arith.index_cast %mul3A_447 : i32 to index
        %get3A_578 = tpu.vector_load %arg4[%get3A_576, %get3A_577] {strides = array<i32>} : memref<36x1024xf32, #tpu.memory_space<vmem>>, vector<1x16xf32>,
        %get3A_579 = vector.shape_cast %get3A_578 : vector<1x16xf32> to vector<16xf32>
        %add3A_580 = arith.addf %get3A_563, %get3A_579 : vector<16xf32>
        %add3A_581 = arith.addf %add3A_548, %add3A_580 : vector<16xf32>
        %mul3A_582 = arith.constant 2.500000e-01 : f32
        %mul3A_583 = vector.broadcast %mul3A_582 : f32 to vector<16xf32>
        %mul3A_584 = arith.mulf %add3A_581, %mul3A_583 : vector<16xf32>
        %swap3A_585 = arith.constant 23 : i32
        %swap3A_586 = arith.index_cast %swap3A_585 : i32 to index
        %swap3A_587 = arith.index_cast %mul3A_447 : i32 to index
        %swap3A_588 = tpu.vector_load %arg4[%swap3A_586, %swap3A_587] {strides = array<i32>} : memref<36x1024xf32, #tpu.memory_space<vmem>>, vector<1x16xf32>,
        %swap3A_589 = vector.shape_cast %swap3A_588 : vector<1x16xf32> to vector<16xf32>
        %swap3A_590 = vector.shape_cast %mul3A_584 : vector<16xf32> to vector<1x16xf32>
        tpu.vector_store %arg4[%swap3A_586, %swap3A_587], %swap3A_590 {strides = array<i32>} : memref<36x1024xf32, #tpu.memory_space<vmem>>, vector<1x16xf32>,
        %get3A_591 = arith.constant 28 : i32
        %get3A_592 = arith.index_cast %get3A_591 : i32 to index
        %get3A_593 = arith.index_cast %mul3A_447 : i32 to index
        %get3A_594 = tpu.vector_load %arg4[%get3A_592, %get3A_593] {strides = array<i32>} : memref<36x1024xf32, #tpu.memory_space<vmem>>, vector<1x16xf32>,
        %get3A_595 = vector.shape_cast %get3A_594 : vector<1x16xf32> to vector<16xf32>
        %add3A_596 = arith.addf %get3A_579, %get3A_595 : vector<16xf32>
        %add3A_597 = arith.addf %add3A_564, %add3A_596 : vector<16xf32>
        %mul3A_598 = arith.constant 2.500000e-01 : f32
        %mul3A_599 = vector.broadcast %mul3A_598 : f32 to vector<16xf32>
        %mul3A_600 = arith.mulf %add3A_597, %mul3A_599 : vector<16xf32>
        %swap3A_601 = arith.constant 24 : i32
        %swap3A_602 = arith.index_cast %swap3A_601 : i32 to index
        %swap3A_603 = arith.index_cast %mul3A_447 : i32 to index
        %swap3A_604 = tpu.vector_load %arg4[%swap3A_602, %swap3A_603] {strides = array<i32>} : memref<36x1024xf32, #tpu.memory_space<vmem>>, vector<1x16xf32>,
        %swap3A_605 = vector.shape_cast %swap3A_604 : vector<1x16xf32> to vector<16xf32>
        %swap3A_606 = vector.shape_cast %mul3A_600 : vector<16xf32> to vector<1x16xf32>
        tpu.vector_store %arg4[%swap3A_602, %swap3A_603], %swap3A_606 {strides = array<i32>} : memref<36x1024xf32, #tpu.memory_space<vmem>>, vector<1x16xf32>,
        %get3A_607 = arith.constant 29 : i32
        %get3A_608 = arith.index_cast %get3A_607 : i32 to index
        %get3A_609 = arith.index_cast %mul3A_447 : i32 to index
        %get3A_610 = tpu.vector_load %arg4[%get3A_608, %get3A_609] {strides = array<i32>} : memref<36x1024xf32, #tpu.memory_space<vmem>>, vector<1x16xf32>,
        %get3A_611 = vector.shape_cast %get3A_610 : vector<1x16xf32> to vector<16xf32>
        %add3A_612 = arith.addf %get3A_595, %get3A_611 : vector<16xf32>
        %add3A_613 = arith.addf %add3A_580, %add3A_612 : vector<16xf32>
        %mul3A_614 = arith.constant 2.500000e-01 : f32
        %mul3A_615 = vector.broadcast %mul3A_614 : f32 to vector<16xf32>
        %mul3A_616 = arith.mulf %add3A_613, %mul3A_615 : vector<16xf32>
        %swap3A_617 = arith.constant 25 : i32
        %swap3A_618 = arith.index_cast %swap3A_617 : i32 to index
        %swap3A_619 = arith.index_cast %mul3A_447 : i32 to index
        %swap3A_620 = tpu.vector_load %arg4[%swap3A_618, %swap3A_619] {strides = array<i32>} : memref<36x1024xf32, #tpu.memory_space<vmem>>, vector<1x16xf32>,
        %swap3A_621 = vector.shape_cast %swap3A_620 : vector<1x16xf32> to vector<16xf32>
        %swap3A_622 = vector.shape_cast %mul3A_616 : vector<16xf32> to vector<1x16xf32>
        tpu.vector_store %arg4[%swap3A_618, %swap3A_619], %swap3A_622 {strides = array<i32>} : memref<36x1024xf32, #tpu.memory_space<vmem>>, vector<1x16xf32>,
        %get3A_623 = arith.constant 30 : i32
        %get3A_624 = arith.index_cast %get3A_623 : i32 to index
        %get3A_625 = arith.index_cast %mul3A_447 : i32 to index
        %get3A_626 = tpu.vector_load %arg4[%get3A_624, %get3A_625] {strides = array<i32>} : memref<36x1024xf32, #tpu.memory_space<vmem>>, vector<1x16xf32>,
        %get3A_627 = vector.shape_cast %get3A_626 : vector<1x16xf32> to vector<16xf32>
        %add3A_628 = arith.addf %get3A_611, %get3A_627 : vector<16xf32>
        %add3A_629 = arith.addf %add3A_596, %add3A_628 : vector<16xf32>
        %mul3A_630 = arith.constant 2.500000e-01 : f32
        %mul3A_631 = vector.broadcast %mul3A_630 : f32 to vector<16xf32>
        %mul3A_632 = arith.mulf %add3A_629, %mul3A_631 : vector<16xf32>
        %swap3A_633 = arith.constant 26 : i32
        %swap3A_634 = arith.index_cast %swap3A_633 : i32 to index
        %swap3A_635 = arith.index_cast %mul3A_447 : i32 to index
        %swap3A_636 = tpu.vector_load %arg4[%swap3A_634, %swap3A_635] {strides = array<i32>} : memref<36x1024xf32, #tpu.memory_space<vmem>>, vector<1x16xf32>,
        %swap3A_637 = vector.shape_cast %swap3A_636 : vector<1x16xf32> to vector<16xf32>
        %swap3A_638 = vector.shape_cast %mul3A_632 : vector<16xf32> to vector<1x16xf32>
        tpu.vector_store %arg4[%swap3A_634, %swap3A_635], %swap3A_638 {strides = array<i32>} : memref<36x1024xf32, #tpu.memory_space<vmem>>, vector<1x16xf32>,
        %get3A_639 = arith.constant 31 : i32
        %get3A_640 = arith.index_cast %get3A_639 : i32 to index
        %get3A_641 = arith.index_cast %mul3A_447 : i32 to index
        %get3A_642 = tpu.vector_load %arg4[%get3A_640, %get3A_641] {strides = array<i32>} : memref<36x1024xf32, #tpu.memory_space<vmem>>, vector<1x16xf32>,
        %get3A_643 = vector.shape_cast %get3A_642 : vector<1x16xf32> to vector<16xf32>
        %add3A_644 = arith.addf %get3A_627, %get3A_643 : vector<16xf32>
        %add3A_645 = arith.addf %add3A_612, %add3A_644 : vector<16xf32>
        %mul3A_646 = arith.constant 2.500000e-01 : f32
        %mul3A_647 = vector.broadcast %mul3A_646 : f32 to vector<16xf32>
        %mul3A_648 = arith.mulf %add3A_645, %mul3A_647 : vector<16xf32>
        %swap3A_649 = arith.constant 27 : i32
        %swap3A_650 = arith.index_cast %swap3A_649 : i32 to index
        %swap3A_651 = arith.index_cast %mul3A_447 : i32 to index
        %swap3A_652 = tpu.vector_load %arg4[%swap3A_650, %swap3A_651] {strides = array<i32>} : memref<36x1024xf32, #tpu.memory_space<vmem>>, vector<1x16xf32>,
        %swap3A_653 = vector.shape_cast %swap3A_652 : vector<1x16xf32> to vector<16xf32>
        %swap3A_654 = vector.shape_cast %mul3A_648 : vector<16xf32> to vector<1x16xf32>
        tpu.vector_store %arg4[%swap3A_650, %swap3A_651], %swap3A_654 {strides = array<i32>} : memref<36x1024xf32, #tpu.memory_space<vmem>>, vector<1x16xf32>,
        %get3A_655 = arith.constant 32 : i32
        %get3A_656 = arith.index_cast %get3A_655 : i32 to index
        %get3A_657 = arith.index_cast %mul3A_447 : i32 to index
        %get3A_658 = tpu.vector_load %arg4[%get3A_656, %get3A_657] {strides = array<i32>} : memref<36x1024xf32, #tpu.memory_space<vmem>>, vector<1x16xf32>,
        %get3A_659 = vector.shape_cast %get3A_658 : vector<1x16xf32> to vector<16xf32>
        %add3A_660 = arith.addf %get3A_643, %get3A_659 : vector<16xf32>
        %add3A_661 = arith.addf %add3A_628, %add3A_660 : vector<16xf32>
        %mul3A_662 = arith.constant 2.500000e-01 : f32
        %mul3A_663 = vector.broadcast %mul3A_662 : f32 to vector<16xf32>
        %mul3A_664 = arith.mulf %add3A_661, %mul3A_663 : vector<16xf32>
        %swap3A_665 = arith.constant 28 : i32
        %swap3A_666 = arith.index_cast %swap3A_665 : i32 to index
        %swap3A_667 = arith.index_cast %mul3A_447 : i32 to index
        %swap3A_668 = tpu.vector_load %arg4[%swap3A_666, %swap3A_667] {strides = array<i32>} : memref<36x1024xf32, #tpu.memory_space<vmem>>, vector<1x16xf32>,
        %swap3A_669 = vector.shape_cast %swap3A_668 : vector<1x16xf32> to vector<16xf32>
        %swap3A_670 = vector.shape_cast %mul3A_664 : vector<16xf32> to vector<1x16xf32>
        tpu.vector_store %arg4[%swap3A_666, %swap3A_667], %swap3A_670 {strides = array<i32>} : memref<36x1024xf32, #tpu.memory_space<vmem>>, vector<1x16xf32>,
        %get3A_671 = arith.constant 33 : i32
        %get3A_672 = arith.index_cast %get3A_671 : i32 to index
        %get3A_673 = arith.index_cast %mul3A_447 : i32 to index
        %get3A_674 = tpu.vector_load %arg4[%get3A_672, %get3A_673] {strides = array<i32>} : memref<36x1024xf32, #tpu.memory_space<vmem>>, vector<1x16xf32>,
        %get3A_675 = vector.shape_cast %get3A_674 : vector<1x16xf32> to vector<16xf32>
        %add3A_676 = arith.addf %get3A_659, %get3A_675 : vector<16xf32>
        %add3A_677 = arith.addf %add3A_644, %add3A_676 : vector<16xf32>
        %mul3A_678 = arith.constant 2.500000e-01 : f32
        %mul3A_679 = vector.broadcast %mul3A_678 : f32 to vector<16xf32>
        %mul3A_680 = arith.mulf %add3A_677, %mul3A_679 : vector<16xf32>
        %swap3A_681 = arith.constant 29 : i32
        %swap3A_682 = arith.index_cast %swap3A_681 : i32 to index
        %swap3A_683 = arith.index_cast %mul3A_447 : i32 to index
        %swap3A_684 = tpu.vector_load %arg4[%swap3A_682, %swap3A_683] {strides = array<i32>} : memref<36x1024xf32, #tpu.memory_space<vmem>>, vector<1x16xf32>,
        %swap3A_685 = vector.shape_cast %swap3A_684 : vector<1x16xf32> to vector<16xf32>
        %swap3A_686 = vector.shape_cast %mul3A_680 : vector<16xf32> to vector<1x16xf32>
        tpu.vector_store %arg4[%swap3A_682, %swap3A_683], %swap3A_686 {strides = array<i32>} : memref<36x1024xf32, #tpu.memory_space<vmem>>, vector<1x16xf32>,
        %get3A_687 = arith.constant 34 : i32
        %get3A_688 = arith.index_cast %get3A_687 : i32 to index
        %get3A_689 = arith.index_cast %mul3A_447 : i32 to index
        %get3A_690 = tpu.vector_load %arg4[%get3A_688, %get3A_689] {strides = array<i32>} : memref<36x1024xf32, #tpu.memory_space<vmem>>, vector<1x16xf32>,
        %get3A_691 = vector.shape_cast %get3A_690 : vector<1x16xf32> to vector<16xf32>
        %add3A_692 = arith.addf %get3A_675, %get3A_691 : vector<16xf32>
        %add3A_693 = arith.addf %add3A_660, %add3A_692 : vector<16xf32>
        %mul3A_694 = arith.constant 2.500000e-01 : f32
        %mul3A_695 = vector.broadcast %mul3A_694 : f32 to vector<16xf32>
        %mul3A_696 = arith.mulf %add3A_693, %mul3A_695 : vector<16xf32>
        %swap3A_697 = arith.constant 30 : i32
        %swap3A_698 = arith.index_cast %swap3A_697 : i32 to index
        %swap3A_699 = arith.index_cast %mul3A_447 : i32 to index
        %swap3A_700 = tpu.vector_load %arg4[%swap3A_698, %swap3A_699] {strides = array<i32>} : memref<36x1024xf32, #tpu.memory_space<vmem>>, vector<1x16xf32>,
        %swap3A_701 = vector.shape_cast %swap3A_700 : vector<1x16xf32> to vector<16xf32>
        %swap3A_702 = vector.shape_cast %mul3A_696 : vector<16xf32> to vector<1x16xf32>
        tpu.vector_store %arg4[%swap3A_698, %swap3A_699], %swap3A_702 {strides = array<i32>} : memref<36x1024xf32, #tpu.memory_space<vmem>>, vector<1x16xf32>,
        %get3A_703 = arith.constant 35 : i32
        %get3A_704 = arith.index_cast %get3A_703 : i32 to index
        %get3A_705 = arith.index_cast %mul3A_447 : i32 to index
        %get3A_706 = tpu.vector_load %arg4[%get3A_704, %get3A_705] {strides = array<i32>} : memref<36x1024xf32, #tpu.memory_space<vmem>>, vector<1x16xf32>,
        %get3A_707 = vector.shape_cast %get3A_706 : vector<1x16xf32> to vector<16xf32>
        %add3A_708 = arith.addf %get3A_691, %get3A_707 : vector<16xf32>
        %add3A_709 = arith.addf %add3A_676, %add3A_708 : vector<16xf32>
        %mul3A_710 = arith.constant 2.500000e-01 : f32
        %mul3A_711 = vector.broadcast %mul3A_710 : f32 to vector<16xf32>
        %mul3A_712 = arith.mulf %add3A_709, %mul3A_711 : vector<16xf32>
        %swap3A_713 = arith.constant 31 : i32
        %swap3A_714 = arith.index_cast %swap3A_713 : i32 to index
        %swap3A_715 = arith.index_cast %mul3A_447 : i32 to index
        %swap3A_716 = tpu.vector_load %arg4[%swap3A_714, %swap3A_715] {strides = array<i32>} : memref<36x1024xf32, #tpu.memory_space<vmem>>, vector<1x16xf32>,
        %swap3A_717 = vector.shape_cast %swap3A_716 : vector<1x16xf32> to vector<16xf32>
        %swap3A_718 = vector.shape_cast %mul3A_712 : vector<16xf32> to vector<1x16xf32>
        tpu.vector_store %arg4[%swap3A_714, %swap3A_715], %swap3A_718 {strides = array<i32>} : memref<36x1024xf32, #tpu.memory_space<vmem>>, vector<1x16xf32>,
        %scan3A_719 = arith.constant 0 : i32
        scf.yield %scan3A_719 : i32
      }
      %scan3A_241 = arith.constant 64 : i32
      %convert_element_type3A_242 = arith.extui %eq3A_212 : i1 to i32
      %cond3A_243 = arith.constant 0 : i32
      %cond3A_244 = arith.cmpi ne, %convert_element_type3A_242, %cond3A_243 : i32
      scf.if %cond3A_244 {
        %scan3A_444 = arith.constant 0 : i32
        %scan3A_445 = arith.constant 0 : i32
        %scan3A_446 = arith.constant 64 : i32
        %scan3A_447 = arith.addi %scan3A_445, %scan3A_446 : i32
        %scan3A_448 = arith.constant 1 : i32
        %scan3A_449 = scf.for %scan3A_451 = %scan3A_445 to %scan3A_447 step %scan3A_448 iter_args(%scan3A_452 = %scan3A_444) -> (i32)  : i32 {
          %mul3A_453 = arith.constant 16 : i32
          %mul3A_454 = arith.muli %scan3A_451, %mul3A_453 : i32
          %get3A = arith.constant 28 : i32
          %get3A_455 = arith.index_cast %get3A : i32 to index
          %get3A_456 = arith.index_cast %mul3A_454 : i32 to index
          %get3A_457 = tpu.vector_load %arg4[%get3A_455, %get3A_456] {strides = array<i32>} : memref<36x1024xf32, #tpu.memory_space<vmem>>, vector<1x16xf32>,
          %get3A_458 = vector.shape_cast %get3A_457 : vector<1x16xf32> to vector<16xf32>
          %mul3A_459 = arith.constant 1.33333337 : f32
          %mul3A_460 = vector.broadcast %mul3A_459 : f32 to vector<16xf32>
          %mul3A_461 = arith.mulf %get3A_458, %mul3A_460 : vector<16xf32>
          %swap3A = arith.constant 28 : i32
          %swap3A_462 = arith.index_cast %swap3A : i32 to index
          %swap3A_463 = arith.index_cast %mul3A_454 : i32 to index
          %swap3A_464 = tpu.vector_load %arg4[%swap3A_462, %swap3A_463] {strides = array<i32>} : memref<36x1024xf32, #tpu.memory_space<vmem>>, vector<1x16xf32>,
          %swap3A_465 = vector.shape_cast %swap3A_464 : vector<1x16xf32> to vector<16xf32>
          %swap3A_466 = vector.shape_cast %mul3A_461 : vector<16xf32> to vector<1x16xf32>
          tpu.vector_store %arg4[%swap3A_462, %swap3A_463], %swap3A_466 {strides = array<i32>} : memref<36x1024xf32, #tpu.memory_space<vmem>>, vector<1x16xf32>,
          %get3A_467 = arith.constant 29 : i32
          %get3A_468 = arith.index_cast %get3A_467 : i32 to index
          %get3A_469 = arith.index_cast %mul3A_454 : i32 to index
          %get3A_470 = tpu.vector_load %arg4[%get3A_468, %get3A_469] {strides = array<i32>} : memref<36x1024xf32, #tpu.memory_space<vmem>>, vector<1x16xf32>,
          %get3A_471 = vector.shape_cast %get3A_470 : vector<1x16xf32> to vector<16xf32>
          %mul3A_472 = arith.constant 2.000000e+00 : f32
          %mul3A_473 = vector.broadcast %mul3A_472 : f32 to vector<16xf32>
          %mul3A_474 = arith.mulf %get3A_471, %mul3A_473 : vector<16xf32>
          %swap3A_475 = arith.constant 29 : i32
          %swap3A_476 = arith.index_cast %swap3A_475 : i32 to index
          %swap3A_477 = arith.index_cast %mul3A_454 : i32 to index
          %swap3A_478 = tpu.vector_load %arg4[%swap3A_476, %swap3A_477] {strides = array<i32>} : memref<36x1024xf32, #tpu.memory_space<vmem>>, vector<1x16xf32>,
          %swap3A_479 = vector.shape_cast %swap3A_478 : vector<1x16xf32> to vector<16xf32>
          %swap3A_480 = vector.shape_cast %mul3A_474 : vector<16xf32> to vector<1x16xf32>
          tpu.vector_store %arg4[%swap3A_476, %swap3A_477], %swap3A_480 {strides = array<i32>} : memref<36x1024xf32, #tpu.memory_space<vmem>>, vector<1x16xf32>,
          %get3A_481 = arith.constant 30 : i32
          %get3A_482 = arith.index_cast %get3A_481 : i32 to index
          %get3A_483 = arith.index_cast %mul3A_454 : i32 to index
          %get3A_484 = tpu.vector_load %arg4[%get3A_482, %get3A_483] {strides = array<i32>} : memref<36x1024xf32, #tpu.memory_space<vmem>>, vector<1x16xf32>,
          %get3A_485 = vector.shape_cast %get3A_484 : vector<1x16xf32> to vector<16xf32>
          %mul3A_486 = arith.constant 4.000000e+00 : f32
          %mul3A_487 = vector.broadcast %mul3A_486 : f32 to vector<16xf32>
          %mul3A_488 = arith.mulf %get3A_485, %mul3A_487 : vector<16xf32>
          %swap3A_489 = arith.constant 30 : i32
          %swap3A_490 = arith.index_cast %swap3A_489 : i32 to index
          %swap3A_491 = arith.index_cast %mul3A_454 : i32 to index
          %swap3A_492 = tpu.vector_load %arg4[%swap3A_490, %swap3A_491] {strides = array<i32>} : memref<36x1024xf32, #tpu.memory_space<vmem>>, vector<1x16xf32>,
          %swap3A_493 = vector.shape_cast %swap3A_492 : vector<1x16xf32> to vector<16xf32>
          %swap3A_494 = vector.shape_cast %mul3A_488 : vector<16xf32> to vector<1x16xf32>
          tpu.vector_store %arg4[%swap3A_490, %swap3A_491], %swap3A_494 {strides = array<i32>} : memref<36x1024xf32, #tpu.memory_space<vmem>>, vector<1x16xf32>,
          %get3A_495 = arith.constant 31 : i32
          %get3A_496 = arith.index_cast %get3A_495 : i32 to index
          %get3A_497 = arith.index_cast %mul3A_454 : i32 to index
          %get3A_498 = tpu.vector_load %arg4[%get3A_496, %get3A_497] {strides = array<i32>} : memref<36x1024xf32, #tpu.memory_space<vmem>>, vector<1x16xf32>,
          %get3A_499 = vector.shape_cast %get3A_498 : vector<1x16xf32> to vector<16xf32>
          %mul3A_500 = arith.constant 0.000000e+00 : f32
          %mul3A_501 = vector.broadcast %mul3A_500 : f32 to vector<16xf32>
          %mul3A_502 = arith.mulf %get3A_499, %mul3A_501 : vector<16xf32>
          %swap3A_503 = arith.constant 31 : i32
          %swap3A_504 = arith.index_cast %swap3A_503 : i32 to index
          %swap3A_505 = arith.index_cast %mul3A_454 : i32 to index
          %swap3A_506 = tpu.vector_load %arg4[%swap3A_504, %swap3A_505] {strides = array<i32>} : memref<36x1024xf32, #tpu.memory_space<vmem>>, vector<1x16xf32>,
          %swap3A_507 = vector.shape_cast %swap3A_506 : vector<1x16xf32> to vector<16xf32>
          %swap3A_508 = vector.shape_cast %mul3A_502 : vector<16xf32> to vector<1x16xf32>
          tpu.vector_store %arg4[%swap3A_504, %swap3A_505], %swap3A_508 {strides = array<i32>} : memref<36x1024xf32, #tpu.memory_space<vmem>>, vector<1x16xf32>,
          %scan3A_509 = arith.constant 0 : i32
          scf.yield %scan3A_509 : i32
        }
        %scan3A_450 = arith.constant 64 : i32
      } else {
      }
      %add3A_245 = arith.constant 16 : i32
      %add3A_246 = arith.addi %add3A_182, %add3A_245 : i32
      %dma_start3A_247 = arith.constant 16 : i32
      %dma_start3A_248 = arith.constant 0 : i32
      %dma_start3A_249 = tpu.memref_slice %arg4[%dma_start3A_247, %dma_start3A_248] : memref<36x1024xf32, #tpu.memory_space<vmem>> -> memref<16x1024xf32, #tpu.memory_space<vmem>>
      %dma_start3A_250 = arith.constant 0 : i32
      %dma_start3A_251 = tpu.memref_slice %arg3[%add3A_246, %dma_start3A_250] : memref<16384x1024xf32, #tpu.memory_space<hbm>> -> memref<16x1024xf32, #tpu.memory_space<hbm>>
      %dma_start3A_252 = arith.constant 0 : i32
      %dma_start3A_253 = tpu.memref_slice %arg3[%add3A_246, %dma_start3A_252] : memref<16384x1024xf32, #tpu.memory_space<hbm>> -> memref<16x1024xf32, #tpu.memory_space<hbm>>
      %dma_start3A_254 = arith.constant 16 : i32
      %dma_start3A_255 = arith.constant 0 : i32
      %dma_start3A_256 = tpu.memref_slice %arg4[%dma_start3A_254, %dma_start3A_255] : memref<36x1024xf32, #tpu.memory_space<vmem>> -> memref<16x1024xf32, #tpu.memory_space<vmem>>
      tpu.enqueue_dma source(%dma_start3A_256 : memref<16x1024xf32, #tpu.memory_space<vmem>>) target(%dma_start3A_253 : memref<16x1024xf32, #tpu.memory_space<hbm>>) target_semaphore(%arg10 : memref<!tpu.dma_semaphore, #tpu.memory_space<semaphore_mem>>)
      %gt3A = arith.constant 0 : i32
      %gt3A_257 = arith.cmpi sgt, %mul3A_179, %gt3A : i32
      %convert_element_type3A_258 = arith.extui %gt3A_257 : i1 to i32
      %cond3A_259 = arith.constant 0 : i32
      %cond3A_260 = arith.cmpi ne, %convert_element_type3A_258, %cond3A_259 : i32
      scf.if %cond3A_260 {
        %dma_wait3A_444 = arith.constant 0 : i32
        %dma_wait3A_445 = arith.constant 0 : i32
        %dma_wait3A_446 = tpu.memref_slice %arg6[%dma_wait3A_444, %dma_wait3A_445] : memref<36x1024xf32, #tpu.memory_space<vmem>> -> memref<16x1024xf32, #tpu.memory_space<vmem>>
        %dma_wait3A_447 = arith.constant 0 : i32
        %dma_wait3A_448 = arith.constant 0 : i32
        %dma_wait3A_449 = tpu.memref_slice %arg3[%dma_wait3A_447, %dma_wait3A_448] : memref<16384x1024xf32, #tpu.memory_space<hbm>> -> memref<16x1024xf32, #tpu.memory_space<hbm>>
        %dma_wait3A_450 = arith.constant 0 : i32
        %dma_wait3A_451 = arith.constant 0 : i32
        %dma_wait3A_452 = tpu.memref_slice %arg3[%dma_wait3A_450, %dma_wait3A_451] : memref<16384x1024xf32, #tpu.memory_space<hbm>> -> memref<16x1024xf32, #tpu.memory_space<hbm>>
        %dma_wait3A_453 = arith.constant 0 : i32
        %dma_wait3A_454 = arith.constant 0 : i32
        %dma_wait3A_455 = tpu.memref_slice %arg6[%dma_wait3A_453, %dma_wait3A_454] : memref<36x1024xf32, #tpu.memory_space<vmem>> -> memref<16x1024xf32, #tpu.memory_space<vmem>>
        tpu.wait_dma2 semaphore(%arg12 : memref<!tpu.dma_semaphore, #tpu.memory_space<semaphore_mem>>) src(%dma_wait3A_455 : memref<16x1024xf32, #tpu.memory_space<vmem>>) dst(%dma_wait3A_452 : memref<16x1024xf32, #tpu.memory_space<hbm>>)
        %dma_wait3A_456 = arith.constant 0 : i32
        %dma_wait3A_457 = arith.constant 0 : i32
        %dma_wait3A_458 = tpu.memref_slice %arg6[%dma_wait3A_456, %dma_wait3A_457] : memref<36x1024xf32, #tpu.memory_space<vmem>> -> memref<16x1024xf32, #tpu.memory_space<vmem>>
        %dma_wait3A_459 = arith.constant 0 : i32
        %dma_wait3A_460 = arith.constant 0 : i32
        %dma_wait3A_461 = tpu.memref_slice %arg3[%dma_wait3A_459, %dma_wait3A_460] : memref<16384x1024xf32, #tpu.memory_space<hbm>> -> memref<16x1024xf32, #tpu.memory_space<hbm>>
        %dma_wait3A_462 = arith.constant 0 : i32
        %dma_wait3A_463 = arith.constant 0 : i32
        %dma_wait3A_464 = tpu.memref_slice %arg3[%dma_wait3A_462, %dma_wait3A_463] : memref<16384x1024xf32, #tpu.memory_space<hbm>> -> memref<16x1024xf32, #tpu.memory_space<hbm>>
        %dma_wait3A_465 = arith.constant 0 : i32
        %dma_wait3A_466 = arith.constant 0 : i32
        %dma_wait3A_467 = tpu.memref_slice %arg6[%dma_wait3A_465, %dma_wait3A_466] : memref<36x1024xf32, #tpu.memory_space<vmem>> -> memref<16x1024xf32, #tpu.memory_space<vmem>>
        tpu.wait_dma2 semaphore(%arg12 : memref<!tpu.dma_semaphore, #tpu.memory_space<semaphore_mem>>) src(%dma_wait3A_467 : memref<16x1024xf32, #tpu.memory_space<vmem>>) dst(%dma_wait3A_464 : memref<16x1024xf32, #tpu.memory_space<hbm>>)
      } else {
      }
      %lt3A = arith.constant 14 : i32
      %lt3A_261 = arith.cmpi slt, %mul3A_179, %lt3A : i32
      %convert_element_type3A_262 = arith.extui %lt3A_261 : i1 to i32
      %cond3A_263 = arith.constant 0 : i32
      %cond3A_264 = arith.cmpi ne, %convert_element_type3A_262, %cond3A_263 : i32
      scf.if %cond3A_264 {
        %add3A_444 = arith.constant 64 : i32
        %add3A_445 = arith.addi %add3A_182, %add3A_444 : i32
        %dma_start3A_446 = arith.constant 0 : i32
        %dma_start3A_447 = arith.constant 0 : i32
        %dma_start3A_448 = tpu.memref_slice %arg6[%dma_start3A_446, %dma_start3A_447] : memref<36x1024xf32, #tpu.memory_space<vmem>> -> memref<32x1024xf32, #tpu.memory_space<vmem>>
        %dma_start3A_449 = arith.constant 0 : i32
        %dma_start3A_450 = tpu.memref_slice %arg2[%add3A_445, %dma_start3A_449] : memref<16384x1024xf32, #tpu.memory_space<hbm>> -> memref<32x1024xf32, #tpu.memory_space<hbm>>
        %dma_start3A_451 = arith.constant 0 : i32
        %dma_start3A_452 = arith.constant 0 : i32
        %dma_start3A_453 = tpu.memref_slice %arg6[%dma_start3A_451, %dma_start3A_452] : memref<36x1024xf32, #tpu.memory_space<vmem>> -> memref<32x1024xf32, #tpu.memory_space<vmem>>
        %dma_start3A_454 = arith.constant 0 : i32
        %dma_start3A_455 = tpu.memref_slice %arg2[%add3A_445, %dma_start3A_454] : memref<16384x1024xf32, #tpu.memory_space<hbm>> -> memref<32x1024xf32, #tpu.memory_space<hbm>>
        tpu.enqueue_dma source(%dma_start3A_455 : memref<32x1024xf32, #tpu.memory_space<hbm>>) target(%dma_start3A_453 : memref<32x1024xf32, #tpu.memory_space<vmem>>) target_semaphore(%arg9 : memref<!tpu.dma_semaphore, #tpu.memory_space<semaphore_mem>>)
        %add3A_456 = arith.constant 32 : i32
        %add3A_457 = arith.addi %add3A_445, %add3A_456 : i32
        %min3A_458 = arith.constant 16376 : i32
        %min3A_459 = arith.minsi %add3A_457, %min3A_458 : i32
        %dma_start3A_460 = arith.constant 32 : i32
        %dma_start3A_461 = arith.constant 0 : i32
        %dma_start3A_462 = tpu.memref_slice %arg6[%dma_start3A_460, %dma_start3A_461] : memref<36x1024xf32, #tpu.memory_space<vmem>> -> memref<4x1024xf32, #tpu.memory_space<vmem>>
        %dma_start3A_463 = arith.constant 0 : i32
        %dma_start3A_464 = tpu.memref_slice %arg2[%min3A_459, %dma_start3A_463] : memref<16384x1024xf32, #tpu.memory_space<hbm>> -> memref<4x1024xf32, #tpu.memory_space<hbm>>
        %dma_start3A_465 = arith.constant 32 : i32
        %dma_start3A_466 = arith.constant 0 : i32
        %dma_start3A_467 = tpu.memref_slice %arg6[%dma_start3A_465, %dma_start3A_466] : memref<36x1024xf32, #tpu.memory_space<vmem>> -> memref<4x1024xf32, #tpu.memory_space<vmem>>
        %dma_start3A_468 = arith.constant 0 : i32
        %dma_start3A_469 = tpu.memref_slice %arg2[%min3A_459, %dma_start3A_468] : memref<16384x1024xf32, #tpu.memory_space<hbm>> -> memref<4x1024xf32, #tpu.memory_space<hbm>>
        tpu.enqueue_dma source(%dma_start3A_469 : memref<4x1024xf32, #tpu.memory_space<hbm>>) target(%dma_start3A_467 : memref<4x1024xf32, #tpu.memory_space<vmem>>) target_semaphore(%arg9 : memref<!tpu.dma_semaphore, #tpu.memory_space<semaphore_mem>>)
      } else {
      }
      %add3A_265 = arith.constant 1 : i32
      %add3A_266 = arith.addi %mul3A_179, %add3A_265 : i32
      %mul3A_267 = arith.constant 32 : i32
      %mul3A_268 = arith.muli %add3A_266, %mul3A_267 : i32
      %add3A_269 = arith.addi %mul3A_2, %mul3A_268 : i32
      %dma_wait3A_270 = arith.constant 0 : i32
      %dma_wait3A_271 = arith.constant 0 : i32
      %dma_wait3A_272 = tpu.memref_slice %arg5[%dma_wait3A_270, %dma_wait3A_271] : memref<36x1024xf32, #tpu.memory_space<vmem>> -> memref<32x1024xf32, #tpu.memory_space<vmem>>
      %dma_wait3A_273 = arith.constant 0 : i32
      %dma_wait3A_274 = arith.constant 0 : i32
      %dma_wait3A_275 = tpu.memref_slice %arg2[%dma_wait3A_273, %dma_wait3A_274] : memref<16384x1024xf32, #tpu.memory_space<hbm>> -> memref<32x1024xf32, #tpu.memory_space<hbm>>
      %dma_wait3A_276 = arith.constant 0 : i32
      %dma_wait3A_277 = arith.constant 0 : i32
      %dma_wait3A_278 = tpu.memref_slice %arg5[%dma_wait3A_276, %dma_wait3A_277] : memref<36x1024xf32, #tpu.memory_space<vmem>> -> memref<32x1024xf32, #tpu.memory_space<vmem>>
      %dma_wait3A_279 = arith.constant 0 : i32
      %dma_wait3A_280 = arith.constant 0 : i32
      %dma_wait3A_281 = tpu.memref_slice %arg2[%dma_wait3A_279, %dma_wait3A_280] : memref<16384x1024xf32, #tpu.memory_space<hbm>> -> memref<32x1024xf32, #tpu.memory_space<hbm>>
      tpu.wait_dma2 semaphore(%arg8 : memref<!tpu.dma_semaphore, #tpu.memory_space<semaphore_mem>>) src(%dma_wait3A_281 : memref<32x1024xf32, #tpu.memory_space<hbm>>) dst(%dma_wait3A_278 : memref<32x1024xf32, #tpu.memory_space<vmem>>)
      %dma_wait3A_282 = arith.constant 32 : i32
      %dma_wait3A_283 = arith.constant 0 : i32
      %dma_wait3A_284 = tpu.memref_slice %arg5[%dma_wait3A_282, %dma_wait3A_283] : memref<36x1024xf32, #tpu.memory_space<vmem>> -> memref<4x1024xf32, #tpu.memory_space<vmem>>
      %dma_wait3A_285 = arith.constant 0 : i32
      %dma_wait3A_286 = arith.constant 0 : i32
      %dma_wait3A_287 = tpu.memref_slice %arg2[%dma_wait3A_285, %dma_wait3A_286] : memref<16384x1024xf32, #tpu.memory_space<hbm>> -> memref<4x1024xf32, #tpu.memory_space<hbm>>
      %dma_wait3A_288 = arith.constant 32 : i32
      %dma_wait3A_289 = arith.constant 0 : i32
      %dma_wait3A_290 = tpu.memref_slice %arg5[%dma_wait3A_288, %dma_wait3A_289] : memref<36x1024xf32, #tpu.memory_space<vmem>> -> memref<4x1024xf32, #tpu.memory_space<vmem>>
      %dma_wait3A_291 = arith.constant 0 : i32
      %dma_wait3A_292 = arith.constant 0 : i32
      %dma_wait3A_293 = tpu.memref_slice %arg2[%dma_wait3A_291, %dma_wait3A_292] : memref<16384x1024xf32, #tpu.memory_space<hbm>> -> memref<4x1024xf32, #tpu.memory_space<hbm>>
      tpu.wait_dma2 semaphore(%arg8 : memref<!tpu.dma_semaphore, #tpu.memory_space<semaphore_mem>>) src(%dma_wait3A_293 : memref<4x1024xf32, #tpu.memory_space<hbm>>) dst(%dma_wait3A_290 : memref<4x1024xf32, #tpu.memory_space<vmem>>)
      %add3A_294 = arith.constant 32 : i32
      %add3A_295 = arith.addi %add3A_269, %add3A_294 : i32
      %and3A_296 = arith.constant 4095 : i32
      %and3A_297 = arith.andi %add3A_295, %and3A_296 : i32
      %eq3A_298 = arith.constant 0 : i32
      %eq3A_299 = arith.cmpi eq, %and3A_297, %eq3A_298 : i32
      %convert_element_type3A_300 = arith.extui %eq3A_299 : i1 to i32
      %cond3A_301 = arith.constant 0 : i32
      %cond3A_302 = arith.cmpi ne, %convert_element_type3A_300, %cond3A_301 : i32
      scf.if %cond3A_302 {
        %scan3A_444 = arith.constant 0 : i32
        %scan3A_445 = arith.constant 0 : i32
        %scan3A_446 = arith.constant 64 : i32
        %scan3A_447 = arith.addi %scan3A_445, %scan3A_446 : i32
        %scan3A_448 = arith.constant 1 : i32
        %scan3A_449 = scf.for %scan3A_451 = %scan3A_445 to %scan3A_447 step %scan3A_448 iter_args(%scan3A_452 = %scan3A_444) -> (i32)  : i32 {
          %broadcast_in_dim3A = arith.constant 0.000000e+00 : f32
          %broadcast_in_dim3A_453 = vector.broadcast %broadcast_in_dim3A : f32 to vector<16xf32>
          %mul3A_454 = arith.constant 16 : i32
          %mul3A_455 = arith.muli %scan3A_451, %mul3A_454 : i32
          %swap3A = arith.constant 32 : i32
          %swap3A_456 = arith.index_cast %swap3A : i32 to index
          %swap3A_457 = arith.index_cast %mul3A_455 : i32 to index
          %swap3A_458 = tpu.vector_load %arg5[%swap3A_456, %swap3A_457] {strides = array<i32>} : memref<36x1024xf32, #tpu.memory_space<vmem>>, vector<1x16xf32>,
          %swap3A_459 = vector.shape_cast %swap3A_458 : vector<1x16xf32> to vector<16xf32>
          %swap3A_460 = vector.shape_cast %broadcast_in_dim3A_453 : vector<16xf32> to vector<1x16xf32>
          tpu.vector_store %arg5[%swap3A_456, %swap3A_457], %swap3A_460 {strides = array<i32>} : memref<36x1024xf32, #tpu.memory_space<vmem>>, vector<1x16xf32>,
          %mul3A_461 = arith.constant 16 : i32
          %mul3A_462 = arith.muli %scan3A_451, %mul3A_461 : i32
          %swap3A_463 = arith.constant 33 : i32
          %swap3A_464 = arith.index_cast %swap3A_463 : i32 to index
          %swap3A_465 = arith.index_cast %mul3A_462 : i32 to index
          %swap3A_466 = tpu.vector_load %arg5[%swap3A_464, %swap3A_465] {strides = array<i32>} : memref<36x1024xf32, #tpu.memory_space<vmem>>, vector<1x16xf32>,
          %swap3A_467 = vector.shape_cast %swap3A_466 : vector<1x16xf32> to vector<16xf32>
          %swap3A_468 = vector.shape_cast %broadcast_in_dim3A_453 : vector<16xf32> to vector<1x16xf32>
          tpu.vector_store %arg5[%swap3A_464, %swap3A_465], %swap3A_468 {strides = array<i32>} : memref<36x1024xf32, #tpu.memory_space<vmem>>, vector<1x16xf32>,
          %mul3A_469 = arith.constant 16 : i32
          %mul3A_470 = arith.muli %scan3A_451, %mul3A_469 : i32
          %swap3A_471 = arith.constant 34 : i32
          %swap3A_472 = arith.index_cast %swap3A_471 : i32 to index
          %swap3A_473 = arith.index_cast %mul3A_470 : i32 to index
          %swap3A_474 = tpu.vector_load %arg5[%swap3A_472, %swap3A_473] {strides = array<i32>} : memref<36x1024xf32, #tpu.memory_space<vmem>>, vector<1x16xf32>,
          %swap3A_475 = vector.shape_cast %swap3A_474 : vector<1x16xf32> to vector<16xf32>
          %swap3A_476 = vector.shape_cast %broadcast_in_dim3A_453 : vector<16xf32> to vector<1x16xf32>
          tpu.vector_store %arg5[%swap3A_472, %swap3A_473], %swap3A_476 {strides = array<i32>} : memref<36x1024xf32, #tpu.memory_space<vmem>>, vector<1x16xf32>,
          %mul3A_477 = arith.constant 16 : i32
          %mul3A_478 = arith.muli %scan3A_451, %mul3A_477 : i32
          %swap3A_479 = arith.constant 35 : i32
          %swap3A_480 = arith.index_cast %swap3A_479 : i32 to index
          %swap3A_481 = arith.index_cast %mul3A_478 : i32 to index
          %swap3A_482 = tpu.vector_load %arg5[%swap3A_480, %swap3A_481] {strides = array<i32>} : memref<36x1024xf32, #tpu.memory_space<vmem>>, vector<1x16xf32>,
          %swap3A_483 = vector.shape_cast %swap3A_482 : vector<1x16xf32> to vector<16xf32>
          %swap3A_484 = vector.shape_cast %broadcast_in_dim3A_453 : vector<16xf32> to vector<1x16xf32>
          tpu.vector_store %arg5[%swap3A_480, %swap3A_481], %swap3A_484 {strides = array<i32>} : memref<36x1024xf32, #tpu.memory_space<vmem>>, vector<1x16xf32>,
          %scan3A_485 = arith.constant 0 : i32
          scf.yield %scan3A_485 : i32
        }
        %scan3A_450 = arith.constant 64 : i32
      } else {
      }
      %scan3A_303 = arith.constant 0 : i32
      %scan3A_304 = arith.constant 0 : i32
      %scan3A_305 = arith.constant 64 : i32
      %scan3A_306 = arith.addi %scan3A_304, %scan3A_305 : i32
      %scan3A_307 = arith.constant 1 : i32
      %scan3A_308 = scf.for %scan3A_444 = %scan3A_304 to %scan3A_306 step %scan3A_307 iter_args(%scan3A_445 = %scan3A_303) -> (i32)  : i32 {
        %mul3A_446 = arith.constant 16 : i32
        %mul3A_447 = arith.muli %scan3A_444, %mul3A_446 : i32
        %get3A = arith.constant 1 : i32
        %get3A_448 = arith.index_cast %get3A : i32 to index
        %get3A_449 = arith.index_cast %mul3A_447 : i32 to index
        %get3A_450 = tpu.vector_load %arg5[%get3A_448, %get3A_449] {strides = array<i32>} : memref<36x1024xf32, #tpu.memory_space<vmem>>, vector<1x16xf32>,
        %get3A_451 = vector.shape_cast %get3A_450 : vector<1x16xf32> to vector<16xf32>
        %get3A_452 = arith.constant 2 : i32
        %get3A_453 = arith.index_cast %get3A_452 : i32 to index
        %get3A_454 = arith.index_cast %mul3A_447 : i32 to index
        %get3A_455 = tpu.vector_load %arg5[%get3A_453, %get3A_454] {strides = array<i32>} : memref<36x1024xf32, #tpu.memory_space<vmem>>, vector<1x16xf32>,
        %get3A_456 = vector.shape_cast %get3A_455 : vector<1x16xf32> to vector<16xf32>
        %get3A_457 = arith.constant 3 : i32
        %get3A_458 = arith.index_cast %get3A_457 : i32 to index
        %get3A_459 = arith.index_cast %mul3A_447 : i32 to index
        %get3A_460 = tpu.vector_load %arg5[%get3A_458, %get3A_459] {strides = array<i32>} : memref<36x1024xf32, #tpu.memory_space<vmem>>, vector<1x16xf32>,
        %get3A_461 = vector.shape_cast %get3A_460 : vector<1x16xf32> to vector<16xf32>
        %add3A_462 = arith.addf %get3A_451, %get3A_456 : vector<16xf32>
        %add3A_463 = arith.addf %get3A_456, %get3A_461 : vector<16xf32>
        %get3A_464 = arith.constant 4 : i32
        %get3A_465 = arith.index_cast %get3A_464 : i32 to index
        %get3A_466 = arith.index_cast %mul3A_447 : i32 to index
        %get3A_467 = tpu.vector_load %arg5[%get3A_465, %get3A_466] {strides = array<i32>} : memref<36x1024xf32, #tpu.memory_space<vmem>>, vector<1x16xf32>,
        %get3A_468 = vector.shape_cast %get3A_467 : vector<1x16xf32> to vector<16xf32>
        %add3A_469 = arith.addf %get3A_461, %get3A_468 : vector<16xf32>
        %add3A_470 = arith.addf %add3A_462, %add3A_469 : vector<16xf32>
        %mul3A_471 = arith.constant 2.500000e-01 : f32
        %mul3A_472 = vector.broadcast %mul3A_471 : f32 to vector<16xf32>
        %mul3A_473 = arith.mulf %add3A_470, %mul3A_472 : vector<16xf32>
        %swap3A = arith.constant 0 : i32
        %swap3A_474 = arith.index_cast %swap3A : i32 to index
        %swap3A_475 = arith.index_cast %mul3A_447 : i32 to index
        %swap3A_476 = tpu.vector_load %arg5[%swap3A_474, %swap3A_475] {strides = array<i32>} : memref<36x1024xf32, #tpu.memory_space<vmem>>, vector<1x16xf32>,
        %swap3A_477 = vector.shape_cast %swap3A_476 : vector<1x16xf32> to vector<16xf32>
        %swap3A_478 = vector.shape_cast %mul3A_473 : vector<16xf32> to vector<1x16xf32>
        tpu.vector_store %arg5[%swap3A_474, %swap3A_475], %swap3A_478 {strides = array<i32>} : memref<36x1024xf32, #tpu.memory_space<vmem>>, vector<1x16xf32>,
        %get3A_479 = arith.constant 5 : i32
        %get3A_480 = arith.index_cast %get3A_479 : i32 to index
        %get3A_481 = arith.index_cast %mul3A_447 : i32 to index
        %get3A_482 = tpu.vector_load %arg5[%get3A_480, %get3A_481] {strides = array<i32>} : memref<36x1024xf32, #tpu.memory_space<vmem>>, vector<1x16xf32>,
        %get3A_483 = vector.shape_cast %get3A_482 : vector<1x16xf32> to vector<16xf32>
        %add3A_484 = arith.addf %get3A_468, %get3A_483 : vector<16xf32>
        %add3A_485 = arith.addf %add3A_463, %add3A_484 : vector<16xf32>
        %mul3A_486 = arith.constant 2.500000e-01 : f32
        %mul3A_487 = vector.broadcast %mul3A_486 : f32 to vector<16xf32>
        %mul3A_488 = arith.mulf %add3A_485, %mul3A_487 : vector<16xf32>
        %swap3A_489 = arith.constant 1 : i32
        %swap3A_490 = arith.index_cast %swap3A_489 : i32 to index
        %swap3A_491 = arith.index_cast %mul3A_447 : i32 to index
        %swap3A_492 = tpu.vector_load %arg5[%swap3A_490, %swap3A_491] {strides = array<i32>} : memref<36x1024xf32, #tpu.memory_space<vmem>>, vector<1x16xf32>,
        %swap3A_493 = vector.shape_cast %swap3A_492 : vector<1x16xf32> to vector<16xf32>
        %swap3A_494 = vector.shape_cast %mul3A_488 : vector<16xf32> to vector<1x16xf32>
        tpu.vector_store %arg5[%swap3A_490, %swap3A_491], %swap3A_494 {strides = array<i32>} : memref<36x1024xf32, #tpu.memory_space<vmem>>, vector<1x16xf32>,
        %get3A_495 = arith.constant 6 : i32
        %get3A_496 = arith.index_cast %get3A_495 : i32 to index
        %get3A_497 = arith.index_cast %mul3A_447 : i32 to index
        %get3A_498 = tpu.vector_load %arg5[%get3A_496, %get3A_497] {strides = array<i32>} : memref<36x1024xf32, #tpu.memory_space<vmem>>, vector<1x16xf32>,
        %get3A_499 = vector.shape_cast %get3A_498 : vector<1x16xf32> to vector<16xf32>
        %add3A_500 = arith.addf %get3A_483, %get3A_499 : vector<16xf32>
        %add3A_501 = arith.addf %add3A_469, %add3A_500 : vector<16xf32>
        %mul3A_502 = arith.constant 2.500000e-01 : f32
        %mul3A_503 = vector.broadcast %mul3A_502 : f32 to vector<16xf32>
        %mul3A_504 = arith.mulf %add3A_501, %mul3A_503 : vector<16xf32>
        %swap3A_505 = arith.constant 2 : i32
        %swap3A_506 = arith.index_cast %swap3A_505 : i32 to index
        %swap3A_507 = arith.index_cast %mul3A_447 : i32 to index
        %swap3A_508 = tpu.vector_load %arg5[%swap3A_506, %swap3A_507] {strides = array<i32>} : memref<36x1024xf32, #tpu.memory_space<vmem>>, vector<1x16xf32>,
        %swap3A_509 = vector.shape_cast %swap3A_508 : vector<1x16xf32> to vector<16xf32>
        %swap3A_510 = vector.shape_cast %mul3A_504 : vector<16xf32> to vector<1x16xf32>
        tpu.vector_store %arg5[%swap3A_506, %swap3A_507], %swap3A_510 {strides = array<i32>} : memref<36x1024xf32, #tpu.memory_space<vmem>>, vector<1x16xf32>,
        %get3A_511 = arith.constant 7 : i32
        %get3A_512 = arith.index_cast %get3A_511 : i32 to index
        %get3A_513 = arith.index_cast %mul3A_447 : i32 to index
        %get3A_514 = tpu.vector_load %arg5[%get3A_512, %get3A_513] {strides = array<i32>} : memref<36x1024xf32, #tpu.memory_space<vmem>>, vector<1x16xf32>,
        %get3A_515 = vector.shape_cast %get3A_514 : vector<1x16xf32> to vector<16xf32>
        %add3A_516 = arith.addf %get3A_499, %get3A_515 : vector<16xf32>
        %add3A_517 = arith.addf %add3A_484, %add3A_516 : vector<16xf32>
        %mul3A_518 = arith.constant 2.500000e-01 : f32
        %mul3A_519 = vector.broadcast %mul3A_518 : f32 to vector<16xf32>
        %mul3A_520 = arith.mulf %add3A_517, %mul3A_519 : vector<16xf32>
        %swap3A_521 = arith.constant 3 : i32
        %swap3A_522 = arith.index_cast %swap3A_521 : i32 to index
        %swap3A_523 = arith.index_cast %mul3A_447 : i32 to index
        %swap3A_524 = tpu.vector_load %arg5[%swap3A_522, %swap3A_523] {strides = array<i32>} : memref<36x1024xf32, #tpu.memory_space<vmem>>, vector<1x16xf32>,
        %swap3A_525 = vector.shape_cast %swap3A_524 : vector<1x16xf32> to vector<16xf32>
        %swap3A_526 = vector.shape_cast %mul3A_520 : vector<16xf32> to vector<1x16xf32>
        tpu.vector_store %arg5[%swap3A_522, %swap3A_523], %swap3A_526 {strides = array<i32>} : memref<36x1024xf32, #tpu.memory_space<vmem>>, vector<1x16xf32>,
        %get3A_527 = arith.constant 8 : i32
        %get3A_528 = arith.index_cast %get3A_527 : i32 to index
        %get3A_529 = arith.index_cast %mul3A_447 : i32 to index
        %get3A_530 = tpu.vector_load %arg5[%get3A_528, %get3A_529] {strides = array<i32>} : memref<36x1024xf32, #tpu.memory_space<vmem>>, vector<1x16xf32>,
        %get3A_531 = vector.shape_cast %get3A_530 : vector<1x16xf32> to vector<16xf32>
        %add3A_532 = arith.addf %get3A_515, %get3A_531 : vector<16xf32>
        %add3A_533 = arith.addf %add3A_500, %add3A_532 : vector<16xf32>
        %mul3A_534 = arith.constant 2.500000e-01 : f32
        %mul3A_535 = vector.broadcast %mul3A_534 : f32 to vector<16xf32>
        %mul3A_536 = arith.mulf %add3A_533, %mul3A_535 : vector<16xf32>
        %swap3A_537 = arith.constant 4 : i32
        %swap3A_538 = arith.index_cast %swap3A_537 : i32 to index
        %swap3A_539 = arith.index_cast %mul3A_447 : i32 to index
        %swap3A_540 = tpu.vector_load %arg5[%swap3A_538, %swap3A_539] {strides = array<i32>} : memref<36x1024xf32, #tpu.memory_space<vmem>>, vector<1x16xf32>,
        %swap3A_541 = vector.shape_cast %swap3A_540 : vector<1x16xf32> to vector<16xf32>
        %swap3A_542 = vector.shape_cast %mul3A_536 : vector<16xf32> to vector<1x16xf32>
        tpu.vector_store %arg5[%swap3A_538, %swap3A_539], %swap3A_542 {strides = array<i32>} : memref<36x1024xf32, #tpu.memory_space<vmem>>, vector<1x16xf32>,
        %get3A_543 = arith.constant 9 : i32
        %get3A_544 = arith.index_cast %get3A_543 : i32 to index
        %get3A_545 = arith.index_cast %mul3A_447 : i32 to index
        %get3A_546 = tpu.vector_load %arg5[%get3A_544, %get3A_545] {strides = array<i32>} : memref<36x1024xf32, #tpu.memory_space<vmem>>, vector<1x16xf32>,
        %get3A_547 = vector.shape_cast %get3A_546 : vector<1x16xf32> to vector<16xf32>
        %add3A_548 = arith.addf %get3A_531, %get3A_547 : vector<16xf32>
        %add3A_549 = arith.addf %add3A_516, %add3A_548 : vector<16xf32>
        %mul3A_550 = arith.constant 2.500000e-01 : f32
        %mul3A_551 = vector.broadcast %mul3A_550 : f32 to vector<16xf32>
        %mul3A_552 = arith.mulf %add3A_549, %mul3A_551 : vector<16xf32>
        %swap3A_553 = arith.constant 5 : i32
        %swap3A_554 = arith.index_cast %swap3A_553 : i32 to index
        %swap3A_555 = arith.index_cast %mul3A_447 : i32 to index
        %swap3A_556 = tpu.vector_load %arg5[%swap3A_554, %swap3A_555] {strides = array<i32>} : memref<36x1024xf32, #tpu.memory_space<vmem>>, vector<1x16xf32>,
        %swap3A_557 = vector.shape_cast %swap3A_556 : vector<1x16xf32> to vector<16xf32>
        %swap3A_558 = vector.shape_cast %mul3A_552 : vector<16xf32> to vector<1x16xf32>
        tpu.vector_store %arg5[%swap3A_554, %swap3A_555], %swap3A_558 {strides = array<i32>} : memref<36x1024xf32, #tpu.memory_space<vmem>>, vector<1x16xf32>,
        %get3A_559 = arith.constant 10 : i32
        %get3A_560 = arith.index_cast %get3A_559 : i32 to index
        %get3A_561 = arith.index_cast %mul3A_447 : i32 to index
        %get3A_562 = tpu.vector_load %arg5[%get3A_560, %get3A_561] {strides = array<i32>} : memref<36x1024xf32, #tpu.memory_space<vmem>>, vector<1x16xf32>,
        %get3A_563 = vector.shape_cast %get3A_562 : vector<1x16xf32> to vector<16xf32>
        %add3A_564 = arith.addf %get3A_547, %get3A_563 : vector<16xf32>
        %add3A_565 = arith.addf %add3A_532, %add3A_564 : vector<16xf32>
        %mul3A_566 = arith.constant 2.500000e-01 : f32
        %mul3A_567 = vector.broadcast %mul3A_566 : f32 to vector<16xf32>
        %mul3A_568 = arith.mulf %add3A_565, %mul3A_567 : vector<16xf32>
        %swap3A_569 = arith.constant 6 : i32
        %swap3A_570 = arith.index_cast %swap3A_569 : i32 to index
        %swap3A_571 = arith.index_cast %mul3A_447 : i32 to index
        %swap3A_572 = tpu.vector_load %arg5[%swap3A_570, %swap3A_571] {strides = array<i32>} : memref<36x1024xf32, #tpu.memory_space<vmem>>, vector<1x16xf32>,
        %swap3A_573 = vector.shape_cast %swap3A_572 : vector<1x16xf32> to vector<16xf32>
        %swap3A_574 = vector.shape_cast %mul3A_568 : vector<16xf32> to vector<1x16xf32>
        tpu.vector_store %arg5[%swap3A_570, %swap3A_571], %swap3A_574 {strides = array<i32>} : memref<36x1024xf32, #tpu.memory_space<vmem>>, vector<1x16xf32>,
        %get3A_575 = arith.constant 11 : i32
        %get3A_576 = arith.index_cast %get3A_575 : i32 to index
        %get3A_577 = arith.index_cast %mul3A_447 : i32 to index
        %get3A_578 = tpu.vector_load %arg5[%get3A_576, %get3A_577] {strides = array<i32>} : memref<36x1024xf32, #tpu.memory_space<vmem>>, vector<1x16xf32>,
        %get3A_579 = vector.shape_cast %get3A_578 : vector<1x16xf32> to vector<16xf32>
        %add3A_580 = arith.addf %get3A_563, %get3A_579 : vector<16xf32>
        %add3A_581 = arith.addf %add3A_548, %add3A_580 : vector<16xf32>
        %mul3A_582 = arith.constant 2.500000e-01 : f32
        %mul3A_583 = vector.broadcast %mul3A_582 : f32 to vector<16xf32>
        %mul3A_584 = arith.mulf %add3A_581, %mul3A_583 : vector<16xf32>
        %swap3A_585 = arith.constant 7 : i32
        %swap3A_586 = arith.index_cast %swap3A_585 : i32 to index
        %swap3A_587 = arith.index_cast %mul3A_447 : i32 to index
        %swap3A_588 = tpu.vector_load %arg5[%swap3A_586, %swap3A_587] {strides = array<i32>} : memref<36x1024xf32, #tpu.memory_space<vmem>>, vector<1x16xf32>,
        %swap3A_589 = vector.shape_cast %swap3A_588 : vector<1x16xf32> to vector<16xf32>
        %swap3A_590 = vector.shape_cast %mul3A_584 : vector<16xf32> to vector<1x16xf32>
        tpu.vector_store %arg5[%swap3A_586, %swap3A_587], %swap3A_590 {strides = array<i32>} : memref<36x1024xf32, #tpu.memory_space<vmem>>, vector<1x16xf32>,
        %get3A_591 = arith.constant 12 : i32
        %get3A_592 = arith.index_cast %get3A_591 : i32 to index
        %get3A_593 = arith.index_cast %mul3A_447 : i32 to index
        %get3A_594 = tpu.vector_load %arg5[%get3A_592, %get3A_593] {strides = array<i32>} : memref<36x1024xf32, #tpu.memory_space<vmem>>, vector<1x16xf32>,
        %get3A_595 = vector.shape_cast %get3A_594 : vector<1x16xf32> to vector<16xf32>
        %add3A_596 = arith.addf %get3A_579, %get3A_595 : vector<16xf32>
        %add3A_597 = arith.addf %add3A_564, %add3A_596 : vector<16xf32>
        %mul3A_598 = arith.constant 2.500000e-01 : f32
        %mul3A_599 = vector.broadcast %mul3A_598 : f32 to vector<16xf32>
        %mul3A_600 = arith.mulf %add3A_597, %mul3A_599 : vector<16xf32>
        %swap3A_601 = arith.constant 8 : i32
        %swap3A_602 = arith.index_cast %swap3A_601 : i32 to index
        %swap3A_603 = arith.index_cast %mul3A_447 : i32 to index
        %swap3A_604 = tpu.vector_load %arg5[%swap3A_602, %swap3A_603] {strides = array<i32>} : memref<36x1024xf32, #tpu.memory_space<vmem>>, vector<1x16xf32>,
        %swap3A_605 = vector.shape_cast %swap3A_604 : vector<1x16xf32> to vector<16xf32>
        %swap3A_606 = vector.shape_cast %mul3A_600 : vector<16xf32> to vector<1x16xf32>
        tpu.vector_store %arg5[%swap3A_602, %swap3A_603], %swap3A_606 {strides = array<i32>} : memref<36x1024xf32, #tpu.memory_space<vmem>>, vector<1x16xf32>,
        %get3A_607 = arith.constant 13 : i32
        %get3A_608 = arith.index_cast %get3A_607 : i32 to index
        %get3A_609 = arith.index_cast %mul3A_447 : i32 to index
        %get3A_610 = tpu.vector_load %arg5[%get3A_608, %get3A_609] {strides = array<i32>} : memref<36x1024xf32, #tpu.memory_space<vmem>>, vector<1x16xf32>,
        %get3A_611 = vector.shape_cast %get3A_610 : vector<1x16xf32> to vector<16xf32>
        %add3A_612 = arith.addf %get3A_595, %get3A_611 : vector<16xf32>
        %add3A_613 = arith.addf %add3A_580, %add3A_612 : vector<16xf32>
        %mul3A_614 = arith.constant 2.500000e-01 : f32
        %mul3A_615 = vector.broadcast %mul3A_614 : f32 to vector<16xf32>
        %mul3A_616 = arith.mulf %add3A_613, %mul3A_615 : vector<16xf32>
        %swap3A_617 = arith.constant 9 : i32
        %swap3A_618 = arith.index_cast %swap3A_617 : i32 to index
        %swap3A_619 = arith.index_cast %mul3A_447 : i32 to index
        %swap3A_620 = tpu.vector_load %arg5[%swap3A_618, %swap3A_619] {strides = array<i32>} : memref<36x1024xf32, #tpu.memory_space<vmem>>, vector<1x16xf32>,
        %swap3A_621 = vector.shape_cast %swap3A_620 : vector<1x16xf32> to vector<16xf32>
        %swap3A_622 = vector.shape_cast %mul3A_616 : vector<16xf32> to vector<1x16xf32>
        tpu.vector_store %arg5[%swap3A_618, %swap3A_619], %swap3A_622 {strides = array<i32>} : memref<36x1024xf32, #tpu.memory_space<vmem>>, vector<1x16xf32>,
        %get3A_623 = arith.constant 14 : i32
        %get3A_624 = arith.index_cast %get3A_623 : i32 to index
        %get3A_625 = arith.index_cast %mul3A_447 : i32 to index
        %get3A_626 = tpu.vector_load %arg5[%get3A_624, %get3A_625] {strides = array<i32>} : memref<36x1024xf32, #tpu.memory_space<vmem>>, vector<1x16xf32>,
        %get3A_627 = vector.shape_cast %get3A_626 : vector<1x16xf32> to vector<16xf32>
        %add3A_628 = arith.addf %get3A_611, %get3A_627 : vector<16xf32>
        %add3A_629 = arith.addf %add3A_596, %add3A_628 : vector<16xf32>
        %mul3A_630 = arith.constant 2.500000e-01 : f32
        %mul3A_631 = vector.broadcast %mul3A_630 : f32 to vector<16xf32>
        %mul3A_632 = arith.mulf %add3A_629, %mul3A_631 : vector<16xf32>
        %swap3A_633 = arith.constant 10 : i32
        %swap3A_634 = arith.index_cast %swap3A_633 : i32 to index
        %swap3A_635 = arith.index_cast %mul3A_447 : i32 to index
        %swap3A_636 = tpu.vector_load %arg5[%swap3A_634, %swap3A_635] {strides = array<i32>} : memref<36x1024xf32, #tpu.memory_space<vmem>>, vector<1x16xf32>,
        %swap3A_637 = vector.shape_cast %swap3A_636 : vector<1x16xf32> to vector<16xf32>
        %swap3A_638 = vector.shape_cast %mul3A_632 : vector<16xf32> to vector<1x16xf32>
        tpu.vector_store %arg5[%swap3A_634, %swap3A_635], %swap3A_638 {strides = array<i32>} : memref<36x1024xf32, #tpu.memory_space<vmem>>, vector<1x16xf32>,
        %get3A_639 = arith.constant 15 : i32
        %get3A_640 = arith.index_cast %get3A_639 : i32 to index
        %get3A_641 = arith.index_cast %mul3A_447 : i32 to index
        %get3A_642 = tpu.vector_load %arg5[%get3A_640, %get3A_641] {strides = array<i32>} : memref<36x1024xf32, #tpu.memory_space<vmem>>, vector<1x16xf32>,
        %get3A_643 = vector.shape_cast %get3A_642 : vector<1x16xf32> to vector<16xf32>
        %add3A_644 = arith.addf %get3A_627, %get3A_643 : vector<16xf32>
        %add3A_645 = arith.addf %add3A_612, %add3A_644 : vector<16xf32>
        %mul3A_646 = arith.constant 2.500000e-01 : f32
        %mul3A_647 = vector.broadcast %mul3A_646 : f32 to vector<16xf32>
        %mul3A_648 = arith.mulf %add3A_645, %mul3A_647 : vector<16xf32>
        %swap3A_649 = arith.constant 11 : i32
        %swap3A_650 = arith.index_cast %swap3A_649 : i32 to index
        %swap3A_651 = arith.index_cast %mul3A_447 : i32 to index
        %swap3A_652 = tpu.vector_load %arg5[%swap3A_650, %swap3A_651] {strides = array<i32>} : memref<36x1024xf32, #tpu.memory_space<vmem>>, vector<1x16xf32>,
        %swap3A_653 = vector.shape_cast %swap3A_652 : vector<1x16xf32> to vector<16xf32>
        %swap3A_654 = vector.shape_cast %mul3A_648 : vector<16xf32> to vector<1x16xf32>
        tpu.vector_store %arg5[%swap3A_650, %swap3A_651], %swap3A_654 {strides = array<i32>} : memref<36x1024xf32, #tpu.memory_space<vmem>>, vector<1x16xf32>,
        %get3A_655 = arith.constant 16 : i32
        %get3A_656 = arith.index_cast %get3A_655 : i32 to index
        %get3A_657 = arith.index_cast %mul3A_447 : i32 to index
        %get3A_658 = tpu.vector_load %arg5[%get3A_656, %get3A_657] {strides = array<i32>} : memref<36x1024xf32, #tpu.memory_space<vmem>>, vector<1x16xf32>,
        %get3A_659 = vector.shape_cast %get3A_658 : vector<1x16xf32> to vector<16xf32>
        %add3A_660 = arith.addf %get3A_643, %get3A_659 : vector<16xf32>
        %add3A_661 = arith.addf %add3A_628, %add3A_660 : vector<16xf32>
        %mul3A_662 = arith.constant 2.500000e-01 : f32
        %mul3A_663 = vector.broadcast %mul3A_662 : f32 to vector<16xf32>
        %mul3A_664 = arith.mulf %add3A_661, %mul3A_663 : vector<16xf32>
        %swap3A_665 = arith.constant 12 : i32
        %swap3A_666 = arith.index_cast %swap3A_665 : i32 to index
        %swap3A_667 = arith.index_cast %mul3A_447 : i32 to index
        %swap3A_668 = tpu.vector_load %arg5[%swap3A_666, %swap3A_667] {strides = array<i32>} : memref<36x1024xf32, #tpu.memory_space<vmem>>, vector<1x16xf32>,
        %swap3A_669 = vector.shape_cast %swap3A_668 : vector<1x16xf32> to vector<16xf32>
        %swap3A_670 = vector.shape_cast %mul3A_664 : vector<16xf32> to vector<1x16xf32>
        tpu.vector_store %arg5[%swap3A_666, %swap3A_667], %swap3A_670 {strides = array<i32>} : memref<36x1024xf32, #tpu.memory_space<vmem>>, vector<1x16xf32>,
        %get3A_671 = arith.constant 17 : i32
        %get3A_672 = arith.index_cast %get3A_671 : i32 to index
        %get3A_673 = arith.index_cast %mul3A_447 : i32 to index
        %get3A_674 = tpu.vector_load %arg5[%get3A_672, %get3A_673] {strides = array<i32>} : memref<36x1024xf32, #tpu.memory_space<vmem>>, vector<1x16xf32>,
        %get3A_675 = vector.shape_cast %get3A_674 : vector<1x16xf32> to vector<16xf32>
        %add3A_676 = arith.addf %get3A_659, %get3A_675 : vector<16xf32>
        %add3A_677 = arith.addf %add3A_644, %add3A_676 : vector<16xf32>
        %mul3A_678 = arith.constant 2.500000e-01 : f32
        %mul3A_679 = vector.broadcast %mul3A_678 : f32 to vector<16xf32>
        %mul3A_680 = arith.mulf %add3A_677, %mul3A_679 : vector<16xf32>
        %swap3A_681 = arith.constant 13 : i32
        %swap3A_682 = arith.index_cast %swap3A_681 : i32 to index
        %swap3A_683 = arith.index_cast %mul3A_447 : i32 to index
        %swap3A_684 = tpu.vector_load %arg5[%swap3A_682, %swap3A_683] {strides = array<i32>} : memref<36x1024xf32, #tpu.memory_space<vmem>>, vector<1x16xf32>,
        %swap3A_685 = vector.shape_cast %swap3A_684 : vector<1x16xf32> to vector<16xf32>
        %swap3A_686 = vector.shape_cast %mul3A_680 : vector<16xf32> to vector<1x16xf32>
        tpu.vector_store %arg5[%swap3A_682, %swap3A_683], %swap3A_686 {strides = array<i32>} : memref<36x1024xf32, #tpu.memory_space<vmem>>, vector<1x16xf32>,
        %get3A_687 = arith.constant 18 : i32
        %get3A_688 = arith.index_cast %get3A_687 : i32 to index
        %get3A_689 = arith.index_cast %mul3A_447 : i32 to index
        %get3A_690 = tpu.vector_load %arg5[%get3A_688, %get3A_689] {strides = array<i32>} : memref<36x1024xf32, #tpu.memory_space<vmem>>, vector<1x16xf32>,
        %get3A_691 = vector.shape_cast %get3A_690 : vector<1x16xf32> to vector<16xf32>
        %add3A_692 = arith.addf %get3A_675, %get3A_691 : vector<16xf32>
        %add3A_693 = arith.addf %add3A_660, %add3A_692 : vector<16xf32>
        %mul3A_694 = arith.constant 2.500000e-01 : f32
        %mul3A_695 = vector.broadcast %mul3A_694 : f32 to vector<16xf32>
        %mul3A_696 = arith.mulf %add3A_693, %mul3A_695 : vector<16xf32>
        %swap3A_697 = arith.constant 14 : i32
        %swap3A_698 = arith.index_cast %swap3A_697 : i32 to index
        %swap3A_699 = arith.index_cast %mul3A_447 : i32 to index
        %swap3A_700 = tpu.vector_load %arg5[%swap3A_698, %swap3A_699] {strides = array<i32>} : memref<36x1024xf32, #tpu.memory_space<vmem>>, vector<1x16xf32>,
        %swap3A_701 = vector.shape_cast %swap3A_700 : vector<1x16xf32> to vector<16xf32>
        %swap3A_702 = vector.shape_cast %mul3A_696 : vector<16xf32> to vector<1x16xf32>
        tpu.vector_store %arg5[%swap3A_698, %swap3A_699], %swap3A_702 {strides = array<i32>} : memref<36x1024xf32, #tpu.memory_space<vmem>>, vector<1x16xf32>,
        %get3A_703 = arith.constant 19 : i32
        %get3A_704 = arith.index_cast %get3A_703 : i32 to index
        %get3A_705 = arith.index_cast %mul3A_447 : i32 to index
        %get3A_706 = tpu.vector_load %arg5[%get3A_704, %get3A_705] {strides = array<i32>} : memref<36x1024xf32, #tpu.memory_space<vmem>>, vector<1x16xf32>,
        %get3A_707 = vector.shape_cast %get3A_706 : vector<1x16xf32> to vector<16xf32>
        %add3A_708 = arith.addf %get3A_691, %get3A_707 : vector<16xf32>
        %add3A_709 = arith.addf %add3A_676, %add3A_708 : vector<16xf32>
        %mul3A_710 = arith.constant 2.500000e-01 : f32
        %mul3A_711 = vector.broadcast %mul3A_710 : f32 to vector<16xf32>
        %mul3A_712 = arith.mulf %add3A_709, %mul3A_711 : vector<16xf32>
        %swap3A_713 = arith.constant 15 : i32
        %swap3A_714 = arith.index_cast %swap3A_713 : i32 to index
        %swap3A_715 = arith.index_cast %mul3A_447 : i32 to index
        %swap3A_716 = tpu.vector_load %arg5[%swap3A_714, %swap3A_715] {strides = array<i32>} : memref<36x1024xf32, #tpu.memory_space<vmem>>, vector<1x16xf32>,
        %swap3A_717 = vector.shape_cast %swap3A_716 : vector<1x16xf32> to vector<16xf32>
        %swap3A_718 = vector.shape_cast %mul3A_712 : vector<16xf32> to vector<1x16xf32>
        tpu.vector_store %arg5[%swap3A_714, %swap3A_715], %swap3A_718 {strides = array<i32>} : memref<36x1024xf32, #tpu.memory_space<vmem>>, vector<1x16xf32>,
        %scan3A_719 = arith.constant 0 : i32
        scf.yield %scan3A_719 : i32
      }
      %scan3A_309 = arith.constant 64 : i32
      %add3A_310 = arith.constant 0 : i32
      %add3A_311 = arith.addi %add3A_269, %add3A_310 : i32
      %dma_start3A_312 = arith.constant 0 : i32
      %dma_start3A_313 = arith.constant 0 : i32
      %dma_start3A_314 = tpu.memref_slice %arg5[%dma_start3A_312, %dma_start3A_313] : memref<36x1024xf32, #tpu.memory_space<vmem>> -> memref<16x1024xf32, #tpu.memory_space<vmem>>
      %dma_start3A_315 = arith.constant 0 : i32
      %dma_start3A_316 = tpu.memref_slice %arg3[%add3A_311, %dma_start3A_315] : memref<16384x1024xf32, #tpu.memory_space<hbm>> -> memref<16x1024xf32, #tpu.memory_space<hbm>>
      %dma_start3A_317 = arith.constant 0 : i32
      %dma_start3A_318 = tpu.memref_slice %arg3[%add3A_311, %dma_start3A_317] : memref<16384x1024xf32, #tpu.memory_space<hbm>> -> memref<16x1024xf32, #tpu.memory_space<hbm>>
      %dma_start3A_319 = arith.constant 0 : i32
      %dma_start3A_320 = arith.constant 0 : i32
      %dma_start3A_321 = tpu.memref_slice %arg5[%dma_start3A_319, %dma_start3A_320] : memref<36x1024xf32, #tpu.memory_space<vmem>> -> memref<16x1024xf32, #tpu.memory_space<vmem>>
      tpu.enqueue_dma source(%dma_start3A_321 : memref<16x1024xf32, #tpu.memory_space<vmem>>) target(%dma_start3A_318 : memref<16x1024xf32, #tpu.memory_space<hbm>>) target_semaphore(%arg11 : memref<!tpu.dma_semaphore, #tpu.memory_space<semaphore_mem>>)
      %scan3A_322 = arith.constant 0 : i32
      %scan3A_323 = arith.constant 0 : i32
      %scan3A_324 = arith.constant 64 : i32
      %scan3A_325 = arith.addi %scan3A_323, %scan3A_324 : i32
      %scan3A_326 = arith.constant 1 : i32
      %scan3A_327 = scf.for %scan3A_444 = %scan3A_323 to %scan3A_325 step %scan3A_326 iter_args(%scan3A_445 = %scan3A_322) -> (i32)  : i32 {
        %mul3A_446 = arith.constant 16 : i32
        %mul3A_447 = arith.muli %scan3A_444, %mul3A_446 : i32
        %get3A = arith.constant 17 : i32
        %get3A_448 = arith.index_cast %get3A : i32 to index
        %get3A_449 = arith.index_cast %mul3A_447 : i32 to index
        %get3A_450 = tpu.vector_load %arg5[%get3A_448, %get3A_449] {strides = array<i32>} : memref<36x1024xf32, #tpu.memory_space<vmem>>, vector<1x16xf32>,
        %get3A_451 = vector.shape_cast %get3A_450 : vector<1x16xf32> to vector<16xf32>
        %get3A_452 = arith.constant 18 : i32
        %get3A_453 = arith.index_cast %get3A_452 : i32 to index
        %get3A_454 = arith.index_cast %mul3A_447 : i32 to index
        %get3A_455 = tpu.vector_load %arg5[%get3A_453, %get3A_454] {strides = array<i32>} : memref<36x1024xf32, #tpu.memory_space<vmem>>, vector<1x16xf32>,
        %get3A_456 = vector.shape_cast %get3A_455 : vector<1x16xf32> to vector<16xf32>
        %get3A_457 = arith.constant 19 : i32
        %get3A_458 = arith.index_cast %get3A_457 : i32 to index
        %get3A_459 = arith.index_cast %mul3A_447 : i32 to index
        %get3A_460 = tpu.vector_load %arg5[%get3A_458, %get3A_459] {strides = array<i32>} : memref<36x1024xf32, #tpu.memory_space<vmem>>, vector<1x16xf32>,
        %get3A_461 = vector.shape_cast %get3A_460 : vector<1x16xf32> to vector<16xf32>
        %add3A_462 = arith.addf %get3A_451, %get3A_456 : vector<16xf32>
        %add3A_463 = arith.addf %get3A_456, %get3A_461 : vector<16xf32>
        %get3A_464 = arith.constant 20 : i32
        %get3A_465 = arith.index_cast %get3A_464 : i32 to index
        %get3A_466 = arith.index_cast %mul3A_447 : i32 to index
        %get3A_467 = tpu.vector_load %arg5[%get3A_465, %get3A_466] {strides = array<i32>} : memref<36x1024xf32, #tpu.memory_space<vmem>>, vector<1x16xf32>,
        %get3A_468 = vector.shape_cast %get3A_467 : vector<1x16xf32> to vector<16xf32>
        %add3A_469 = arith.addf %get3A_461, %get3A_468 : vector<16xf32>
        %add3A_470 = arith.addf %add3A_462, %add3A_469 : vector<16xf32>
        %mul3A_471 = arith.constant 2.500000e-01 : f32
        %mul3A_472 = vector.broadcast %mul3A_471 : f32 to vector<16xf32>
        %mul3A_473 = arith.mulf %add3A_470, %mul3A_472 : vector<16xf32>
        %swap3A = arith.constant 16 : i32
        %swap3A_474 = arith.index_cast %swap3A : i32 to index
        %swap3A_475 = arith.index_cast %mul3A_447 : i32 to index
        %swap3A_476 = tpu.vector_load %arg5[%swap3A_474, %swap3A_475] {strides = array<i32>} : memref<36x1024xf32, #tpu.memory_space<vmem>>, vector<1x16xf32>,
        %swap3A_477 = vector.shape_cast %swap3A_476 : vector<1x16xf32> to vector<16xf32>
        %swap3A_478 = vector.shape_cast %mul3A_473 : vector<16xf32> to vector<1x16xf32>
        tpu.vector_store %arg5[%swap3A_474, %swap3A_475], %swap3A_478 {strides = array<i32>} : memref<36x1024xf32, #tpu.memory_space<vmem>>, vector<1x16xf32>,
        %get3A_479 = arith.constant 21 : i32
        %get3A_480 = arith.index_cast %get3A_479 : i32 to index
        %get3A_481 = arith.index_cast %mul3A_447 : i32 to index
        %get3A_482 = tpu.vector_load %arg5[%get3A_480, %get3A_481] {strides = array<i32>} : memref<36x1024xf32, #tpu.memory_space<vmem>>, vector<1x16xf32>,
        %get3A_483 = vector.shape_cast %get3A_482 : vector<1x16xf32> to vector<16xf32>
        %add3A_484 = arith.addf %get3A_468, %get3A_483 : vector<16xf32>
        %add3A_485 = arith.addf %add3A_463, %add3A_484 : vector<16xf32>
        %mul3A_486 = arith.constant 2.500000e-01 : f32
        %mul3A_487 = vector.broadcast %mul3A_486 : f32 to vector<16xf32>
        %mul3A_488 = arith.mulf %add3A_485, %mul3A_487 : vector<16xf32>
        %swap3A_489 = arith.constant 17 : i32
        %swap3A_490 = arith.index_cast %swap3A_489 : i32 to index
        %swap3A_491 = arith.index_cast %mul3A_447 : i32 to index
        %swap3A_492 = tpu.vector_load %arg5[%swap3A_490, %swap3A_491] {strides = array<i32>} : memref<36x1024xf32, #tpu.memory_space<vmem>>, vector<1x16xf32>,
        %swap3A_493 = vector.shape_cast %swap3A_492 : vector<1x16xf32> to vector<16xf32>
        %swap3A_494 = vector.shape_cast %mul3A_488 : vector<16xf32> to vector<1x16xf32>
        tpu.vector_store %arg5[%swap3A_490, %swap3A_491], %swap3A_494 {strides = array<i32>} : memref<36x1024xf32, #tpu.memory_space<vmem>>, vector<1x16xf32>,
        %get3A_495 = arith.constant 22 : i32
        %get3A_496 = arith.index_cast %get3A_495 : i32 to index
        %get3A_497 = arith.index_cast %mul3A_447 : i32 to index
        %get3A_498 = tpu.vector_load %arg5[%get3A_496, %get3A_497] {strides = array<i32>} : memref<36x1024xf32, #tpu.memory_space<vmem>>, vector<1x16xf32>,
        %get3A_499 = vector.shape_cast %get3A_498 : vector<1x16xf32> to vector<16xf32>
        %add3A_500 = arith.addf %get3A_483, %get3A_499 : vector<16xf32>
        %add3A_501 = arith.addf %add3A_469, %add3A_500 : vector<16xf32>
        %mul3A_502 = arith.constant 2.500000e-01 : f32
        %mul3A_503 = vector.broadcast %mul3A_502 : f32 to vector<16xf32>
        %mul3A_504 = arith.mulf %add3A_501, %mul3A_503 : vector<16xf32>
        %swap3A_505 = arith.constant 18 : i32
        %swap3A_506 = arith.index_cast %swap3A_505 : i32 to index
        %swap3A_507 = arith.index_cast %mul3A_447 : i32 to index
        %swap3A_508 = tpu.vector_load %arg5[%swap3A_506, %swap3A_507] {strides = array<i32>} : memref<36x1024xf32, #tpu.memory_space<vmem>>, vector<1x16xf32>,
        %swap3A_509 = vector.shape_cast %swap3A_508 : vector<1x16xf32> to vector<16xf32>
        %swap3A_510 = vector.shape_cast %mul3A_504 : vector<16xf32> to vector<1x16xf32>
        tpu.vector_store %arg5[%swap3A_506, %swap3A_507], %swap3A_510 {strides = array<i32>} : memref<36x1024xf32, #tpu.memory_space<vmem>>, vector<1x16xf32>,
        %get3A_511 = arith.constant 23 : i32
        %get3A_512 = arith.index_cast %get3A_511 : i32 to index
        %get3A_513 = arith.index_cast %mul3A_447 : i32 to index
        %get3A_514 = tpu.vector_load %arg5[%get3A_512, %get3A_513] {strides = array<i32>} : memref<36x1024xf32, #tpu.memory_space<vmem>>, vector<1x16xf32>,
        %get3A_515 = vector.shape_cast %get3A_514 : vector<1x16xf32> to vector<16xf32>
        %add3A_516 = arith.addf %get3A_499, %get3A_515 : vector<16xf32>
        %add3A_517 = arith.addf %add3A_484, %add3A_516 : vector<16xf32>
        %mul3A_518 = arith.constant 2.500000e-01 : f32
        %mul3A_519 = vector.broadcast %mul3A_518 : f32 to vector<16xf32>
        %mul3A_520 = arith.mulf %add3A_517, %mul3A_519 : vector<16xf32>
        %swap3A_521 = arith.constant 19 : i32
        %swap3A_522 = arith.index_cast %swap3A_521 : i32 to index
        %swap3A_523 = arith.index_cast %mul3A_447 : i32 to index
        %swap3A_524 = tpu.vector_load %arg5[%swap3A_522, %swap3A_523] {strides = array<i32>} : memref<36x1024xf32, #tpu.memory_space<vmem>>, vector<1x16xf32>,
        %swap3A_525 = vector.shape_cast %swap3A_524 : vector<1x16xf32> to vector<16xf32>
        %swap3A_526 = vector.shape_cast %mul3A_520 : vector<16xf32> to vector<1x16xf32>
        tpu.vector_store %arg5[%swap3A_522, %swap3A_523], %swap3A_526 {strides = array<i32>} : memref<36x1024xf32, #tpu.memory_space<vmem>>, vector<1x16xf32>,
        %get3A_527 = arith.constant 24 : i32
        %get3A_528 = arith.index_cast %get3A_527 : i32 to index
        %get3A_529 = arith.index_cast %mul3A_447 : i32 to index
        %get3A_530 = tpu.vector_load %arg5[%get3A_528, %get3A_529] {strides = array<i32>} : memref<36x1024xf32, #tpu.memory_space<vmem>>, vector<1x16xf32>,
        %get3A_531 = vector.shape_cast %get3A_530 : vector<1x16xf32> to vector<16xf32>
        %add3A_532 = arith.addf %get3A_515, %get3A_531 : vector<16xf32>
        %add3A_533 = arith.addf %add3A_500, %add3A_532 : vector<16xf32>
        %mul3A_534 = arith.constant 2.500000e-01 : f32
        %mul3A_535 = vector.broadcast %mul3A_534 : f32 to vector<16xf32>
        %mul3A_536 = arith.mulf %add3A_533, %mul3A_535 : vector<16xf32>
        %swap3A_537 = arith.constant 20 : i32
        %swap3A_538 = arith.index_cast %swap3A_537 : i32 to index
        %swap3A_539 = arith.index_cast %mul3A_447 : i32 to index
        %swap3A_540 = tpu.vector_load %arg5[%swap3A_538, %swap3A_539] {strides = array<i32>} : memref<36x1024xf32, #tpu.memory_space<vmem>>, vector<1x16xf32>,
        %swap3A_541 = vector.shape_cast %swap3A_540 : vector<1x16xf32> to vector<16xf32>
        %swap3A_542 = vector.shape_cast %mul3A_536 : vector<16xf32> to vector<1x16xf32>
        tpu.vector_store %arg5[%swap3A_538, %swap3A_539], %swap3A_542 {strides = array<i32>} : memref<36x1024xf32, #tpu.memory_space<vmem>>, vector<1x16xf32>,
        %get3A_543 = arith.constant 25 : i32
        %get3A_544 = arith.index_cast %get3A_543 : i32 to index
        %get3A_545 = arith.index_cast %mul3A_447 : i32 to index
        %get3A_546 = tpu.vector_load %arg5[%get3A_544, %get3A_545] {strides = array<i32>} : memref<36x1024xf32, #tpu.memory_space<vmem>>, vector<1x16xf32>,
        %get3A_547 = vector.shape_cast %get3A_546 : vector<1x16xf32> to vector<16xf32>
        %add3A_548 = arith.addf %get3A_531, %get3A_547 : vector<16xf32>
        %add3A_549 = arith.addf %add3A_516, %add3A_548 : vector<16xf32>
        %mul3A_550 = arith.constant 2.500000e-01 : f32
        %mul3A_551 = vector.broadcast %mul3A_550 : f32 to vector<16xf32>
        %mul3A_552 = arith.mulf %add3A_549, %mul3A_551 : vector<16xf32>
        %swap3A_553 = arith.constant 21 : i32
        %swap3A_554 = arith.index_cast %swap3A_553 : i32 to index
        %swap3A_555 = arith.index_cast %mul3A_447 : i32 to index
        %swap3A_556 = tpu.vector_load %arg5[%swap3A_554, %swap3A_555] {strides = array<i32>} : memref<36x1024xf32, #tpu.memory_space<vmem>>, vector<1x16xf32>,
        %swap3A_557 = vector.shape_cast %swap3A_556 : vector<1x16xf32> to vector<16xf32>
        %swap3A_558 = vector.shape_cast %mul3A_552 : vector<16xf32> to vector<1x16xf32>
        tpu.vector_store %arg5[%swap3A_554, %swap3A_555], %swap3A_558 {strides = array<i32>} : memref<36x1024xf32, #tpu.memory_space<vmem>>, vector<1x16xf32>,
        %get3A_559 = arith.constant 26 : i32
        %get3A_560 = arith.index_cast %get3A_559 : i32 to index
        %get3A_561 = arith.index_cast %mul3A_447 : i32 to index
        %get3A_562 = tpu.vector_load %arg5[%get3A_560, %get3A_561] {strides = array<i32>} : memref<36x1024xf32, #tpu.memory_space<vmem>>, vector<1x16xf32>,
        %get3A_563 = vector.shape_cast %get3A_562 : vector<1x16xf32> to vector<16xf32>
        %add3A_564 = arith.addf %get3A_547, %get3A_563 : vector<16xf32>
        %add3A_565 = arith.addf %add3A_532, %add3A_564 : vector<16xf32>
        %mul3A_566 = arith.constant 2.500000e-01 : f32
        %mul3A_567 = vector.broadcast %mul3A_566 : f32 to vector<16xf32>
        %mul3A_568 = arith.mulf %add3A_565, %mul3A_567 : vector<16xf32>
        %swap3A_569 = arith.constant 22 : i32
        %swap3A_570 = arith.index_cast %swap3A_569 : i32 to index
        %swap3A_571 = arith.index_cast %mul3A_447 : i32 to index
        %swap3A_572 = tpu.vector_load %arg5[%swap3A_570, %swap3A_571] {strides = array<i32>} : memref<36x1024xf32, #tpu.memory_space<vmem>>, vector<1x16xf32>,
        %swap3A_573 = vector.shape_cast %swap3A_572 : vector<1x16xf32> to vector<16xf32>
        %swap3A_574 = vector.shape_cast %mul3A_568 : vector<16xf32> to vector<1x16xf32>
        tpu.vector_store %arg5[%swap3A_570, %swap3A_571], %swap3A_574 {strides = array<i32>} : memref<36x1024xf32, #tpu.memory_space<vmem>>, vector<1x16xf32>,
        %get3A_575 = arith.constant 27 : i32
        %get3A_576 = arith.index_cast %get3A_575 : i32 to index
        %get3A_577 = arith.index_cast %mul3A_447 : i32 to index
        %get3A_578 = tpu.vector_load %arg5[%get3A_576, %get3A_577] {strides = array<i32>} : memref<36x1024xf32, #tpu.memory_space<vmem>>, vector<1x16xf32>,
        %get3A_579 = vector.shape_cast %get3A_578 : vector<1x16xf32> to vector<16xf32>
        %add3A_580 = arith.addf %get3A_563, %get3A_579 : vector<16xf32>
        %add3A_581 = arith.addf %add3A_548, %add3A_580 : vector<16xf32>
        %mul3A_582 = arith.constant 2.500000e-01 : f32
        %mul3A_583 = vector.broadcast %mul3A_582 : f32 to vector<16xf32>
        %mul3A_584 = arith.mulf %add3A_581, %mul3A_583 : vector<16xf32>
        %swap3A_585 = arith.constant 23 : i32
        %swap3A_586 = arith.index_cast %swap3A_585 : i32 to index
        %swap3A_587 = arith.index_cast %mul3A_447 : i32 to index
        %swap3A_588 = tpu.vector_load %arg5[%swap3A_586, %swap3A_587] {strides = array<i32>} : memref<36x1024xf32, #tpu.memory_space<vmem>>, vector<1x16xf32>,
        %swap3A_589 = vector.shape_cast %swap3A_588 : vector<1x16xf32> to vector<16xf32>
        %swap3A_590 = vector.shape_cast %mul3A_584 : vector<16xf32> to vector<1x16xf32>
        tpu.vector_store %arg5[%swap3A_586, %swap3A_587], %swap3A_590 {strides = array<i32>} : memref<36x1024xf32, #tpu.memory_space<vmem>>, vector<1x16xf32>,
        %get3A_591 = arith.constant 28 : i32
        %get3A_592 = arith.index_cast %get3A_591 : i32 to index
        %get3A_593 = arith.index_cast %mul3A_447 : i32 to index
        %get3A_594 = tpu.vector_load %arg5[%get3A_592, %get3A_593] {strides = array<i32>} : memref<36x1024xf32, #tpu.memory_space<vmem>>, vector<1x16xf32>,
        %get3A_595 = vector.shape_cast %get3A_594 : vector<1x16xf32> to vector<16xf32>
        %add3A_596 = arith.addf %get3A_579, %get3A_595 : vector<16xf32>
        %add3A_597 = arith.addf %add3A_564, %add3A_596 : vector<16xf32>
        %mul3A_598 = arith.constant 2.500000e-01 : f32
        %mul3A_599 = vector.broadcast %mul3A_598 : f32 to vector<16xf32>
        %mul3A_600 = arith.mulf %add3A_597, %mul3A_599 : vector<16xf32>
        %swap3A_601 = arith.constant 24 : i32
        %swap3A_602 = arith.index_cast %swap3A_601 : i32 to index
        %swap3A_603 = arith.index_cast %mul3A_447 : i32 to index
        %swap3A_604 = tpu.vector_load %arg5[%swap3A_602, %swap3A_603] {strides = array<i32>} : memref<36x1024xf32, #tpu.memory_space<vmem>>, vector<1x16xf32>,
        %swap3A_605 = vector.shape_cast %swap3A_604 : vector<1x16xf32> to vector<16xf32>
        %swap3A_606 = vector.shape_cast %mul3A_600 : vector<16xf32> to vector<1x16xf32>
        tpu.vector_store %arg5[%swap3A_602, %swap3A_603], %swap3A_606 {strides = array<i32>} : memref<36x1024xf32, #tpu.memory_space<vmem>>, vector<1x16xf32>,
        %get3A_607 = arith.constant 29 : i32
        %get3A_608 = arith.index_cast %get3A_607 : i32 to index
        %get3A_609 = arith.index_cast %mul3A_447 : i32 to index
        %get3A_610 = tpu.vector_load %arg5[%get3A_608, %get3A_609] {strides = array<i32>} : memref<36x1024xf32, #tpu.memory_space<vmem>>, vector<1x16xf32>,
        %get3A_611 = vector.shape_cast %get3A_610 : vector<1x16xf32> to vector<16xf32>
        %add3A_612 = arith.addf %get3A_595, %get3A_611 : vector<16xf32>
        %add3A_613 = arith.addf %add3A_580, %add3A_612 : vector<16xf32>
        %mul3A_614 = arith.constant 2.500000e-01 : f32
        %mul3A_615 = vector.broadcast %mul3A_614 : f32 to vector<16xf32>
        %mul3A_616 = arith.mulf %add3A_613, %mul3A_615 : vector<16xf32>
        %swap3A_617 = arith.constant 25 : i32
        %swap3A_618 = arith.index_cast %swap3A_617 : i32 to index
        %swap3A_619 = arith.index_cast %mul3A_447 : i32 to index
        %swap3A_620 = tpu.vector_load %arg5[%swap3A_618, %swap3A_619] {strides = array<i32>} : memref<36x1024xf32, #tpu.memory_space<vmem>>, vector<1x16xf32>,
        %swap3A_621 = vector.shape_cast %swap3A_620 : vector<1x16xf32> to vector<16xf32>
        %swap3A_622 = vector.shape_cast %mul3A_616 : vector<16xf32> to vector<1x16xf32>
        tpu.vector_store %arg5[%swap3A_618, %swap3A_619], %swap3A_622 {strides = array<i32>} : memref<36x1024xf32, #tpu.memory_space<vmem>>, vector<1x16xf32>,
        %get3A_623 = arith.constant 30 : i32
        %get3A_624 = arith.index_cast %get3A_623 : i32 to index
        %get3A_625 = arith.index_cast %mul3A_447 : i32 to index
        %get3A_626 = tpu.vector_load %arg5[%get3A_624, %get3A_625] {strides = array<i32>} : memref<36x1024xf32, #tpu.memory_space<vmem>>, vector<1x16xf32>,
        %get3A_627 = vector.shape_cast %get3A_626 : vector<1x16xf32> to vector<16xf32>
        %add3A_628 = arith.addf %get3A_611, %get3A_627 : vector<16xf32>
        %add3A_629 = arith.addf %add3A_596, %add3A_628 : vector<16xf32>
        %mul3A_630 = arith.constant 2.500000e-01 : f32
        %mul3A_631 = vector.broadcast %mul3A_630 : f32 to vector<16xf32>
        %mul3A_632 = arith.mulf %add3A_629, %mul3A_631 : vector<16xf32>
        %swap3A_633 = arith.constant 26 : i32
        %swap3A_634 = arith.index_cast %swap3A_633 : i32 to index
        %swap3A_635 = arith.index_cast %mul3A_447 : i32 to index
        %swap3A_636 = tpu.vector_load %arg5[%swap3A_634, %swap3A_635] {strides = array<i32>} : memref<36x1024xf32, #tpu.memory_space<vmem>>, vector<1x16xf32>,
        %swap3A_637 = vector.shape_cast %swap3A_636 : vector<1x16xf32> to vector<16xf32>
        %swap3A_638 = vector.shape_cast %mul3A_632 : vector<16xf32> to vector<1x16xf32>
        tpu.vector_store %arg5[%swap3A_634, %swap3A_635], %swap3A_638 {strides = array<i32>} : memref<36x1024xf32, #tpu.memory_space<vmem>>, vector<1x16xf32>,
        %get3A_639 = arith.constant 31 : i32
        %get3A_640 = arith.index_cast %get3A_639 : i32 to index
        %get3A_641 = arith.index_cast %mul3A_447 : i32 to index
        %get3A_642 = tpu.vector_load %arg5[%get3A_640, %get3A_641] {strides = array<i32>} : memref<36x1024xf32, #tpu.memory_space<vmem>>, vector<1x16xf32>,
        %get3A_643 = vector.shape_cast %get3A_642 : vector<1x16xf32> to vector<16xf32>
        %add3A_644 = arith.addf %get3A_627, %get3A_643 : vector<16xf32>
        %add3A_645 = arith.addf %add3A_612, %add3A_644 : vector<16xf32>
        %mul3A_646 = arith.constant 2.500000e-01 : f32
        %mul3A_647 = vector.broadcast %mul3A_646 : f32 to vector<16xf32>
        %mul3A_648 = arith.mulf %add3A_645, %mul3A_647 : vector<16xf32>
        %swap3A_649 = arith.constant 27 : i32
        %swap3A_650 = arith.index_cast %swap3A_649 : i32 to index
        %swap3A_651 = arith.index_cast %mul3A_447 : i32 to index
        %swap3A_652 = tpu.vector_load %arg5[%swap3A_650, %swap3A_651] {strides = array<i32>} : memref<36x1024xf32, #tpu.memory_space<vmem>>, vector<1x16xf32>,
        %swap3A_653 = vector.shape_cast %swap3A_652 : vector<1x16xf32> to vector<16xf32>
        %swap3A_654 = vector.shape_cast %mul3A_648 : vector<16xf32> to vector<1x16xf32>
        tpu.vector_store %arg5[%swap3A_650, %swap3A_651], %swap3A_654 {strides = array<i32>} : memref<36x1024xf32, #tpu.memory_space<vmem>>, vector<1x16xf32>,
        %get3A_655 = arith.constant 32 : i32
        %get3A_656 = arith.index_cast %get3A_655 : i32 to index
        %get3A_657 = arith.index_cast %mul3A_447 : i32 to index
        %get3A_658 = tpu.vector_load %arg5[%get3A_656, %get3A_657] {strides = array<i32>} : memref<36x1024xf32, #tpu.memory_space<vmem>>, vector<1x16xf32>,
        %get3A_659 = vector.shape_cast %get3A_658 : vector<1x16xf32> to vector<16xf32>
        %add3A_660 = arith.addf %get3A_643, %get3A_659 : vector<16xf32>
        %add3A_661 = arith.addf %add3A_628, %add3A_660 : vector<16xf32>
        %mul3A_662 = arith.constant 2.500000e-01 : f32
        %mul3A_663 = vector.broadcast %mul3A_662 : f32 to vector<16xf32>
        %mul3A_664 = arith.mulf %add3A_661, %mul3A_663 : vector<16xf32>
        %swap3A_665 = arith.constant 28 : i32
        %swap3A_666 = arith.index_cast %swap3A_665 : i32 to index
        %swap3A_667 = arith.index_cast %mul3A_447 : i32 to index
        %swap3A_668 = tpu.vector_load %arg5[%swap3A_666, %swap3A_667] {strides = array<i32>} : memref<36x1024xf32, #tpu.memory_space<vmem>>, vector<1x16xf32>,
        %swap3A_669 = vector.shape_cast %swap3A_668 : vector<1x16xf32> to vector<16xf32>
        %swap3A_670 = vector.shape_cast %mul3A_664 : vector<16xf32> to vector<1x16xf32>
        tpu.vector_store %arg5[%swap3A_666, %swap3A_667], %swap3A_670 {strides = array<i32>} : memref<36x1024xf32, #tpu.memory_space<vmem>>, vector<1x16xf32>,
        %get3A_671 = arith.constant 33 : i32
        %get3A_672 = arith.index_cast %get3A_671 : i32 to index
        %get3A_673 = arith.index_cast %mul3A_447 : i32 to index
        %get3A_674 = tpu.vector_load %arg5[%get3A_672, %get3A_673] {strides = array<i32>} : memref<36x1024xf32, #tpu.memory_space<vmem>>, vector<1x16xf32>,
        %get3A_675 = vector.shape_cast %get3A_674 : vector<1x16xf32> to vector<16xf32>
        %add3A_676 = arith.addf %get3A_659, %get3A_675 : vector<16xf32>
        %add3A_677 = arith.addf %add3A_644, %add3A_676 : vector<16xf32>
        %mul3A_678 = arith.constant 2.500000e-01 : f32
        %mul3A_679 = vector.broadcast %mul3A_678 : f32 to vector<16xf32>
        %mul3A_680 = arith.mulf %add3A_677, %mul3A_679 : vector<16xf32>
        %swap3A_681 = arith.constant 29 : i32
        %swap3A_682 = arith.index_cast %swap3A_681 : i32 to index
        %swap3A_683 = arith.index_cast %mul3A_447 : i32 to index
        %swap3A_684 = tpu.vector_load %arg5[%swap3A_682, %swap3A_683] {strides = array<i32>} : memref<36x1024xf32, #tpu.memory_space<vmem>>, vector<1x16xf32>,
        %swap3A_685 = vector.shape_cast %swap3A_684 : vector<1x16xf32> to vector<16xf32>
        %swap3A_686 = vector.shape_cast %mul3A_680 : vector<16xf32> to vector<1x16xf32>
        tpu.vector_store %arg5[%swap3A_682, %swap3A_683], %swap3A_686 {strides = array<i32>} : memref<36x1024xf32, #tpu.memory_space<vmem>>, vector<1x16xf32>,
        %get3A_687 = arith.constant 34 : i32
        %get3A_688 = arith.index_cast %get3A_687 : i32 to index
        %get3A_689 = arith.index_cast %mul3A_447 : i32 to index
        %get3A_690 = tpu.vector_load %arg5[%get3A_688, %get3A_689] {strides = array<i32>} : memref<36x1024xf32, #tpu.memory_space<vmem>>, vector<1x16xf32>,
        %get3A_691 = vector.shape_cast %get3A_690 : vector<1x16xf32> to vector<16xf32>
        %add3A_692 = arith.addf %get3A_675, %get3A_691 : vector<16xf32>
        %add3A_693 = arith.addf %add3A_660, %add3A_692 : vector<16xf32>
        %mul3A_694 = arith.constant 2.500000e-01 : f32
        %mul3A_695 = vector.broadcast %mul3A_694 : f32 to vector<16xf32>
        %mul3A_696 = arith.mulf %add3A_693, %mul3A_695 : vector<16xf32>
        %swap3A_697 = arith.constant 30 : i32
        %swap3A_698 = arith.index_cast %swap3A_697 : i32 to index
        %swap3A_699 = arith.index_cast %mul3A_447 : i32 to index
        %swap3A_700 = tpu.vector_load %arg5[%swap3A_698, %swap3A_699] {strides = array<i32>} : memref<36x1024xf32, #tpu.memory_space<vmem>>, vector<1x16xf32>,
        %swap3A_701 = vector.shape_cast %swap3A_700 : vector<1x16xf32> to vector<16xf32>
        %swap3A_702 = vector.shape_cast %mul3A_696 : vector<16xf32> to vector<1x16xf32>
        tpu.vector_store %arg5[%swap3A_698, %swap3A_699], %swap3A_702 {strides = array<i32>} : memref<36x1024xf32, #tpu.memory_space<vmem>>, vector<1x16xf32>,
        %get3A_703 = arith.constant 35 : i32
        %get3A_704 = arith.index_cast %get3A_703 : i32 to index
        %get3A_705 = arith.index_cast %mul3A_447 : i32 to index
        %get3A_706 = tpu.vector_load %arg5[%get3A_704, %get3A_705] {strides = array<i32>} : memref<36x1024xf32, #tpu.memory_space<vmem>>, vector<1x16xf32>,
        %get3A_707 = vector.shape_cast %get3A_706 : vector<1x16xf32> to vector<16xf32>
        %add3A_708 = arith.addf %get3A_691, %get3A_707 : vector<16xf32>
        %add3A_709 = arith.addf %add3A_676, %add3A_708 : vector<16xf32>
        %mul3A_710 = arith.constant 2.500000e-01 : f32
        %mul3A_711 = vector.broadcast %mul3A_710 : f32 to vector<16xf32>
        %mul3A_712 = arith.mulf %add3A_709, %mul3A_711 : vector<16xf32>
        %swap3A_713 = arith.constant 31 : i32
        %swap3A_714 = arith.index_cast %swap3A_713 : i32 to index
        %swap3A_715 = arith.index_cast %mul3A_447 : i32 to index
        %swap3A_716 = tpu.vector_load %arg5[%swap3A_714, %swap3A_715] {strides = array<i32>} : memref<36x1024xf32, #tpu.memory_space<vmem>>, vector<1x16xf32>,
        %swap3A_717 = vector.shape_cast %swap3A_716 : vector<1x16xf32> to vector<16xf32>
        %swap3A_718 = vector.shape_cast %mul3A_712 : vector<16xf32> to vector<1x16xf32>
        tpu.vector_store %arg5[%swap3A_714, %swap3A_715], %swap3A_718 {strides = array<i32>} : memref<36x1024xf32, #tpu.memory_space<vmem>>, vector<1x16xf32>,
        %scan3A_719 = arith.constant 0 : i32
        scf.yield %scan3A_719 : i32
      }
      %scan3A_328 = arith.constant 64 : i32
      %convert_element_type3A_329 = arith.extui %eq3A_299 : i1 to i32
      %cond3A_330 = arith.constant 0 : i32
      %cond3A_331 = arith.cmpi ne, %convert_element_type3A_329, %cond3A_330 : i32
      scf.if %cond3A_331 {
        %scan3A_444 = arith.constant 0 : i32
        %scan3A_445 = arith.constant 0 : i32
        %scan3A_446 = arith.constant 64 : i32
        %scan3A_447 = arith.addi %scan3A_445, %scan3A_446 : i32
        %scan3A_448 = arith.constant 1 : i32
        %scan3A_449 = scf.for %scan3A_451 = %scan3A_445 to %scan3A_447 step %scan3A_448 iter_args(%scan3A_452 = %scan3A_444) -> (i32)  : i32 {
          %mul3A_453 = arith.constant 16 : i32
          %mul3A_454 = arith.muli %scan3A_451, %mul3A_453 : i32
          %get3A = arith.constant 28 : i32
          %get3A_455 = arith.index_cast %get3A : i32 to index
          %get3A_456 = arith.index_cast %mul3A_454 : i32 to index
          %get3A_457 = tpu.vector_load %arg5[%get3A_455, %get3A_456] {strides = array<i32>} : memref<36x1024xf32, #tpu.memory_space<vmem>>, vector<1x16xf32>,
          %get3A_458 = vector.shape_cast %get3A_457 : vector<1x16xf32> to vector<16xf32>
          %mul3A_459 = arith.constant 1.33333337 : f32
          %mul3A_460 = vector.broadcast %mul3A_459 : f32 to vector<16xf32>
          %mul3A_461 = arith.mulf %get3A_458, %mul3A_460 : vector<16xf32>
          %swap3A = arith.constant 28 : i32
          %swap3A_462 = arith.index_cast %swap3A : i32 to index
          %swap3A_463 = arith.index_cast %mul3A_454 : i32 to index
          %swap3A_464 = tpu.vector_load %arg5[%swap3A_462, %swap3A_463] {strides = array<i32>} : memref<36x1024xf32, #tpu.memory_space<vmem>>, vector<1x16xf32>,
          %swap3A_465 = vector.shape_cast %swap3A_464 : vector<1x16xf32> to vector<16xf32>
          %swap3A_466 = vector.shape_cast %mul3A_461 : vector<16xf32> to vector<1x16xf32>
          tpu.vector_store %arg5[%swap3A_462, %swap3A_463], %swap3A_466 {strides = array<i32>} : memref<36x1024xf32, #tpu.memory_space<vmem>>, vector<1x16xf32>,
          %get3A_467 = arith.constant 29 : i32
          %get3A_468 = arith.index_cast %get3A_467 : i32 to index
          %get3A_469 = arith.index_cast %mul3A_454 : i32 to index
          %get3A_470 = tpu.vector_load %arg5[%get3A_468, %get3A_469] {strides = array<i32>} : memref<36x1024xf32, #tpu.memory_space<vmem>>, vector<1x16xf32>,
          %get3A_471 = vector.shape_cast %get3A_470 : vector<1x16xf32> to vector<16xf32>
          %mul3A_472 = arith.constant 2.000000e+00 : f32
          %mul3A_473 = vector.broadcast %mul3A_472 : f32 to vector<16xf32>
          %mul3A_474 = arith.mulf %get3A_471, %mul3A_473 : vector<16xf32>
          %swap3A_475 = arith.constant 29 : i32
          %swap3A_476 = arith.index_cast %swap3A_475 : i32 to index
          %swap3A_477 = arith.index_cast %mul3A_454 : i32 to index
          %swap3A_478 = tpu.vector_load %arg5[%swap3A_476, %swap3A_477] {strides = array<i32>} : memref<36x1024xf32, #tpu.memory_space<vmem>>, vector<1x16xf32>,
          %swap3A_479 = vector.shape_cast %swap3A_478 : vector<1x16xf32> to vector<16xf32>
          %swap3A_480 = vector.shape_cast %mul3A_474 : vector<16xf32> to vector<1x16xf32>
          tpu.vector_store %arg5[%swap3A_476, %swap3A_477], %swap3A_480 {strides = array<i32>} : memref<36x1024xf32, #tpu.memory_space<vmem>>, vector<1x16xf32>,
          %get3A_481 = arith.constant 30 : i32
          %get3A_482 = arith.index_cast %get3A_481 : i32 to index
          %get3A_483 = arith.index_cast %mul3A_454 : i32 to index
          %get3A_484 = tpu.vector_load %arg5[%get3A_482, %get3A_483] {strides = array<i32>} : memref<36x1024xf32, #tpu.memory_space<vmem>>, vector<1x16xf32>,
          %get3A_485 = vector.shape_cast %get3A_484 : vector<1x16xf32> to vector<16xf32>
          %mul3A_486 = arith.constant 4.000000e+00 : f32
          %mul3A_487 = vector.broadcast %mul3A_486 : f32 to vector<16xf32>
          %mul3A_488 = arith.mulf %get3A_485, %mul3A_487 : vector<16xf32>
          %swap3A_489 = arith.constant 30 : i32
          %swap3A_490 = arith.index_cast %swap3A_489 : i32 to index
          %swap3A_491 = arith.index_cast %mul3A_454 : i32 to index
          %swap3A_492 = tpu.vector_load %arg5[%swap3A_490, %swap3A_491] {strides = array<i32>} : memref<36x1024xf32, #tpu.memory_space<vmem>>, vector<1x16xf32>,
          %swap3A_493 = vector.shape_cast %swap3A_492 : vector<1x16xf32> to vector<16xf32>
          %swap3A_494 = vector.shape_cast %mul3A_488 : vector<16xf32> to vector<1x16xf32>
          tpu.vector_store %arg5[%swap3A_490, %swap3A_491], %swap3A_494 {strides = array<i32>} : memref<36x1024xf32, #tpu.memory_space<vmem>>, vector<1x16xf32>,
          %get3A_495 = arith.constant 31 : i32
          %get3A_496 = arith.index_cast %get3A_495 : i32 to index
          %get3A_497 = arith.index_cast %mul3A_454 : i32 to index
          %get3A_498 = tpu.vector_load %arg5[%get3A_496, %get3A_497] {strides = array<i32>} : memref<36x1024xf32, #tpu.memory_space<vmem>>, vector<1x16xf32>,
          %get3A_499 = vector.shape_cast %get3A_498 : vector<1x16xf32> to vector<16xf32>
          %mul3A_500 = arith.constant 0.000000e+00 : f32
          %mul3A_501 = vector.broadcast %mul3A_500 : f32 to vector<16xf32>
          %mul3A_502 = arith.mulf %get3A_499, %mul3A_501 : vector<16xf32>
          %swap3A_503 = arith.constant 31 : i32
          %swap3A_504 = arith.index_cast %swap3A_503 : i32 to index
          %swap3A_505 = arith.index_cast %mul3A_454 : i32 to index
          %swap3A_506 = tpu.vector_load %arg5[%swap3A_504, %swap3A_505] {strides = array<i32>} : memref<36x1024xf32, #tpu.memory_space<vmem>>, vector<1x16xf32>,
          %swap3A_507 = vector.shape_cast %swap3A_506 : vector<1x16xf32> to vector<16xf32>
          %swap3A_508 = vector.shape_cast %mul3A_502 : vector<16xf32> to vector<1x16xf32>
          tpu.vector_store %arg5[%swap3A_504, %swap3A_505], %swap3A_508 {strides = array<i32>} : memref<36x1024xf32, #tpu.memory_space<vmem>>, vector<1x16xf32>,
          %scan3A_509 = arith.constant 0 : i32
          scf.yield %scan3A_509 : i32
        }
        %scan3A_450 = arith.constant 64 : i32
      } else {
      }
      %add3A_332 = arith.constant 16 : i32
      %add3A_333 = arith.addi %add3A_269, %add3A_332 : i32
      %dma_start3A_334 = arith.constant 16 : i32
      %dma_start3A_335 = arith.constant 0 : i32
      %dma_start3A_336 = tpu.memref_slice %arg5[%dma_start3A_334, %dma_start3A_335] : memref<36x1024xf32, #tpu.memory_space<vmem>> -> memref<16x1024xf32, #tpu.memory_space<vmem>>
      %dma_start3A_337 = arith.constant 0 : i32
      %dma_start3A_338 = tpu.memref_slice %arg3[%add3A_333, %dma_start3A_337] : memref<16384x1024xf32, #tpu.memory_space<hbm>> -> memref<16x1024xf32, #tpu.memory_space<hbm>>
      %dma_start3A_339 = arith.constant 0 : i32
      %dma_start3A_340 = tpu.memref_slice %arg3[%add3A_333, %dma_start3A_339] : memref<16384x1024xf32, #tpu.memory_space<hbm>> -> memref<16x1024xf32, #tpu.memory_space<hbm>>
      %dma_start3A_341 = arith.constant 16 : i32
      %dma_start3A_342 = arith.constant 0 : i32
      %dma_start3A_343 = tpu.memref_slice %arg5[%dma_start3A_341, %dma_start3A_342] : memref<36x1024xf32, #tpu.memory_space<vmem>> -> memref<16x1024xf32, #tpu.memory_space<vmem>>
      tpu.enqueue_dma source(%dma_start3A_343 : memref<16x1024xf32, #tpu.memory_space<vmem>>) target(%dma_start3A_340 : memref<16x1024xf32, #tpu.memory_space<hbm>>) target_semaphore(%arg11 : memref<!tpu.dma_semaphore, #tpu.memory_space<semaphore_mem>>)
      %gt3A_344 = arith.constant 0 : i32
      %gt3A_345 = arith.cmpi sgt, %add3A_266, %gt3A_344 : i32
      %convert_element_type3A_346 = arith.extui %gt3A_345 : i1 to i32
      %cond3A_347 = arith.constant 0 : i32
      %cond3A_348 = arith.cmpi ne, %convert_element_type3A_346, %cond3A_347 : i32
      scf.if %cond3A_348 {
        %dma_wait3A_444 = arith.constant 0 : i32
        %dma_wait3A_445 = arith.constant 0 : i32
        %dma_wait3A_446 = tpu.memref_slice %arg4[%dma_wait3A_444, %dma_wait3A_445] : memref<36x1024xf32, #tpu.memory_space<vmem>> -> memref<16x1024xf32, #tpu.memory_space<vmem>>
        %dma_wait3A_447 = arith.constant 0 : i32
        %dma_wait3A_448 = arith.constant 0 : i32
        %dma_wait3A_449 = tpu.memref_slice %arg3[%dma_wait3A_447, %dma_wait3A_448] : memref<16384x1024xf32, #tpu.memory_space<hbm>> -> memref<16x1024xf32, #tpu.memory_space<hbm>>
        %dma_wait3A_450 = arith.constant 0 : i32
        %dma_wait3A_451 = arith.constant 0 : i32
        %dma_wait3A_452 = tpu.memref_slice %arg3[%dma_wait3A_450, %dma_wait3A_451] : memref<16384x1024xf32, #tpu.memory_space<hbm>> -> memref<16x1024xf32, #tpu.memory_space<hbm>>
        %dma_wait3A_453 = arith.constant 0 : i32
        %dma_wait3A_454 = arith.constant 0 : i32
        %dma_wait3A_455 = tpu.memref_slice %arg4[%dma_wait3A_453, %dma_wait3A_454] : memref<36x1024xf32, #tpu.memory_space<vmem>> -> memref<16x1024xf32, #tpu.memory_space<vmem>>
        tpu.wait_dma2 semaphore(%arg10 : memref<!tpu.dma_semaphore, #tpu.memory_space<semaphore_mem>>) src(%dma_wait3A_455 : memref<16x1024xf32, #tpu.memory_space<vmem>>) dst(%dma_wait3A_452 : memref<16x1024xf32, #tpu.memory_space<hbm>>)
        %dma_wait3A_456 = arith.constant 0 : i32
        %dma_wait3A_457 = arith.constant 0 : i32
        %dma_wait3A_458 = tpu.memref_slice %arg4[%dma_wait3A_456, %dma_wait3A_457] : memref<36x1024xf32, #tpu.memory_space<vmem>> -> memref<16x1024xf32, #tpu.memory_space<vmem>>
        %dma_wait3A_459 = arith.constant 0 : i32
        %dma_wait3A_460 = arith.constant 0 : i32
        %dma_wait3A_461 = tpu.memref_slice %arg3[%dma_wait3A_459, %dma_wait3A_460] : memref<16384x1024xf32, #tpu.memory_space<hbm>> -> memref<16x1024xf32, #tpu.memory_space<hbm>>
        %dma_wait3A_462 = arith.constant 0 : i32
        %dma_wait3A_463 = arith.constant 0 : i32
        %dma_wait3A_464 = tpu.memref_slice %arg3[%dma_wait3A_462, %dma_wait3A_463] : memref<16384x1024xf32, #tpu.memory_space<hbm>> -> memref<16x1024xf32, #tpu.memory_space<hbm>>
        %dma_wait3A_465 = arith.constant 0 : i32
        %dma_wait3A_466 = arith.constant 0 : i32
        %dma_wait3A_467 = tpu.memref_slice %arg4[%dma_wait3A_465, %dma_wait3A_466] : memref<36x1024xf32, #tpu.memory_space<vmem>> -> memref<16x1024xf32, #tpu.memory_space<vmem>>
        tpu.wait_dma2 semaphore(%arg10 : memref<!tpu.dma_semaphore, #tpu.memory_space<semaphore_mem>>) src(%dma_wait3A_467 : memref<16x1024xf32, #tpu.memory_space<vmem>>) dst(%dma_wait3A_464 : memref<16x1024xf32, #tpu.memory_space<hbm>>)
      } else {
      }
      %lt3A_349 = arith.constant 14 : i32
      %lt3A_350 = arith.cmpi slt, %add3A_266, %lt3A_349 : i32
      %convert_element_type3A_351 = arith.extui %lt3A_350 : i1 to i32
      %cond3A_352 = arith.constant 0 : i32
      %cond3A_353 = arith.cmpi ne, %convert_element_type3A_351, %cond3A_352 : i32
      scf.if %cond3A_353 {
        %add3A_444 = arith.constant 64 : i32
        %add3A_445 = arith.addi %add3A_269, %add3A_444 : i32
        %dma_start3A_446 = arith.constant 0 : i32
        %dma_start3A_447 = arith.constant 0 : i32
        %dma_start3A_448 = tpu.memref_slice %arg4[%dma_start3A_446, %dma_start3A_447] : memref<36x1024xf32, #tpu.memory_space<vmem>> -> memref<32x1024xf32, #tpu.memory_space<vmem>>
        %dma_start3A_449 = arith.constant 0 : i32
        %dma_start3A_450 = tpu.memref_slice %arg2[%add3A_445, %dma_start3A_449] : memref<16384x1024xf32, #tpu.memory_space<hbm>> -> memref<32x1024xf32, #tpu.memory_space<hbm>>
        %dma_start3A_451 = arith.constant 0 : i32
        %dma_start3A_452 = arith.constant 0 : i32
        %dma_start3A_453 = tpu.memref_slice %arg4[%dma_start3A_451, %dma_start3A_452] : memref<36x1024xf32, #tpu.memory_space<vmem>> -> memref<32x1024xf32, #tpu.memory_space<vmem>>
        %dma_start3A_454 = arith.constant 0 : i32
        %dma_start3A_455 = tpu.memref_slice %arg2[%add3A_445, %dma_start3A_454] : memref<16384x1024xf32, #tpu.memory_space<hbm>> -> memref<32x1024xf32, #tpu.memory_space<hbm>>
        tpu.enqueue_dma source(%dma_start3A_455 : memref<32x1024xf32, #tpu.memory_space<hbm>>) target(%dma_start3A_453 : memref<32x1024xf32, #tpu.memory_space<vmem>>) target_semaphore(%arg7 : memref<!tpu.dma_semaphore, #tpu.memory_space<semaphore_mem>>)
        %add3A_456 = arith.constant 32 : i32
        %add3A_457 = arith.addi %add3A_445, %add3A_456 : i32
        %min3A_458 = arith.constant 16376 : i32
        %min3A_459 = arith.minsi %add3A_457, %min3A_458 : i32
        %dma_start3A_460 = arith.constant 32 : i32
        %dma_start3A_461 = arith.constant 0 : i32
        %dma_start3A_462 = tpu.memref_slice %arg4[%dma_start3A_460, %dma_start3A_461] : memref<36x1024xf32, #tpu.memory_space<vmem>> -> memref<4x1024xf32, #tpu.memory_space<vmem>>
        %dma_start3A_463 = arith.constant 0 : i32
        %dma_start3A_464 = tpu.memref_slice %arg2[%min3A_459, %dma_start3A_463] : memref<16384x1024xf32, #tpu.memory_space<hbm>> -> memref<4x1024xf32, #tpu.memory_space<hbm>>
        %dma_start3A_465 = arith.constant 32 : i32
        %dma_start3A_466 = arith.constant 0 : i32
        %dma_start3A_467 = tpu.memref_slice %arg4[%dma_start3A_465, %dma_start3A_466] : memref<36x1024xf32, #tpu.memory_space<vmem>> -> memref<4x1024xf32, #tpu.memory_space<vmem>>
        %dma_start3A_468 = arith.constant 0 : i32
        %dma_start3A_469 = tpu.memref_slice %arg2[%min3A_459, %dma_start3A_468] : memref<16384x1024xf32, #tpu.memory_space<hbm>> -> memref<4x1024xf32, #tpu.memory_space<hbm>>
        tpu.enqueue_dma source(%dma_start3A_469 : memref<4x1024xf32, #tpu.memory_space<hbm>>) target(%dma_start3A_467 : memref<4x1024xf32, #tpu.memory_space<vmem>>) target_semaphore(%arg7 : memref<!tpu.dma_semaphore, #tpu.memory_space<semaphore_mem>>)
      } else {
      }
      %add3A_354 = arith.constant 2 : i32
      %add3A_355 = arith.addi %mul3A_179, %add3A_354 : i32
      %mul3A_356 = arith.constant 32 : i32
      %mul3A_357 = arith.muli %add3A_355, %mul3A_356 : i32
      %add3A_358 = arith.addi %mul3A_2, %mul3A_357 : i32
      %dma_wait3A_359 = arith.constant 0 : i32
      %dma_wait3A_360 = arith.constant 0 : i32
      %dma_wait3A_361 = tpu.memref_slice %arg6[%dma_wait3A_359, %dma_wait3A_360] : memref<36x1024xf32, #tpu.memory_space<vmem>> -> memref<32x1024xf32, #tpu.memory_space<vmem>>
      %dma_wait3A_362 = arith.constant 0 : i32
      %dma_wait3A_363 = arith.constant 0 : i32
      %dma_wait3A_364 = tpu.memref_slice %arg2[%dma_wait3A_362, %dma_wait3A_363] : memref<16384x1024xf32, #tpu.memory_space<hbm>> -> memref<32x1024xf32, #tpu.memory_space<hbm>>
      %dma_wait3A_365 = arith.constant 0 : i32
      %dma_wait3A_366 = arith.constant 0 : i32
      %dma_wait3A_367 = tpu.memref_slice %arg6[%dma_wait3A_365, %dma_wait3A_366] : memref<36x1024xf32, #tpu.memory_space<vmem>> -> memref<32x1024xf32, #tpu.memory_space<vmem>>
      %dma_wait3A_368 = arith.constant 0 : i32
      %dma_wait3A_369 = arith.constant 0 : i32
      %dma_wait3A_370 = tpu.memref_slice %arg2[%dma_wait3A_368, %dma_wait3A_369] : memref<16384x1024xf32, #tpu.memory_space<hbm>> -> memref<32x1024xf32, #tpu.memory_space<hbm>>
      tpu.wait_dma2 semaphore(%arg9 : memref<!tpu.dma_semaphore, #tpu.memory_space<semaphore_mem>>) src(%dma_wait3A_370 : memref<32x1024xf32, #tpu.memory_space<hbm>>) dst(%dma_wait3A_367 : memref<32x1024xf32, #tpu.memory_space<vmem>>)
      %dma_wait3A_371 = arith.constant 32 : i32
      %dma_wait3A_372 = arith.constant 0 : i32
      %dma_wait3A_373 = tpu.memref_slice %arg6[%dma_wait3A_371, %dma_wait3A_372] : memref<36x1024xf32, #tpu.memory_space<vmem>> -> memref<4x1024xf32, #tpu.memory_space<vmem>>
      %dma_wait3A_374 = arith.constant 0 : i32
      %dma_wait3A_375 = arith.constant 0 : i32
      %dma_wait3A_376 = tpu.memref_slice %arg2[%dma_wait3A_374, %dma_wait3A_375] : memref<16384x1024xf32, #tpu.memory_space<hbm>> -> memref<4x1024xf32, #tpu.memory_space<hbm>>
      %dma_wait3A_377 = arith.constant 32 : i32
      %dma_wait3A_378 = arith.constant 0 : i32
      %dma_wait3A_379 = tpu.memref_slice %arg6[%dma_wait3A_377, %dma_wait3A_378] : memref<36x1024xf32, #tpu.memory_space<vmem>> -> memref<4x1024xf32, #tpu.memory_space<vmem>>
      %dma_wait3A_380 = arith.constant 0 : i32
      %dma_wait3A_381 = arith.constant 0 : i32
      %dma_wait3A_382 = tpu.memref_slice %arg2[%dma_wait3A_380, %dma_wait3A_381] : memref<16384x1024xf32, #tpu.memory_space<hbm>> -> memref<4x1024xf32, #tpu.memory_space<hbm>>
      tpu.wait_dma2 semaphore(%arg9 : memref<!tpu.dma_semaphore, #tpu.memory_space<semaphore_mem>>) src(%dma_wait3A_382 : memref<4x1024xf32, #tpu.memory_space<hbm>>) dst(%dma_wait3A_379 : memref<4x1024xf32, #tpu.memory_space<vmem>>)
      %add3A_383 = arith.constant 32 : i32
      %add3A_384 = arith.addi %add3A_358, %add3A_383 : i32
      %and3A_385 = arith.constant 4095 : i32
      %and3A_386 = arith.andi %add3A_384, %and3A_385 : i32
      %eq3A_387 = arith.constant 0 : i32
      %eq3A_388 = arith.cmpi eq, %and3A_386, %eq3A_387 : i32
      %convert_element_type3A_389 = arith.extui %eq3A_388 : i1 to i32
      %cond3A_390 = arith.constant 0 : i32
      %cond3A_391 = arith.cmpi ne, %convert_element_type3A_389, %cond3A_390 : i32
      scf.if %cond3A_391 {
        %scan3A_444 = arith.constant 0 : i32
        %scan3A_445 = arith.constant 0 : i32
        %scan3A_446 = arith.constant 64 : i32
        %scan3A_447 = arith.addi %scan3A_445, %scan3A_446 : i32
        %scan3A_448 = arith.constant 1 : i32
        %scan3A_449 = scf.for %scan3A_451 = %scan3A_445 to %scan3A_447 step %scan3A_448 iter_args(%scan3A_452 = %scan3A_444) -> (i32)  : i32 {
          %broadcast_in_dim3A = arith.constant 0.000000e+00 : f32
          %broadcast_in_dim3A_453 = vector.broadcast %broadcast_in_dim3A : f32 to vector<16xf32>
          %mul3A_454 = arith.constant 16 : i32
          %mul3A_455 = arith.muli %scan3A_451, %mul3A_454 : i32
          %swap3A = arith.constant 32 : i32
          %swap3A_456 = arith.index_cast %swap3A : i32 to index
          %swap3A_457 = arith.index_cast %mul3A_455 : i32 to index
          %swap3A_458 = tpu.vector_load %arg6[%swap3A_456, %swap3A_457] {strides = array<i32>} : memref<36x1024xf32, #tpu.memory_space<vmem>>, vector<1x16xf32>,
          %swap3A_459 = vector.shape_cast %swap3A_458 : vector<1x16xf32> to vector<16xf32>
          %swap3A_460 = vector.shape_cast %broadcast_in_dim3A_453 : vector<16xf32> to vector<1x16xf32>
          tpu.vector_store %arg6[%swap3A_456, %swap3A_457], %swap3A_460 {strides = array<i32>} : memref<36x1024xf32, #tpu.memory_space<vmem>>, vector<1x16xf32>,
          %mul3A_461 = arith.constant 16 : i32
          %mul3A_462 = arith.muli %scan3A_451, %mul3A_461 : i32
          %swap3A_463 = arith.constant 33 : i32
          %swap3A_464 = arith.index_cast %swap3A_463 : i32 to index
          %swap3A_465 = arith.index_cast %mul3A_462 : i32 to index
          %swap3A_466 = tpu.vector_load %arg6[%swap3A_464, %swap3A_465] {strides = array<i32>} : memref<36x1024xf32, #tpu.memory_space<vmem>>, vector<1x16xf32>,
          %swap3A_467 = vector.shape_cast %swap3A_466 : vector<1x16xf32> to vector<16xf32>
          %swap3A_468 = vector.shape_cast %broadcast_in_dim3A_453 : vector<16xf32> to vector<1x16xf32>
          tpu.vector_store %arg6[%swap3A_464, %swap3A_465], %swap3A_468 {strides = array<i32>} : memref<36x1024xf32, #tpu.memory_space<vmem>>, vector<1x16xf32>,
          %mul3A_469 = arith.constant 16 : i32
          %mul3A_470 = arith.muli %scan3A_451, %mul3A_469 : i32
          %swap3A_471 = arith.constant 34 : i32
          %swap3A_472 = arith.index_cast %swap3A_471 : i32 to index
          %swap3A_473 = arith.index_cast %mul3A_470 : i32 to index
          %swap3A_474 = tpu.vector_load %arg6[%swap3A_472, %swap3A_473] {strides = array<i32>} : memref<36x1024xf32, #tpu.memory_space<vmem>>, vector<1x16xf32>,
          %swap3A_475 = vector.shape_cast %swap3A_474 : vector<1x16xf32> to vector<16xf32>
          %swap3A_476 = vector.shape_cast %broadcast_in_dim3A_453 : vector<16xf32> to vector<1x16xf32>
          tpu.vector_store %arg6[%swap3A_472, %swap3A_473], %swap3A_476 {strides = array<i32>} : memref<36x1024xf32, #tpu.memory_space<vmem>>, vector<1x16xf32>,
          %mul3A_477 = arith.constant 16 : i32
          %mul3A_478 = arith.muli %scan3A_451, %mul3A_477 : i32
          %swap3A_479 = arith.constant 35 : i32
          %swap3A_480 = arith.index_cast %swap3A_479 : i32 to index
          %swap3A_481 = arith.index_cast %mul3A_478 : i32 to index
          %swap3A_482 = tpu.vector_load %arg6[%swap3A_480, %swap3A_481] {strides = array<i32>} : memref<36x1024xf32, #tpu.memory_space<vmem>>, vector<1x16xf32>,
          %swap3A_483 = vector.shape_cast %swap3A_482 : vector<1x16xf32> to vector<16xf32>
          %swap3A_484 = vector.shape_cast %broadcast_in_dim3A_453 : vector<16xf32> to vector<1x16xf32>
          tpu.vector_store %arg6[%swap3A_480, %swap3A_481], %swap3A_484 {strides = array<i32>} : memref<36x1024xf32, #tpu.memory_space<vmem>>, vector<1x16xf32>,
          %scan3A_485 = arith.constant 0 : i32
          scf.yield %scan3A_485 : i32
        }
        %scan3A_450 = arith.constant 64 : i32
      } else {
      }
      %scan3A_392 = arith.constant 0 : i32
      %scan3A_393 = arith.constant 0 : i32
      %scan3A_394 = arith.constant 64 : i32
      %scan3A_395 = arith.addi %scan3A_393, %scan3A_394 : i32
      %scan3A_396 = arith.constant 1 : i32
      %scan3A_397 = scf.for %scan3A_444 = %scan3A_393 to %scan3A_395 step %scan3A_396 iter_args(%scan3A_445 = %scan3A_392) -> (i32)  : i32 {
        %mul3A_446 = arith.constant 16 : i32
        %mul3A_447 = arith.muli %scan3A_444, %mul3A_446 : i32
        %get3A = arith.constant 1 : i32
        %get3A_448 = arith.index_cast %get3A : i32 to index
        %get3A_449 = arith.index_cast %mul3A_447 : i32 to index
        %get3A_450 = tpu.vector_load %arg6[%get3A_448, %get3A_449] {strides = array<i32>} : memref<36x1024xf32, #tpu.memory_space<vmem>>, vector<1x16xf32>,
        %get3A_451 = vector.shape_cast %get3A_450 : vector<1x16xf32> to vector<16xf32>
        %get3A_452 = arith.constant 2 : i32
        %get3A_453 = arith.index_cast %get3A_452 : i32 to index
        %get3A_454 = arith.index_cast %mul3A_447 : i32 to index
        %get3A_455 = tpu.vector_load %arg6[%get3A_453, %get3A_454] {strides = array<i32>} : memref<36x1024xf32, #tpu.memory_space<vmem>>, vector<1x16xf32>,
        %get3A_456 = vector.shape_cast %get3A_455 : vector<1x16xf32> to vector<16xf32>
        %get3A_457 = arith.constant 3 : i32
        %get3A_458 = arith.index_cast %get3A_457 : i32 to index
        %get3A_459 = arith.index_cast %mul3A_447 : i32 to index
        %get3A_460 = tpu.vector_load %arg6[%get3A_458, %get3A_459] {strides = array<i32>} : memref<36x1024xf32, #tpu.memory_space<vmem>>, vector<1x16xf32>,
        %get3A_461 = vector.shape_cast %get3A_460 : vector<1x16xf32> to vector<16xf32>
        %add3A_462 = arith.addf %get3A_451, %get3A_456 : vector<16xf32>
        %add3A_463 = arith.addf %get3A_456, %get3A_461 : vector<16xf32>
        %get3A_464 = arith.constant 4 : i32
        %get3A_465 = arith.index_cast %get3A_464 : i32 to index
        %get3A_466 = arith.index_cast %mul3A_447 : i32 to index
        %get3A_467 = tpu.vector_load %arg6[%get3A_465, %get3A_466] {strides = array<i32>} : memref<36x1024xf32, #tpu.memory_space<vmem>>, vector<1x16xf32>,
        %get3A_468 = vector.shape_cast %get3A_467 : vector<1x16xf32> to vector<16xf32>
        %add3A_469 = arith.addf %get3A_461, %get3A_468 : vector<16xf32>
        %add3A_470 = arith.addf %add3A_462, %add3A_469 : vector<16xf32>
        %mul3A_471 = arith.constant 2.500000e-01 : f32
        %mul3A_472 = vector.broadcast %mul3A_471 : f32 to vector<16xf32>
        %mul3A_473 = arith.mulf %add3A_470, %mul3A_472 : vector<16xf32>
        %swap3A = arith.constant 0 : i32
        %swap3A_474 = arith.index_cast %swap3A : i32 to index
        %swap3A_475 = arith.index_cast %mul3A_447 : i32 to index
        %swap3A_476 = tpu.vector_load %arg6[%swap3A_474, %swap3A_475] {strides = array<i32>} : memref<36x1024xf32, #tpu.memory_space<vmem>>, vector<1x16xf32>,
        %swap3A_477 = vector.shape_cast %swap3A_476 : vector<1x16xf32> to vector<16xf32>
        %swap3A_478 = vector.shape_cast %mul3A_473 : vector<16xf32> to vector<1x16xf32>
        tpu.vector_store %arg6[%swap3A_474, %swap3A_475], %swap3A_478 {strides = array<i32>} : memref<36x1024xf32, #tpu.memory_space<vmem>>, vector<1x16xf32>,
        %get3A_479 = arith.constant 5 : i32
        %get3A_480 = arith.index_cast %get3A_479 : i32 to index
        %get3A_481 = arith.index_cast %mul3A_447 : i32 to index
        %get3A_482 = tpu.vector_load %arg6[%get3A_480, %get3A_481] {strides = array<i32>} : memref<36x1024xf32, #tpu.memory_space<vmem>>, vector<1x16xf32>,
        %get3A_483 = vector.shape_cast %get3A_482 : vector<1x16xf32> to vector<16xf32>
        %add3A_484 = arith.addf %get3A_468, %get3A_483 : vector<16xf32>
        %add3A_485 = arith.addf %add3A_463, %add3A_484 : vector<16xf32>
        %mul3A_486 = arith.constant 2.500000e-01 : f32
        %mul3A_487 = vector.broadcast %mul3A_486 : f32 to vector<16xf32>
        %mul3A_488 = arith.mulf %add3A_485, %mul3A_487 : vector<16xf32>
        %swap3A_489 = arith.constant 1 : i32
        %swap3A_490 = arith.index_cast %swap3A_489 : i32 to index
        %swap3A_491 = arith.index_cast %mul3A_447 : i32 to index
        %swap3A_492 = tpu.vector_load %arg6[%swap3A_490, %swap3A_491] {strides = array<i32>} : memref<36x1024xf32, #tpu.memory_space<vmem>>, vector<1x16xf32>,
        %swap3A_493 = vector.shape_cast %swap3A_492 : vector<1x16xf32> to vector<16xf32>
        %swap3A_494 = vector.shape_cast %mul3A_488 : vector<16xf32> to vector<1x16xf32>
        tpu.vector_store %arg6[%swap3A_490, %swap3A_491], %swap3A_494 {strides = array<i32>} : memref<36x1024xf32, #tpu.memory_space<vmem>>, vector<1x16xf32>,
        %get3A_495 = arith.constant 6 : i32
        %get3A_496 = arith.index_cast %get3A_495 : i32 to index
        %get3A_497 = arith.index_cast %mul3A_447 : i32 to index
        %get3A_498 = tpu.vector_load %arg6[%get3A_496, %get3A_497] {strides = array<i32>} : memref<36x1024xf32, #tpu.memory_space<vmem>>, vector<1x16xf32>,
        %get3A_499 = vector.shape_cast %get3A_498 : vector<1x16xf32> to vector<16xf32>
        %add3A_500 = arith.addf %get3A_483, %get3A_499 : vector<16xf32>
        %add3A_501 = arith.addf %add3A_469, %add3A_500 : vector<16xf32>
        %mul3A_502 = arith.constant 2.500000e-01 : f32
        %mul3A_503 = vector.broadcast %mul3A_502 : f32 to vector<16xf32>
        %mul3A_504 = arith.mulf %add3A_501, %mul3A_503 : vector<16xf32>
        %swap3A_505 = arith.constant 2 : i32
        %swap3A_506 = arith.index_cast %swap3A_505 : i32 to index
        %swap3A_507 = arith.index_cast %mul3A_447 : i32 to index
        %swap3A_508 = tpu.vector_load %arg6[%swap3A_506, %swap3A_507] {strides = array<i32>} : memref<36x1024xf32, #tpu.memory_space<vmem>>, vector<1x16xf32>,
        %swap3A_509 = vector.shape_cast %swap3A_508 : vector<1x16xf32> to vector<16xf32>
        %swap3A_510 = vector.shape_cast %mul3A_504 : vector<16xf32> to vector<1x16xf32>
        tpu.vector_store %arg6[%swap3A_506, %swap3A_507], %swap3A_510 {strides = array<i32>} : memref<36x1024xf32, #tpu.memory_space<vmem>>, vector<1x16xf32>,
        %get3A_511 = arith.constant 7 : i32
        %get3A_512 = arith.index_cast %get3A_511 : i32 to index
        %get3A_513 = arith.index_cast %mul3A_447 : i32 to index
        %get3A_514 = tpu.vector_load %arg6[%get3A_512, %get3A_513] {strides = array<i32>} : memref<36x1024xf32, #tpu.memory_space<vmem>>, vector<1x16xf32>,
        %get3A_515 = vector.shape_cast %get3A_514 : vector<1x16xf32> to vector<16xf32>
        %add3A_516 = arith.addf %get3A_499, %get3A_515 : vector<16xf32>
        %add3A_517 = arith.addf %add3A_484, %add3A_516 : vector<16xf32>
        %mul3A_518 = arith.constant 2.500000e-01 : f32
        %mul3A_519 = vector.broadcast %mul3A_518 : f32 to vector<16xf32>
        %mul3A_520 = arith.mulf %add3A_517, %mul3A_519 : vector<16xf32>
        %swap3A_521 = arith.constant 3 : i32
        %swap3A_522 = arith.index_cast %swap3A_521 : i32 to index
        %swap3A_523 = arith.index_cast %mul3A_447 : i32 to index
        %swap3A_524 = tpu.vector_load %arg6[%swap3A_522, %swap3A_523] {strides = array<i32>} : memref<36x1024xf32, #tpu.memory_space<vmem>>, vector<1x16xf32>,
        %swap3A_525 = vector.shape_cast %swap3A_524 : vector<1x16xf32> to vector<16xf32>
        %swap3A_526 = vector.shape_cast %mul3A_520 : vector<16xf32> to vector<1x16xf32>
        tpu.vector_store %arg6[%swap3A_522, %swap3A_523], %swap3A_526 {strides = array<i32>} : memref<36x1024xf32, #tpu.memory_space<vmem>>, vector<1x16xf32>,
        %get3A_527 = arith.constant 8 : i32
        %get3A_528 = arith.index_cast %get3A_527 : i32 to index
        %get3A_529 = arith.index_cast %mul3A_447 : i32 to index
        %get3A_530 = tpu.vector_load %arg6[%get3A_528, %get3A_529] {strides = array<i32>} : memref<36x1024xf32, #tpu.memory_space<vmem>>, vector<1x16xf32>,
        %get3A_531 = vector.shape_cast %get3A_530 : vector<1x16xf32> to vector<16xf32>
        %add3A_532 = arith.addf %get3A_515, %get3A_531 : vector<16xf32>
        %add3A_533 = arith.addf %add3A_500, %add3A_532 : vector<16xf32>
        %mul3A_534 = arith.constant 2.500000e-01 : f32
        %mul3A_535 = vector.broadcast %mul3A_534 : f32 to vector<16xf32>
        %mul3A_536 = arith.mulf %add3A_533, %mul3A_535 : vector<16xf32>
        %swap3A_537 = arith.constant 4 : i32
        %swap3A_538 = arith.index_cast %swap3A_537 : i32 to index
        %swap3A_539 = arith.index_cast %mul3A_447 : i32 to index
        %swap3A_540 = tpu.vector_load %arg6[%swap3A_538, %swap3A_539] {strides = array<i32>} : memref<36x1024xf32, #tpu.memory_space<vmem>>, vector<1x16xf32>,
        %swap3A_541 = vector.shape_cast %swap3A_540 : vector<1x16xf32> to vector<16xf32>
        %swap3A_542 = vector.shape_cast %mul3A_536 : vector<16xf32> to vector<1x16xf32>
        tpu.vector_store %arg6[%swap3A_538, %swap3A_539], %swap3A_542 {strides = array<i32>} : memref<36x1024xf32, #tpu.memory_space<vmem>>, vector<1x16xf32>,
        %get3A_543 = arith.constant 9 : i32
        %get3A_544 = arith.index_cast %get3A_543 : i32 to index
        %get3A_545 = arith.index_cast %mul3A_447 : i32 to index
        %get3A_546 = tpu.vector_load %arg6[%get3A_544, %get3A_545] {strides = array<i32>} : memref<36x1024xf32, #tpu.memory_space<vmem>>, vector<1x16xf32>,
        %get3A_547 = vector.shape_cast %get3A_546 : vector<1x16xf32> to vector<16xf32>
        %add3A_548 = arith.addf %get3A_531, %get3A_547 : vector<16xf32>
        %add3A_549 = arith.addf %add3A_516, %add3A_548 : vector<16xf32>
        %mul3A_550 = arith.constant 2.500000e-01 : f32
        %mul3A_551 = vector.broadcast %mul3A_550 : f32 to vector<16xf32>
        %mul3A_552 = arith.mulf %add3A_549, %mul3A_551 : vector<16xf32>
        %swap3A_553 = arith.constant 5 : i32
        %swap3A_554 = arith.index_cast %swap3A_553 : i32 to index
        %swap3A_555 = arith.index_cast %mul3A_447 : i32 to index
        %swap3A_556 = tpu.vector_load %arg6[%swap3A_554, %swap3A_555] {strides = array<i32>} : memref<36x1024xf32, #tpu.memory_space<vmem>>, vector<1x16xf32>,
        %swap3A_557 = vector.shape_cast %swap3A_556 : vector<1x16xf32> to vector<16xf32>
        %swap3A_558 = vector.shape_cast %mul3A_552 : vector<16xf32> to vector<1x16xf32>
        tpu.vector_store %arg6[%swap3A_554, %swap3A_555], %swap3A_558 {strides = array<i32>} : memref<36x1024xf32, #tpu.memory_space<vmem>>, vector<1x16xf32>,
        %get3A_559 = arith.constant 10 : i32
        %get3A_560 = arith.index_cast %get3A_559 : i32 to index
        %get3A_561 = arith.index_cast %mul3A_447 : i32 to index
        %get3A_562 = tpu.vector_load %arg6[%get3A_560, %get3A_561] {strides = array<i32>} : memref<36x1024xf32, #tpu.memory_space<vmem>>, vector<1x16xf32>,
        %get3A_563 = vector.shape_cast %get3A_562 : vector<1x16xf32> to vector<16xf32>
        %add3A_564 = arith.addf %get3A_547, %get3A_563 : vector<16xf32>
        %add3A_565 = arith.addf %add3A_532, %add3A_564 : vector<16xf32>
        %mul3A_566 = arith.constant 2.500000e-01 : f32
        %mul3A_567 = vector.broadcast %mul3A_566 : f32 to vector<16xf32>
        %mul3A_568 = arith.mulf %add3A_565, %mul3A_567 : vector<16xf32>
        %swap3A_569 = arith.constant 6 : i32
        %swap3A_570 = arith.index_cast %swap3A_569 : i32 to index
        %swap3A_571 = arith.index_cast %mul3A_447 : i32 to index
        %swap3A_572 = tpu.vector_load %arg6[%swap3A_570, %swap3A_571] {strides = array<i32>} : memref<36x1024xf32, #tpu.memory_space<vmem>>, vector<1x16xf32>,
        %swap3A_573 = vector.shape_cast %swap3A_572 : vector<1x16xf32> to vector<16xf32>
        %swap3A_574 = vector.shape_cast %mul3A_568 : vector<16xf32> to vector<1x16xf32>
        tpu.vector_store %arg6[%swap3A_570, %swap3A_571], %swap3A_574 {strides = array<i32>} : memref<36x1024xf32, #tpu.memory_space<vmem>>, vector<1x16xf32>,
        %get3A_575 = arith.constant 11 : i32
        %get3A_576 = arith.index_cast %get3A_575 : i32 to index
        %get3A_577 = arith.index_cast %mul3A_447 : i32 to index
        %get3A_578 = tpu.vector_load %arg6[%get3A_576, %get3A_577] {strides = array<i32>} : memref<36x1024xf32, #tpu.memory_space<vmem>>, vector<1x16xf32>,
        %get3A_579 = vector.shape_cast %get3A_578 : vector<1x16xf32> to vector<16xf32>
        %add3A_580 = arith.addf %get3A_563, %get3A_579 : vector<16xf32>
        %add3A_581 = arith.addf %add3A_548, %add3A_580 : vector<16xf32>
        %mul3A_582 = arith.constant 2.500000e-01 : f32
        %mul3A_583 = vector.broadcast %mul3A_582 : f32 to vector<16xf32>
        %mul3A_584 = arith.mulf %add3A_581, %mul3A_583 : vector<16xf32>
        %swap3A_585 = arith.constant 7 : i32
        %swap3A_586 = arith.index_cast %swap3A_585 : i32 to index
        %swap3A_587 = arith.index_cast %mul3A_447 : i32 to index
        %swap3A_588 = tpu.vector_load %arg6[%swap3A_586, %swap3A_587] {strides = array<i32>} : memref<36x1024xf32, #tpu.memory_space<vmem>>, vector<1x16xf32>,
        %swap3A_589 = vector.shape_cast %swap3A_588 : vector<1x16xf32> to vector<16xf32>
        %swap3A_590 = vector.shape_cast %mul3A_584 : vector<16xf32> to vector<1x16xf32>
        tpu.vector_store %arg6[%swap3A_586, %swap3A_587], %swap3A_590 {strides = array<i32>} : memref<36x1024xf32, #tpu.memory_space<vmem>>, vector<1x16xf32>,
        %get3A_591 = arith.constant 12 : i32
        %get3A_592 = arith.index_cast %get3A_591 : i32 to index
        %get3A_593 = arith.index_cast %mul3A_447 : i32 to index
        %get3A_594 = tpu.vector_load %arg6[%get3A_592, %get3A_593] {strides = array<i32>} : memref<36x1024xf32, #tpu.memory_space<vmem>>, vector<1x16xf32>,
        %get3A_595 = vector.shape_cast %get3A_594 : vector<1x16xf32> to vector<16xf32>
        %add3A_596 = arith.addf %get3A_579, %get3A_595 : vector<16xf32>
        %add3A_597 = arith.addf %add3A_564, %add3A_596 : vector<16xf32>
        %mul3A_598 = arith.constant 2.500000e-01 : f32
        %mul3A_599 = vector.broadcast %mul3A_598 : f32 to vector<16xf32>
        %mul3A_600 = arith.mulf %add3A_597, %mul3A_599 : vector<16xf32>
        %swap3A_601 = arith.constant 8 : i32
        %swap3A_602 = arith.index_cast %swap3A_601 : i32 to index
        %swap3A_603 = arith.index_cast %mul3A_447 : i32 to index
        %swap3A_604 = tpu.vector_load %arg6[%swap3A_602, %swap3A_603] {strides = array<i32>} : memref<36x1024xf32, #tpu.memory_space<vmem>>, vector<1x16xf32>,
        %swap3A_605 = vector.shape_cast %swap3A_604 : vector<1x16xf32> to vector<16xf32>
        %swap3A_606 = vector.shape_cast %mul3A_600 : vector<16xf32> to vector<1x16xf32>
        tpu.vector_store %arg6[%swap3A_602, %swap3A_603], %swap3A_606 {strides = array<i32>} : memref<36x1024xf32, #tpu.memory_space<vmem>>, vector<1x16xf32>,
        %get3A_607 = arith.constant 13 : i32
        %get3A_608 = arith.index_cast %get3A_607 : i32 to index
        %get3A_609 = arith.index_cast %mul3A_447 : i32 to index
        %get3A_610 = tpu.vector_load %arg6[%get3A_608, %get3A_609] {strides = array<i32>} : memref<36x1024xf32, #tpu.memory_space<vmem>>, vector<1x16xf32>,
        %get3A_611 = vector.shape_cast %get3A_610 : vector<1x16xf32> to vector<16xf32>
        %add3A_612 = arith.addf %get3A_595, %get3A_611 : vector<16xf32>
        %add3A_613 = arith.addf %add3A_580, %add3A_612 : vector<16xf32>
        %mul3A_614 = arith.constant 2.500000e-01 : f32
        %mul3A_615 = vector.broadcast %mul3A_614 : f32 to vector<16xf32>
        %mul3A_616 = arith.mulf %add3A_613, %mul3A_615 : vector<16xf32>
        %swap3A_617 = arith.constant 9 : i32
        %swap3A_618 = arith.index_cast %swap3A_617 : i32 to index
        %swap3A_619 = arith.index_cast %mul3A_447 : i32 to index
        %swap3A_620 = tpu.vector_load %arg6[%swap3A_618, %swap3A_619] {strides = array<i32>} : memref<36x1024xf32, #tpu.memory_space<vmem>>, vector<1x16xf32>,
        %swap3A_621 = vector.shape_cast %swap3A_620 : vector<1x16xf32> to vector<16xf32>
        %swap3A_622 = vector.shape_cast %mul3A_616 : vector<16xf32> to vector<1x16xf32>
        tpu.vector_store %arg6[%swap3A_618, %swap3A_619], %swap3A_622 {strides = array<i32>} : memref<36x1024xf32, #tpu.memory_space<vmem>>, vector<1x16xf32>,
        %get3A_623 = arith.constant 14 : i32
        %get3A_624 = arith.index_cast %get3A_623 : i32 to index
        %get3A_625 = arith.index_cast %mul3A_447 : i32 to index
        %get3A_626 = tpu.vector_load %arg6[%get3A_624, %get3A_625] {strides = array<i32>} : memref<36x1024xf32, #tpu.memory_space<vmem>>, vector<1x16xf32>,
        %get3A_627 = vector.shape_cast %get3A_626 : vector<1x16xf32> to vector<16xf32>
        %add3A_628 = arith.addf %get3A_611, %get3A_627 : vector<16xf32>
        %add3A_629 = arith.addf %add3A_596, %add3A_628 : vector<16xf32>
        %mul3A_630 = arith.constant 2.500000e-01 : f32
        %mul3A_631 = vector.broadcast %mul3A_630 : f32 to vector<16xf32>
        %mul3A_632 = arith.mulf %add3A_629, %mul3A_631 : vector<16xf32>
        %swap3A_633 = arith.constant 10 : i32
        %swap3A_634 = arith.index_cast %swap3A_633 : i32 to index
        %swap3A_635 = arith.index_cast %mul3A_447 : i32 to index
        %swap3A_636 = tpu.vector_load %arg6[%swap3A_634, %swap3A_635] {strides = array<i32>} : memref<36x1024xf32, #tpu.memory_space<vmem>>, vector<1x16xf32>,
        %swap3A_637 = vector.shape_cast %swap3A_636 : vector<1x16xf32> to vector<16xf32>
        %swap3A_638 = vector.shape_cast %mul3A_632 : vector<16xf32> to vector<1x16xf32>
        tpu.vector_store %arg6[%swap3A_634, %swap3A_635], %swap3A_638 {strides = array<i32>} : memref<36x1024xf32, #tpu.memory_space<vmem>>, vector<1x16xf32>,
        %get3A_639 = arith.constant 15 : i32
        %get3A_640 = arith.index_cast %get3A_639 : i32 to index
        %get3A_641 = arith.index_cast %mul3A_447 : i32 to index
        %get3A_642 = tpu.vector_load %arg6[%get3A_640, %get3A_641] {strides = array<i32>} : memref<36x1024xf32, #tpu.memory_space<vmem>>, vector<1x16xf32>,
        %get3A_643 = vector.shape_cast %get3A_642 : vector<1x16xf32> to vector<16xf32>
        %add3A_644 = arith.addf %get3A_627, %get3A_643 : vector<16xf32>
        %add3A_645 = arith.addf %add3A_612, %add3A_644 : vector<16xf32>
        %mul3A_646 = arith.constant 2.500000e-01 : f32
        %mul3A_647 = vector.broadcast %mul3A_646 : f32 to vector<16xf32>
        %mul3A_648 = arith.mulf %add3A_645, %mul3A_647 : vector<16xf32>
        %swap3A_649 = arith.constant 11 : i32
        %swap3A_650 = arith.index_cast %swap3A_649 : i32 to index
        %swap3A_651 = arith.index_cast %mul3A_447 : i32 to index
        %swap3A_652 = tpu.vector_load %arg6[%swap3A_650, %swap3A_651] {strides = array<i32>} : memref<36x1024xf32, #tpu.memory_space<vmem>>, vector<1x16xf32>,
        %swap3A_653 = vector.shape_cast %swap3A_652 : vector<1x16xf32> to vector<16xf32>
        %swap3A_654 = vector.shape_cast %mul3A_648 : vector<16xf32> to vector<1x16xf32>
        tpu.vector_store %arg6[%swap3A_650, %swap3A_651], %swap3A_654 {strides = array<i32>} : memref<36x1024xf32, #tpu.memory_space<vmem>>, vector<1x16xf32>,
        %get3A_655 = arith.constant 16 : i32
        %get3A_656 = arith.index_cast %get3A_655 : i32 to index
        %get3A_657 = arith.index_cast %mul3A_447 : i32 to index
        %get3A_658 = tpu.vector_load %arg6[%get3A_656, %get3A_657] {strides = array<i32>} : memref<36x1024xf32, #tpu.memory_space<vmem>>, vector<1x16xf32>,
        %get3A_659 = vector.shape_cast %get3A_658 : vector<1x16xf32> to vector<16xf32>
        %add3A_660 = arith.addf %get3A_643, %get3A_659 : vector<16xf32>
        %add3A_661 = arith.addf %add3A_628, %add3A_660 : vector<16xf32>
        %mul3A_662 = arith.constant 2.500000e-01 : f32
        %mul3A_663 = vector.broadcast %mul3A_662 : f32 to vector<16xf32>
        %mul3A_664 = arith.mulf %add3A_661, %mul3A_663 : vector<16xf32>
        %swap3A_665 = arith.constant 12 : i32
        %swap3A_666 = arith.index_cast %swap3A_665 : i32 to index
        %swap3A_667 = arith.index_cast %mul3A_447 : i32 to index
        %swap3A_668 = tpu.vector_load %arg6[%swap3A_666, %swap3A_667] {strides = array<i32>} : memref<36x1024xf32, #tpu.memory_space<vmem>>, vector<1x16xf32>,
        %swap3A_669 = vector.shape_cast %swap3A_668 : vector<1x16xf32> to vector<16xf32>
        %swap3A_670 = vector.shape_cast %mul3A_664 : vector<16xf32> to vector<1x16xf32>
        tpu.vector_store %arg6[%swap3A_666, %swap3A_667], %swap3A_670 {strides = array<i32>} : memref<36x1024xf32, #tpu.memory_space<vmem>>, vector<1x16xf32>,
        %get3A_671 = arith.constant 17 : i32
        %get3A_672 = arith.index_cast %get3A_671 : i32 to index
        %get3A_673 = arith.index_cast %mul3A_447 : i32 to index
        %get3A_674 = tpu.vector_load %arg6[%get3A_672, %get3A_673] {strides = array<i32>} : memref<36x1024xf32, #tpu.memory_space<vmem>>, vector<1x16xf32>,
        %get3A_675 = vector.shape_cast %get3A_674 : vector<1x16xf32> to vector<16xf32>
        %add3A_676 = arith.addf %get3A_659, %get3A_675 : vector<16xf32>
        %add3A_677 = arith.addf %add3A_644, %add3A_676 : vector<16xf32>
        %mul3A_678 = arith.constant 2.500000e-01 : f32
        %mul3A_679 = vector.broadcast %mul3A_678 : f32 to vector<16xf32>
        %mul3A_680 = arith.mulf %add3A_677, %mul3A_679 : vector<16xf32>
        %swap3A_681 = arith.constant 13 : i32
        %swap3A_682 = arith.index_cast %swap3A_681 : i32 to index
        %swap3A_683 = arith.index_cast %mul3A_447 : i32 to index
        %swap3A_684 = tpu.vector_load %arg6[%swap3A_682, %swap3A_683] {strides = array<i32>} : memref<36x1024xf32, #tpu.memory_space<vmem>>, vector<1x16xf32>,
        %swap3A_685 = vector.shape_cast %swap3A_684 : vector<1x16xf32> to vector<16xf32>
        %swap3A_686 = vector.shape_cast %mul3A_680 : vector<16xf32> to vector<1x16xf32>
        tpu.vector_store %arg6[%swap3A_682, %swap3A_683], %swap3A_686 {strides = array<i32>} : memref<36x1024xf32, #tpu.memory_space<vmem>>, vector<1x16xf32>,
        %get3A_687 = arith.constant 18 : i32
        %get3A_688 = arith.index_cast %get3A_687 : i32 to index
        %get3A_689 = arith.index_cast %mul3A_447 : i32 to index
        %get3A_690 = tpu.vector_load %arg6[%get3A_688, %get3A_689] {strides = array<i32>} : memref<36x1024xf32, #tpu.memory_space<vmem>>, vector<1x16xf32>,
        %get3A_691 = vector.shape_cast %get3A_690 : vector<1x16xf32> to vector<16xf32>
        %add3A_692 = arith.addf %get3A_675, %get3A_691 : vector<16xf32>
        %add3A_693 = arith.addf %add3A_660, %add3A_692 : vector<16xf32>
        %mul3A_694 = arith.constant 2.500000e-01 : f32
        %mul3A_695 = vector.broadcast %mul3A_694 : f32 to vector<16xf32>
        %mul3A_696 = arith.mulf %add3A_693, %mul3A_695 : vector<16xf32>
        %swap3A_697 = arith.constant 14 : i32
        %swap3A_698 = arith.index_cast %swap3A_697 : i32 to index
        %swap3A_699 = arith.index_cast %mul3A_447 : i32 to index
        %swap3A_700 = tpu.vector_load %arg6[%swap3A_698, %swap3A_699] {strides = array<i32>} : memref<36x1024xf32, #tpu.memory_space<vmem>>, vector<1x16xf32>,
        %swap3A_701 = vector.shape_cast %swap3A_700 : vector<1x16xf32> to vector<16xf32>
        %swap3A_702 = vector.shape_cast %mul3A_696 : vector<16xf32> to vector<1x16xf32>
        tpu.vector_store %arg6[%swap3A_698, %swap3A_699], %swap3A_702 {strides = array<i32>} : memref<36x1024xf32, #tpu.memory_space<vmem>>, vector<1x16xf32>,
        %get3A_703 = arith.constant 19 : i32
        %get3A_704 = arith.index_cast %get3A_703 : i32 to index
        %get3A_705 = arith.index_cast %mul3A_447 : i32 to index
        %get3A_706 = tpu.vector_load %arg6[%get3A_704, %get3A_705] {strides = array<i32>} : memref<36x1024xf32, #tpu.memory_space<vmem>>, vector<1x16xf32>,
        %get3A_707 = vector.shape_cast %get3A_706 : vector<1x16xf32> to vector<16xf32>
        %add3A_708 = arith.addf %get3A_691, %get3A_707 : vector<16xf32>
        %add3A_709 = arith.addf %add3A_676, %add3A_708 : vector<16xf32>
        %mul3A_710 = arith.constant 2.500000e-01 : f32
        %mul3A_711 = vector.broadcast %mul3A_710 : f32 to vector<16xf32>
        %mul3A_712 = arith.mulf %add3A_709, %mul3A_711 : vector<16xf32>
        %swap3A_713 = arith.constant 15 : i32
        %swap3A_714 = arith.index_cast %swap3A_713 : i32 to index
        %swap3A_715 = arith.index_cast %mul3A_447 : i32 to index
        %swap3A_716 = tpu.vector_load %arg6[%swap3A_714, %swap3A_715] {strides = array<i32>} : memref<36x1024xf32, #tpu.memory_space<vmem>>, vector<1x16xf32>,
        %swap3A_717 = vector.shape_cast %swap3A_716 : vector<1x16xf32> to vector<16xf32>
        %swap3A_718 = vector.shape_cast %mul3A_712 : vector<16xf32> to vector<1x16xf32>
        tpu.vector_store %arg6[%swap3A_714, %swap3A_715], %swap3A_718 {strides = array<i32>} : memref<36x1024xf32, #tpu.memory_space<vmem>>, vector<1x16xf32>,
        %scan3A_719 = arith.constant 0 : i32
        scf.yield %scan3A_719 : i32
      }
      %scan3A_398 = arith.constant 64 : i32
      %add3A_399 = arith.constant 0 : i32
      %add3A_400 = arith.addi %add3A_358, %add3A_399 : i32
      %dma_start3A_401 = arith.constant 0 : i32
      %dma_start3A_402 = arith.constant 0 : i32
      %dma_start3A_403 = tpu.memref_slice %arg6[%dma_start3A_401, %dma_start3A_402] : memref<36x1024xf32, #tpu.memory_space<vmem>> -> memref<16x1024xf32, #tpu.memory_space<vmem>>
      %dma_start3A_404 = arith.constant 0 : i32
      %dma_start3A_405 = tpu.memref_slice %arg3[%add3A_400, %dma_start3A_404] : memref<16384x1024xf32, #tpu.memory_space<hbm>> -> memref<16x1024xf32, #tpu.memory_space<hbm>>
      %dma_start3A_406 = arith.constant 0 : i32
      %dma_start3A_407 = tpu.memref_slice %arg3[%add3A_400, %dma_start3A_406] : memref<16384x1024xf32, #tpu.memory_space<hbm>> -> memref<16x1024xf32, #tpu.memory_space<hbm>>
      %dma_start3A_408 = arith.constant 0 : i32
      %dma_start3A_409 = arith.constant 0 : i32
      %dma_start3A_410 = tpu.memref_slice %arg6[%dma_start3A_408, %dma_start3A_409] : memref<36x1024xf32, #tpu.memory_space<vmem>> -> memref<16x1024xf32, #tpu.memory_space<vmem>>
      tpu.enqueue_dma source(%dma_start3A_410 : memref<16x1024xf32, #tpu.memory_space<vmem>>) target(%dma_start3A_407 : memref<16x1024xf32, #tpu.memory_space<hbm>>) target_semaphore(%arg12 : memref<!tpu.dma_semaphore, #tpu.memory_space<semaphore_mem>>)
      %scan3A_411 = arith.constant 0 : i32
      %scan3A_412 = arith.constant 0 : i32
      %scan3A_413 = arith.constant 64 : i32
      %scan3A_414 = arith.addi %scan3A_412, %scan3A_413 : i32
      %scan3A_415 = arith.constant 1 : i32
      %scan3A_416 = scf.for %scan3A_444 = %scan3A_412 to %scan3A_414 step %scan3A_415 iter_args(%scan3A_445 = %scan3A_411) -> (i32)  : i32 {
        %mul3A_446 = arith.constant 16 : i32
        %mul3A_447 = arith.muli %scan3A_444, %mul3A_446 : i32
        %get3A = arith.constant 17 : i32
        %get3A_448 = arith.index_cast %get3A : i32 to index
        %get3A_449 = arith.index_cast %mul3A_447 : i32 to index
        %get3A_450 = tpu.vector_load %arg6[%get3A_448, %get3A_449] {strides = array<i32>} : memref<36x1024xf32, #tpu.memory_space<vmem>>, vector<1x16xf32>,
        %get3A_451 = vector.shape_cast %get3A_450 : vector<1x16xf32> to vector<16xf32>
        %get3A_452 = arith.constant 18 : i32
        %get3A_453 = arith.index_cast %get3A_452 : i32 to index
        %get3A_454 = arith.index_cast %mul3A_447 : i32 to index
        %get3A_455 = tpu.vector_load %arg6[%get3A_453, %get3A_454] {strides = array<i32>} : memref<36x1024xf32, #tpu.memory_space<vmem>>, vector<1x16xf32>,
        %get3A_456 = vector.shape_cast %get3A_455 : vector<1x16xf32> to vector<16xf32>
        %get3A_457 = arith.constant 19 : i32
        %get3A_458 = arith.index_cast %get3A_457 : i32 to index
        %get3A_459 = arith.index_cast %mul3A_447 : i32 to index
        %get3A_460 = tpu.vector_load %arg6[%get3A_458, %get3A_459] {strides = array<i32>} : memref<36x1024xf32, #tpu.memory_space<vmem>>, vector<1x16xf32>,
        %get3A_461 = vector.shape_cast %get3A_460 : vector<1x16xf32> to vector<16xf32>
        %add3A_462 = arith.addf %get3A_451, %get3A_456 : vector<16xf32>
        %add3A_463 = arith.addf %get3A_456, %get3A_461 : vector<16xf32>
        %get3A_464 = arith.constant 20 : i32
        %get3A_465 = arith.index_cast %get3A_464 : i32 to index
        %get3A_466 = arith.index_cast %mul3A_447 : i32 to index
        %get3A_467 = tpu.vector_load %arg6[%get3A_465, %get3A_466] {strides = array<i32>} : memref<36x1024xf32, #tpu.memory_space<vmem>>, vector<1x16xf32>,
        %get3A_468 = vector.shape_cast %get3A_467 : vector<1x16xf32> to vector<16xf32>
        %add3A_469 = arith.addf %get3A_461, %get3A_468 : vector<16xf32>
        %add3A_470 = arith.addf %add3A_462, %add3A_469 : vector<16xf32>
        %mul3A_471 = arith.constant 2.500000e-01 : f32
        %mul3A_472 = vector.broadcast %mul3A_471 : f32 to vector<16xf32>
        %mul3A_473 = arith.mulf %add3A_470, %mul3A_472 : vector<16xf32>
        %swap3A = arith.constant 16 : i32
        %swap3A_474 = arith.index_cast %swap3A : i32 to index
        %swap3A_475 = arith.index_cast %mul3A_447 : i32 to index
        %swap3A_476 = tpu.vector_load %arg6[%swap3A_474, %swap3A_475] {strides = array<i32>} : memref<36x1024xf32, #tpu.memory_space<vmem>>, vector<1x16xf32>,
        %swap3A_477 = vector.shape_cast %swap3A_476 : vector<1x16xf32> to vector<16xf32>
        %swap3A_478 = vector.shape_cast %mul3A_473 : vector<16xf32> to vector<1x16xf32>
        tpu.vector_store %arg6[%swap3A_474, %swap3A_475], %swap3A_478 {strides = array<i32>} : memref<36x1024xf32, #tpu.memory_space<vmem>>, vector<1x16xf32>,
        %get3A_479 = arith.constant 21 : i32
        %get3A_480 = arith.index_cast %get3A_479 : i32 to index
        %get3A_481 = arith.index_cast %mul3A_447 : i32 to index
        %get3A_482 = tpu.vector_load %arg6[%get3A_480, %get3A_481] {strides = array<i32>} : memref<36x1024xf32, #tpu.memory_space<vmem>>, vector<1x16xf32>,
        %get3A_483 = vector.shape_cast %get3A_482 : vector<1x16xf32> to vector<16xf32>
        %add3A_484 = arith.addf %get3A_468, %get3A_483 : vector<16xf32>
        %add3A_485 = arith.addf %add3A_463, %add3A_484 : vector<16xf32>
        %mul3A_486 = arith.constant 2.500000e-01 : f32
        %mul3A_487 = vector.broadcast %mul3A_486 : f32 to vector<16xf32>
        %mul3A_488 = arith.mulf %add3A_485, %mul3A_487 : vector<16xf32>
        %swap3A_489 = arith.constant 17 : i32
        %swap3A_490 = arith.index_cast %swap3A_489 : i32 to index
        %swap3A_491 = arith.index_cast %mul3A_447 : i32 to index
        %swap3A_492 = tpu.vector_load %arg6[%swap3A_490, %swap3A_491] {strides = array<i32>} : memref<36x1024xf32, #tpu.memory_space<vmem>>, vector<1x16xf32>,
        %swap3A_493 = vector.shape_cast %swap3A_492 : vector<1x16xf32> to vector<16xf32>
        %swap3A_494 = vector.shape_cast %mul3A_488 : vector<16xf32> to vector<1x16xf32>
        tpu.vector_store %arg6[%swap3A_490, %swap3A_491], %swap3A_494 {strides = array<i32>} : memref<36x1024xf32, #tpu.memory_space<vmem>>, vector<1x16xf32>,
        %get3A_495 = arith.constant 22 : i32
        %get3A_496 = arith.index_cast %get3A_495 : i32 to index
        %get3A_497 = arith.index_cast %mul3A_447 : i32 to index
        %get3A_498 = tpu.vector_load %arg6[%get3A_496, %get3A_497] {strides = array<i32>} : memref<36x1024xf32, #tpu.memory_space<vmem>>, vector<1x16xf32>,
        %get3A_499 = vector.shape_cast %get3A_498 : vector<1x16xf32> to vector<16xf32>
        %add3A_500 = arith.addf %get3A_483, %get3A_499 : vector<16xf32>
        %add3A_501 = arith.addf %add3A_469, %add3A_500 : vector<16xf32>
        %mul3A_502 = arith.constant 2.500000e-01 : f32
        %mul3A_503 = vector.broadcast %mul3A_502 : f32 to vector<16xf32>
        %mul3A_504 = arith.mulf %add3A_501, %mul3A_503 : vector<16xf32>
        %swap3A_505 = arith.constant 18 : i32
        %swap3A_506 = arith.index_cast %swap3A_505 : i32 to index
        %swap3A_507 = arith.index_cast %mul3A_447 : i32 to index
        %swap3A_508 = tpu.vector_load %arg6[%swap3A_506, %swap3A_507] {strides = array<i32>} : memref<36x1024xf32, #tpu.memory_space<vmem>>, vector<1x16xf32>,
        %swap3A_509 = vector.shape_cast %swap3A_508 : vector<1x16xf32> to vector<16xf32>
        %swap3A_510 = vector.shape_cast %mul3A_504 : vector<16xf32> to vector<1x16xf32>
        tpu.vector_store %arg6[%swap3A_506, %swap3A_507], %swap3A_510 {strides = array<i32>} : memref<36x1024xf32, #tpu.memory_space<vmem>>, vector<1x16xf32>,
        %get3A_511 = arith.constant 23 : i32
        %get3A_512 = arith.index_cast %get3A_511 : i32 to index
        %get3A_513 = arith.index_cast %mul3A_447 : i32 to index
        %get3A_514 = tpu.vector_load %arg6[%get3A_512, %get3A_513] {strides = array<i32>} : memref<36x1024xf32, #tpu.memory_space<vmem>>, vector<1x16xf32>,
        %get3A_515 = vector.shape_cast %get3A_514 : vector<1x16xf32> to vector<16xf32>
        %add3A_516 = arith.addf %get3A_499, %get3A_515 : vector<16xf32>
        %add3A_517 = arith.addf %add3A_484, %add3A_516 : vector<16xf32>
        %mul3A_518 = arith.constant 2.500000e-01 : f32
        %mul3A_519 = vector.broadcast %mul3A_518 : f32 to vector<16xf32>
        %mul3A_520 = arith.mulf %add3A_517, %mul3A_519 : vector<16xf32>
        %swap3A_521 = arith.constant 19 : i32
        %swap3A_522 = arith.index_cast %swap3A_521 : i32 to index
        %swap3A_523 = arith.index_cast %mul3A_447 : i32 to index
        %swap3A_524 = tpu.vector_load %arg6[%swap3A_522, %swap3A_523] {strides = array<i32>} : memref<36x1024xf32, #tpu.memory_space<vmem>>, vector<1x16xf32>,
        %swap3A_525 = vector.shape_cast %swap3A_524 : vector<1x16xf32> to vector<16xf32>
        %swap3A_526 = vector.shape_cast %mul3A_520 : vector<16xf32> to vector<1x16xf32>
        tpu.vector_store %arg6[%swap3A_522, %swap3A_523], %swap3A_526 {strides = array<i32>} : memref<36x1024xf32, #tpu.memory_space<vmem>>, vector<1x16xf32>,
        %get3A_527 = arith.constant 24 : i32
        %get3A_528 = arith.index_cast %get3A_527 : i32 to index
        %get3A_529 = arith.index_cast %mul3A_447 : i32 to index
        %get3A_530 = tpu.vector_load %arg6[%get3A_528, %get3A_529] {strides = array<i32>} : memref<36x1024xf32, #tpu.memory_space<vmem>>, vector<1x16xf32>,
        %get3A_531 = vector.shape_cast %get3A_530 : vector<1x16xf32> to vector<16xf32>
        %add3A_532 = arith.addf %get3A_515, %get3A_531 : vector<16xf32>
        %add3A_533 = arith.addf %add3A_500, %add3A_532 : vector<16xf32>
        %mul3A_534 = arith.constant 2.500000e-01 : f32
        %mul3A_535 = vector.broadcast %mul3A_534 : f32 to vector<16xf32>
        %mul3A_536 = arith.mulf %add3A_533, %mul3A_535 : vector<16xf32>
        %swap3A_537 = arith.constant 20 : i32
        %swap3A_538 = arith.index_cast %swap3A_537 : i32 to index
        %swap3A_539 = arith.index_cast %mul3A_447 : i32 to index
        %swap3A_540 = tpu.vector_load %arg6[%swap3A_538, %swap3A_539] {strides = array<i32>} : memref<36x1024xf32, #tpu.memory_space<vmem>>, vector<1x16xf32>,
        %swap3A_541 = vector.shape_cast %swap3A_540 : vector<1x16xf32> to vector<16xf32>
        %swap3A_542 = vector.shape_cast %mul3A_536 : vector<16xf32> to vector<1x16xf32>
        tpu.vector_store %arg6[%swap3A_538, %swap3A_539], %swap3A_542 {strides = array<i32>} : memref<36x1024xf32, #tpu.memory_space<vmem>>, vector<1x16xf32>,
        %get3A_543 = arith.constant 25 : i32
        %get3A_544 = arith.index_cast %get3A_543 : i32 to index
        %get3A_545 = arith.index_cast %mul3A_447 : i32 to index
        %get3A_546 = tpu.vector_load %arg6[%get3A_544, %get3A_545] {strides = array<i32>} : memref<36x1024xf32, #tpu.memory_space<vmem>>, vector<1x16xf32>,
        %get3A_547 = vector.shape_cast %get3A_546 : vector<1x16xf32> to vector<16xf32>
        %add3A_548 = arith.addf %get3A_531, %get3A_547 : vector<16xf32>
        %add3A_549 = arith.addf %add3A_516, %add3A_548 : vector<16xf32>
        %mul3A_550 = arith.constant 2.500000e-01 : f32
        %mul3A_551 = vector.broadcast %mul3A_550 : f32 to vector<16xf32>
        %mul3A_552 = arith.mulf %add3A_549, %mul3A_551 : vector<16xf32>
        %swap3A_553 = arith.constant 21 : i32
        %swap3A_554 = arith.index_cast %swap3A_553 : i32 to index
        %swap3A_555 = arith.index_cast %mul3A_447 : i32 to index
        %swap3A_556 = tpu.vector_load %arg6[%swap3A_554, %swap3A_555] {strides = array<i32>} : memref<36x1024xf32, #tpu.memory_space<vmem>>, vector<1x16xf32>,
        %swap3A_557 = vector.shape_cast %swap3A_556 : vector<1x16xf32> to vector<16xf32>
        %swap3A_558 = vector.shape_cast %mul3A_552 : vector<16xf32> to vector<1x16xf32>
        tpu.vector_store %arg6[%swap3A_554, %swap3A_555], %swap3A_558 {strides = array<i32>} : memref<36x1024xf32, #tpu.memory_space<vmem>>, vector<1x16xf32>,
        %get3A_559 = arith.constant 26 : i32
        %get3A_560 = arith.index_cast %get3A_559 : i32 to index
        %get3A_561 = arith.index_cast %mul3A_447 : i32 to index
        %get3A_562 = tpu.vector_load %arg6[%get3A_560, %get3A_561] {strides = array<i32>} : memref<36x1024xf32, #tpu.memory_space<vmem>>, vector<1x16xf32>,
        %get3A_563 = vector.shape_cast %get3A_562 : vector<1x16xf32> to vector<16xf32>
        %add3A_564 = arith.addf %get3A_547, %get3A_563 : vector<16xf32>
        %add3A_565 = arith.addf %add3A_532, %add3A_564 : vector<16xf32>
        %mul3A_566 = arith.constant 2.500000e-01 : f32
        %mul3A_567 = vector.broadcast %mul3A_566 : f32 to vector<16xf32>
        %mul3A_568 = arith.mulf %add3A_565, %mul3A_567 : vector<16xf32>
        %swap3A_569 = arith.constant 22 : i32
        %swap3A_570 = arith.index_cast %swap3A_569 : i32 to index
        %swap3A_571 = arith.index_cast %mul3A_447 : i32 to index
        %swap3A_572 = tpu.vector_load %arg6[%swap3A_570, %swap3A_571] {strides = array<i32>} : memref<36x1024xf32, #tpu.memory_space<vmem>>, vector<1x16xf32>,
        %swap3A_573 = vector.shape_cast %swap3A_572 : vector<1x16xf32> to vector<16xf32>
        %swap3A_574 = vector.shape_cast %mul3A_568 : vector<16xf32> to vector<1x16xf32>
        tpu.vector_store %arg6[%swap3A_570, %swap3A_571], %swap3A_574 {strides = array<i32>} : memref<36x1024xf32, #tpu.memory_space<vmem>>, vector<1x16xf32>,
        %get3A_575 = arith.constant 27 : i32
        %get3A_576 = arith.index_cast %get3A_575 : i32 to index
        %get3A_577 = arith.index_cast %mul3A_447 : i32 to index
        %get3A_578 = tpu.vector_load %arg6[%get3A_576, %get3A_577] {strides = array<i32>} : memref<36x1024xf32, #tpu.memory_space<vmem>>, vector<1x16xf32>,
        %get3A_579 = vector.shape_cast %get3A_578 : vector<1x16xf32> to vector<16xf32>
        %add3A_580 = arith.addf %get3A_563, %get3A_579 : vector<16xf32>
        %add3A_581 = arith.addf %add3A_548, %add3A_580 : vector<16xf32>
        %mul3A_582 = arith.constant 2.500000e-01 : f32
        %mul3A_583 = vector.broadcast %mul3A_582 : f32 to vector<16xf32>
        %mul3A_584 = arith.mulf %add3A_581, %mul3A_583 : vector<16xf32>
        %swap3A_585 = arith.constant 23 : i32
        %swap3A_586 = arith.index_cast %swap3A_585 : i32 to index
        %swap3A_587 = arith.index_cast %mul3A_447 : i32 to index
        %swap3A_588 = tpu.vector_load %arg6[%swap3A_586, %swap3A_587] {strides = array<i32>} : memref<36x1024xf32, #tpu.memory_space<vmem>>, vector<1x16xf32>,
        %swap3A_589 = vector.shape_cast %swap3A_588 : vector<1x16xf32> to vector<16xf32>
        %swap3A_590 = vector.shape_cast %mul3A_584 : vector<16xf32> to vector<1x16xf32>
        tpu.vector_store %arg6[%swap3A_586, %swap3A_587], %swap3A_590 {strides = array<i32>} : memref<36x1024xf32, #tpu.memory_space<vmem>>, vector<1x16xf32>,
        %get3A_591 = arith.constant 28 : i32
        %get3A_592 = arith.index_cast %get3A_591 : i32 to index
        %get3A_593 = arith.index_cast %mul3A_447 : i32 to index
        %get3A_594 = tpu.vector_load %arg6[%get3A_592, %get3A_593] {strides = array<i32>} : memref<36x1024xf32, #tpu.memory_space<vmem>>, vector<1x16xf32>,
        %get3A_595 = vector.shape_cast %get3A_594 : vector<1x16xf32> to vector<16xf32>
        %add3A_596 = arith.addf %get3A_579, %get3A_595 : vector<16xf32>
        %add3A_597 = arith.addf %add3A_564, %add3A_596 : vector<16xf32>
        %mul3A_598 = arith.constant 2.500000e-01 : f32
        %mul3A_599 = vector.broadcast %mul3A_598 : f32 to vector<16xf32>
        %mul3A_600 = arith.mulf %add3A_597, %mul3A_599 : vector<16xf32>
        %swap3A_601 = arith.constant 24 : i32
        %swap3A_602 = arith.index_cast %swap3A_601 : i32 to index
        %swap3A_603 = arith.index_cast %mul3A_447 : i32 to index
        %swap3A_604 = tpu.vector_load %arg6[%swap3A_602, %swap3A_603] {strides = array<i32>} : memref<36x1024xf32, #tpu.memory_space<vmem>>, vector<1x16xf32>,
        %swap3A_605 = vector.shape_cast %swap3A_604 : vector<1x16xf32> to vector<16xf32>
        %swap3A_606 = vector.shape_cast %mul3A_600 : vector<16xf32> to vector<1x16xf32>
        tpu.vector_store %arg6[%swap3A_602, %swap3A_603], %swap3A_606 {strides = array<i32>} : memref<36x1024xf32, #tpu.memory_space<vmem>>, vector<1x16xf32>,
        %get3A_607 = arith.constant 29 : i32
        %get3A_608 = arith.index_cast %get3A_607 : i32 to index
        %get3A_609 = arith.index_cast %mul3A_447 : i32 to index
        %get3A_610 = tpu.vector_load %arg6[%get3A_608, %get3A_609] {strides = array<i32>} : memref<36x1024xf32, #tpu.memory_space<vmem>>, vector<1x16xf32>,
        %get3A_611 = vector.shape_cast %get3A_610 : vector<1x16xf32> to vector<16xf32>
        %add3A_612 = arith.addf %get3A_595, %get3A_611 : vector<16xf32>
        %add3A_613 = arith.addf %add3A_580, %add3A_612 : vector<16xf32>
        %mul3A_614 = arith.constant 2.500000e-01 : f32
        %mul3A_615 = vector.broadcast %mul3A_614 : f32 to vector<16xf32>
        %mul3A_616 = arith.mulf %add3A_613, %mul3A_615 : vector<16xf32>
        %swap3A_617 = arith.constant 25 : i32
        %swap3A_618 = arith.index_cast %swap3A_617 : i32 to index
        %swap3A_619 = arith.index_cast %mul3A_447 : i32 to index
        %swap3A_620 = tpu.vector_load %arg6[%swap3A_618, %swap3A_619] {strides = array<i32>} : memref<36x1024xf32, #tpu.memory_space<vmem>>, vector<1x16xf32>,
        %swap3A_621 = vector.shape_cast %swap3A_620 : vector<1x16xf32> to vector<16xf32>
        %swap3A_622 = vector.shape_cast %mul3A_616 : vector<16xf32> to vector<1x16xf32>
        tpu.vector_store %arg6[%swap3A_618, %swap3A_619], %swap3A_622 {strides = array<i32>} : memref<36x1024xf32, #tpu.memory_space<vmem>>, vector<1x16xf32>,
        %get3A_623 = arith.constant 30 : i32
        %get3A_624 = arith.index_cast %get3A_623 : i32 to index
        %get3A_625 = arith.index_cast %mul3A_447 : i32 to index
        %get3A_626 = tpu.vector_load %arg6[%get3A_624, %get3A_625] {strides = array<i32>} : memref<36x1024xf32, #tpu.memory_space<vmem>>, vector<1x16xf32>,
        %get3A_627 = vector.shape_cast %get3A_626 : vector<1x16xf32> to vector<16xf32>
        %add3A_628 = arith.addf %get3A_611, %get3A_627 : vector<16xf32>
        %add3A_629 = arith.addf %add3A_596, %add3A_628 : vector<16xf32>
        %mul3A_630 = arith.constant 2.500000e-01 : f32
        %mul3A_631 = vector.broadcast %mul3A_630 : f32 to vector<16xf32>
        %mul3A_632 = arith.mulf %add3A_629, %mul3A_631 : vector<16xf32>
        %swap3A_633 = arith.constant 26 : i32
        %swap3A_634 = arith.index_cast %swap3A_633 : i32 to index
        %swap3A_635 = arith.index_cast %mul3A_447 : i32 to index
        %swap3A_636 = tpu.vector_load %arg6[%swap3A_634, %swap3A_635] {strides = array<i32>} : memref<36x1024xf32, #tpu.memory_space<vmem>>, vector<1x16xf32>,
        %swap3A_637 = vector.shape_cast %swap3A_636 : vector<1x16xf32> to vector<16xf32>
        %swap3A_638 = vector.shape_cast %mul3A_632 : vector<16xf32> to vector<1x16xf32>
        tpu.vector_store %arg6[%swap3A_634, %swap3A_635], %swap3A_638 {strides = array<i32>} : memref<36x1024xf32, #tpu.memory_space<vmem>>, vector<1x16xf32>,
        %get3A_639 = arith.constant 31 : i32
        %get3A_640 = arith.index_cast %get3A_639 : i32 to index
        %get3A_641 = arith.index_cast %mul3A_447 : i32 to index
        %get3A_642 = tpu.vector_load %arg6[%get3A_640, %get3A_641] {strides = array<i32>} : memref<36x1024xf32, #tpu.memory_space<vmem>>, vector<1x16xf32>,
        %get3A_643 = vector.shape_cast %get3A_642 : vector<1x16xf32> to vector<16xf32>
        %add3A_644 = arith.addf %get3A_627, %get3A_643 : vector<16xf32>
        %add3A_645 = arith.addf %add3A_612, %add3A_644 : vector<16xf32>
        %mul3A_646 = arith.constant 2.500000e-01 : f32
        %mul3A_647 = vector.broadcast %mul3A_646 : f32 to vector<16xf32>
        %mul3A_648 = arith.mulf %add3A_645, %mul3A_647 : vector<16xf32>
        %swap3A_649 = arith.constant 27 : i32
        %swap3A_650 = arith.index_cast %swap3A_649 : i32 to index
        %swap3A_651 = arith.index_cast %mul3A_447 : i32 to index
        %swap3A_652 = tpu.vector_load %arg6[%swap3A_650, %swap3A_651] {strides = array<i32>} : memref<36x1024xf32, #tpu.memory_space<vmem>>, vector<1x16xf32>,
        %swap3A_653 = vector.shape_cast %swap3A_652 : vector<1x16xf32> to vector<16xf32>
        %swap3A_654 = vector.shape_cast %mul3A_648 : vector<16xf32> to vector<1x16xf32>
        tpu.vector_store %arg6[%swap3A_650, %swap3A_651], %swap3A_654 {strides = array<i32>} : memref<36x1024xf32, #tpu.memory_space<vmem>>, vector<1x16xf32>,
        %get3A_655 = arith.constant 32 : i32
        %get3A_656 = arith.index_cast %get3A_655 : i32 to index
        %get3A_657 = arith.index_cast %mul3A_447 : i32 to index
        %get3A_658 = tpu.vector_load %arg6[%get3A_656, %get3A_657] {strides = array<i32>} : memref<36x1024xf32, #tpu.memory_space<vmem>>, vector<1x16xf32>,
        %get3A_659 = vector.shape_cast %get3A_658 : vector<1x16xf32> to vector<16xf32>
        %add3A_660 = arith.addf %get3A_643, %get3A_659 : vector<16xf32>
        %add3A_661 = arith.addf %add3A_628, %add3A_660 : vector<16xf32>
        %mul3A_662 = arith.constant 2.500000e-01 : f32
        %mul3A_663 = vector.broadcast %mul3A_662 : f32 to vector<16xf32>
        %mul3A_664 = arith.mulf %add3A_661, %mul3A_663 : vector<16xf32>
        %swap3A_665 = arith.constant 28 : i32
        %swap3A_666 = arith.index_cast %swap3A_665 : i32 to index
        %swap3A_667 = arith.index_cast %mul3A_447 : i32 to index
        %swap3A_668 = tpu.vector_load %arg6[%swap3A_666, %swap3A_667] {strides = array<i32>} : memref<36x1024xf32, #tpu.memory_space<vmem>>, vector<1x16xf32>,
        %swap3A_669 = vector.shape_cast %swap3A_668 : vector<1x16xf32> to vector<16xf32>
        %swap3A_670 = vector.shape_cast %mul3A_664 : vector<16xf32> to vector<1x16xf32>
        tpu.vector_store %arg6[%swap3A_666, %swap3A_667], %swap3A_670 {strides = array<i32>} : memref<36x1024xf32, #tpu.memory_space<vmem>>, vector<1x16xf32>,
        %get3A_671 = arith.constant 33 : i32
        %get3A_672 = arith.index_cast %get3A_671 : i32 to index
        %get3A_673 = arith.index_cast %mul3A_447 : i32 to index
        %get3A_674 = tpu.vector_load %arg6[%get3A_672, %get3A_673] {strides = array<i32>} : memref<36x1024xf32, #tpu.memory_space<vmem>>, vector<1x16xf32>,
        %get3A_675 = vector.shape_cast %get3A_674 : vector<1x16xf32> to vector<16xf32>
        %add3A_676 = arith.addf %get3A_659, %get3A_675 : vector<16xf32>
        %add3A_677 = arith.addf %add3A_644, %add3A_676 : vector<16xf32>
        %mul3A_678 = arith.constant 2.500000e-01 : f32
        %mul3A_679 = vector.broadcast %mul3A_678 : f32 to vector<16xf32>
        %mul3A_680 = arith.mulf %add3A_677, %mul3A_679 : vector<16xf32>
        %swap3A_681 = arith.constant 29 : i32
        %swap3A_682 = arith.index_cast %swap3A_681 : i32 to index
        %swap3A_683 = arith.index_cast %mul3A_447 : i32 to index
        %swap3A_684 = tpu.vector_load %arg6[%swap3A_682, %swap3A_683] {strides = array<i32>} : memref<36x1024xf32, #tpu.memory_space<vmem>>, vector<1x16xf32>,
        %swap3A_685 = vector.shape_cast %swap3A_684 : vector<1x16xf32> to vector<16xf32>
        %swap3A_686 = vector.shape_cast %mul3A_680 : vector<16xf32> to vector<1x16xf32>
        tpu.vector_store %arg6[%swap3A_682, %swap3A_683], %swap3A_686 {strides = array<i32>} : memref<36x1024xf32, #tpu.memory_space<vmem>>, vector<1x16xf32>,
        %get3A_687 = arith.constant 34 : i32
        %get3A_688 = arith.index_cast %get3A_687 : i32 to index
        %get3A_689 = arith.index_cast %mul3A_447 : i32 to index
        %get3A_690 = tpu.vector_load %arg6[%get3A_688, %get3A_689] {strides = array<i32>} : memref<36x1024xf32, #tpu.memory_space<vmem>>, vector<1x16xf32>,
        %get3A_691 = vector.shape_cast %get3A_690 : vector<1x16xf32> to vector<16xf32>
        %add3A_692 = arith.addf %get3A_675, %get3A_691 : vector<16xf32>
        %add3A_693 = arith.addf %add3A_660, %add3A_692 : vector<16xf32>
        %mul3A_694 = arith.constant 2.500000e-01 : f32
        %mul3A_695 = vector.broadcast %mul3A_694 : f32 to vector<16xf32>
        %mul3A_696 = arith.mulf %add3A_693, %mul3A_695 : vector<16xf32>
        %swap3A_697 = arith.constant 30 : i32
        %swap3A_698 = arith.index_cast %swap3A_697 : i32 to index
        %swap3A_699 = arith.index_cast %mul3A_447 : i32 to index
        %swap3A_700 = tpu.vector_load %arg6[%swap3A_698, %swap3A_699] {strides = array<i32>} : memref<36x1024xf32, #tpu.memory_space<vmem>>, vector<1x16xf32>,
        %swap3A_701 = vector.shape_cast %swap3A_700 : vector<1x16xf32> to vector<16xf32>
        %swap3A_702 = vector.shape_cast %mul3A_696 : vector<16xf32> to vector<1x16xf32>
        tpu.vector_store %arg6[%swap3A_698, %swap3A_699], %swap3A_702 {strides = array<i32>} : memref<36x1024xf32, #tpu.memory_space<vmem>>, vector<1x16xf32>,
        %get3A_703 = arith.constant 35 : i32
        %get3A_704 = arith.index_cast %get3A_703 : i32 to index
        %get3A_705 = arith.index_cast %mul3A_447 : i32 to index
        %get3A_706 = tpu.vector_load %arg6[%get3A_704, %get3A_705] {strides = array<i32>} : memref<36x1024xf32, #tpu.memory_space<vmem>>, vector<1x16xf32>,
        %get3A_707 = vector.shape_cast %get3A_706 : vector<1x16xf32> to vector<16xf32>
        %add3A_708 = arith.addf %get3A_691, %get3A_707 : vector<16xf32>
        %add3A_709 = arith.addf %add3A_676, %add3A_708 : vector<16xf32>
        %mul3A_710 = arith.constant 2.500000e-01 : f32
        %mul3A_711 = vector.broadcast %mul3A_710 : f32 to vector<16xf32>
        %mul3A_712 = arith.mulf %add3A_709, %mul3A_711 : vector<16xf32>
        %swap3A_713 = arith.constant 31 : i32
        %swap3A_714 = arith.index_cast %swap3A_713 : i32 to index
        %swap3A_715 = arith.index_cast %mul3A_447 : i32 to index
        %swap3A_716 = tpu.vector_load %arg6[%swap3A_714, %swap3A_715] {strides = array<i32>} : memref<36x1024xf32, #tpu.memory_space<vmem>>, vector<1x16xf32>,
        %swap3A_717 = vector.shape_cast %swap3A_716 : vector<1x16xf32> to vector<16xf32>
        %swap3A_718 = vector.shape_cast %mul3A_712 : vector<16xf32> to vector<1x16xf32>
        tpu.vector_store %arg6[%swap3A_714, %swap3A_715], %swap3A_718 {strides = array<i32>} : memref<36x1024xf32, #tpu.memory_space<vmem>>, vector<1x16xf32>,
        %scan3A_719 = arith.constant 0 : i32
        scf.yield %scan3A_719 : i32
      }
      %scan3A_417 = arith.constant 64 : i32
      %convert_element_type3A_418 = arith.extui %eq3A_388 : i1 to i32
      %cond3A_419 = arith.constant 0 : i32
      %cond3A_420 = arith.cmpi ne, %convert_element_type3A_418, %cond3A_419 : i32
      scf.if %cond3A_420 {
        %scan3A_444 = arith.constant 0 : i32
        %scan3A_445 = arith.constant 0 : i32
        %scan3A_446 = arith.constant 64 : i32
        %scan3A_447 = arith.addi %scan3A_445, %scan3A_446 : i32
        %scan3A_448 = arith.constant 1 : i32
        %scan3A_449 = scf.for %scan3A_451 = %scan3A_445 to %scan3A_447 step %scan3A_448 iter_args(%scan3A_452 = %scan3A_444) -> (i32)  : i32 {
          %mul3A_453 = arith.constant 16 : i32
          %mul3A_454 = arith.muli %scan3A_451, %mul3A_453 : i32
          %get3A = arith.constant 28 : i32
          %get3A_455 = arith.index_cast %get3A : i32 to index
          %get3A_456 = arith.index_cast %mul3A_454 : i32 to index
          %get3A_457 = tpu.vector_load %arg6[%get3A_455, %get3A_456] {strides = array<i32>} : memref<36x1024xf32, #tpu.memory_space<vmem>>, vector<1x16xf32>,
          %get3A_458 = vector.shape_cast %get3A_457 : vector<1x16xf32> to vector<16xf32>
          %mul3A_459 = arith.constant 1.33333337 : f32
          %mul3A_460 = vector.broadcast %mul3A_459 : f32 to vector<16xf32>
          %mul3A_461 = arith.mulf %get3A_458, %mul3A_460 : vector<16xf32>
          %swap3A = arith.constant 28 : i32
          %swap3A_462 = arith.index_cast %swap3A : i32 to index
          %swap3A_463 = arith.index_cast %mul3A_454 : i32 to index
          %swap3A_464 = tpu.vector_load %arg6[%swap3A_462, %swap3A_463] {strides = array<i32>} : memref<36x1024xf32, #tpu.memory_space<vmem>>, vector<1x16xf32>,
          %swap3A_465 = vector.shape_cast %swap3A_464 : vector<1x16xf32> to vector<16xf32>
          %swap3A_466 = vector.shape_cast %mul3A_461 : vector<16xf32> to vector<1x16xf32>
          tpu.vector_store %arg6[%swap3A_462, %swap3A_463], %swap3A_466 {strides = array<i32>} : memref<36x1024xf32, #tpu.memory_space<vmem>>, vector<1x16xf32>,
          %get3A_467 = arith.constant 29 : i32
          %get3A_468 = arith.index_cast %get3A_467 : i32 to index
          %get3A_469 = arith.index_cast %mul3A_454 : i32 to index
          %get3A_470 = tpu.vector_load %arg6[%get3A_468, %get3A_469] {strides = array<i32>} : memref<36x1024xf32, #tpu.memory_space<vmem>>, vector<1x16xf32>,
          %get3A_471 = vector.shape_cast %get3A_470 : vector<1x16xf32> to vector<16xf32>
          %mul3A_472 = arith.constant 2.000000e+00 : f32
          %mul3A_473 = vector.broadcast %mul3A_472 : f32 to vector<16xf32>
          %mul3A_474 = arith.mulf %get3A_471, %mul3A_473 : vector<16xf32>
          %swap3A_475 = arith.constant 29 : i32
          %swap3A_476 = arith.index_cast %swap3A_475 : i32 to index
          %swap3A_477 = arith.index_cast %mul3A_454 : i32 to index
          %swap3A_478 = tpu.vector_load %arg6[%swap3A_476, %swap3A_477] {strides = array<i32>} : memref<36x1024xf32, #tpu.memory_space<vmem>>, vector<1x16xf32>,
          %swap3A_479 = vector.shape_cast %swap3A_478 : vector<1x16xf32> to vector<16xf32>
          %swap3A_480 = vector.shape_cast %mul3A_474 : vector<16xf32> to vector<1x16xf32>
          tpu.vector_store %arg6[%swap3A_476, %swap3A_477], %swap3A_480 {strides = array<i32>} : memref<36x1024xf32, #tpu.memory_space<vmem>>, vector<1x16xf32>,
          %get3A_481 = arith.constant 30 : i32
          %get3A_482 = arith.index_cast %get3A_481 : i32 to index
          %get3A_483 = arith.index_cast %mul3A_454 : i32 to index
          %get3A_484 = tpu.vector_load %arg6[%get3A_482, %get3A_483] {strides = array<i32>} : memref<36x1024xf32, #tpu.memory_space<vmem>>, vector<1x16xf32>,
          %get3A_485 = vector.shape_cast %get3A_484 : vector<1x16xf32> to vector<16xf32>
          %mul3A_486 = arith.constant 4.000000e+00 : f32
          %mul3A_487 = vector.broadcast %mul3A_486 : f32 to vector<16xf32>
          %mul3A_488 = arith.mulf %get3A_485, %mul3A_487 : vector<16xf32>
          %swap3A_489 = arith.constant 30 : i32
          %swap3A_490 = arith.index_cast %swap3A_489 : i32 to index
          %swap3A_491 = arith.index_cast %mul3A_454 : i32 to index
          %swap3A_492 = tpu.vector_load %arg6[%swap3A_490, %swap3A_491] {strides = array<i32>} : memref<36x1024xf32, #tpu.memory_space<vmem>>, vector<1x16xf32>,
          %swap3A_493 = vector.shape_cast %swap3A_492 : vector<1x16xf32> to vector<16xf32>
          %swap3A_494 = vector.shape_cast %mul3A_488 : vector<16xf32> to vector<1x16xf32>
          tpu.vector_store %arg6[%swap3A_490, %swap3A_491], %swap3A_494 {strides = array<i32>} : memref<36x1024xf32, #tpu.memory_space<vmem>>, vector<1x16xf32>,
          %get3A_495 = arith.constant 31 : i32
          %get3A_496 = arith.index_cast %get3A_495 : i32 to index
          %get3A_497 = arith.index_cast %mul3A_454 : i32 to index
          %get3A_498 = tpu.vector_load %arg6[%get3A_496, %get3A_497] {strides = array<i32>} : memref<36x1024xf32, #tpu.memory_space<vmem>>, vector<1x16xf32>,
          %get3A_499 = vector.shape_cast %get3A_498 : vector<1x16xf32> to vector<16xf32>
          %mul3A_500 = arith.constant 0.000000e+00 : f32
          %mul3A_501 = vector.broadcast %mul3A_500 : f32 to vector<16xf32>
          %mul3A_502 = arith.mulf %get3A_499, %mul3A_501 : vector<16xf32>
          %swap3A_503 = arith.constant 31 : i32
          %swap3A_504 = arith.index_cast %swap3A_503 : i32 to index
          %swap3A_505 = arith.index_cast %mul3A_454 : i32 to index
          %swap3A_506 = tpu.vector_load %arg6[%swap3A_504, %swap3A_505] {strides = array<i32>} : memref<36x1024xf32, #tpu.memory_space<vmem>>, vector<1x16xf32>,
          %swap3A_507 = vector.shape_cast %swap3A_506 : vector<1x16xf32> to vector<16xf32>
          %swap3A_508 = vector.shape_cast %mul3A_502 : vector<16xf32> to vector<1x16xf32>
          tpu.vector_store %arg6[%swap3A_504, %swap3A_505], %swap3A_508 {strides = array<i32>} : memref<36x1024xf32, #tpu.memory_space<vmem>>, vector<1x16xf32>,
          %scan3A_509 = arith.constant 0 : i32
          scf.yield %scan3A_509 : i32
        }
        %scan3A_450 = arith.constant 64 : i32
      } else {
      }
      %add3A_421 = arith.constant 16 : i32
      %add3A_422 = arith.addi %add3A_358, %add3A_421 : i32
      %dma_start3A_423 = arith.constant 16 : i32
      %dma_start3A_424 = arith.constant 0 : i32
      %dma_start3A_425 = tpu.memref_slice %arg6[%dma_start3A_423, %dma_start3A_424] : memref<36x1024xf32, #tpu.memory_space<vmem>> -> memref<16x1024xf32, #tpu.memory_space<vmem>>
      %dma_start3A_426 = arith.constant 0 : i32
      %dma_start3A_427 = tpu.memref_slice %arg3[%add3A_422, %dma_start3A_426] : memref<16384x1024xf32, #tpu.memory_space<hbm>> -> memref<16x1024xf32, #tpu.memory_space<hbm>>
      %dma_start3A_428 = arith.constant 0 : i32
      %dma_start3A_429 = tpu.memref_slice %arg3[%add3A_422, %dma_start3A_428] : memref<16384x1024xf32, #tpu.memory_space<hbm>> -> memref<16x1024xf32, #tpu.memory_space<hbm>>
      %dma_start3A_430 = arith.constant 16 : i32
      %dma_start3A_431 = arith.constant 0 : i32
      %dma_start3A_432 = tpu.memref_slice %arg6[%dma_start3A_430, %dma_start3A_431] : memref<36x1024xf32, #tpu.memory_space<vmem>> -> memref<16x1024xf32, #tpu.memory_space<vmem>>
      tpu.enqueue_dma source(%dma_start3A_432 : memref<16x1024xf32, #tpu.memory_space<vmem>>) target(%dma_start3A_429 : memref<16x1024xf32, #tpu.memory_space<hbm>>) target_semaphore(%arg12 : memref<!tpu.dma_semaphore, #tpu.memory_space<semaphore_mem>>)
      %gt3A_433 = arith.constant 0 : i32
      %gt3A_434 = arith.cmpi sgt, %add3A_355, %gt3A_433 : i32
      %convert_element_type3A_435 = arith.extui %gt3A_434 : i1 to i32
      %cond3A_436 = arith.constant 0 : i32
      %cond3A_437 = arith.cmpi ne, %convert_element_type3A_435, %cond3A_436 : i32
      scf.if %cond3A_437 {
        %dma_wait3A_444 = arith.constant 0 : i32
        %dma_wait3A_445 = arith.constant 0 : i32
        %dma_wait3A_446 = tpu.memref_slice %arg5[%dma_wait3A_444, %dma_wait3A_445] : memref<36x1024xf32, #tpu.memory_space<vmem>> -> memref<16x1024xf32, #tpu.memory_space<vmem>>
        %dma_wait3A_447 = arith.constant 0 : i32
        %dma_wait3A_448 = arith.constant 0 : i32
        %dma_wait3A_449 = tpu.memref_slice %arg3[%dma_wait3A_447, %dma_wait3A_448] : memref<16384x1024xf32, #tpu.memory_space<hbm>> -> memref<16x1024xf32, #tpu.memory_space<hbm>>
        %dma_wait3A_450 = arith.constant 0 : i32
        %dma_wait3A_451 = arith.constant 0 : i32
        %dma_wait3A_452 = tpu.memref_slice %arg3[%dma_wait3A_450, %dma_wait3A_451] : memref<16384x1024xf32, #tpu.memory_space<hbm>> -> memref<16x1024xf32, #tpu.memory_space<hbm>>
        %dma_wait3A_453 = arith.constant 0 : i32
        %dma_wait3A_454 = arith.constant 0 : i32
        %dma_wait3A_455 = tpu.memref_slice %arg5[%dma_wait3A_453, %dma_wait3A_454] : memref<36x1024xf32, #tpu.memory_space<vmem>> -> memref<16x1024xf32, #tpu.memory_space<vmem>>
        tpu.wait_dma2 semaphore(%arg11 : memref<!tpu.dma_semaphore, #tpu.memory_space<semaphore_mem>>) src(%dma_wait3A_455 : memref<16x1024xf32, #tpu.memory_space<vmem>>) dst(%dma_wait3A_452 : memref<16x1024xf32, #tpu.memory_space<hbm>>)
        %dma_wait3A_456 = arith.constant 0 : i32
        %dma_wait3A_457 = arith.constant 0 : i32
        %dma_wait3A_458 = tpu.memref_slice %arg5[%dma_wait3A_456, %dma_wait3A_457] : memref<36x1024xf32, #tpu.memory_space<vmem>> -> memref<16x1024xf32, #tpu.memory_space<vmem>>
        %dma_wait3A_459 = arith.constant 0 : i32
        %dma_wait3A_460 = arith.constant 0 : i32
        %dma_wait3A_461 = tpu.memref_slice %arg3[%dma_wait3A_459, %dma_wait3A_460] : memref<16384x1024xf32, #tpu.memory_space<hbm>> -> memref<16x1024xf32, #tpu.memory_space<hbm>>
        %dma_wait3A_462 = arith.constant 0 : i32
        %dma_wait3A_463 = arith.constant 0 : i32
        %dma_wait3A_464 = tpu.memref_slice %arg3[%dma_wait3A_462, %dma_wait3A_463] : memref<16384x1024xf32, #tpu.memory_space<hbm>> -> memref<16x1024xf32, #tpu.memory_space<hbm>>
        %dma_wait3A_465 = arith.constant 0 : i32
        %dma_wait3A_466 = arith.constant 0 : i32
        %dma_wait3A_467 = tpu.memref_slice %arg5[%dma_wait3A_465, %dma_wait3A_466] : memref<36x1024xf32, #tpu.memory_space<vmem>> -> memref<16x1024xf32, #tpu.memory_space<vmem>>
        tpu.wait_dma2 semaphore(%arg11 : memref<!tpu.dma_semaphore, #tpu.memory_space<semaphore_mem>>) src(%dma_wait3A_467 : memref<16x1024xf32, #tpu.memory_space<vmem>>) dst(%dma_wait3A_464 : memref<16x1024xf32, #tpu.memory_space<hbm>>)
      } else {
      }
      %lt3A_438 = arith.constant 14 : i32
      %lt3A_439 = arith.cmpi slt, %add3A_355, %lt3A_438 : i32
      %convert_element_type3A_440 = arith.extui %lt3A_439 : i1 to i32
      %cond3A_441 = arith.constant 0 : i32
      %cond3A_442 = arith.cmpi ne, %convert_element_type3A_440, %cond3A_441 : i32
      scf.if %cond3A_442 {
        %add3A_444 = arith.constant 64 : i32
        %add3A_445 = arith.addi %add3A_358, %add3A_444 : i32
        %dma_start3A_446 = arith.constant 0 : i32
        %dma_start3A_447 = arith.constant 0 : i32
        %dma_start3A_448 = tpu.memref_slice %arg5[%dma_start3A_446, %dma_start3A_447] : memref<36x1024xf32, #tpu.memory_space<vmem>> -> memref<32x1024xf32, #tpu.memory_space<vmem>>
        %dma_start3A_449 = arith.constant 0 : i32
        %dma_start3A_450 = tpu.memref_slice %arg2[%add3A_445, %dma_start3A_449] : memref<16384x1024xf32, #tpu.memory_space<hbm>> -> memref<32x1024xf32, #tpu.memory_space<hbm>>
        %dma_start3A_451 = arith.constant 0 : i32
        %dma_start3A_452 = arith.constant 0 : i32
        %dma_start3A_453 = tpu.memref_slice %arg5[%dma_start3A_451, %dma_start3A_452] : memref<36x1024xf32, #tpu.memory_space<vmem>> -> memref<32x1024xf32, #tpu.memory_space<vmem>>
        %dma_start3A_454 = arith.constant 0 : i32
        %dma_start3A_455 = tpu.memref_slice %arg2[%add3A_445, %dma_start3A_454] : memref<16384x1024xf32, #tpu.memory_space<hbm>> -> memref<32x1024xf32, #tpu.memory_space<hbm>>
        tpu.enqueue_dma source(%dma_start3A_455 : memref<32x1024xf32, #tpu.memory_space<hbm>>) target(%dma_start3A_453 : memref<32x1024xf32, #tpu.memory_space<vmem>>) target_semaphore(%arg8 : memref<!tpu.dma_semaphore, #tpu.memory_space<semaphore_mem>>)
        %add3A_456 = arith.constant 32 : i32
        %add3A_457 = arith.addi %add3A_445, %add3A_456 : i32
        %min3A_458 = arith.constant 16376 : i32
        %min3A_459 = arith.minsi %add3A_457, %min3A_458 : i32
        %dma_start3A_460 = arith.constant 32 : i32
        %dma_start3A_461 = arith.constant 0 : i32
        %dma_start3A_462 = tpu.memref_slice %arg5[%dma_start3A_460, %dma_start3A_461] : memref<36x1024xf32, #tpu.memory_space<vmem>> -> memref<4x1024xf32, #tpu.memory_space<vmem>>
        %dma_start3A_463 = arith.constant 0 : i32
        %dma_start3A_464 = tpu.memref_slice %arg2[%min3A_459, %dma_start3A_463] : memref<16384x1024xf32, #tpu.memory_space<hbm>> -> memref<4x1024xf32, #tpu.memory_space<hbm>>
        %dma_start3A_465 = arith.constant 32 : i32
        %dma_start3A_466 = arith.constant 0 : i32
        %dma_start3A_467 = tpu.memref_slice %arg5[%dma_start3A_465, %dma_start3A_466] : memref<36x1024xf32, #tpu.memory_space<vmem>> -> memref<4x1024xf32, #tpu.memory_space<vmem>>
        %dma_start3A_468 = arith.constant 0 : i32
        %dma_start3A_469 = tpu.memref_slice %arg2[%min3A_459, %dma_start3A_468] : memref<16384x1024xf32, #tpu.memory_space<hbm>> -> memref<4x1024xf32, #tpu.memory_space<hbm>>
        tpu.enqueue_dma source(%dma_start3A_469 : memref<4x1024xf32, #tpu.memory_space<hbm>>) target(%dma_start3A_467 : memref<4x1024xf32, #tpu.memory_space<vmem>>) target_semaphore(%arg8 : memref<!tpu.dma_semaphore, #tpu.memory_space<semaphore_mem>>)
      } else {
      }
      %scan3A_443 = arith.constant 0 : i32
      scf.yield %scan3A_443 : i32
    }
    %scan3A_56 = arith.constant 5 : i32
    %add3A_57 = arith.constant 480 : i32
    %add3A_58 = arith.addi %mul3A_2, %add3A_57 : i32
    %dma_wait3A = arith.constant 0 : i32
    %dma_wait3A_59 = arith.constant 0 : i32
    %dma_wait3A_60 = tpu.memref_slice %arg4[%dma_wait3A, %dma_wait3A_59] : memref<36x1024xf32, #tpu.memory_space<vmem>> -> memref<32x1024xf32, #tpu.memory_space<vmem>>
    %dma_wait3A_61 = arith.constant 0 : i32
    %dma_wait3A_62 = arith.constant 0 : i32
    %dma_wait3A_63 = tpu.memref_slice %arg2[%dma_wait3A_61, %dma_wait3A_62] : memref<16384x1024xf32, #tpu.memory_space<hbm>> -> memref<32x1024xf32, #tpu.memory_space<hbm>>
    %dma_wait3A_64 = arith.constant 0 : i32
    %dma_wait3A_65 = arith.constant 0 : i32
    %dma_wait3A_66 = tpu.memref_slice %arg4[%dma_wait3A_64, %dma_wait3A_65] : memref<36x1024xf32, #tpu.memory_space<vmem>> -> memref<32x1024xf32, #tpu.memory_space<vmem>>
    %dma_wait3A_67 = arith.constant 0 : i32
    %dma_wait3A_68 = arith.constant 0 : i32
    %dma_wait3A_69 = tpu.memref_slice %arg2[%dma_wait3A_67, %dma_wait3A_68] : memref<16384x1024xf32, #tpu.memory_space<hbm>> -> memref<32x1024xf32, #tpu.memory_space<hbm>>
    tpu.wait_dma2 semaphore(%arg7 : memref<!tpu.dma_semaphore, #tpu.memory_space<semaphore_mem>>) src(%dma_wait3A_69 : memref<32x1024xf32, #tpu.memory_space<hbm>>) dst(%dma_wait3A_66 : memref<32x1024xf32, #tpu.memory_space<vmem>>)
    %dma_wait3A_70 = arith.constant 32 : i32
    %dma_wait3A_71 = arith.constant 0 : i32
    %dma_wait3A_72 = tpu.memref_slice %arg4[%dma_wait3A_70, %dma_wait3A_71] : memref<36x1024xf32, #tpu.memory_space<vmem>> -> memref<4x1024xf32, #tpu.memory_space<vmem>>
    %dma_wait3A_73 = arith.constant 0 : i32
    %dma_wait3A_74 = arith.constant 0 : i32
    %dma_wait3A_75 = tpu.memref_slice %arg2[%dma_wait3A_73, %dma_wait3A_74] : memref<16384x1024xf32, #tpu.memory_space<hbm>> -> memref<4x1024xf32, #tpu.memory_space<hbm>>
    %dma_wait3A_76 = arith.constant 32 : i32
    %dma_wait3A_77 = arith.constant 0 : i32
    %dma_wait3A_78 = tpu.memref_slice %arg4[%dma_wait3A_76, %dma_wait3A_77] : memref<36x1024xf32, #tpu.memory_space<vmem>> -> memref<4x1024xf32, #tpu.memory_space<vmem>>
    %dma_wait3A_79 = arith.constant 0 : i32
    %dma_wait3A_80 = arith.constant 0 : i32
    %dma_wait3A_81 = tpu.memref_slice %arg2[%dma_wait3A_79, %dma_wait3A_80] : memref<16384x1024xf32, #tpu.memory_space<hbm>> -> memref<4x1024xf32, #tpu.memory_space<hbm>>
    tpu.wait_dma2 semaphore(%arg7 : memref<!tpu.dma_semaphore, #tpu.memory_space<semaphore_mem>>) src(%dma_wait3A_81 : memref<4x1024xf32, #tpu.memory_space<hbm>>) dst(%dma_wait3A_78 : memref<4x1024xf32, #tpu.memory_space<vmem>>)
    %add3A_82 = arith.constant 32 : i32
    %add3A_83 = arith.addi %add3A_58, %add3A_82 : i32
    %and3A = arith.constant 4095 : i32
    %and3A_84 = arith.andi %add3A_83, %and3A : i32
    %eq3A = arith.constant 0 : i32
    %eq3A_85 = arith.cmpi eq, %and3A_84, %eq3A : i32
    %convert_element_type3A = arith.extui %eq3A_85 : i1 to i32
    %cond3A = arith.constant 0 : i32
    %cond3A_86 = arith.cmpi ne, %convert_element_type3A, %cond3A : i32
    scf.if %cond3A_86 {
      %scan3A_176 = arith.constant 0 : i32
      %scan3A_177 = arith.constant 0 : i32
      %scan3A_178 = arith.constant 64 : i32
      %scan3A_179 = arith.addi %scan3A_177, %scan3A_178 : i32
      %scan3A_180 = arith.constant 1 : i32
      %scan3A_181 = scf.for %scan3A_183 = %scan3A_177 to %scan3A_179 step %scan3A_180 iter_args(%scan3A_184 = %scan3A_176) -> (i32)  : i32 {
        %broadcast_in_dim3A = arith.constant 0.000000e+00 : f32
        %broadcast_in_dim3A_185 = vector.broadcast %broadcast_in_dim3A : f32 to vector<16xf32>
        %mul3A_186 = arith.constant 16 : i32
        %mul3A_187 = arith.muli %scan3A_183, %mul3A_186 : i32
        %swap3A = arith.constant 32 : i32
        %swap3A_188 = arith.index_cast %swap3A : i32 to index
        %swap3A_189 = arith.index_cast %mul3A_187 : i32 to index
        %swap3A_190 = tpu.vector_load %arg4[%swap3A_188, %swap3A_189] {strides = array<i32>} : memref<36x1024xf32, #tpu.memory_space<vmem>>, vector<1x16xf32>,
        %swap3A_191 = vector.shape_cast %swap3A_190 : vector<1x16xf32> to vector<16xf32>
        %swap3A_192 = vector.shape_cast %broadcast_in_dim3A_185 : vector<16xf32> to vector<1x16xf32>
        tpu.vector_store %arg4[%swap3A_188, %swap3A_189], %swap3A_192 {strides = array<i32>} : memref<36x1024xf32, #tpu.memory_space<vmem>>, vector<1x16xf32>,
        %mul3A_193 = arith.constant 16 : i32
        %mul3A_194 = arith.muli %scan3A_183, %mul3A_193 : i32
        %swap3A_195 = arith.constant 33 : i32
        %swap3A_196 = arith.index_cast %swap3A_195 : i32 to index
        %swap3A_197 = arith.index_cast %mul3A_194 : i32 to index
        %swap3A_198 = tpu.vector_load %arg4[%swap3A_196, %swap3A_197] {strides = array<i32>} : memref<36x1024xf32, #tpu.memory_space<vmem>>, vector<1x16xf32>,
        %swap3A_199 = vector.shape_cast %swap3A_198 : vector<1x16xf32> to vector<16xf32>
        %swap3A_200 = vector.shape_cast %broadcast_in_dim3A_185 : vector<16xf32> to vector<1x16xf32>
        tpu.vector_store %arg4[%swap3A_196, %swap3A_197], %swap3A_200 {strides = array<i32>} : memref<36x1024xf32, #tpu.memory_space<vmem>>, vector<1x16xf32>,
        %mul3A_201 = arith.constant 16 : i32
        %mul3A_202 = arith.muli %scan3A_183, %mul3A_201 : i32
        %swap3A_203 = arith.constant 34 : i32
        %swap3A_204 = arith.index_cast %swap3A_203 : i32 to index
        %swap3A_205 = arith.index_cast %mul3A_202 : i32 to index
        %swap3A_206 = tpu.vector_load %arg4[%swap3A_204, %swap3A_205] {strides = array<i32>} : memref<36x1024xf32, #tpu.memory_space<vmem>>, vector<1x16xf32>,
        %swap3A_207 = vector.shape_cast %swap3A_206 : vector<1x16xf32> to vector<16xf32>
        %swap3A_208 = vector.shape_cast %broadcast_in_dim3A_185 : vector<16xf32> to vector<1x16xf32>
        tpu.vector_store %arg4[%swap3A_204, %swap3A_205], %swap3A_208 {strides = array<i32>} : memref<36x1024xf32, #tpu.memory_space<vmem>>, vector<1x16xf32>,
        %mul3A_209 = arith.constant 16 : i32
        %mul3A_210 = arith.muli %scan3A_183, %mul3A_209 : i32
        %swap3A_211 = arith.constant 35 : i32
        %swap3A_212 = arith.index_cast %swap3A_211 : i32 to index
        %swap3A_213 = arith.index_cast %mul3A_210 : i32 to index
        %swap3A_214 = tpu.vector_load %arg4[%swap3A_212, %swap3A_213] {strides = array<i32>} : memref<36x1024xf32, #tpu.memory_space<vmem>>, vector<1x16xf32>,
        %swap3A_215 = vector.shape_cast %swap3A_214 : vector<1x16xf32> to vector<16xf32>
        %swap3A_216 = vector.shape_cast %broadcast_in_dim3A_185 : vector<16xf32> to vector<1x16xf32>
        tpu.vector_store %arg4[%swap3A_212, %swap3A_213], %swap3A_216 {strides = array<i32>} : memref<36x1024xf32, #tpu.memory_space<vmem>>, vector<1x16xf32>,
        %scan3A_217 = arith.constant 0 : i32
        scf.yield %scan3A_217 : i32
      }
      %scan3A_182 = arith.constant 64 : i32
    } else {
    }
    %scan3A_87 = arith.constant 0 : i32
    %scan3A_88 = arith.constant 0 : i32
    %scan3A_89 = arith.constant 64 : i32
    %scan3A_90 = arith.addi %scan3A_88, %scan3A_89 : i32
    %scan3A_91 = arith.constant 1 : i32
    %scan3A_92 = scf.for %scan3A_176 = %scan3A_88 to %scan3A_90 step %scan3A_91 iter_args(%scan3A_177 = %scan3A_87) -> (i32)  : i32 {
      %mul3A_178 = arith.constant 16 : i32
      %mul3A_179 = arith.muli %scan3A_176, %mul3A_178 : i32
      %get3A = arith.constant 1 : i32
      %get3A_180 = arith.index_cast %get3A : i32 to index
      %get3A_181 = arith.index_cast %mul3A_179 : i32 to index
      %get3A_182 = tpu.vector_load %arg4[%get3A_180, %get3A_181] {strides = array<i32>} : memref<36x1024xf32, #tpu.memory_space<vmem>>, vector<1x16xf32>,
      %get3A_183 = vector.shape_cast %get3A_182 : vector<1x16xf32> to vector<16xf32>
      %get3A_184 = arith.constant 2 : i32
      %get3A_185 = arith.index_cast %get3A_184 : i32 to index
      %get3A_186 = arith.index_cast %mul3A_179 : i32 to index
      %get3A_187 = tpu.vector_load %arg4[%get3A_185, %get3A_186] {strides = array<i32>} : memref<36x1024xf32, #tpu.memory_space<vmem>>, vector<1x16xf32>,
      %get3A_188 = vector.shape_cast %get3A_187 : vector<1x16xf32> to vector<16xf32>
      %get3A_189 = arith.constant 3 : i32
      %get3A_190 = arith.index_cast %get3A_189 : i32 to index
      %get3A_191 = arith.index_cast %mul3A_179 : i32 to index
      %get3A_192 = tpu.vector_load %arg4[%get3A_190, %get3A_191] {strides = array<i32>} : memref<36x1024xf32, #tpu.memory_space<vmem>>, vector<1x16xf32>,
      %get3A_193 = vector.shape_cast %get3A_192 : vector<1x16xf32> to vector<16xf32>
      %add3A_194 = arith.addf %get3A_183, %get3A_188 : vector<16xf32>
      %add3A_195 = arith.addf %get3A_188, %get3A_193 : vector<16xf32>
      %get3A_196 = arith.constant 4 : i32
      %get3A_197 = arith.index_cast %get3A_196 : i32 to index
      %get3A_198 = arith.index_cast %mul3A_179 : i32 to index
      %get3A_199 = tpu.vector_load %arg4[%get3A_197, %get3A_198] {strides = array<i32>} : memref<36x1024xf32, #tpu.memory_space<vmem>>, vector<1x16xf32>,
      %get3A_200 = vector.shape_cast %get3A_199 : vector<1x16xf32> to vector<16xf32>
      %add3A_201 = arith.addf %get3A_193, %get3A_200 : vector<16xf32>
      %add3A_202 = arith.addf %add3A_194, %add3A_201 : vector<16xf32>
      %mul3A_203 = arith.constant 2.500000e-01 : f32
      %mul3A_204 = vector.broadcast %mul3A_203 : f32 to vector<16xf32>
      %mul3A_205 = arith.mulf %add3A_202, %mul3A_204 : vector<16xf32>
      %swap3A = arith.constant 0 : i32
      %swap3A_206 = arith.index_cast %swap3A : i32 to index
      %swap3A_207 = arith.index_cast %mul3A_179 : i32 to index
      %swap3A_208 = tpu.vector_load %arg4[%swap3A_206, %swap3A_207] {strides = array<i32>} : memref<36x1024xf32, #tpu.memory_space<vmem>>, vector<1x16xf32>,
      %swap3A_209 = vector.shape_cast %swap3A_208 : vector<1x16xf32> to vector<16xf32>
      %swap3A_210 = vector.shape_cast %mul3A_205 : vector<16xf32> to vector<1x16xf32>
      tpu.vector_store %arg4[%swap3A_206, %swap3A_207], %swap3A_210 {strides = array<i32>} : memref<36x1024xf32, #tpu.memory_space<vmem>>, vector<1x16xf32>,
      %get3A_211 = arith.constant 5 : i32
      %get3A_212 = arith.index_cast %get3A_211 : i32 to index
      %get3A_213 = arith.index_cast %mul3A_179 : i32 to index
      %get3A_214 = tpu.vector_load %arg4[%get3A_212, %get3A_213] {strides = array<i32>} : memref<36x1024xf32, #tpu.memory_space<vmem>>, vector<1x16xf32>,
      %get3A_215 = vector.shape_cast %get3A_214 : vector<1x16xf32> to vector<16xf32>
      %add3A_216 = arith.addf %get3A_200, %get3A_215 : vector<16xf32>
      %add3A_217 = arith.addf %add3A_195, %add3A_216 : vector<16xf32>
      %mul3A_218 = arith.constant 2.500000e-01 : f32
      %mul3A_219 = vector.broadcast %mul3A_218 : f32 to vector<16xf32>
      %mul3A_220 = arith.mulf %add3A_217, %mul3A_219 : vector<16xf32>
      %swap3A_221 = arith.constant 1 : i32
      %swap3A_222 = arith.index_cast %swap3A_221 : i32 to index
      %swap3A_223 = arith.index_cast %mul3A_179 : i32 to index
      %swap3A_224 = tpu.vector_load %arg4[%swap3A_222, %swap3A_223] {strides = array<i32>} : memref<36x1024xf32, #tpu.memory_space<vmem>>, vector<1x16xf32>,
      %swap3A_225 = vector.shape_cast %swap3A_224 : vector<1x16xf32> to vector<16xf32>
      %swap3A_226 = vector.shape_cast %mul3A_220 : vector<16xf32> to vector<1x16xf32>
      tpu.vector_store %arg4[%swap3A_222, %swap3A_223], %swap3A_226 {strides = array<i32>} : memref<36x1024xf32, #tpu.memory_space<vmem>>, vector<1x16xf32>,
      %get3A_227 = arith.constant 6 : i32
      %get3A_228 = arith.index_cast %get3A_227 : i32 to index
      %get3A_229 = arith.index_cast %mul3A_179 : i32 to index
      %get3A_230 = tpu.vector_load %arg4[%get3A_228, %get3A_229] {strides = array<i32>} : memref<36x1024xf32, #tpu.memory_space<vmem>>, vector<1x16xf32>,
      %get3A_231 = vector.shape_cast %get3A_230 : vector<1x16xf32> to vector<16xf32>
      %add3A_232 = arith.addf %get3A_215, %get3A_231 : vector<16xf32>
      %add3A_233 = arith.addf %add3A_201, %add3A_232 : vector<16xf32>
      %mul3A_234 = arith.constant 2.500000e-01 : f32
      %mul3A_235 = vector.broadcast %mul3A_234 : f32 to vector<16xf32>
      %mul3A_236 = arith.mulf %add3A_233, %mul3A_235 : vector<16xf32>
      %swap3A_237 = arith.constant 2 : i32
      %swap3A_238 = arith.index_cast %swap3A_237 : i32 to index
      %swap3A_239 = arith.index_cast %mul3A_179 : i32 to index
      %swap3A_240 = tpu.vector_load %arg4[%swap3A_238, %swap3A_239] {strides = array<i32>} : memref<36x1024xf32, #tpu.memory_space<vmem>>, vector<1x16xf32>,
      %swap3A_241 = vector.shape_cast %swap3A_240 : vector<1x16xf32> to vector<16xf32>
      %swap3A_242 = vector.shape_cast %mul3A_236 : vector<16xf32> to vector<1x16xf32>
      tpu.vector_store %arg4[%swap3A_238, %swap3A_239], %swap3A_242 {strides = array<i32>} : memref<36x1024xf32, #tpu.memory_space<vmem>>, vector<1x16xf32>,
      %get3A_243 = arith.constant 7 : i32
      %get3A_244 = arith.index_cast %get3A_243 : i32 to index
      %get3A_245 = arith.index_cast %mul3A_179 : i32 to index
      %get3A_246 = tpu.vector_load %arg4[%get3A_244, %get3A_245] {strides = array<i32>} : memref<36x1024xf32, #tpu.memory_space<vmem>>, vector<1x16xf32>,
      %get3A_247 = vector.shape_cast %get3A_246 : vector<1x16xf32> to vector<16xf32>
      %add3A_248 = arith.addf %get3A_231, %get3A_247 : vector<16xf32>
      %add3A_249 = arith.addf %add3A_216, %add3A_248 : vector<16xf32>
      %mul3A_250 = arith.constant 2.500000e-01 : f32
      %mul3A_251 = vector.broadcast %mul3A_250 : f32 to vector<16xf32>
      %mul3A_252 = arith.mulf %add3A_249, %mul3A_251 : vector<16xf32>
      %swap3A_253 = arith.constant 3 : i32
      %swap3A_254 = arith.index_cast %swap3A_253 : i32 to index
      %swap3A_255 = arith.index_cast %mul3A_179 : i32 to index
      %swap3A_256 = tpu.vector_load %arg4[%swap3A_254, %swap3A_255] {strides = array<i32>} : memref<36x1024xf32, #tpu.memory_space<vmem>>, vector<1x16xf32>,
      %swap3A_257 = vector.shape_cast %swap3A_256 : vector<1x16xf32> to vector<16xf32>
      %swap3A_258 = vector.shape_cast %mul3A_252 : vector<16xf32> to vector<1x16xf32>
      tpu.vector_store %arg4[%swap3A_254, %swap3A_255], %swap3A_258 {strides = array<i32>} : memref<36x1024xf32, #tpu.memory_space<vmem>>, vector<1x16xf32>,
      %get3A_259 = arith.constant 8 : i32
      %get3A_260 = arith.index_cast %get3A_259 : i32 to index
      %get3A_261 = arith.index_cast %mul3A_179 : i32 to index
      %get3A_262 = tpu.vector_load %arg4[%get3A_260, %get3A_261] {strides = array<i32>} : memref<36x1024xf32, #tpu.memory_space<vmem>>, vector<1x16xf32>,
      %get3A_263 = vector.shape_cast %get3A_262 : vector<1x16xf32> to vector<16xf32>
      %add3A_264 = arith.addf %get3A_247, %get3A_263 : vector<16xf32>
      %add3A_265 = arith.addf %add3A_232, %add3A_264 : vector<16xf32>
      %mul3A_266 = arith.constant 2.500000e-01 : f32
      %mul3A_267 = vector.broadcast %mul3A_266 : f32 to vector<16xf32>
      %mul3A_268 = arith.mulf %add3A_265, %mul3A_267 : vector<16xf32>
      %swap3A_269 = arith.constant 4 : i32
      %swap3A_270 = arith.index_cast %swap3A_269 : i32 to index
      %swap3A_271 = arith.index_cast %mul3A_179 : i32 to index
      %swap3A_272 = tpu.vector_load %arg4[%swap3A_270, %swap3A_271] {strides = array<i32>} : memref<36x1024xf32, #tpu.memory_space<vmem>>, vector<1x16xf32>,
      %swap3A_273 = vector.shape_cast %swap3A_272 : vector<1x16xf32> to vector<16xf32>
      %swap3A_274 = vector.shape_cast %mul3A_268 : vector<16xf32> to vector<1x16xf32>
      tpu.vector_store %arg4[%swap3A_270, %swap3A_271], %swap3A_274 {strides = array<i32>} : memref<36x1024xf32, #tpu.memory_space<vmem>>, vector<1x16xf32>,
      %get3A_275 = arith.constant 9 : i32
      %get3A_276 = arith.index_cast %get3A_275 : i32 to index
      %get3A_277 = arith.index_cast %mul3A_179 : i32 to index
      %get3A_278 = tpu.vector_load %arg4[%get3A_276, %get3A_277] {strides = array<i32>} : memref<36x1024xf32, #tpu.memory_space<vmem>>, vector<1x16xf32>,
      %get3A_279 = vector.shape_cast %get3A_278 : vector<1x16xf32> to vector<16xf32>
      %add3A_280 = arith.addf %get3A_263, %get3A_279 : vector<16xf32>
      %add3A_281 = arith.addf %add3A_248, %add3A_280 : vector<16xf32>
      %mul3A_282 = arith.constant 2.500000e-01 : f32
      %mul3A_283 = vector.broadcast %mul3A_282 : f32 to vector<16xf32>
      %mul3A_284 = arith.mulf %add3A_281, %mul3A_283 : vector<16xf32>
      %swap3A_285 = arith.constant 5 : i32
      %swap3A_286 = arith.index_cast %swap3A_285 : i32 to index
      %swap3A_287 = arith.index_cast %mul3A_179 : i32 to index
      %swap3A_288 = tpu.vector_load %arg4[%swap3A_286, %swap3A_287] {strides = array<i32>} : memref<36x1024xf32, #tpu.memory_space<vmem>>, vector<1x16xf32>,
      %swap3A_289 = vector.shape_cast %swap3A_288 : vector<1x16xf32> to vector<16xf32>
      %swap3A_290 = vector.shape_cast %mul3A_284 : vector<16xf32> to vector<1x16xf32>
      tpu.vector_store %arg4[%swap3A_286, %swap3A_287], %swap3A_290 {strides = array<i32>} : memref<36x1024xf32, #tpu.memory_space<vmem>>, vector<1x16xf32>,
      %get3A_291 = arith.constant 10 : i32
      %get3A_292 = arith.index_cast %get3A_291 : i32 to index
      %get3A_293 = arith.index_cast %mul3A_179 : i32 to index
      %get3A_294 = tpu.vector_load %arg4[%get3A_292, %get3A_293] {strides = array<i32>} : memref<36x1024xf32, #tpu.memory_space<vmem>>, vector<1x16xf32>,
      %get3A_295 = vector.shape_cast %get3A_294 : vector<1x16xf32> to vector<16xf32>
      %add3A_296 = arith.addf %get3A_279, %get3A_295 : vector<16xf32>
      %add3A_297 = arith.addf %add3A_264, %add3A_296 : vector<16xf32>
      %mul3A_298 = arith.constant 2.500000e-01 : f32
      %mul3A_299 = vector.broadcast %mul3A_298 : f32 to vector<16xf32>
      %mul3A_300 = arith.mulf %add3A_297, %mul3A_299 : vector<16xf32>
      %swap3A_301 = arith.constant 6 : i32
      %swap3A_302 = arith.index_cast %swap3A_301 : i32 to index
      %swap3A_303 = arith.index_cast %mul3A_179 : i32 to index
      %swap3A_304 = tpu.vector_load %arg4[%swap3A_302, %swap3A_303] {strides = array<i32>} : memref<36x1024xf32, #tpu.memory_space<vmem>>, vector<1x16xf32>,
      %swap3A_305 = vector.shape_cast %swap3A_304 : vector<1x16xf32> to vector<16xf32>
      %swap3A_306 = vector.shape_cast %mul3A_300 : vector<16xf32> to vector<1x16xf32>
      tpu.vector_store %arg4[%swap3A_302, %swap3A_303], %swap3A_306 {strides = array<i32>} : memref<36x1024xf32, #tpu.memory_space<vmem>>, vector<1x16xf32>,
      %get3A_307 = arith.constant 11 : i32
      %get3A_308 = arith.index_cast %get3A_307 : i32 to index
      %get3A_309 = arith.index_cast %mul3A_179 : i32 to index
      %get3A_310 = tpu.vector_load %arg4[%get3A_308, %get3A_309] {strides = array<i32>} : memref<36x1024xf32, #tpu.memory_space<vmem>>, vector<1x16xf32>,
      %get3A_311 = vector.shape_cast %get3A_310 : vector<1x16xf32> to vector<16xf32>
      %add3A_312 = arith.addf %get3A_295, %get3A_311 : vector<16xf32>
      %add3A_313 = arith.addf %add3A_280, %add3A_312 : vector<16xf32>
      %mul3A_314 = arith.constant 2.500000e-01 : f32
      %mul3A_315 = vector.broadcast %mul3A_314 : f32 to vector<16xf32>
      %mul3A_316 = arith.mulf %add3A_313, %mul3A_315 : vector<16xf32>
      %swap3A_317 = arith.constant 7 : i32
      %swap3A_318 = arith.index_cast %swap3A_317 : i32 to index
      %swap3A_319 = arith.index_cast %mul3A_179 : i32 to index
      %swap3A_320 = tpu.vector_load %arg4[%swap3A_318, %swap3A_319] {strides = array<i32>} : memref<36x1024xf32, #tpu.memory_space<vmem>>, vector<1x16xf32>,
      %swap3A_321 = vector.shape_cast %swap3A_320 : vector<1x16xf32> to vector<16xf32>
      %swap3A_322 = vector.shape_cast %mul3A_316 : vector<16xf32> to vector<1x16xf32>
      tpu.vector_store %arg4[%swap3A_318, %swap3A_319], %swap3A_322 {strides = array<i32>} : memref<36x1024xf32, #tpu.memory_space<vmem>>, vector<1x16xf32>,
      %get3A_323 = arith.constant 12 : i32
      %get3A_324 = arith.index_cast %get3A_323 : i32 to index
      %get3A_325 = arith.index_cast %mul3A_179 : i32 to index
      %get3A_326 = tpu.vector_load %arg4[%get3A_324, %get3A_325] {strides = array<i32>} : memref<36x1024xf32, #tpu.memory_space<vmem>>, vector<1x16xf32>,
      %get3A_327 = vector.shape_cast %get3A_326 : vector<1x16xf32> to vector<16xf32>
      %add3A_328 = arith.addf %get3A_311, %get3A_327 : vector<16xf32>
      %add3A_329 = arith.addf %add3A_296, %add3A_328 : vector<16xf32>
      %mul3A_330 = arith.constant 2.500000e-01 : f32
      %mul3A_331 = vector.broadcast %mul3A_330 : f32 to vector<16xf32>
      %mul3A_332 = arith.mulf %add3A_329, %mul3A_331 : vector<16xf32>
      %swap3A_333 = arith.constant 8 : i32
      %swap3A_334 = arith.index_cast %swap3A_333 : i32 to index
      %swap3A_335 = arith.index_cast %mul3A_179 : i32 to index
      %swap3A_336 = tpu.vector_load %arg4[%swap3A_334, %swap3A_335] {strides = array<i32>} : memref<36x1024xf32, #tpu.memory_space<vmem>>, vector<1x16xf32>,
      %swap3A_337 = vector.shape_cast %swap3A_336 : vector<1x16xf32> to vector<16xf32>
      %swap3A_338 = vector.shape_cast %mul3A_332 : vector<16xf32> to vector<1x16xf32>
      tpu.vector_store %arg4[%swap3A_334, %swap3A_335], %swap3A_338 {strides = array<i32>} : memref<36x1024xf32, #tpu.memory_space<vmem>>, vector<1x16xf32>,
      %get3A_339 = arith.constant 13 : i32
      %get3A_340 = arith.index_cast %get3A_339 : i32 to index
      %get3A_341 = arith.index_cast %mul3A_179 : i32 to index
      %get3A_342 = tpu.vector_load %arg4[%get3A_340, %get3A_341] {strides = array<i32>} : memref<36x1024xf32, #tpu.memory_space<vmem>>, vector<1x16xf32>,
      %get3A_343 = vector.shape_cast %get3A_342 : vector<1x16xf32> to vector<16xf32>
      %add3A_344 = arith.addf %get3A_327, %get3A_343 : vector<16xf32>
      %add3A_345 = arith.addf %add3A_312, %add3A_344 : vector<16xf32>
      %mul3A_346 = arith.constant 2.500000e-01 : f32
      %mul3A_347 = vector.broadcast %mul3A_346 : f32 to vector<16xf32>
      %mul3A_348 = arith.mulf %add3A_345, %mul3A_347 : vector<16xf32>
      %swap3A_349 = arith.constant 9 : i32
      %swap3A_350 = arith.index_cast %swap3A_349 : i32 to index
      %swap3A_351 = arith.index_cast %mul3A_179 : i32 to index
      %swap3A_352 = tpu.vector_load %arg4[%swap3A_350, %swap3A_351] {strides = array<i32>} : memref<36x1024xf32, #tpu.memory_space<vmem>>, vector<1x16xf32>,
      %swap3A_353 = vector.shape_cast %swap3A_352 : vector<1x16xf32> to vector<16xf32>
      %swap3A_354 = vector.shape_cast %mul3A_348 : vector<16xf32> to vector<1x16xf32>
      tpu.vector_store %arg4[%swap3A_350, %swap3A_351], %swap3A_354 {strides = array<i32>} : memref<36x1024xf32, #tpu.memory_space<vmem>>, vector<1x16xf32>,
      %get3A_355 = arith.constant 14 : i32
      %get3A_356 = arith.index_cast %get3A_355 : i32 to index
      %get3A_357 = arith.index_cast %mul3A_179 : i32 to index
      %get3A_358 = tpu.vector_load %arg4[%get3A_356, %get3A_357] {strides = array<i32>} : memref<36x1024xf32, #tpu.memory_space<vmem>>, vector<1x16xf32>,
      %get3A_359 = vector.shape_cast %get3A_358 : vector<1x16xf32> to vector<16xf32>
      %add3A_360 = arith.addf %get3A_343, %get3A_359 : vector<16xf32>
      %add3A_361 = arith.addf %add3A_328, %add3A_360 : vector<16xf32>
      %mul3A_362 = arith.constant 2.500000e-01 : f32
      %mul3A_363 = vector.broadcast %mul3A_362 : f32 to vector<16xf32>
      %mul3A_364 = arith.mulf %add3A_361, %mul3A_363 : vector<16xf32>
      %swap3A_365 = arith.constant 10 : i32
      %swap3A_366 = arith.index_cast %swap3A_365 : i32 to index
      %swap3A_367 = arith.index_cast %mul3A_179 : i32 to index
      %swap3A_368 = tpu.vector_load %arg4[%swap3A_366, %swap3A_367] {strides = array<i32>} : memref<36x1024xf32, #tpu.memory_space<vmem>>, vector<1x16xf32>,
      %swap3A_369 = vector.shape_cast %swap3A_368 : vector<1x16xf32> to vector<16xf32>
      %swap3A_370 = vector.shape_cast %mul3A_364 : vector<16xf32> to vector<1x16xf32>
      tpu.vector_store %arg4[%swap3A_366, %swap3A_367], %swap3A_370 {strides = array<i32>} : memref<36x1024xf32, #tpu.memory_space<vmem>>, vector<1x16xf32>,
      %get3A_371 = arith.constant 15 : i32
      %get3A_372 = arith.index_cast %get3A_371 : i32 to index
      %get3A_373 = arith.index_cast %mul3A_179 : i32 to index
      %get3A_374 = tpu.vector_load %arg4[%get3A_372, %get3A_373] {strides = array<i32>} : memref<36x1024xf32, #tpu.memory_space<vmem>>, vector<1x16xf32>,
      %get3A_375 = vector.shape_cast %get3A_374 : vector<1x16xf32> to vector<16xf32>
      %add3A_376 = arith.addf %get3A_359, %get3A_375 : vector<16xf32>
      %add3A_377 = arith.addf %add3A_344, %add3A_376 : vector<16xf32>
      %mul3A_378 = arith.constant 2.500000e-01 : f32
      %mul3A_379 = vector.broadcast %mul3A_378 : f32 to vector<16xf32>
      %mul3A_380 = arith.mulf %add3A_377, %mul3A_379 : vector<16xf32>
      %swap3A_381 = arith.constant 11 : i32
      %swap3A_382 = arith.index_cast %swap3A_381 : i32 to index
      %swap3A_383 = arith.index_cast %mul3A_179 : i32 to index
      %swap3A_384 = tpu.vector_load %arg4[%swap3A_382, %swap3A_383] {strides = array<i32>} : memref<36x1024xf32, #tpu.memory_space<vmem>>, vector<1x16xf32>,
      %swap3A_385 = vector.shape_cast %swap3A_384 : vector<1x16xf32> to vector<16xf32>
      %swap3A_386 = vector.shape_cast %mul3A_380 : vector<16xf32> to vector<1x16xf32>
      tpu.vector_store %arg4[%swap3A_382, %swap3A_383], %swap3A_386 {strides = array<i32>} : memref<36x1024xf32, #tpu.memory_space<vmem>>, vector<1x16xf32>,
      %get3A_387 = arith.constant 16 : i32
      %get3A_388 = arith.index_cast %get3A_387 : i32 to index
      %get3A_389 = arith.index_cast %mul3A_179 : i32 to index
      %get3A_390 = tpu.vector_load %arg4[%get3A_388, %get3A_389] {strides = array<i32>} : memref<36x1024xf32, #tpu.memory_space<vmem>>, vector<1x16xf32>,
      %get3A_391 = vector.shape_cast %get3A_390 : vector<1x16xf32> to vector<16xf32>
      %add3A_392 = arith.addf %get3A_375, %get3A_391 : vector<16xf32>
      %add3A_393 = arith.addf %add3A_360, %add3A_392 : vector<16xf32>
      %mul3A_394 = arith.constant 2.500000e-01 : f32
      %mul3A_395 = vector.broadcast %mul3A_394 : f32 to vector<16xf32>
      %mul3A_396 = arith.mulf %add3A_393, %mul3A_395 : vector<16xf32>
      %swap3A_397 = arith.constant 12 : i32
      %swap3A_398 = arith.index_cast %swap3A_397 : i32 to index
      %swap3A_399 = arith.index_cast %mul3A_179 : i32 to index
      %swap3A_400 = tpu.vector_load %arg4[%swap3A_398, %swap3A_399] {strides = array<i32>} : memref<36x1024xf32, #tpu.memory_space<vmem>>, vector<1x16xf32>,
      %swap3A_401 = vector.shape_cast %swap3A_400 : vector<1x16xf32> to vector<16xf32>
      %swap3A_402 = vector.shape_cast %mul3A_396 : vector<16xf32> to vector<1x16xf32>
      tpu.vector_store %arg4[%swap3A_398, %swap3A_399], %swap3A_402 {strides = array<i32>} : memref<36x1024xf32, #tpu.memory_space<vmem>>, vector<1x16xf32>,
      %get3A_403 = arith.constant 17 : i32
      %get3A_404 = arith.index_cast %get3A_403 : i32 to index
      %get3A_405 = arith.index_cast %mul3A_179 : i32 to index
      %get3A_406 = tpu.vector_load %arg4[%get3A_404, %get3A_405] {strides = array<i32>} : memref<36x1024xf32, #tpu.memory_space<vmem>>, vector<1x16xf32>,
      %get3A_407 = vector.shape_cast %get3A_406 : vector<1x16xf32> to vector<16xf32>
      %add3A_408 = arith.addf %get3A_391, %get3A_407 : vector<16xf32>
      %add3A_409 = arith.addf %add3A_376, %add3A_408 : vector<16xf32>
      %mul3A_410 = arith.constant 2.500000e-01 : f32
      %mul3A_411 = vector.broadcast %mul3A_410 : f32 to vector<16xf32>
      %mul3A_412 = arith.mulf %add3A_409, %mul3A_411 : vector<16xf32>
      %swap3A_413 = arith.constant 13 : i32
      %swap3A_414 = arith.index_cast %swap3A_413 : i32 to index
      %swap3A_415 = arith.index_cast %mul3A_179 : i32 to index
      %swap3A_416 = tpu.vector_load %arg4[%swap3A_414, %swap3A_415] {strides = array<i32>} : memref<36x1024xf32, #tpu.memory_space<vmem>>, vector<1x16xf32>,
      %swap3A_417 = vector.shape_cast %swap3A_416 : vector<1x16xf32> to vector<16xf32>
      %swap3A_418 = vector.shape_cast %mul3A_412 : vector<16xf32> to vector<1x16xf32>
      tpu.vector_store %arg4[%swap3A_414, %swap3A_415], %swap3A_418 {strides = array<i32>} : memref<36x1024xf32, #tpu.memory_space<vmem>>, vector<1x16xf32>,
      %get3A_419 = arith.constant 18 : i32
      %get3A_420 = arith.index_cast %get3A_419 : i32 to index
      %get3A_421 = arith.index_cast %mul3A_179 : i32 to index
      %get3A_422 = tpu.vector_load %arg4[%get3A_420, %get3A_421] {strides = array<i32>} : memref<36x1024xf32, #tpu.memory_space<vmem>>, vector<1x16xf32>,
      %get3A_423 = vector.shape_cast %get3A_422 : vector<1x16xf32> to vector<16xf32>
      %add3A_424 = arith.addf %get3A_407, %get3A_423 : vector<16xf32>
      %add3A_425 = arith.addf %add3A_392, %add3A_424 : vector<16xf32>
      %mul3A_426 = arith.constant 2.500000e-01 : f32
      %mul3A_427 = vector.broadcast %mul3A_426 : f32 to vector<16xf32>
      %mul3A_428 = arith.mulf %add3A_425, %mul3A_427 : vector<16xf32>
      %swap3A_429 = arith.constant 14 : i32
      %swap3A_430 = arith.index_cast %swap3A_429 : i32 to index
      %swap3A_431 = arith.index_cast %mul3A_179 : i32 to index
      %swap3A_432 = tpu.vector_load %arg4[%swap3A_430, %swap3A_431] {strides = array<i32>} : memref<36x1024xf32, #tpu.memory_space<vmem>>, vector<1x16xf32>,
      %swap3A_433 = vector.shape_cast %swap3A_432 : vector<1x16xf32> to vector<16xf32>
      %swap3A_434 = vector.shape_cast %mul3A_428 : vector<16xf32> to vector<1x16xf32>
      tpu.vector_store %arg4[%swap3A_430, %swap3A_431], %swap3A_434 {strides = array<i32>} : memref<36x1024xf32, #tpu.memory_space<vmem>>, vector<1x16xf32>,
      %get3A_435 = arith.constant 19 : i32
      %get3A_436 = arith.index_cast %get3A_435 : i32 to index
      %get3A_437 = arith.index_cast %mul3A_179 : i32 to index
      %get3A_438 = tpu.vector_load %arg4[%get3A_436, %get3A_437] {strides = array<i32>} : memref<36x1024xf32, #tpu.memory_space<vmem>>, vector<1x16xf32>,
      %get3A_439 = vector.shape_cast %get3A_438 : vector<1x16xf32> to vector<16xf32>
      %add3A_440 = arith.addf %get3A_423, %get3A_439 : vector<16xf32>
      %add3A_441 = arith.addf %add3A_408, %add3A_440 : vector<16xf32>
      %mul3A_442 = arith.constant 2.500000e-01 : f32
      %mul3A_443 = vector.broadcast %mul3A_442 : f32 to vector<16xf32>
      %mul3A_444 = arith.mulf %add3A_441, %mul3A_443 : vector<16xf32>
      %swap3A_445 = arith.constant 15 : i32
      %swap3A_446 = arith.index_cast %swap3A_445 : i32 to index
      %swap3A_447 = arith.index_cast %mul3A_179 : i32 to index
      %swap3A_448 = tpu.vector_load %arg4[%swap3A_446, %swap3A_447] {strides = array<i32>} : memref<36x1024xf32, #tpu.memory_space<vmem>>, vector<1x16xf32>,
      %swap3A_449 = vector.shape_cast %swap3A_448 : vector<1x16xf32> to vector<16xf32>
      %swap3A_450 = vector.shape_cast %mul3A_444 : vector<16xf32> to vector<1x16xf32>
      tpu.vector_store %arg4[%swap3A_446, %swap3A_447], %swap3A_450 {strides = array<i32>} : memref<36x1024xf32, #tpu.memory_space<vmem>>, vector<1x16xf32>,
      %scan3A_451 = arith.constant 0 : i32
      scf.yield %scan3A_451 : i32
    }
    %scan3A_93 = arith.constant 64 : i32
    %add3A_94 = arith.constant 0 : i32
    %add3A_95 = arith.addi %add3A_58, %add3A_94 : i32
    %dma_start3A_96 = arith.constant 0 : i32
    %dma_start3A_97 = arith.constant 0 : i32
    %dma_start3A_98 = tpu.memref_slice %arg4[%dma_start3A_96, %dma_start3A_97] : memref<36x1024xf32, #tpu.memory_space<vmem>> -> memref<16x1024xf32, #tpu.memory_space<vmem>>
    %dma_start3A_99 = arith.constant 0 : i32
    %dma_start3A_100 = tpu.memref_slice %arg3[%add3A_95, %dma_start3A_99] : memref<16384x1024xf32, #tpu.memory_space<hbm>> -> memref<16x1024xf32, #tpu.memory_space<hbm>>
    %dma_start3A_101 = arith.constant 0 : i32
    %dma_start3A_102 = tpu.memref_slice %arg3[%add3A_95, %dma_start3A_101] : memref<16384x1024xf32, #tpu.memory_space<hbm>> -> memref<16x1024xf32, #tpu.memory_space<hbm>>
    %dma_start3A_103 = arith.constant 0 : i32
    %dma_start3A_104 = arith.constant 0 : i32
    %dma_start3A_105 = tpu.memref_slice %arg4[%dma_start3A_103, %dma_start3A_104] : memref<36x1024xf32, #tpu.memory_space<vmem>> -> memref<16x1024xf32, #tpu.memory_space<vmem>>
    tpu.enqueue_dma source(%dma_start3A_105 : memref<16x1024xf32, #tpu.memory_space<vmem>>) target(%dma_start3A_102 : memref<16x1024xf32, #tpu.memory_space<hbm>>) target_semaphore(%arg10 : memref<!tpu.dma_semaphore, #tpu.memory_space<semaphore_mem>>)
    %scan3A_106 = arith.constant 0 : i32
    %scan3A_107 = arith.constant 0 : i32
    %scan3A_108 = arith.constant 64 : i32
    %scan3A_109 = arith.addi %scan3A_107, %scan3A_108 : i32
    %scan3A_110 = arith.constant 1 : i32
    %scan3A_111 = scf.for %scan3A_176 = %scan3A_107 to %scan3A_109 step %scan3A_110 iter_args(%scan3A_177 = %scan3A_106) -> (i32)  : i32 {
      %mul3A_178 = arith.constant 16 : i32
      %mul3A_179 = arith.muli %scan3A_176, %mul3A_178 : i32
      %get3A = arith.constant 17 : i32
      %get3A_180 = arith.index_cast %get3A : i32 to index
      %get3A_181 = arith.index_cast %mul3A_179 : i32 to index
      %get3A_182 = tpu.vector_load %arg4[%get3A_180, %get3A_181] {strides = array<i32>} : memref<36x1024xf32, #tpu.memory_space<vmem>>, vector<1x16xf32>,
      %get3A_183 = vector.shape_cast %get3A_182 : vector<1x16xf32> to vector<16xf32>
      %get3A_184 = arith.constant 18 : i32
      %get3A_185 = arith.index_cast %get3A_184 : i32 to index
      %get3A_186 = arith.index_cast %mul3A_179 : i32 to index
      %get3A_187 = tpu.vector_load %arg4[%get3A_185, %get3A_186] {strides = array<i32>} : memref<36x1024xf32, #tpu.memory_space<vmem>>, vector<1x16xf32>,
      %get3A_188 = vector.shape_cast %get3A_187 : vector<1x16xf32> to vector<16xf32>
      %get3A_189 = arith.constant 19 : i32
      %get3A_190 = arith.index_cast %get3A_189 : i32 to index
      %get3A_191 = arith.index_cast %mul3A_179 : i32 to index
      %get3A_192 = tpu.vector_load %arg4[%get3A_190, %get3A_191] {strides = array<i32>} : memref<36x1024xf32, #tpu.memory_space<vmem>>, vector<1x16xf32>,
      %get3A_193 = vector.shape_cast %get3A_192 : vector<1x16xf32> to vector<16xf32>
      %add3A_194 = arith.addf %get3A_183, %get3A_188 : vector<16xf32>
      %add3A_195 = arith.addf %get3A_188, %get3A_193 : vector<16xf32>
      %get3A_196 = arith.constant 20 : i32
      %get3A_197 = arith.index_cast %get3A_196 : i32 to index
      %get3A_198 = arith.index_cast %mul3A_179 : i32 to index
      %get3A_199 = tpu.vector_load %arg4[%get3A_197, %get3A_198] {strides = array<i32>} : memref<36x1024xf32, #tpu.memory_space<vmem>>, vector<1x16xf32>,
      %get3A_200 = vector.shape_cast %get3A_199 : vector<1x16xf32> to vector<16xf32>
      %add3A_201 = arith.addf %get3A_193, %get3A_200 : vector<16xf32>
      %add3A_202 = arith.addf %add3A_194, %add3A_201 : vector<16xf32>
      %mul3A_203 = arith.constant 2.500000e-01 : f32
      %mul3A_204 = vector.broadcast %mul3A_203 : f32 to vector<16xf32>
      %mul3A_205 = arith.mulf %add3A_202, %mul3A_204 : vector<16xf32>
      %swap3A = arith.constant 16 : i32
      %swap3A_206 = arith.index_cast %swap3A : i32 to index
      %swap3A_207 = arith.index_cast %mul3A_179 : i32 to index
      %swap3A_208 = tpu.vector_load %arg4[%swap3A_206, %swap3A_207] {strides = array<i32>} : memref<36x1024xf32, #tpu.memory_space<vmem>>, vector<1x16xf32>,
      %swap3A_209 = vector.shape_cast %swap3A_208 : vector<1x16xf32> to vector<16xf32>
      %swap3A_210 = vector.shape_cast %mul3A_205 : vector<16xf32> to vector<1x16xf32>
      tpu.vector_store %arg4[%swap3A_206, %swap3A_207], %swap3A_210 {strides = array<i32>} : memref<36x1024xf32, #tpu.memory_space<vmem>>, vector<1x16xf32>,
      %get3A_211 = arith.constant 21 : i32
      %get3A_212 = arith.index_cast %get3A_211 : i32 to index
      %get3A_213 = arith.index_cast %mul3A_179 : i32 to index
      %get3A_214 = tpu.vector_load %arg4[%get3A_212, %get3A_213] {strides = array<i32>} : memref<36x1024xf32, #tpu.memory_space<vmem>>, vector<1x16xf32>,
      %get3A_215 = vector.shape_cast %get3A_214 : vector<1x16xf32> to vector<16xf32>
      %add3A_216 = arith.addf %get3A_200, %get3A_215 : vector<16xf32>
      %add3A_217 = arith.addf %add3A_195, %add3A_216 : vector<16xf32>
      %mul3A_218 = arith.constant 2.500000e-01 : f32
      %mul3A_219 = vector.broadcast %mul3A_218 : f32 to vector<16xf32>
      %mul3A_220 = arith.mulf %add3A_217, %mul3A_219 : vector<16xf32>
      %swap3A_221 = arith.constant 17 : i32
      %swap3A_222 = arith.index_cast %swap3A_221 : i32 to index
      %swap3A_223 = arith.index_cast %mul3A_179 : i32 to index
      %swap3A_224 = tpu.vector_load %arg4[%swap3A_222, %swap3A_223] {strides = array<i32>} : memref<36x1024xf32, #tpu.memory_space<vmem>>, vector<1x16xf32>,
      %swap3A_225 = vector.shape_cast %swap3A_224 : vector<1x16xf32> to vector<16xf32>
      %swap3A_226 = vector.shape_cast %mul3A_220 : vector<16xf32> to vector<1x16xf32>
      tpu.vector_store %arg4[%swap3A_222, %swap3A_223], %swap3A_226 {strides = array<i32>} : memref<36x1024xf32, #tpu.memory_space<vmem>>, vector<1x16xf32>,
      %get3A_227 = arith.constant 22 : i32
      %get3A_228 = arith.index_cast %get3A_227 : i32 to index
      %get3A_229 = arith.index_cast %mul3A_179 : i32 to index
      %get3A_230 = tpu.vector_load %arg4[%get3A_228, %get3A_229] {strides = array<i32>} : memref<36x1024xf32, #tpu.memory_space<vmem>>, vector<1x16xf32>,
      %get3A_231 = vector.shape_cast %get3A_230 : vector<1x16xf32> to vector<16xf32>
      %add3A_232 = arith.addf %get3A_215, %get3A_231 : vector<16xf32>
      %add3A_233 = arith.addf %add3A_201, %add3A_232 : vector<16xf32>
      %mul3A_234 = arith.constant 2.500000e-01 : f32
      %mul3A_235 = vector.broadcast %mul3A_234 : f32 to vector<16xf32>
      %mul3A_236 = arith.mulf %add3A_233, %mul3A_235 : vector<16xf32>
      %swap3A_237 = arith.constant 18 : i32
      %swap3A_238 = arith.index_cast %swap3A_237 : i32 to index
      %swap3A_239 = arith.index_cast %mul3A_179 : i32 to index
      %swap3A_240 = tpu.vector_load %arg4[%swap3A_238, %swap3A_239] {strides = array<i32>} : memref<36x1024xf32, #tpu.memory_space<vmem>>, vector<1x16xf32>,
      %swap3A_241 = vector.shape_cast %swap3A_240 : vector<1x16xf32> to vector<16xf32>
      %swap3A_242 = vector.shape_cast %mul3A_236 : vector<16xf32> to vector<1x16xf32>
      tpu.vector_store %arg4[%swap3A_238, %swap3A_239], %swap3A_242 {strides = array<i32>} : memref<36x1024xf32, #tpu.memory_space<vmem>>, vector<1x16xf32>,
      %get3A_243 = arith.constant 23 : i32
      %get3A_244 = arith.index_cast %get3A_243 : i32 to index
      %get3A_245 = arith.index_cast %mul3A_179 : i32 to index
      %get3A_246 = tpu.vector_load %arg4[%get3A_244, %get3A_245] {strides = array<i32>} : memref<36x1024xf32, #tpu.memory_space<vmem>>, vector<1x16xf32>,
      %get3A_247 = vector.shape_cast %get3A_246 : vector<1x16xf32> to vector<16xf32>
      %add3A_248 = arith.addf %get3A_231, %get3A_247 : vector<16xf32>
      %add3A_249 = arith.addf %add3A_216, %add3A_248 : vector<16xf32>
      %mul3A_250 = arith.constant 2.500000e-01 : f32
      %mul3A_251 = vector.broadcast %mul3A_250 : f32 to vector<16xf32>
      %mul3A_252 = arith.mulf %add3A_249, %mul3A_251 : vector<16xf32>
      %swap3A_253 = arith.constant 19 : i32
      %swap3A_254 = arith.index_cast %swap3A_253 : i32 to index
      %swap3A_255 = arith.index_cast %mul3A_179 : i32 to index
      %swap3A_256 = tpu.vector_load %arg4[%swap3A_254, %swap3A_255] {strides = array<i32>} : memref<36x1024xf32, #tpu.memory_space<vmem>>, vector<1x16xf32>,
      %swap3A_257 = vector.shape_cast %swap3A_256 : vector<1x16xf32> to vector<16xf32>
      %swap3A_258 = vector.shape_cast %mul3A_252 : vector<16xf32> to vector<1x16xf32>
      tpu.vector_store %arg4[%swap3A_254, %swap3A_255], %swap3A_258 {strides = array<i32>} : memref<36x1024xf32, #tpu.memory_space<vmem>>, vector<1x16xf32>,
      %get3A_259 = arith.constant 24 : i32
      %get3A_260 = arith.index_cast %get3A_259 : i32 to index
      %get3A_261 = arith.index_cast %mul3A_179 : i32 to index
      %get3A_262 = tpu.vector_load %arg4[%get3A_260, %get3A_261] {strides = array<i32>} : memref<36x1024xf32, #tpu.memory_space<vmem>>, vector<1x16xf32>,
      %get3A_263 = vector.shape_cast %get3A_262 : vector<1x16xf32> to vector<16xf32>
      %add3A_264 = arith.addf %get3A_247, %get3A_263 : vector<16xf32>
      %add3A_265 = arith.addf %add3A_232, %add3A_264 : vector<16xf32>
      %mul3A_266 = arith.constant 2.500000e-01 : f32
      %mul3A_267 = vector.broadcast %mul3A_266 : f32 to vector<16xf32>
      %mul3A_268 = arith.mulf %add3A_265, %mul3A_267 : vector<16xf32>
      %swap3A_269 = arith.constant 20 : i32
      %swap3A_270 = arith.index_cast %swap3A_269 : i32 to index
      %swap3A_271 = arith.index_cast %mul3A_179 : i32 to index
      %swap3A_272 = tpu.vector_load %arg4[%swap3A_270, %swap3A_271] {strides = array<i32>} : memref<36x1024xf32, #tpu.memory_space<vmem>>, vector<1x16xf32>,
      %swap3A_273 = vector.shape_cast %swap3A_272 : vector<1x16xf32> to vector<16xf32>
      %swap3A_274 = vector.shape_cast %mul3A_268 : vector<16xf32> to vector<1x16xf32>
      tpu.vector_store %arg4[%swap3A_270, %swap3A_271], %swap3A_274 {strides = array<i32>} : memref<36x1024xf32, #tpu.memory_space<vmem>>, vector<1x16xf32>,
      %get3A_275 = arith.constant 25 : i32
      %get3A_276 = arith.index_cast %get3A_275 : i32 to index
      %get3A_277 = arith.index_cast %mul3A_179 : i32 to index
      %get3A_278 = tpu.vector_load %arg4[%get3A_276, %get3A_277] {strides = array<i32>} : memref<36x1024xf32, #tpu.memory_space<vmem>>, vector<1x16xf32>,
      %get3A_279 = vector.shape_cast %get3A_278 : vector<1x16xf32> to vector<16xf32>
      %add3A_280 = arith.addf %get3A_263, %get3A_279 : vector<16xf32>
      %add3A_281 = arith.addf %add3A_248, %add3A_280 : vector<16xf32>
      %mul3A_282 = arith.constant 2.500000e-01 : f32
      %mul3A_283 = vector.broadcast %mul3A_282 : f32 to vector<16xf32>
      %mul3A_284 = arith.mulf %add3A_281, %mul3A_283 : vector<16xf32>
      %swap3A_285 = arith.constant 21 : i32
      %swap3A_286 = arith.index_cast %swap3A_285 : i32 to index
      %swap3A_287 = arith.index_cast %mul3A_179 : i32 to index
      %swap3A_288 = tpu.vector_load %arg4[%swap3A_286, %swap3A_287] {strides = array<i32>} : memref<36x1024xf32, #tpu.memory_space<vmem>>, vector<1x16xf32>,
      %swap3A_289 = vector.shape_cast %swap3A_288 : vector<1x16xf32> to vector<16xf32>
      %swap3A_290 = vector.shape_cast %mul3A_284 : vector<16xf32> to vector<1x16xf32>
      tpu.vector_store %arg4[%swap3A_286, %swap3A_287], %swap3A_290 {strides = array<i32>} : memref<36x1024xf32, #tpu.memory_space<vmem>>, vector<1x16xf32>,
      %get3A_291 = arith.constant 26 : i32
      %get3A_292 = arith.index_cast %get3A_291 : i32 to index
      %get3A_293 = arith.index_cast %mul3A_179 : i32 to index
      %get3A_294 = tpu.vector_load %arg4[%get3A_292, %get3A_293] {strides = array<i32>} : memref<36x1024xf32, #tpu.memory_space<vmem>>, vector<1x16xf32>,
      %get3A_295 = vector.shape_cast %get3A_294 : vector<1x16xf32> to vector<16xf32>
      %add3A_296 = arith.addf %get3A_279, %get3A_295 : vector<16xf32>
      %add3A_297 = arith.addf %add3A_264, %add3A_296 : vector<16xf32>
      %mul3A_298 = arith.constant 2.500000e-01 : f32
      %mul3A_299 = vector.broadcast %mul3A_298 : f32 to vector<16xf32>
      %mul3A_300 = arith.mulf %add3A_297, %mul3A_299 : vector<16xf32>
      %swap3A_301 = arith.constant 22 : i32
      %swap3A_302 = arith.index_cast %swap3A_301 : i32 to index
      %swap3A_303 = arith.index_cast %mul3A_179 : i32 to index
      %swap3A_304 = tpu.vector_load %arg4[%swap3A_302, %swap3A_303] {strides = array<i32>} : memref<36x1024xf32, #tpu.memory_space<vmem>>, vector<1x16xf32>,
      %swap3A_305 = vector.shape_cast %swap3A_304 : vector<1x16xf32> to vector<16xf32>
      %swap3A_306 = vector.shape_cast %mul3A_300 : vector<16xf32> to vector<1x16xf32>
      tpu.vector_store %arg4[%swap3A_302, %swap3A_303], %swap3A_306 {strides = array<i32>} : memref<36x1024xf32, #tpu.memory_space<vmem>>, vector<1x16xf32>,
      %get3A_307 = arith.constant 27 : i32
      %get3A_308 = arith.index_cast %get3A_307 : i32 to index
      %get3A_309 = arith.index_cast %mul3A_179 : i32 to index
      %get3A_310 = tpu.vector_load %arg4[%get3A_308, %get3A_309] {strides = array<i32>} : memref<36x1024xf32, #tpu.memory_space<vmem>>, vector<1x16xf32>,
      %get3A_311 = vector.shape_cast %get3A_310 : vector<1x16xf32> to vector<16xf32>
      %add3A_312 = arith.addf %get3A_295, %get3A_311 : vector<16xf32>
      %add3A_313 = arith.addf %add3A_280, %add3A_312 : vector<16xf32>
      %mul3A_314 = arith.constant 2.500000e-01 : f32
      %mul3A_315 = vector.broadcast %mul3A_314 : f32 to vector<16xf32>
      %mul3A_316 = arith.mulf %add3A_313, %mul3A_315 : vector<16xf32>
      %swap3A_317 = arith.constant 23 : i32
      %swap3A_318 = arith.index_cast %swap3A_317 : i32 to index
      %swap3A_319 = arith.index_cast %mul3A_179 : i32 to index
      %swap3A_320 = tpu.vector_load %arg4[%swap3A_318, %swap3A_319] {strides = array<i32>} : memref<36x1024xf32, #tpu.memory_space<vmem>>, vector<1x16xf32>,
      %swap3A_321 = vector.shape_cast %swap3A_320 : vector<1x16xf32> to vector<16xf32>
      %swap3A_322 = vector.shape_cast %mul3A_316 : vector<16xf32> to vector<1x16xf32>
      tpu.vector_store %arg4[%swap3A_318, %swap3A_319], %swap3A_322 {strides = array<i32>} : memref<36x1024xf32, #tpu.memory_space<vmem>>, vector<1x16xf32>,
      %get3A_323 = arith.constant 28 : i32
      %get3A_324 = arith.index_cast %get3A_323 : i32 to index
      %get3A_325 = arith.index_cast %mul3A_179 : i32 to index
      %get3A_326 = tpu.vector_load %arg4[%get3A_324, %get3A_325] {strides = array<i32>} : memref<36x1024xf32, #tpu.memory_space<vmem>>, vector<1x16xf32>,
      %get3A_327 = vector.shape_cast %get3A_326 : vector<1x16xf32> to vector<16xf32>
      %add3A_328 = arith.addf %get3A_311, %get3A_327 : vector<16xf32>
      %add3A_329 = arith.addf %add3A_296, %add3A_328 : vector<16xf32>
      %mul3A_330 = arith.constant 2.500000e-01 : f32
      %mul3A_331 = vector.broadcast %mul3A_330 : f32 to vector<16xf32>
      %mul3A_332 = arith.mulf %add3A_329, %mul3A_331 : vector<16xf32>
      %swap3A_333 = arith.constant 24 : i32
      %swap3A_334 = arith.index_cast %swap3A_333 : i32 to index
      %swap3A_335 = arith.index_cast %mul3A_179 : i32 to index
      %swap3A_336 = tpu.vector_load %arg4[%swap3A_334, %swap3A_335] {strides = array<i32>} : memref<36x1024xf32, #tpu.memory_space<vmem>>, vector<1x16xf32>,
      %swap3A_337 = vector.shape_cast %swap3A_336 : vector<1x16xf32> to vector<16xf32>
      %swap3A_338 = vector.shape_cast %mul3A_332 : vector<16xf32> to vector<1x16xf32>
      tpu.vector_store %arg4[%swap3A_334, %swap3A_335], %swap3A_338 {strides = array<i32>} : memref<36x1024xf32, #tpu.memory_space<vmem>>, vector<1x16xf32>,
      %get3A_339 = arith.constant 29 : i32
      %get3A_340 = arith.index_cast %get3A_339 : i32 to index
      %get3A_341 = arith.index_cast %mul3A_179 : i32 to index
      %get3A_342 = tpu.vector_load %arg4[%get3A_340, %get3A_341] {strides = array<i32>} : memref<36x1024xf32, #tpu.memory_space<vmem>>, vector<1x16xf32>,
      %get3A_343 = vector.shape_cast %get3A_342 : vector<1x16xf32> to vector<16xf32>
      %add3A_344 = arith.addf %get3A_327, %get3A_343 : vector<16xf32>
      %add3A_345 = arith.addf %add3A_312, %add3A_344 : vector<16xf32>
      %mul3A_346 = arith.constant 2.500000e-01 : f32
      %mul3A_347 = vector.broadcast %mul3A_346 : f32 to vector<16xf32>
      %mul3A_348 = arith.mulf %add3A_345, %mul3A_347 : vector<16xf32>
      %swap3A_349 = arith.constant 25 : i32
      %swap3A_350 = arith.index_cast %swap3A_349 : i32 to index
      %swap3A_351 = arith.index_cast %mul3A_179 : i32 to index
      %swap3A_352 = tpu.vector_load %arg4[%swap3A_350, %swap3A_351] {strides = array<i32>} : memref<36x1024xf32, #tpu.memory_space<vmem>>, vector<1x16xf32>,
      %swap3A_353 = vector.shape_cast %swap3A_352 : vector<1x16xf32> to vector<16xf32>
      %swap3A_354 = vector.shape_cast %mul3A_348 : vector<16xf32> to vector<1x16xf32>
      tpu.vector_store %arg4[%swap3A_350, %swap3A_351], %swap3A_354 {strides = array<i32>} : memref<36x1024xf32, #tpu.memory_space<vmem>>, vector<1x16xf32>,
      %get3A_355 = arith.constant 30 : i32
      %get3A_356 = arith.index_cast %get3A_355 : i32 to index
      %get3A_357 = arith.index_cast %mul3A_179 : i32 to index
      %get3A_358 = tpu.vector_load %arg4[%get3A_356, %get3A_357] {strides = array<i32>} : memref<36x1024xf32, #tpu.memory_space<vmem>>, vector<1x16xf32>,
      %get3A_359 = vector.shape_cast %get3A_358 : vector<1x16xf32> to vector<16xf32>
      %add3A_360 = arith.addf %get3A_343, %get3A_359 : vector<16xf32>
      %add3A_361 = arith.addf %add3A_328, %add3A_360 : vector<16xf32>
      %mul3A_362 = arith.constant 2.500000e-01 : f32
      %mul3A_363 = vector.broadcast %mul3A_362 : f32 to vector<16xf32>
      %mul3A_364 = arith.mulf %add3A_361, %mul3A_363 : vector<16xf32>
      %swap3A_365 = arith.constant 26 : i32
      %swap3A_366 = arith.index_cast %swap3A_365 : i32 to index
      %swap3A_367 = arith.index_cast %mul3A_179 : i32 to index
      %swap3A_368 = tpu.vector_load %arg4[%swap3A_366, %swap3A_367] {strides = array<i32>} : memref<36x1024xf32, #tpu.memory_space<vmem>>, vector<1x16xf32>,
      %swap3A_369 = vector.shape_cast %swap3A_368 : vector<1x16xf32> to vector<16xf32>
      %swap3A_370 = vector.shape_cast %mul3A_364 : vector<16xf32> to vector<1x16xf32>
      tpu.vector_store %arg4[%swap3A_366, %swap3A_367], %swap3A_370 {strides = array<i32>} : memref<36x1024xf32, #tpu.memory_space<vmem>>, vector<1x16xf32>,
      %get3A_371 = arith.constant 31 : i32
      %get3A_372 = arith.index_cast %get3A_371 : i32 to index
      %get3A_373 = arith.index_cast %mul3A_179 : i32 to index
      %get3A_374 = tpu.vector_load %arg4[%get3A_372, %get3A_373] {strides = array<i32>} : memref<36x1024xf32, #tpu.memory_space<vmem>>, vector<1x16xf32>,
      %get3A_375 = vector.shape_cast %get3A_374 : vector<1x16xf32> to vector<16xf32>
      %add3A_376 = arith.addf %get3A_359, %get3A_375 : vector<16xf32>
      %add3A_377 = arith.addf %add3A_344, %add3A_376 : vector<16xf32>
      %mul3A_378 = arith.constant 2.500000e-01 : f32
      %mul3A_379 = vector.broadcast %mul3A_378 : f32 to vector<16xf32>
      %mul3A_380 = arith.mulf %add3A_377, %mul3A_379 : vector<16xf32>
      %swap3A_381 = arith.constant 27 : i32
      %swap3A_382 = arith.index_cast %swap3A_381 : i32 to index
      %swap3A_383 = arith.index_cast %mul3A_179 : i32 to index
      %swap3A_384 = tpu.vector_load %arg4[%swap3A_382, %swap3A_383] {strides = array<i32>} : memref<36x1024xf32, #tpu.memory_space<vmem>>, vector<1x16xf32>,
      %swap3A_385 = vector.shape_cast %swap3A_384 : vector<1x16xf32> to vector<16xf32>
      %swap3A_386 = vector.shape_cast %mul3A_380 : vector<16xf32> to vector<1x16xf32>
      tpu.vector_store %arg4[%swap3A_382, %swap3A_383], %swap3A_386 {strides = array<i32>} : memref<36x1024xf32, #tpu.memory_space<vmem>>, vector<1x16xf32>,
      %get3A_387 = arith.constant 32 : i32
      %get3A_388 = arith.index_cast %get3A_387 : i32 to index
      %get3A_389 = arith.index_cast %mul3A_179 : i32 to index
      %get3A_390 = tpu.vector_load %arg4[%get3A_388, %get3A_389] {strides = array<i32>} : memref<36x1024xf32, #tpu.memory_space<vmem>>, vector<1x16xf32>,
      %get3A_391 = vector.shape_cast %get3A_390 : vector<1x16xf32> to vector<16xf32>
      %add3A_392 = arith.addf %get3A_375, %get3A_391 : vector<16xf32>
      %add3A_393 = arith.addf %add3A_360, %add3A_392 : vector<16xf32>
      %mul3A_394 = arith.constant 2.500000e-01 : f32
      %mul3A_395 = vector.broadcast %mul3A_394 : f32 to vector<16xf32>
      %mul3A_396 = arith.mulf %add3A_393, %mul3A_395 : vector<16xf32>
      %swap3A_397 = arith.constant 28 : i32
      %swap3A_398 = arith.index_cast %swap3A_397 : i32 to index
      %swap3A_399 = arith.index_cast %mul3A_179 : i32 to index
      %swap3A_400 = tpu.vector_load %arg4[%swap3A_398, %swap3A_399] {strides = array<i32>} : memref<36x1024xf32, #tpu.memory_space<vmem>>, vector<1x16xf32>,
      %swap3A_401 = vector.shape_cast %swap3A_400 : vector<1x16xf32> to vector<16xf32>
      %swap3A_402 = vector.shape_cast %mul3A_396 : vector<16xf32> to vector<1x16xf32>
      tpu.vector_store %arg4[%swap3A_398, %swap3A_399], %swap3A_402 {strides = array<i32>} : memref<36x1024xf32, #tpu.memory_space<vmem>>, vector<1x16xf32>,
      %get3A_403 = arith.constant 33 : i32
      %get3A_404 = arith.index_cast %get3A_403 : i32 to index
      %get3A_405 = arith.index_cast %mul3A_179 : i32 to index
      %get3A_406 = tpu.vector_load %arg4[%get3A_404, %get3A_405] {strides = array<i32>} : memref<36x1024xf32, #tpu.memory_space<vmem>>, vector<1x16xf32>,
      %get3A_407 = vector.shape_cast %get3A_406 : vector<1x16xf32> to vector<16xf32>
      %add3A_408 = arith.addf %get3A_391, %get3A_407 : vector<16xf32>
      %add3A_409 = arith.addf %add3A_376, %add3A_408 : vector<16xf32>
      %mul3A_410 = arith.constant 2.500000e-01 : f32
      %mul3A_411 = vector.broadcast %mul3A_410 : f32 to vector<16xf32>
      %mul3A_412 = arith.mulf %add3A_409, %mul3A_411 : vector<16xf32>
      %swap3A_413 = arith.constant 29 : i32
      %swap3A_414 = arith.index_cast %swap3A_413 : i32 to index
      %swap3A_415 = arith.index_cast %mul3A_179 : i32 to index
      %swap3A_416 = tpu.vector_load %arg4[%swap3A_414, %swap3A_415] {strides = array<i32>} : memref<36x1024xf32, #tpu.memory_space<vmem>>, vector<1x16xf32>,
      %swap3A_417 = vector.shape_cast %swap3A_416 : vector<1x16xf32> to vector<16xf32>
      %swap3A_418 = vector.shape_cast %mul3A_412 : vector<16xf32> to vector<1x16xf32>
      tpu.vector_store %arg4[%swap3A_414, %swap3A_415], %swap3A_418 {strides = array<i32>} : memref<36x1024xf32, #tpu.memory_space<vmem>>, vector<1x16xf32>,
      %get3A_419 = arith.constant 34 : i32
      %get3A_420 = arith.index_cast %get3A_419 : i32 to index
      %get3A_421 = arith.index_cast %mul3A_179 : i32 to index
      %get3A_422 = tpu.vector_load %arg4[%get3A_420, %get3A_421] {strides = array<i32>} : memref<36x1024xf32, #tpu.memory_space<vmem>>, vector<1x16xf32>,
      %get3A_423 = vector.shape_cast %get3A_422 : vector<1x16xf32> to vector<16xf32>
      %add3A_424 = arith.addf %get3A_407, %get3A_423 : vector<16xf32>
      %add3A_425 = arith.addf %add3A_392, %add3A_424 : vector<16xf32>
      %mul3A_426 = arith.constant 2.500000e-01 : f32
      %mul3A_427 = vector.broadcast %mul3A_426 : f32 to vector<16xf32>
      %mul3A_428 = arith.mulf %add3A_425, %mul3A_427 : vector<16xf32>
      %swap3A_429 = arith.constant 30 : i32
      %swap3A_430 = arith.index_cast %swap3A_429 : i32 to index
      %swap3A_431 = arith.index_cast %mul3A_179 : i32 to index
      %swap3A_432 = tpu.vector_load %arg4[%swap3A_430, %swap3A_431] {strides = array<i32>} : memref<36x1024xf32, #tpu.memory_space<vmem>>, vector<1x16xf32>,
      %swap3A_433 = vector.shape_cast %swap3A_432 : vector<1x16xf32> to vector<16xf32>
      %swap3A_434 = vector.shape_cast %mul3A_428 : vector<16xf32> to vector<1x16xf32>
      tpu.vector_store %arg4[%swap3A_430, %swap3A_431], %swap3A_434 {strides = array<i32>} : memref<36x1024xf32, #tpu.memory_space<vmem>>, vector<1x16xf32>,
      %get3A_435 = arith.constant 35 : i32
      %get3A_436 = arith.index_cast %get3A_435 : i32 to index
      %get3A_437 = arith.index_cast %mul3A_179 : i32 to index
      %get3A_438 = tpu.vector_load %arg4[%get3A_436, %get3A_437] {strides = array<i32>} : memref<36x1024xf32, #tpu.memory_space<vmem>>, vector<1x16xf32>,
      %get3A_439 = vector.shape_cast %get3A_438 : vector<1x16xf32> to vector<16xf32>
      %add3A_440 = arith.addf %get3A_423, %get3A_439 : vector<16xf32>
      %add3A_441 = arith.addf %add3A_408, %add3A_440 : vector<16xf32>
      %mul3A_442 = arith.constant 2.500000e-01 : f32
      %mul3A_443 = vector.broadcast %mul3A_442 : f32 to vector<16xf32>
      %mul3A_444 = arith.mulf %add3A_441, %mul3A_443 : vector<16xf32>
      %swap3A_445 = arith.constant 31 : i32
      %swap3A_446 = arith.index_cast %swap3A_445 : i32 to index
      %swap3A_447 = arith.index_cast %mul3A_179 : i32 to index
      %swap3A_448 = tpu.vector_load %arg4[%swap3A_446, %swap3A_447] {strides = array<i32>} : memref<36x1024xf32, #tpu.memory_space<vmem>>, vector<1x16xf32>,
      %swap3A_449 = vector.shape_cast %swap3A_448 : vector<1x16xf32> to vector<16xf32>
      %swap3A_450 = vector.shape_cast %mul3A_444 : vector<16xf32> to vector<1x16xf32>
      tpu.vector_store %arg4[%swap3A_446, %swap3A_447], %swap3A_450 {strides = array<i32>} : memref<36x1024xf32, #tpu.memory_space<vmem>>, vector<1x16xf32>,
      %scan3A_451 = arith.constant 0 : i32
      scf.yield %scan3A_451 : i32
    }
    %scan3A_112 = arith.constant 64 : i32
    %convert_element_type3A_113 = arith.extui %eq3A_85 : i1 to i32
    %cond3A_114 = arith.constant 0 : i32
    %cond3A_115 = arith.cmpi ne, %convert_element_type3A_113, %cond3A_114 : i32
    scf.if %cond3A_115 {
      %scan3A_176 = arith.constant 0 : i32
      %scan3A_177 = arith.constant 0 : i32
      %scan3A_178 = arith.constant 64 : i32
      %scan3A_179 = arith.addi %scan3A_177, %scan3A_178 : i32
      %scan3A_180 = arith.constant 1 : i32
      %scan3A_181 = scf.for %scan3A_183 = %scan3A_177 to %scan3A_179 step %scan3A_180 iter_args(%scan3A_184 = %scan3A_176) -> (i32)  : i32 {
        %mul3A_185 = arith.constant 16 : i32
        %mul3A_186 = arith.muli %scan3A_183, %mul3A_185 : i32
        %get3A = arith.constant 28 : i32
        %get3A_187 = arith.index_cast %get3A : i32 to index
        %get3A_188 = arith.index_cast %mul3A_186 : i32 to index
        %get3A_189 = tpu.vector_load %arg4[%get3A_187, %get3A_188] {strides = array<i32>} : memref<36x1024xf32, #tpu.memory_space<vmem>>, vector<1x16xf32>,
        %get3A_190 = vector.shape_cast %get3A_189 : vector<1x16xf32> to vector<16xf32>
        %mul3A_191 = arith.constant 1.33333337 : f32
        %mul3A_192 = vector.broadcast %mul3A_191 : f32 to vector<16xf32>
        %mul3A_193 = arith.mulf %get3A_190, %mul3A_192 : vector<16xf32>
        %swap3A = arith.constant 28 : i32
        %swap3A_194 = arith.index_cast %swap3A : i32 to index
        %swap3A_195 = arith.index_cast %mul3A_186 : i32 to index
        %swap3A_196 = tpu.vector_load %arg4[%swap3A_194, %swap3A_195] {strides = array<i32>} : memref<36x1024xf32, #tpu.memory_space<vmem>>, vector<1x16xf32>,
        %swap3A_197 = vector.shape_cast %swap3A_196 : vector<1x16xf32> to vector<16xf32>
        %swap3A_198 = vector.shape_cast %mul3A_193 : vector<16xf32> to vector<1x16xf32>
        tpu.vector_store %arg4[%swap3A_194, %swap3A_195], %swap3A_198 {strides = array<i32>} : memref<36x1024xf32, #tpu.memory_space<vmem>>, vector<1x16xf32>,
        %get3A_199 = arith.constant 29 : i32
        %get3A_200 = arith.index_cast %get3A_199 : i32 to index
        %get3A_201 = arith.index_cast %mul3A_186 : i32 to index
        %get3A_202 = tpu.vector_load %arg4[%get3A_200, %get3A_201] {strides = array<i32>} : memref<36x1024xf32, #tpu.memory_space<vmem>>, vector<1x16xf32>,
        %get3A_203 = vector.shape_cast %get3A_202 : vector<1x16xf32> to vector<16xf32>
        %mul3A_204 = arith.constant 2.000000e+00 : f32
        %mul3A_205 = vector.broadcast %mul3A_204 : f32 to vector<16xf32>
        %mul3A_206 = arith.mulf %get3A_203, %mul3A_205 : vector<16xf32>
        %swap3A_207 = arith.constant 29 : i32
        %swap3A_208 = arith.index_cast %swap3A_207 : i32 to index
        %swap3A_209 = arith.index_cast %mul3A_186 : i32 to index
        %swap3A_210 = tpu.vector_load %arg4[%swap3A_208, %swap3A_209] {strides = array<i32>} : memref<36x1024xf32, #tpu.memory_space<vmem>>, vector<1x16xf32>,
        %swap3A_211 = vector.shape_cast %swap3A_210 : vector<1x16xf32> to vector<16xf32>
        %swap3A_212 = vector.shape_cast %mul3A_206 : vector<16xf32> to vector<1x16xf32>
        tpu.vector_store %arg4[%swap3A_208, %swap3A_209], %swap3A_212 {strides = array<i32>} : memref<36x1024xf32, #tpu.memory_space<vmem>>, vector<1x16xf32>,
        %get3A_213 = arith.constant 30 : i32
        %get3A_214 = arith.index_cast %get3A_213 : i32 to index
        %get3A_215 = arith.index_cast %mul3A_186 : i32 to index
        %get3A_216 = tpu.vector_load %arg4[%get3A_214, %get3A_215] {strides = array<i32>} : memref<36x1024xf32, #tpu.memory_space<vmem>>, vector<1x16xf32>,
        %get3A_217 = vector.shape_cast %get3A_216 : vector<1x16xf32> to vector<16xf32>
        %mul3A_218 = arith.constant 4.000000e+00 : f32
        %mul3A_219 = vector.broadcast %mul3A_218 : f32 to vector<16xf32>
        %mul3A_220 = arith.mulf %get3A_217, %mul3A_219 : vector<16xf32>
        %swap3A_221 = arith.constant 30 : i32
        %swap3A_222 = arith.index_cast %swap3A_221 : i32 to index
        %swap3A_223 = arith.index_cast %mul3A_186 : i32 to index
        %swap3A_224 = tpu.vector_load %arg4[%swap3A_222, %swap3A_223] {strides = array<i32>} : memref<36x1024xf32, #tpu.memory_space<vmem>>, vector<1x16xf32>,
        %swap3A_225 = vector.shape_cast %swap3A_224 : vector<1x16xf32> to vector<16xf32>
        %swap3A_226 = vector.shape_cast %mul3A_220 : vector<16xf32> to vector<1x16xf32>
        tpu.vector_store %arg4[%swap3A_222, %swap3A_223], %swap3A_226 {strides = array<i32>} : memref<36x1024xf32, #tpu.memory_space<vmem>>, vector<1x16xf32>,
        %get3A_227 = arith.constant 31 : i32
        %get3A_228 = arith.index_cast %get3A_227 : i32 to index
        %get3A_229 = arith.index_cast %mul3A_186 : i32 to index
        %get3A_230 = tpu.vector_load %arg4[%get3A_228, %get3A_229] {strides = array<i32>} : memref<36x1024xf32, #tpu.memory_space<vmem>>, vector<1x16xf32>,
        %get3A_231 = vector.shape_cast %get3A_230 : vector<1x16xf32> to vector<16xf32>
        %mul3A_232 = arith.constant 0.000000e+00 : f32
        %mul3A_233 = vector.broadcast %mul3A_232 : f32 to vector<16xf32>
        %mul3A_234 = arith.mulf %get3A_231, %mul3A_233 : vector<16xf32>
        %swap3A_235 = arith.constant 31 : i32
        %swap3A_236 = arith.index_cast %swap3A_235 : i32 to index
        %swap3A_237 = arith.index_cast %mul3A_186 : i32 to index
        %swap3A_238 = tpu.vector_load %arg4[%swap3A_236, %swap3A_237] {strides = array<i32>} : memref<36x1024xf32, #tpu.memory_space<vmem>>, vector<1x16xf32>,
        %swap3A_239 = vector.shape_cast %swap3A_238 : vector<1x16xf32> to vector<16xf32>
        %swap3A_240 = vector.shape_cast %mul3A_234 : vector<16xf32> to vector<1x16xf32>
        tpu.vector_store %arg4[%swap3A_236, %swap3A_237], %swap3A_240 {strides = array<i32>} : memref<36x1024xf32, #tpu.memory_space<vmem>>, vector<1x16xf32>,
        %scan3A_241 = arith.constant 0 : i32
        scf.yield %scan3A_241 : i32
      }
      %scan3A_182 = arith.constant 64 : i32
    } else {
    }
    %add3A_116 = arith.constant 16 : i32
    %add3A_117 = arith.addi %add3A_58, %add3A_116 : i32
    %dma_start3A_118 = arith.constant 16 : i32
    %dma_start3A_119 = arith.constant 0 : i32
    %dma_start3A_120 = tpu.memref_slice %arg4[%dma_start3A_118, %dma_start3A_119] : memref<36x1024xf32, #tpu.memory_space<vmem>> -> memref<16x1024xf32, #tpu.memory_space<vmem>>
    %dma_start3A_121 = arith.constant 0 : i32
    %dma_start3A_122 = tpu.memref_slice %arg3[%add3A_117, %dma_start3A_121] : memref<16384x1024xf32, #tpu.memory_space<hbm>> -> memref<16x1024xf32, #tpu.memory_space<hbm>>
    %dma_start3A_123 = arith.constant 0 : i32
    %dma_start3A_124 = tpu.memref_slice %arg3[%add3A_117, %dma_start3A_123] : memref<16384x1024xf32, #tpu.memory_space<hbm>> -> memref<16x1024xf32, #tpu.memory_space<hbm>>
    %dma_start3A_125 = arith.constant 16 : i32
    %dma_start3A_126 = arith.constant 0 : i32
    %dma_start3A_127 = tpu.memref_slice %arg4[%dma_start3A_125, %dma_start3A_126] : memref<36x1024xf32, #tpu.memory_space<vmem>> -> memref<16x1024xf32, #tpu.memory_space<vmem>>
    tpu.enqueue_dma source(%dma_start3A_127 : memref<16x1024xf32, #tpu.memory_space<vmem>>) target(%dma_start3A_124 : memref<16x1024xf32, #tpu.memory_space<hbm>>) target_semaphore(%arg10 : memref<!tpu.dma_semaphore, #tpu.memory_space<semaphore_mem>>)
    %dma_wait3A_128 = arith.constant 0 : i32
    %dma_wait3A_129 = arith.constant 0 : i32
    %dma_wait3A_130 = tpu.memref_slice %arg6[%dma_wait3A_128, %dma_wait3A_129] : memref<36x1024xf32, #tpu.memory_space<vmem>> -> memref<16x1024xf32, #tpu.memory_space<vmem>>
    %dma_wait3A_131 = arith.constant 0 : i32
    %dma_wait3A_132 = arith.constant 0 : i32
    %dma_wait3A_133 = tpu.memref_slice %arg3[%dma_wait3A_131, %dma_wait3A_132] : memref<16384x1024xf32, #tpu.memory_space<hbm>> -> memref<16x1024xf32, #tpu.memory_space<hbm>>
    %dma_wait3A_134 = arith.constant 0 : i32
    %dma_wait3A_135 = arith.constant 0 : i32
    %dma_wait3A_136 = tpu.memref_slice %arg3[%dma_wait3A_134, %dma_wait3A_135] : memref<16384x1024xf32, #tpu.memory_space<hbm>> -> memref<16x1024xf32, #tpu.memory_space<hbm>>
    %dma_wait3A_137 = arith.constant 0 : i32
    %dma_wait3A_138 = arith.constant 0 : i32
    %dma_wait3A_139 = tpu.memref_slice %arg6[%dma_wait3A_137, %dma_wait3A_138] : memref<36x1024xf32, #tpu.memory_space<vmem>> -> memref<16x1024xf32, #tpu.memory_space<vmem>>
    tpu.wait_dma2 semaphore(%arg12 : memref<!tpu.dma_semaphore, #tpu.memory_space<semaphore_mem>>) src(%dma_wait3A_139 : memref<16x1024xf32, #tpu.memory_space<vmem>>) dst(%dma_wait3A_136 : memref<16x1024xf32, #tpu.memory_space<hbm>>)
    %dma_wait3A_140 = arith.constant 0 : i32
    %dma_wait3A_141 = arith.constant 0 : i32
    %dma_wait3A_142 = tpu.memref_slice %arg6[%dma_wait3A_140, %dma_wait3A_141] : memref<36x1024xf32, #tpu.memory_space<vmem>> -> memref<16x1024xf32, #tpu.memory_space<vmem>>
    %dma_wait3A_143 = arith.constant 0 : i32
    %dma_wait3A_144 = arith.constant 0 : i32
    %dma_wait3A_145 = tpu.memref_slice %arg3[%dma_wait3A_143, %dma_wait3A_144] : memref<16384x1024xf32, #tpu.memory_space<hbm>> -> memref<16x1024xf32, #tpu.memory_space<hbm>>
    %dma_wait3A_146 = arith.constant 0 : i32
    %dma_wait3A_147 = arith.constant 0 : i32
    %dma_wait3A_148 = tpu.memref_slice %arg3[%dma_wait3A_146, %dma_wait3A_147] : memref<16384x1024xf32, #tpu.memory_space<hbm>> -> memref<16x1024xf32, #tpu.memory_space<hbm>>
    %dma_wait3A_149 = arith.constant 0 : i32
    %dma_wait3A_150 = arith.constant 0 : i32
    %dma_wait3A_151 = tpu.memref_slice %arg6[%dma_wait3A_149, %dma_wait3A_150] : memref<36x1024xf32, #tpu.memory_space<vmem>> -> memref<16x1024xf32, #tpu.memory_space<vmem>>
    tpu.wait_dma2 semaphore(%arg12 : memref<!tpu.dma_semaphore, #tpu.memory_space<semaphore_mem>>) src(%dma_wait3A_151 : memref<16x1024xf32, #tpu.memory_space<vmem>>) dst(%dma_wait3A_148 : memref<16x1024xf32, #tpu.memory_space<hbm>>)
    %dma_wait3A_152 = arith.constant 0 : i32
    %dma_wait3A_153 = arith.constant 0 : i32
    %dma_wait3A_154 = tpu.memref_slice %arg4[%dma_wait3A_152, %dma_wait3A_153] : memref<36x1024xf32, #tpu.memory_space<vmem>> -> memref<16x1024xf32, #tpu.memory_space<vmem>>
    %dma_wait3A_155 = arith.constant 0 : i32
    %dma_wait3A_156 = arith.constant 0 : i32
    %dma_wait3A_157 = tpu.memref_slice %arg3[%dma_wait3A_155, %dma_wait3A_156] : memref<16384x1024xf32, #tpu.memory_space<hbm>> -> memref<16x1024xf32, #tpu.memory_space<hbm>>
    %dma_wait3A_158 = arith.constant 0 : i32
    %dma_wait3A_159 = arith.constant 0 : i32
    %dma_wait3A_160 = tpu.memref_slice %arg3[%dma_wait3A_158, %dma_wait3A_159] : memref<16384x1024xf32, #tpu.memory_space<hbm>> -> memref<16x1024xf32, #tpu.memory_space<hbm>>
    %dma_wait3A_161 = arith.constant 0 : i32
    %dma_wait3A_162 = arith.constant 0 : i32
    %dma_wait3A_163 = tpu.memref_slice %arg4[%dma_wait3A_161, %dma_wait3A_162] : memref<36x1024xf32, #tpu.memory_space<vmem>> -> memref<16x1024xf32, #tpu.memory_space<vmem>>
    tpu.wait_dma2 semaphore(%arg10 : memref<!tpu.dma_semaphore, #tpu.memory_space<semaphore_mem>>) src(%dma_wait3A_163 : memref<16x1024xf32, #tpu.memory_space<vmem>>) dst(%dma_wait3A_160 : memref<16x1024xf32, #tpu.memory_space<hbm>>)
    %dma_wait3A_164 = arith.constant 0 : i32
    %dma_wait3A_165 = arith.constant 0 : i32
    %dma_wait3A_166 = tpu.memref_slice %arg4[%dma_wait3A_164, %dma_wait3A_165] : memref<36x1024xf32, #tpu.memory_space<vmem>> -> memref<16x1024xf32, #tpu.memory_space<vmem>>
    %dma_wait3A_167 = arith.constant 0 : i32
    %dma_wait3A_168 = arith.constant 0 : i32
    %dma_wait3A_169 = tpu.memref_slice %arg3[%dma_wait3A_167, %dma_wait3A_168] : memref<16384x1024xf32, #tpu.memory_space<hbm>> -> memref<16x1024xf32, #tpu.memory_space<hbm>>
    %dma_wait3A_170 = arith.constant 0 : i32
    %dma_wait3A_171 = arith.constant 0 : i32
    %dma_wait3A_172 = tpu.memref_slice %arg3[%dma_wait3A_170, %dma_wait3A_171] : memref<16384x1024xf32, #tpu.memory_space<hbm>> -> memref<16x1024xf32, #tpu.memory_space<hbm>>
    %dma_wait3A_173 = arith.constant 0 : i32
    %dma_wait3A_174 = arith.constant 0 : i32
    %dma_wait3A_175 = tpu.memref_slice %arg4[%dma_wait3A_173, %dma_wait3A_174] : memref<36x1024xf32, #tpu.memory_space<vmem>> -> memref<16x1024xf32, #tpu.memory_space<vmem>>
    tpu.wait_dma2 semaphore(%arg10 : memref<!tpu.dma_semaphore, #tpu.memory_space<semaphore_mem>>) src(%dma_wait3A_175 : memref<16x1024xf32, #tpu.memory_space<vmem>>) dst(%dma_wait3A_172 : memref<16x1024xf32, #tpu.memory_space<hbm>>)
    return
  }
}

</mosaic_0001>

<sc_bundles>
// kernel: kernel.3.cloned.1.call-start
scs
__scs_entry_jumppad:
0x0: {  	(pc) =	sbr.rel $0x88, $3  }
0x1: {  	(tag) =	ssettag $0x0;
	lr =	simm.s32 $0x1  }
0x2: {  	[smem:$0x3FA0] =	sst lr;
	_ =	strace $0xD0000000  }
0x3: {  	_ = 	snop  }
0x4: {  	_ = 	snop  }
0x5: {  	_ = 	snop  }
0x6: {  	_ = 	snop  }
0x7: {  	_ = 	snop  }
__scs_overlays_trampoline_lowered:
0x8: {  	[smem:$0x3FAF] =	sst s0  }
0x9: {  	[smem:$0x3FB0] =	sst s1  }
0xa: {  	[smem:$0x3FB1] =	sst s2  }
0xb: {  	[smem:$0x3FB2] =	sst s3  }
0xc: {  	[smem:$0x3FB3] =	sst s4  }
0xd: {  	[smem:$0x3FB4] =	sst s5  }
0xe: {  	[smem:$0x3FB5] =	sst s6  }
0xf: {  	[smem:$0x3FB6] =	sst s7  }
0x10: {  	[smem:$0x3FB7] =	sst s8  }
0x11: {  	[smem:$0x3FB8] =	sst s9;
	s0 =	simm.s32 @!p0 $0x0  }
0x12: {  	s1 =	sld [smem:$0x3F9E];
	s0 =	simm.s32 @p0 $0x1  }
0x13: {  	[smem:$0x3FB9] =	sst s0;
	s0 =	simm.s32 @!p1 $0x0  }
0x14: {  	s2 =	sld [smem:$0x3F9D];
	s0 =	simm.s32 @p1 $0x1  }
0x15: {  	[smem:$0x3FBA] =	sst s0;
	s0 =	simm.s32 @!p2 $0x0  }
0x16: {  	s3 =	sld [smem:$0x3FDB];
	s0 =	simm.s32 @p2 $0x1  }
0x17: {  	s4 =	simm.s32 $0x1BF5;
	[smem:$0x3FBC] =	sst s0  }
0x18: {  	s0 =	sld [smem:$0x3F9F];
	_ =	swait.ge [sflag:s4], $0x0  }
0x19: {  	s7 =	sld [smem:$0x3FA0]  }
0x1a: {  	s8 =	sadd.s32 $0xFFFFE003, lr  }
0x1b: {  	s9 =	sadd.s32 $0xFFFFFEF7, lr;
	s5 =	simm.s32 $0xFFFFFFFF;
	p2 =	slt.u32 s8, $0xFFFFF086  }
0x1c: {  	p1 =	slt.u32 s9, $0xF7A;
	s5 =	simm.s32 @!p2 $0x0  }
0x1d: {  	s5 =	simm.s32 @p1 $0x1;
	p0 =	seq.s32 s7, s2  }
0x1e: {  	s7 =	smul.u32 @!p0 $0xF7A, s2;
	p2 =	seq.s32 @!p0 s5, $0x0  }
0x1f: {  	s9 =	smul.u32 $0xF7A, s1;
	s8 =	simm.s32 @!p0 $0x1BF5;
	p2 =	por !p2, p0  }
0x20: {  	[sflag:s8] =	ssyncset.s32 @!p0 $0xFFFFF086;
	s6 =	sadd.s32 @!p0 s3, s7;
	s7 =	simm.s32 @!p0 $0x108  }
0x21: {  	s3 =	sadd.s32 s3, s9;
	s6 =	sadd.s32 @!p0 $0x88, s6;
	s7 =	simm.s32 @p2 $0x1082  }
0x22: {  	[simem:s7], [sflag:s8] =	dma.local @!p0 [hbm:s6], $0xF7A  }
0x23: {  	s9 =	sor.u32 $0xD0000000, s2;
	s6 =	simm.s32 $0x108;
	_ =	swait.ge @!p0 [sflag:s8], $0x0  }
0x24: {  	s3 =	sadd.s32 $0x88, s3;
	s6 =	simm.s32 @!p1 $0x1082;
	[sflag:s4] =	ssyncset.s32 $0xFFFFF086  }
0x25: {  	[simem:s6], [sflag:s4] =	dma.local [hbm:s3], $0xF7A  }
0x26: {  	[smem:$0x3FA0] =	sst s1;
	(tag) =	ssettag s2;
	_ =	strace s9  }
0x27: {  	s1 =	sld [smem:$0x3FB0]  }
0x28: {  	s2 =	sld [smem:$0x3FB1]  }
0x29: {  	s4 =	sld [smem:$0x3FB3]  }
0x2a: {  	p0 =	seq.s32 s5, $0x0;
	s5 =	sld [smem:$0x3FB4]  }
0x2b: {  	s6 =	sld [smem:$0x3FB5]  }
0x2c: {  	s7 =	sld [smem:$0x3FB6]  }
0x2d: {  	s3 =	simm.s32 $0x108;
	s8 =	sld [smem:$0x3FB7]  }
0x2e: {  	s3 =	simm.s32 @!p0 $0x1082;
	s9 =	sld [smem:$0x3FB8]  }
0x2f: {  	lr =	sadd.s32 s0, s3;
	s0 =	sld [smem:$0x3FAF]  }
0x30: {  	s3 =	sld [smem:$0x3FB2]  }
0x31: {  	[smem:$0x3FBB] =	sst s10  }
0x32: {  	s10 =	sld [smem:$0x3FB9];
	_ =	sdelay $0x3  }
0x33: {  	p0 =	seq.s32 s10, $0x1;
	s10 =	sld [smem:$0x3FBB];
	_ =	sdelay $0x3  }
0x34: {  	[smem:$0x3FBB] =	sst s10  }
0x35: {  	s10 =	sld [smem:$0x3FBA];
	_ =	sdelay $0x3  }
0x36: {  	p1 =	seq.s32 s10, $0x1;
	s10 =	sld [smem:$0x3FBB];
	_ =	sdelay $0x3  }
0x37: {  	[smem:$0x3FBB] =	sst s10  }
0x38: {  	s10 =	sld [smem:$0x3FBC]  }
0x39: {  	_ = 	snop;
	(pc) =	sbr.ind lr, $3  }
0x3a: {  	_ = 	snop  }
0x3b: {  	_ = 	snop  }
0x3c: {  	p2 =	seq.s32 s10, $0x1;
	s10 =	sld [smem:$0x3FBB]  }
0x3d: {  	_ =	shalt  }
0x3e: {  	_ =	shalt  }
0x3f: {  	_ =	shalt  }
0x40: {  	_ =	shalt  }
0x41: {  	_ =	shalt  }
0x42: {  	_ =	shalt  }
0x43: {  	_ =	shalt  }
0x44: {  	_ =	shalt  }
0x45: {  	_ =	shalt  }
0x46: {  	_ =	shalt  }
0x47: {  	_ =	shalt  }
0x48: {  	_ =	shalt  }
0x49: {  	_ =	shalt  }
0x4a: {  	_ =	shalt  }
0x4b: {  	_ =	shalt  }
0x4c: {  	_ =	shalt  }
0x4d: {  	_ =	shalt  }
0x4e: {  	_ =	shalt  }
0x4f: {  	_ =	shalt  }
0x50: {  	_ =	shalt  }
0x51: {  	_ =	shalt  }
0x52: {  	_ =	shalt  }
0x53: {  	_ =	shalt  }
0x54: {  	_ =	shalt  }
0x55: {  	_ =	shalt  }
0x56: {  	_ =	shalt  }
0x57: {  	_ =	shalt  }
0x58: {  	_ =	shalt  }
0x59: {  	_ =	shalt  }
0x5a: {  	_ =	shalt  }
0x5b: {  	_ =	shalt  }
0x5c: {  	_ =	shalt  }
0x5d: {  	_ =	shalt  }
0x5e: {  	_ =	shalt  }
0x5f: {  	_ =	shalt  }
0x60: {  	_ =	shalt  }
0x61: {  	_ =	shalt  }
0x62: {  	_ =	shalt  }
0x63: {  	_ =	shalt  }
0x64: {  	_ =	shalt  }
0x65: {  	_ =	shalt  }
0x66: {  	_ =	shalt  }
0x67: {  	_ =	shalt  }
0x68: {  	_ =	shalt  }
0x69: {  	_ =	shalt  }
0x6a: {  	_ =	shalt  }
0x6b: {  	_ =	shalt  }
0x6c: {  	_ =	shalt  }
0x6d: {  	_ =	shalt  }
0x6e: {  	_ =	shalt  }
0x6f: {  	_ =	shalt  }
0x70: {  	_ =	shalt  }
0x71: {  	_ =	shalt  }
0x72: {  	_ =	shalt  }
0x73: {  	_ =	shalt  }
0x74: {  	_ =	shalt  }
0x75: {  	_ =	shalt  }
0x76: {  	_ =	shalt  }
0x77: {  	_ =	shalt  }
0x78: {  	_ =	shalt  }
0x79: {  	_ =	shalt  }
0x7a: {  	_ =	shalt  }
0x7b: {  	_ =	shalt  }
0x7c: {  	_ =	shalt  }
0x7d: {  	_ =	shalt  }
0x7e: {  	_ =	shalt  }
0x7f: {  	_ =	shalt  }
0x80: {  	_ =	shalt  }
0x81: {  	_ =	shalt  }
0x82: {  	_ =	shalt  }
0x83: {  	_ =	shalt  }
0x84: {  	_ =	shalt  }
0x85: {  	_ =	shalt  }
0x86: {  	_ =	shalt  }
0x87: {  	_ =	shalt  }
.Lfunc_end0:
.L_simem_size_0:
called_computation_lowered:
.L_overlay_start_0:
0x88: {  	s2 =	sld [smem:$0x3FD9]  }
0x89: {  	s3 =	sld [smem:$0x3FFE];
	_ =	sdelay $0x1  }
0x8a: {  	s1 =	srdreg.scid  }
0x8b: {  	s0 =	sand.u32 $0x1, s1  }
0x8c: {  	s18 =	sshll.u32 s0, $0xA;
	s2 =	sadd.s32 s3, s2  }
0x8d: {  	s2 =	sadd.s32 s2, s18  }
0x8e: {  	[smem:$0x3FC7] =	sst s2  }
0x8f: {  	_ = 	snop  }
0x90: {  	s2 =	sld [smem:$0x3FC9]  }
0x91: {  	s19 =	sld [smem:$0x3FD0];
	(tm) =	ssettm $0x1  }
0x92: {  	s4 =	sld [smem:$0x3FFB];
	_ =	sdelay $0x3  }
0x93: {  	_ =	strace s4  }
0x94: {  	s4 =	sld [smem:$0x3FFC];
	_ =	sdelay $0x3  }
0x95: {  	_ =	strace s4  }
0x96: {  	s4 =	sld [smem:$0x3FFD];
	_ =	sdelay $0x3  }
0x97: {  	_ =	strace s4  }
0x98: {  	_ =	strace $0x8FFFFFFF  }
0x99: {  	s20 =	sld [smem:$0x3FDB];
	_ =	sdelay $0x1  }
0x9a: {  	s5 =	simm.s32 $_scs_section_size  }
0x9b: {  	s6 =	simm.s32 $_size__tile_overlayer_lowered;
	s7 =	simm.s32 $_tile_overlayer_lowered  }
0x9c: {  	s23 =	simm.s32 $0x1BFF;
	s22 =	sshll.u32 s7, $0x1;
	s4 =	sadd.s32 s5, s20  }
0x9d: {  	s8 =	simm.s32 $0x0;
	s21 =	sshll.u32 s6, $0x1;
	s6 =	sadd.s32 s22, s4  }
0x9e: {  	[timem:s8], [sflag:s23] =	dma.local [hbm:s6], s21  }
0x9f: {  	_ =	swait.ge [sflag:s23], s21  }
0xa0: {  	s5 =	ssub.s32 $0x0, s21;
	[sflag:s23] =	ssyncset.done $0x0  }
0xa1: {  	[sflag:s23] =	ssyncadd.s32 s5;
	_ =	sdelay $0x1  }
0xa2: {  	s24 =	simm.s32 $0x1B8B  }
0xa3: {  	_ =	swait.ge [sflag:s24], $0x1  }
0xa4: {  	[sflag:s24] =	ssyncset.done $0x0  }
0xa5: {  	s25 =	simm.s32 $0x1B8E;
	[sflag:s24] =	ssyncadd.s32 $0xFFFFFFFF  }
0xa6: {  	s26 =	simm.s32 $execute0_lowered;
	[smem:$0x3FD2] =	sst s25  }
0xa7: {  	s5 =	sshll.u32 s26, $0x1;
	_ =	strace $0x80000046;
	[dreg:$0x1] =	wrdreg $0xFFFFFFFF  }
0xa8: {  	s28 =	simm.s32 $_size_execute0_lowered;
	s4 =	sadd.s32 s4, s5;
	[dreg:$0x0] =	wrdreg $0x0  }
0xa9: {  	s5 =	sshll.u32 s28, $0x1;
	[dreg:$0x2] =	wrdreg s4  }
0xaa: {  	[dreg:$0x3] =	wrdreg s5  }
0xab: {  	[dreg:$0x4] =	wrdreg $0xC0  }
0xac: {  	_ =	task [dreg:s8], $0x5FFFF  }
0xad: {  	[dreg:$0x1] =	wrdreg $0xFFFFFFFF  }
0xae: {  	[dreg:$0x0] =	wrdreg $0x60  }
0xaf: {  	[dreg:$0x2] =	wrdreg s2  }
0xb0: {  	[dreg:$0x3] =	wrdreg s19  }
0xb1: {  	[dreg:$0x4] =	wrdreg $0x9  }
0xb2: {  	_ =	task.clear_ibuf [dreg:s8], $0x5FFFF;
	_ =	strace $0x90000046  }
0xb3: {  	s29 =	simm.s32 $0x9;
	_ =	strace $0x80000048  }
0xb4: {  	_ =	swait.ge [sflag:s29], $0x1  }
0xb5: {  	[sflag:s29] =	ssyncadd.s32 $0xFFFFFFFF  }
0xb6: {  	_ =	strace $0x90000048  }
0xb7: {  	_ =	sfence  }
0xb8: {  	s30 =	sld [smem:$0x0];
	_ =	sdelay $0x2  }
0xb9: {  	s31 =	sshll.u32 s1, $0xD;
	s1 =	sshrl.u32 s1, $0x2  }
0xba: {  	s3 =	sand.u32 $0x4000, s31;
	s1 =	sadd.s32 s1, s30  }
0xbb: {  	s0 =	sor.u32 s3, s0;
	s1 =	sshll.u32 s1, $0x11  }
0xbc: {  	s0 =	sor.u32 s1, s0  }
0xbd: {  	s0 =	sadd.s32 $0x8F2B, s0  }
0xbe: {  	[sflag:s0] =	ssyncadd.remote.s32 $0x1  }
0xbf: {  	_ =	sfence.sel $0xFFFF  }
0xc0: {  	[dreg:$0x0] =	wrdreg $0xFFFFFFFF;
	(pc) =	sbr.abs _section_cstart, $3  }
0xc1: {  	[dreg:$0x1] =	wrdreg $0xFFFFFFFF  }
0xc2: {  	_ =	task.clear_ibuf [dreg:s8], $0x2FFFF;
	_ =	strace $0x9FFFFFFF  }
0xc3: {  	(tm) =	ssettm $0x7FFFFFFF  }
tec
execute0_lowered:
.L_overlay_start_1:
0x0: {  	(tag) =	ssettag $0x1  }
0x1: {  	s2 =	rddreg [dreg:$0x0]  }
0x2: {  	s3 =	rddreg [dreg:$0x1]  }
0x3: {  	s0 =	srdreg.scid;
	s1 =	stileid.u32;
	s4 =	simm.s32 $0x0  }
0x4: {  	s30 =	simm.s32 $0x1;
	s28 =	simm.s32 $0x3;
	s0 =	sand.u32 $0x1, s0  }
0x5: {  	s1 =	sshll.u32 s1, $0xA;
	[smem:$0x7FF] =	sst s4;
	s5 =	sshll.u32 s0, $0x9  }
0x6: {  	s0 =	ssub.s32 $0x2, s0;
	_ =	strace $0x80000047;
	s8 =	sor.u32 s5, s1  }
0x7: {  	s23 =	sshrl.u32 s0, $0x1;
	s6 =	sor.u32 $0x20, s8;
	s24 =	sshll.u32 s8, $0x7  }
0x8: {  	s29 =	sadd.s32 $0x200, s8;
	s12 =	smov.u32 s8;
	s8 =	sor.u32 $0x40, s8  }
0x9: {  	s0 =	ssub.s32 s0, s23;
	s25 =	sadd.s32 s2, s24;
	[dreg:$0x6] =	wrdreg s8  }
0xa: {  	s9 =	sadd.s32 $0x2000, s2;
	s0 =	smax.u32 s0, $0x1;
	[dreg:$0x3] =	wrdreg s25  }
0xb: {  	s10 =	sadd.s32 s24, s9;
	s1 =	sadd.s32 s24, s3;
	[dreg:$0x9] =	wrdreg s0  }
0xc: {  	s11 =	sadd.s32 $0x800, s3;
	s13 =	sadd.s32 $0xF000, s1;
	[dreg:$0x5] =	wrdreg s10  }
0xd: {  	s7 =	sshll.u32 s6, $0x7;
	s1 =	sadd.s32 $0xF800, s1;
	[dreg:$0x7] =	wrdreg s13  }
0xe: {  	s31 =	sadd.s32 $0x3000, s2;
	s26 =	sadd.s32 s2, s7;
	[dreg:$0x8] =	wrdreg s1  }
0xf: {  	s5 =	smov.u32 s6;
	s21 =	sadd.s32 $0x80, s10;
	[dreg:$0x4] =	wrdreg s26  }
0x10: {  	s6 =	smov.u32 s2;
	s22 =	sadd.s32 $0x100, s10;
	[dreg:$0x11] =	wrdreg s21  }
0x11: {  	s8 =	simm.s32 $0x14000;
	s23 =	sadd.s32 $0x180, s10;
	[dreg:$0x12] =	wrdreg s22  }
0x12: {  	s7 =	sand.u32 $0xE00, s29;
	s24 =	sadd.s32 $0x200, s10;
	[dreg:$0x13] =	wrdreg s23  }
0x13: {  	s25 =	sadd.s32 $0x280, s10;
	s29 =	sadd.s32 $0x380, s10;
	[dreg:$0x14] =	wrdreg s24  }
0x14: {  	s0 =	simm.s32 $0x2000;
	s14 =	sadd.s32 $0x80, s26;
	[dreg:$0x15] =	wrdreg s25  }
0x15: {  	s15 =	sadd.s32 $0x100, s26;
	s16 =	sadd.s32 $0x180, s26;
	[dreg:$0x17] =	wrdreg s29  }
0x16: {  	s17 =	sadd.s32 $0x200, s26;
	s18 =	sadd.s32 $0x280, s26;
	[dreg:$0xa] =	wrdreg s14  }
0x17: {  	s19 =	sadd.s32 $0x300, s26;
	s20 =	sadd.s32 $0x380, s26;
	[dreg:$0xb] =	wrdreg s15  }
0x18: {  	p0 =	sne.s32 s7, $0x0;
	s26 =	sadd.s32 $0x300, s10;
	[dreg:$0xc] =	wrdreg s16  }
.Ltmp0:
0x19: {  	s1 =	simm.s32 $0x400;
	[dreg:$0xd] =	wrdreg s17;
	(pc) =	sbr.rel .LBB2_1-.Ltmp0, $4  }
0x1a: {  	s7 =	simm.s32 $0x8000;
	s21 =	simm.s32 $0x12000;
	[dreg:$0xe] =	wrdreg s18  }
0x1b: {  	s22 =	simm.s32 $0x1C000;
	s24 =	simm.s32 $0x2;
	[dreg:$0xf] =	wrdreg s19  }
0x1c: {  	s23 =	simm.s32 $0x5;
	s13 =	simm.s32 $0x0;
	[dreg:$0x10] =	wrdreg s20  }
0x1d: {  	v0 =	vimm.f32 $0.0e+00;
	[dreg:$0x16] =	wrdreg s26;
	s20 =	simm.s32 $0xA000;
	s26 =	simm.s32 $0x4  }
.LBB2_52:
0x1e: {  	s2 =	rddreg [dreg:$0x8];
	s10 =	simm.s32 $0x4000;
	s25 =	simm.s32 $0x6  }
0x1f: {  	[hbm4b:s2+s4] =	stream.linear.scatter [tilespmem:s10], [sflag:$0x4], $0x4000, $0x38;
	[tilespmem:$0x1E000] =	vst v63  }
0x20: {  	_ =	swait.ge [sflag:s25], $0x4000  }
0x21: {  	[sflag:s25] =	ssyncset.done $0x0  }
0x22: {  	[sflag:s25] =	ssyncadd.s32 $0xFFFFC000  }
0x23: {  	_ =	swait.ge [sflag:s25], $0x4000  }
0x24: {  	[sflag:s25] =	ssyncset.done $0x0  }
0x25: {  	[sflag:s25] =	ssyncadd.s32 $0xFFFFC000  }
0x26: {  	_ =	swait.ge [sflag:s26], $0x4000  }
0x27: {  	[sflag:s26] =	ssyncset.done $0x0  }
0x28: {  	[sflag:s26] =	ssyncadd.s32 $0xFFFFC000  }
0x29: {  	_ =	swait.ge [sflag:s26], $0x4000  }
0x2a: {  	s13 =	sadd.s32 $0x1, s13;
	s29 =	rddreg [dreg:$0x9]  }
0x2b: {  	p1 =	sne.s32 s13, s29  }
.Ltmp1:
0x2c: {  	_ = 	snop;
	(pc) =	sbr.rel @!p1 .LBB2_53-.Ltmp1, $3  }
0x2d: {  	_ =	sdelay $0x1  }
0x2e: {  	[sflag:s26] =	ssyncset.done $0x0  }
0x2f: {  	[sflag:s26] =	ssyncadd.s32 $0xFFFFC000  }
.LBB2_1:
0x30: {  	s2 =	rddreg [dreg:$0x3]  }
0x31: {  	[tilespmem:s4], [sflag:$0x1] =	stream.linear.gather [hbm4b:s2+s4], $0x8000, $0x38;
	[tilespmem:$0x1E000] =	vst v63  }
0x32: {  	s2 =	rddreg [dreg:$0x4]  }
0x33: {  	[tilespmem:s7], [sflag:$0x1] =	stream.strided.gather [hbm4b:s2+s0], $0x0, s1, s0, $0x38;
	[tilespmem:$0x1E000] =	vst v63  }
0x34: {  	[dreg:$0x18] =	wrdreg s13  }
0x35: {  	[tilespmem:s7], [sflag:$0x1] =	stream.linear.gather [hbm4b:s2+s4], $0x200, $0x38;
	[tilespmem:$0x1E000] =	vst v63  }
0x36: {  	s10 =	rddreg [dreg:$0xa];
	s29 =	simm.s32 $0x8400  }
0x37: {  	[tilespmem:s29], [sflag:$0x1] =	stream.linear.gather [hbm4b:s10+s4], $0x200, $0x38;
	[tilespmem:$0x1E000] =	vst v63  }
0x38: {  	s14 =	rddreg [dreg:$0xb];
	s15 =	simm.s32 $0x8800  }
0x39: {  	[tilespmem:s15], [sflag:$0x1] =	stream.linear.gather [hbm4b:s14+s4], $0x200, $0x38;
	[tilespmem:$0x1E000] =	vst v63  }
0x3a: {  	s16 =	rddreg [dreg:$0xc];
	s17 =	simm.s32 $0x8C00  }
0x3b: {  	[tilespmem:s17], [sflag:$0x1] =	stream.linear.gather [hbm4b:s16+s4], $0x200, $0x38;
	[tilespmem:$0x1E000] =	vst v63  }
0x3c: {  	s18 =	rddreg [dreg:$0xd];
	s19 =	simm.s32 $0x9000  }
0x3d: {  	[tilespmem:s19], [sflag:$0x1] =	stream.linear.gather [hbm4b:s18+s4], $0x200, $0x38;
	[tilespmem:$0x1E000] =	vst v63  }
0x3e: {  	s25 =	rddreg [dreg:$0xe];
	s29 =	simm.s32 $0x9400  }
0x3f: {  	[tilespmem:s29], [sflag:$0x1] =	stream.linear.gather [hbm4b:s25+s4], $0x200, $0x38;
	[tilespmem:$0x1E000] =	vst v63  }
0x40: {  	s13 =	rddreg [dreg:$0xf];
	s14 =	simm.s32 $0x9800  }
0x41: {  	[tilespmem:s14], [sflag:$0x1] =	stream.linear.gather [hbm4b:s13+s4], $0x200, $0x38;
	[tilespmem:$0x1E000] =	vst v63  }
0x42: {  	s15 =	rddreg [dreg:$0x10];
	s16 =	simm.s32 $0x9C00  }
0x43: {  	[tilespmem:s16], [sflag:$0x1] =	stream.linear.gather [hbm4b:s15+s4], $0x200, $0x38;
	[tilespmem:$0x1E000] =	vst v63  }
0x44: {  	_ = 	snop  }
0x45: {  	[tilespmem:s20], [sflag:$0x2] =	stream.linear.gather [hbm4b:s2+s4], $0x8000, $0x38;
	[tilespmem:$0x1E000] =	vst v63  }
0x46: {  	s17 =	rddreg [dreg:$0x5]  }
0x47: {  	[tilespmem:s21], [sflag:$0x2] =	stream.strided.gather [hbm4b:s17+s0], $0x0, s1, s0, $0x38;
	[tilespmem:$0x1E000] =	vst v63  }
0x48: {  	_ = 	snop  }
0x49: {  	[tilespmem:s21], [sflag:$0x2] =	stream.linear.gather [hbm4b:s17+s4], $0x200, $0x38;
	[tilespmem:$0x1E000] =	vst v63  }
0x4a: {  	s18 =	rddreg [dreg:$0x11];
	s19 =	simm.s32 $0x12400  }
0x4b: {  	[tilespmem:s19], [sflag:$0x2] =	stream.linear.gather [hbm4b:s18+s4], $0x200, $0x38;
	[tilespmem:$0x1E000] =	vst v63  }
0x4c: {  	s25 =	rddreg [dreg:$0x12];
	s29 =	simm.s32 $0x12800  }
0x4d: {  	[tilespmem:s29], [sflag:$0x2] =	stream.linear.gather [hbm4b:s25+s4], $0x200, $0x38;
	[tilespmem:$0x1E000] =	vst v63  }
0x4e: {  	s10 =	rddreg [dreg:$0x13];
	s13 =	simm.s32 $0x12C00  }
0x4f: {  	[tilespmem:s13], [sflag:$0x2] =	stream.linear.gather [hbm4b:s10+s4], $0x200, $0x38;
	[tilespmem:$0x1E000] =	vst v63  }
0x50: {  	s14 =	rddreg [dreg:$0x14];
	s15 =	simm.s32 $0x13000  }
0x51: {  	[tilespmem:s15], [sflag:$0x2] =	stream.linear.gather [hbm4b:s14+s4], $0x200, $0x38;
	[tilespmem:$0x1E000] =	vst v63  }
0x52: {  	s16 =	rddreg [dreg:$0x15];
	s17 =	simm.s32 $0x13400  }
0x53: {  	[tilespmem:s17], [sflag:$0x2] =	stream.linear.gather [hbm4b:s16+s4], $0x200, $0x38;
	[tilespmem:$0x1E000] =	vst v63  }
0x54: {  	s18 =	rddreg [dreg:$0x16];
	s19 =	simm.s32 $0x13800  }
0x55: {  	[tilespmem:s19], [sflag:$0x2] =	stream.linear.gather [hbm4b:s18+s4], $0x200, $0x38;
	[tilespmem:$0x1E000] =	vst v63  }
0x56: {  	s25 =	rddreg [dreg:$0x17];
	s29 =	simm.s32 $0x13C00  }
0x57: {  	[tilespmem:s29], [sflag:$0x2] =	stream.linear.gather [hbm4b:s25+s4], $0x200, $0x38;
	[tilespmem:$0x1E000] =	vst v63  }
0x58: {  	s25 =	simm.s32 $0x0  }
.LBB2_2:
0x59: {  	s29 =	smul.u32 $0x60, s25;
	_ =	sdelay $0x1  }
0x5a: {  	s13 =	sadd.s32 s12, s29  }
0x5b: {  	s14 =	sadd.s32 $0x20, s13  }
0x5c: {  	s14 =	sand.u32 $0xFE0, s14  }
0x5d: {  	_ =	swait.ge [sflag:s30], $0x8000;
	p1 =	sne.s32 s14, $0x0  }
.Ltmp2:
0x5e: {  	[sflag:s30] =	ssyncset.done $0x0;
	(pc) =	sbr.rel @p1 .LBB2_6-.Ltmp2, $4  }
0x5f: {  	[sflag:s30] =	ssyncadd.s32 $0xFFFF8000  }
0x60: {  	_ =	swait.ge [sflag:s30], $0x1000  }
0x61: {  	[sflag:s30] =	ssyncset.done $0x0  }
0x62: {  	[sflag:s30] =	ssyncadd.s32 $0xFFFFF000  }
0x63: {  	s14 =	simm.s32 $0x0  }
0x64: {  	s15 =	sand.u32 $0x70, s14;
	s16 =	sand.u32 $0x1C00, s14  }
0x65: {  	s16 =	sor.u32 s15, s16  }
0x66: {  	[tilespmem:s16+$0x8180] =	vst v0  }
0x67: {  	[tilespmem:s16+$0x8000] =	vst v0  }
0x68: {  	s15 =	simm.s32 $0x10;
	[tilespmem:s16+$0x8080] =	vst v0  }
.LBB2_4:
0x69: {  	s17 =	sand.u32 $0x70, s15;
	[tilespmem:s16+$0x8100] =	vst v0;
	s14 =	sadd.s32 $0x80, s14;
	p2 =	sne.s32 s15, $0x3F0  }
.Ltmp3:
0x6a: {  	s15 =	sadd.s32 $0x10, s15;
	s16 =	sand.u32 $0x1C00, s14;
	(pc) =	sbr.rel @p2 .LBB2_4-.Ltmp3, $4  }
0x6b: {  	s16 =	sor.u32 s17, s16  }
0x6c: {  	[tilespmem:s16+$0x8180] =	vst v0  }
0x6d: {  	[tilespmem:s16+$0x8000] =	vst v0  }
0x6e: {  	[tilespmem:s16+$0x8080] =	vst v0  }
0x6f: {  	[tilespmem:s16+$0x8100] =	vst v0  }
.LBB2_6:
0x70: {  	s15 =	simm.s32 $0x0  }
0x71: {  	s14 =	sand.u32 $0x70, s15;
	s16 =	sand.u32 $0x1C00, s15  }
0x72: {  	s14 =	sor.u32 s14, s16  }
0x73: {  	v1 =	vld [tilespmem:s14+$0x300]  }
0x74: {  	v2 =	vld [tilespmem:s14+$0x200]  }
0x75: {  	v3 =	vld [tilespmem:s14+$0x100]  }
0x76: {  	v4 =	vld [tilespmem:s14+$0x80]  }
0x77: {  	v5 =	vld [tilespmem:s14+$0x180]  }
0x78: {  	v6 =	vld [tilespmem:s14+$0x280];
	_ =	sdelay $0x3  }
0x79: {  	v4 =	vadd.f32 v3, v4;
	v7 =	vadd.f32 v2, v5  }
0x7a: {  	v8 =	vadd.f32 v1, v6;
	v2 =	vadd.f32 v6, v2  }
0x7b: {  	v3 =	vadd.f32 v5, v3;
	v4 =	vadd.f32 v7, v4  }
0x7c: {  	v5 =	vadd.f32 v8, v7  }
0x7d: {  	v3 =	vadd.f32 v2, v3;
	v4 =	vmul.f32 $2.500000000e-01, v4  }
0x7e: {  	v5 =	vmul.f32 $2.500000000e-01, v5  }
0x7f: {  	v3 =	vmul.f32 $2.500000000e-01, v3;
	[tilespmem:s14+$0x0] =	vst v4  }
0x80: {  	s19 =	sor.u32 s15, s15;
	[tilespmem:s14+$0x100] =	vst v5  }
0x81: {  	s16 =	sor.u32 $0x380, s19;
	[tilespmem:s14+$0x80] =	vst v3  }
0x82: {  	v5 =	vld [tilespmem:s16+$0x0]  }
0x83: {  	v4 =	vld [tilespmem:s14+$0x2000]  }
0x84: {  	v6 =	vld [tilespmem:s14+$0x2080]  }
0x85: {  	v7 =	vld [tilespmem:s14+$0x2100]  }
0x86: {  	v3 =	vld [tilespmem:s14+$0x2180]  }
0x87: {  	v1 =	vadd.f32 v5, v1  }
0x88: {  	v5 =	vadd.f32 v4, v5  }
0x89: {  	v4 =	vadd.f32 v6, v4;
	v9 =	vadd.f32 v1, v2  }
0x8a: {  	v2 =	vadd.f32 v7, v6;
	v6 =	vadd.f32 v5, v8  }
0x8b: {  	v63 =	vadd.f32 v4, v1;
	v1 =	vadd.f32 v3, v7;
	v9 =	vmul.f32 $2.500000000e-01, v9  }
0x8c: {  	v5 =	vadd.f32 v2, v5;
	v6 =	vmul.f32 $2.500000000e-01, v6  }
0x8d: {  	v7 =	vmul.f32 $2.500000000e-01, v63;
	v4 =	vadd.f32 v1, v4;
	[tilespmem:s14+$0x180] =	vst v9  }
0x8e: {  	v5 =	vmul.f32 $2.500000000e-01, v5;
	[tilespmem:s14+$0x200] =	vst v6  }
0x8f: {  	[tilespmem:s14+$0x280] =	vst v7;
	v4 =	vmul.f32 $2.500000000e-01, v4  }
0x90: {  	[tilespmem:s14+$0x300] =	vst v5  }
0x91: {  	[tilespmem:s16+$0x0] =	vst v4  }
0x92: {  	s16 =	simm.s32 $0x10;
	v4 =	vld [tilespmem:s14+$0x2380]  }
.LBB2_7:
0x93: {  	p2 =	sne.s32 s16, $0x3F0  }
0x94: {  	v5 =	vld [tilespmem:s14+$0x4080];
	s15 =	sadd.s32 $0x80, s15;
	s17 =	smov.u32 s16;
	s16 =	sadd.s32 $0x10, s16  }
0x95: {  	v6 =	vld [tilespmem:s14+$0x2300]  }
0x96: {  	v7 =	vld [tilespmem:s14+$0x2200]  }
0x97: {  	v8 =	vld [tilespmem:s14+$0x4000]  }
0x98: {  	v9 =	vld [tilespmem:s14+$0x4100]  }
0x99: {  	s18 =	sand.u32 $0x70, s17;
	s19 =	sand.u32 $0x1C00, s15;
	v10 =	vld [tilespmem:s14+$0x2280]  }
0x9a: {  	s18 =	sor.u32 s18, s19;
	v11 =	vld [tilespmem:s14+$0x4180]  }
0x9b: {  	v13 =	vadd.f32 v4, v6;
	v12 =	vld [tilespmem:s18+$0x300];
	v3 =	vadd.f32 v7, v3  }
0x9c: {  	v14 =	vld [tilespmem:s18+$0x200];
	v4 =	vadd.f32 v8, v4;
	v8 =	vadd.f32 v5, v8  }
0x9d: {  	v15 =	vld [tilespmem:s18+$0x100];
	v2 =	vadd.f32 v3, v2;
	v5 =	vadd.f32 v9, v5  }
0x9e: {  	v16 =	vld [tilespmem:s18+$0x80];
	v7 =	vadd.f32 v10, v7;
	v17 =	vadd.f32 v8, v13  }
0x9f: {  	v6 =	vadd.f32 v6, v10;
	v18 =	vld [tilespmem:s18+$0x280];
	v2 =	vmul.f32 $2.500000000e-01, v2;
	v9 =	vadd.f32 v11, v9  }
0xa0: {  	v10 =	vld [tilespmem:s18+$0x180];
	v1 =	vadd.f32 v7, v1;
	v7 =	vadd.f32 v13, v7;
	v11 =	vmul.f32 $2.500000000e-01, v17  }
0xa1: {  	[tilespmem:s14+$0x2000] =	vst v2;
	v2 =	vadd.f32 v6, v3;
	v3 =	vadd.f32 v4, v6  }
0xa2: {  	v1 =	vmul.f32 $2.500000000e-01, v1;
	v6 =	vmul.f32 $2.500000000e-01, v7;
	[tilespmem:s14+$0x2280] =	vst v11;
	v7 =	vadd.f32 v9, v8  }
0xa3: {  	v8 =	vadd.f32 v15, v16;
	v2 =	vmul.f32 $2.500000000e-01, v2;
	v3 =	vmul.f32 $2.500000000e-01, v3  }
0xa4: {  	v9 =	vadd.f32 v18, v14;
	[tilespmem:s14+$0x2080] =	vst v1;
	v1 =	vadd.f32 v5, v4;
	v4 =	vmul.f32 $2.500000000e-01, v7  }
0xa5: {  	v5 =	vadd.f32 v10, v15;
	v7 =	vadd.f32 v14, v10;
	[tilespmem:s14+$0x2100] =	vst v2  }
0xa6: {  	v10 =	vadd.f32 v12, v18;
	[tilespmem:s14+$0x2200] =	vst v3;
	v1 =	vmul.f32 $2.500000000e-01, v1  }
0xa7: {  	v2 =	vadd.f32 v7, v8;
	v3 =	vadd.f32 v9, v5;
	[tilespmem:s14+$0x2180] =	vst v6  }
0xa8: {  	v5 =	vadd.f32 v10, v7;
	[tilespmem:s14+$0x2300] =	vst v1  }
0xa9: {  	v1 =	vmul.f32 $2.500000000e-01, v2;
	v2 =	vmul.f32 $2.500000000e-01, v3;
	[tilespmem:s14+$0x2380] =	vst v4;
	s14 =	smov.u32 s18  }
0xaa: {  	v3 =	vmul.f32 $2.500000000e-01, v5  }
0xab: {  	[tilespmem:s14+$0x0] =	vst v1  }
0xac: {  	s17 =	sor.u32 s15, s17;
	[tilespmem:s14+$0x100] =	vst v3;
	v1 =	vld [tilespmem:s14+$0x2000]  }
0xad: {  	s17 =	sor.u32 $0x380, s17;
	[tilespmem:s14+$0x80] =	vst v2;
	v2 =	vld [tilespmem:s14+$0x2080]  }
0xae: {  	v4 =	vld [tilespmem:s17+$0x0]  }
0xaf: {  	v5 =	vld [tilespmem:s14+$0x2100];
	_ =	sdelay $0x2  }
0xb0: {  	v3 =	vld [tilespmem:s14+$0x2180]  }
0xb1: {  	v6 =	vadd.f32 v4, v12;
	v4 =	vadd.f32 v1, v4  }
0xb2: {  	v7 =	vadd.f32 v2, v1;
	v2 =	vadd.f32 v5, v2  }
0xb3: {  	v1 =	vadd.f32 v6, v9;
	v8 =	vadd.f32 v4, v10  }
0xb4: {  	v6 =	vadd.f32 v7, v6;
	v4 =	vadd.f32 v2, v4  }
0xb5: {  	v9 =	vmul.f32 $2.500000000e-01, v1;
	v8 =	vmul.f32 $2.500000000e-01, v8;
	v1 =	vadd.f32 v3, v5  }
0xb6: {  	v5 =	vmul.f32 $2.500000000e-01, v6;
	v4 =	vmul.f32 $2.500000000e-01, v4  }
0xb7: {  	[tilespmem:s14+$0x180] =	vst v9;
	v6 =	vadd.f32 v1, v7  }
.Ltmp4:
0xb8: {  	[tilespmem:s14+$0x200] =	vst v8;
	(pc) =	sbr.rel @p2 .LBB2_7-.Ltmp4, $4  }
0xb9: {  	[tilespmem:s14+$0x280] =	vst v5;
	v5 =	vmul.f32 $2.500000000e-01, v6  }
0xba: {  	[tilespmem:s14+$0x300] =	vst v4  }
0xbb: {  	[tilespmem:s17+$0x0] =	vst v5  }
0xbc: {  	v4 =	vld [tilespmem:s14+$0x2380]  }
0xbd: {  	v5 =	vld [tilespmem:s14+$0x4080]  }
0xbe: {  	v6 =	vld [tilespmem:s14+$0x2300]  }
0xbf: {  	v7 =	vld [tilespmem:s14+$0x2200]  }
0xc0: {  	v8 =	vld [tilespmem:s14+$0x4000]  }
0xc1: {  	v9 =	vld [tilespmem:s14+$0x2280];
	_ =	sdelay $0x2  }
0xc2: {  	v3 =	vadd.f32 v7, v3  }
0xc3: {  	v10 =	vld [tilespmem:s14+$0x4100];
	v11 =	vadd.f32 v4, v6;
	v12 =	vadd.f32 v5, v8  }
0xc4: {  	v13 =	vld [tilespmem:s14+$0x4180];
	v7 =	vadd.f32 v9, v7;
	v2 =	vadd.f32 v3, v2  }
0xc5: {  	v6 =	vadd.f32 v6, v9;
	v14 =	vadd.f32 v12, v11  }
0xc6: {  	v1 =	vadd.f32 v7, v1;
	v2 =	vmul.f32 $2.500000000e-01, v2  }
0xc7: {  	v4 =	vadd.f32 v8, v4;
	v3 =	vadd.f32 v6, v3;
	v8 =	vmul.f32 $2.500000000e-01, v14  }
0xc8: {  	v5 =	vadd.f32 v10, v5;
	v7 =	vadd.f32 v11, v7;
	v1 =	vmul.f32 $2.500000000e-01, v1;
	[tilespmem:s14+$0x2000] =	vst v2  }
0xc9: {  	v3 =	vmul.f32 $2.500000000e-01, v3;
	v2 =	vadd.f32 v4, v6;
	v6 =	vadd.f32 v13, v10;
	[tilespmem:s14+$0x2280] =	vst v8  }
0xca: {  	[tilespmem:s14+$0x2080] =	vst v1;
	v1 =	vadd.f32 v5, v4;
	v4 =	vmul.f32 $2.500000000e-01, v7  }
0xcb: {  	[tilespmem:s14+$0x2100] =	vst v3;
	v2 =	vmul.f32 $2.500000000e-01, v2;
	v5 =	vadd.f32 v6, v12  }
0xcc: {  	v1 =	vmul.f32 $2.500000000e-01, v1;
	[tilespmem:s14+$0x2180] =	vst v4  }
0xcd: {  	[tilespmem:s14+$0x2200] =	vst v2;
	v2 =	vmul.f32 $2.500000000e-01, v5  }
0xce: {  	s13 =	sshll.u32 s13, $0x7;
	[tilespmem:s14+$0x2300] =	vst v1  }
0xcf: {  	s15 =	simm.s32 $0x0;
	s17 =	sadd.s32 s3, s13;
	[tilespmem:s14+$0x2380] =	vst v2  }
0xd0: {  	[hbm4b:s17+s15] =	stream.linear.scatter [tilespmem:s15], [sflag:$0x4], $0x4000, $0x38;
	[tilespmem:$0x1E000] =	vst v63  }
0xd1: {  	s18 =	sand.u32 $0x70, s15;
	s15 =	sand.u32 $0x1C00, s15  }
0xd2: {  	s15 =	sor.u32 s18, s15  }
0xd3: {  	v1 =	vld [tilespmem:s15+$0x8000]  }
0xd4: {  	v2 =	vld [tilespmem:s15+$0x8180]  }
0xd5: {  	v5 =	vld [tilespmem:s15+$0x8100]  }
0xd6: {  	v6 =	vld [tilespmem:s15+$0x8080]  }
0xd7: {  	v7 =	vld [tilespmem:s15+$0x6180]  }
0xd8: {  	v8 =	vld [tilespmem:s15+$0x6100]  }
0xd9: {  	v9 =	vld [tilespmem:s15+$0x6200]  }
0xda: {  	v10 =	vld [tilespmem:s15+$0x6080]  }
0xdb: {  	v3 =	vld [tilespmem:s15+$0x6380]  }
0xdc: {  	v4 =	vld [tilespmem:s15+$0x6300];
	v2 =	vadd.f32 v2, v5;
	v14 =	vadd.f32 v6, v1  }
0xdd: {  	v11 =	vld [tilespmem:s15+$0x6280]  }
0xde: {  	v12 =	vld [tilespmem:s15+$0x4180];
	v2 =	vadd.f32 v2, v14  }
0xdf: {  	v13 =	vld [tilespmem:s15+$0x6000];
	v18 =	vadd.f32 v9, v7;
	v19 =	vadd.f32 v8, v10  }
0xe0: {  	v15 =	vld [tilespmem:s15+$0x4300];
	v5 =	vadd.f32 v5, v6;
	v1 =	vadd.f32 v1, v3;
	v2 =	vmul.f32 $2.500000000e-01, v2  }
0xe1: {  	s19 =	simm.s32 $0x10;
	s16 =	simm.s32 $0x80;
	v16 =	vld [tilespmem:s15+$0x4380];
	v21 =	vadd.f32 v18, v19  }
0xe2: {  	s16 =	sand.u32 $0x1C00, s16;
	s14 =	sand.u32 $0x70, s19;
	v17 =	vld [tilespmem:s15+$0x4280];
	[tilespmem:s15+$0x6380] =	vst v2;
	v2 =	vadd.f32 v3, v4;
	v3 =	vadd.f32 v5, v1  }
0xe3: {  	s14 =	sor.u32 s14, s16;
	v20 =	vld [tilespmem:s15+$0x4100];
	v7 =	vadd.f32 v7, v8;
	v8 =	vadd.f32 v11, v9;
	v5 =	vmul.f32 $2.500000000e-01, v21  }
0xe4: {  	v63 =	vld [tilespmem:s14+$0x8000];
	v9 =	vadd.f32 v14, v2;
	v3 =	vmul.f32 $2.500000000e-01, v3  }
0xe5: {  	v23 =	vld [tilespmem:s14+$0x8180];
	[tilespmem:s15+$0x6000] =	vst v5;
	v5 =	vadd.f32 v8, v7  }
0xe6: {  	v14 =	vld [tilespmem:s14+$0x6380];
	v9 =	vmul.f32 $2.500000000e-01, v9;
	[tilespmem:s15+$0x6300] =	vst v3;
	v3 =	vadd.f32 v4, v11  }
0xe7: {  	v22 =	vld [tilespmem:s15+$0x4200];
	v2 =	vadd.f32 v2, v8;
	v4 =	vmul.f32 $2.500000000e-01, v5  }
0xe8: {  	v24 =	vld [tilespmem:s14+$0x6300];
	[tilespmem:s15+$0x6280] =	vst v9;
	v5 =	vadd.f32 v3, v18  }
0xe9: {  	v2 =	vmul.f32 $2.500000000e-01, v2;
	v25 =	vld [tilespmem:s14+$0x8100];
	[tilespmem:s15+$0x6080] =	vst v4;
	v4 =	vadd.f32 v10, v13  }
0xea: {  	v6 =	vld [tilespmem:s15+$0x4080];
	v1 =	vadd.f32 v1, v3;
	v3 =	vmul.f32 $2.500000000e-01, v5  }
0xeb: {  	v18 =	vld [tilespmem:s14+$0x8080];
	[tilespmem:s15+$0x6180] =	vst v2;
	v2 =	vadd.f32 v7, v4  }
0xec: {  	v8 =	vadd.f32 v17, v22;
	v1 =	vmul.f32 $2.500000000e-01, v1;
	v5 =	vld [tilespmem:s14+$0x6180];
	[tilespmem:s15+$0x6100] =	vst v3;
	v3 =	vadd.f32 v16, v15  }
0xed: {  	v9 =	vadd.f32 v13, v16;
	v2 =	vmul.f32 $2.500000000e-01, v2  }
0xee: {  	v13 =	vadd.f32 v15, v17;
	v10 =	vld [tilespmem:s14+$0x6100];
	[tilespmem:s15+$0x6200] =	vst v1;
	v1 =	vadd.f32 v3, v8  }
0xef: {  	v15 =	vadd.f32 v22, v12;
	v26 =	vld [tilespmem:s14+$0x6200];
	[tilespmem:s15+$0x4380] =	vst v2;
	v2 =	vadd.f32 v4, v3  }
0xf0: {  	v3 =	vadd.f32 v12, v20;
	v4 =	vadd.f32 v19, v9;
	v1 =	vmul.f32 $2.500000000e-01, v1  }
0xf1: {  	v6 =	vadd.f32 v20, v6;
	v7 =	vld [tilespmem:s14+$0x6080];
	v2 =	vmul.f32 $2.500000000e-01, v2  }
0xf2: {  	v16 =	vadd.f32 v13, v15;
	v27 =	vld [tilespmem:s14+$0x6280];
	v11 =	vadd.f32 v8, v3;
	v4 =	vmul.f32 $2.500000000e-01, v4;
	[tilespmem:s15+$0x4180] =	vst v1  }
0xf3: {  	v15 =	vadd.f32 v15, v6;
	v13 =	vadd.f32 v9, v13;
	v1 =	vld [tilespmem:s14+$0x4180];
	[tilespmem:s15+$0x4280] =	vst v2  }
0xf4: {  	v12 =	vadd.f32 v18, v63;
	v18 =	vadd.f32 v25, v18;
	v11 =	vmul.f32 $2.500000000e-01, v11;
	v3 =	vld [tilespmem:s14+$0x6000];
	[tilespmem:s15+$0x4300] =	vst v4  }
0xf5: {  	v17 =	vmul.f32 $2.500000000e-01, v13;
	v13 =	vadd.f32 v63, v14;
	v4 =	vadd.f32 v23, v25;
	v2 =	vld [tilespmem:s14+$0x4300]  }
0xf6: {  	v16 =	vmul.f32 $2.500000000e-01, v16;
	v8 =	vadd.f32 v14, v24;
	v6 =	vld [tilespmem:s14+$0x4380];
	[tilespmem:s15+$0x4080] =	vst v11;
	v11 =	vadd.f32 v26, v5  }
0xf7: {  	v20 =	vmul.f32 $2.500000000e-01, v15;
	v19 =	vadd.f32 v4, v12;
	v4 =	vadd.f32 v10, v7  }
0xf8: {  	v9 =	vadd.f32 v5, v10;
	v15 =	vadd.f32 v27, v26;
	v5 =	vld [tilespmem:s14+$0x4280];
	[tilespmem:s15+$0x4100] =	vst v16  }
0xf9: {  	s16 =	simm.s32 $0x100;
	s18 =	simm.s32 $0x20;
	v14 =	vadd.f32 v24, v27;
	v10 =	vld [tilespmem:s14+$0x4100];
	[tilespmem:s15+$0x4000] =	vst v20;
	v16 =	vmul.f32 $2.500000000e-01, v19;
	v19 =	vadd.f32 v11, v4  }
.LBB2_9:
0xfa: {  	s19 =	sand.u32 $0x70, s18;
	v20 =	vld [tilespmem:s14+$0x4080];
	[tilespmem:s15+$0x4200] =	vst v17;
	s15 =	smov.u32 s18  }
0xfb: {  	s10 =	sand.u32 $0x1C00, s16;
	v12 =	vadd.f32 v12, v8;
	v18 =	vadd.f32 v18, v13;
	s17 =	sadd.s32 $0x10, s18;
	s15 =	smov.u32 s14  }
0xfc: {  	p2 =	sne.s32 s18, $0x3F0;
	v7 =	vadd.f32 v7, v3;
	v21 =	vadd.f32 v15, v9;
	s14 =	sor.u32 s19, s10;
	v19 =	vmul.f32 $2.500000000e-01, v19;
	v17 =	vld [tilespmem:s15+$0x4200];
	[tilespmem:s15+$0x6380] =	vst v16  }
0xfd: {  	v8 =	vadd.f32 v8, v15;
	v12 =	vmul.f32 $2.500000000e-01, v12;
	v15 =	vmul.f32 $2.500000000e-01, v18;
	v22 =	vld [tilespmem:s14+$0x8000]  }
0xfe: {  	v11 =	vadd.f32 v14, v11;
	v13 =	vadd.f32 v13, v14;
	v18 =	vmul.f32 $2.500000000e-01, v21;
	v16 =	vld [tilespmem:s14+$0x8180];
	[tilespmem:s15+$0x6000] =	vst v19  }
0xff: {  	v9 =	vadd.f32 v9, v7;
	v19 =	vadd.f32 v1, v10;
	v14 =	vld [tilespmem:s14+$0x6380];
	[tilespmem:s15+$0x6300] =	vst v15  }
0x100: {  	v8 =	vmul.f32 $2.500000000e-01, v8;
	v11 =	vmul.f32 $2.500000000e-01, v11;
	v15 =	vadd.f32 v6, v2;
	v21 =	vld [tilespmem:s14+$0x6300];
	[tilespmem:s15+$0x6280] =	vst v12  }
0x101: {  	v9 =	vmul.f32 $2.500000000e-01, v9;
	v10 =	vadd.f32 v10, v20;
	v23 =	vld [tilespmem:s14+$0x8100];
	v12 =	vadd.f32 v5, v17;
	[tilespmem:s15+$0x6080] =	vst v18  }
0x102: {  	v3 =	vadd.f32 v3, v6;
	v6 =	vadd.f32 v7, v15;
	v7 =	vmul.f32 $2.500000000e-01, v13;
	v18 =	vld [tilespmem:s14+$0x8080];
	[tilespmem:s15+$0x6180] =	vst v8  }
0x103: {  	v13 =	vld [tilespmem:s14+$0x6180];
	v19 =	vadd.f32 v12, v19;
	v8 =	vadd.f32 v15, v12;
	[tilespmem:s15+$0x6100] =	vst v11  }
0x104: {  	v4 =	vadd.f32 v4, v3;
	v2 =	vadd.f32 v2, v5;
	v15 =	vld [tilespmem:s14+$0x6100];
	[tilespmem:s15+$0x6200] =	vst v7  }
0x105: {  	v5 =	vadd.f32 v17, v1;
	v6 =	vmul.f32 $2.500000000e-01, v6;
	v20 =	vld [tilespmem:s14+$0x6200];
	v1 =	vmul.f32 $2.500000000e-01, v8;
	[tilespmem:s15+$0x4380] =	vst v9  }
0x106: {  	v4 =	vmul.f32 $2.500000000e-01, v4;
	v8 =	vadd.f32 v14, v21;
	v7 =	vld [tilespmem:s14+$0x6080];
	v11 =	vadd.f32 v16, v23  }
0x107: {  	v19 =	vmul.f32 $2.500000000e-01, v19;
	v16 =	vadd.f32 v2, v5;
	v24 =	vld [tilespmem:s14+$0x6280];
	v12 =	vadd.f32 v18, v22;
	[tilespmem:s15+$0x4180] =	vst v1  }
0x108: {  	v5 =	vadd.f32 v5, v10;
	v10 =	vadd.f32 v3, v2;
	v1 =	vld [tilespmem:s14+$0x4180];
	[tilespmem:s15+$0x4280] =	vst v6  }
.Ltmp5:
0x109: {  	v26 =	vmul.f32 $2.500000000e-01, v16;
	v3 =	vld [tilespmem:s14+$0x6000];
	v9 =	vadd.f32 v13, v15;
	v25 =	vadd.f32 v11, v12;
	[tilespmem:s15+$0x4300] =	vst v4;
	(pc) =	sbr.rel @p2 .LBB2_9-.Ltmp5, $4  }
0x10a: {  	v27 =	vmul.f32 $2.500000000e-01, v5;
	v17 =	vmul.f32 $2.500000000e-01, v10;
	v2 =	vld [tilespmem:s14+$0x4300];
	v11 =	vadd.f32 v20, v13  }
0x10b: {  	v18 =	vadd.f32 v23, v18;
	v6 =	vld [tilespmem:s14+$0x4380];
	v4 =	vadd.f32 v15, v7;
	v16 =	vmul.f32 $2.500000000e-01, v25;
	[tilespmem:s15+$0x4080] =	vst v19  }
0x10c: {  	v13 =	vadd.f32 v22, v14;
	v5 =	vld [tilespmem:s14+$0x4280];
	v15 =	vadd.f32 v24, v20;
	[tilespmem:s15+$0x4100] =	vst v26  }
0x10d: {  	s16 =	sadd.s32 $0x80, s16;
	s18 =	smov.u32 s17;
	v14 =	vadd.f32 v21, v24;
	v10 =	vld [tilespmem:s14+$0x4100];
	v19 =	vadd.f32 v11, v4;
	[tilespmem:s15+$0x4000] =	vst v27  }
0x10e: {  	v47 =	vadd.f32 v18, v13  }
0x10f: {  	v20 =	vld [tilespmem:s14+$0x4080];
	[tilespmem:s15+$0x4200] =	vst v17;
	v12 =	vadd.f32 v12, v8;
	v19 =	vmul.f32 $2.500000000e-01, v19  }
0x110: {  	v21 =	vadd.f32 v15, v9;
	v48 =	vld [tilespmem:s14+$0x4200];
	[tilespmem:s14+$0x6380] =	vst v16;
	v49 =	vmul.f32 $2.500000000e-01, v47  }
0x111: {  	v7 =	vadd.f32 v7, v3;
	v50 =	vadd.f32 v8, v15;
	v12 =	vmul.f32 $2.500000000e-01, v12;
	[tilespmem:s14+$0x6000] =	vst v19  }
0x112: {  	v11 =	vadd.f32 v14, v11;
	v52 =	vadd.f32 v13, v14;
	v51 =	vmul.f32 $2.500000000e-01, v21;
	[tilespmem:s14+$0x6300] =	vst v49  }
0x113: {  	v53 =	vadd.f32 v6, v2;
	v8 =	vmul.f32 $2.500000000e-01, v50;
	v56 =	vadd.f32 v9, v7;
	[tilespmem:s14+$0x6280] =	vst v12  }
0x114: {  	v3 =	vadd.f32 v3, v6;
	v11 =	vmul.f32 $2.500000000e-01, v11;
	v2 =	vadd.f32 v2, v5;
	[tilespmem:s14+$0x6080] =	vst v51  }
0x115: {  	v57 =	vmul.f32 $2.500000000e-01, v52;
	[tilespmem:s14+$0x6180] =	vst v8;
	v7 =	vadd.f32 v7, v53;
	v54 =	vadd.f32 v5, v48  }
0x116: {  	v55 =	vadd.f32 v1, v10;
	v9 =	vmul.f32 $2.500000000e-01, v56;
	v4 =	vadd.f32 v4, v3;
	[tilespmem:s14+$0x6100] =	vst v11  }
0x117: {  	[tilespmem:s14+$0x6200] =	vst v57;
	v1 =	vadd.f32 v48, v1;
	v7 =	vmul.f32 $2.500000000e-01, v7;
	v58 =	vadd.f32 v53, v54  }
0x118: {  	v60 =	vadd.f32 v10, v20;
	[tilespmem:s14+$0x4380] =	vst v9;
	v4 =	vmul.f32 $2.500000000e-01, v4;
	v61 =	vadd.f32 v54, v55  }
0x119: {  	v62 =	vadd.f32 v2, v1;
	[tilespmem:s14+$0x4280] =	vst v7;
	v59 =	vmul.f32 $2.500000000e-01, v58  }
0x11a: {  	v1 =	vadd.f32 v1, v60;
	[tilespmem:s14+$0x4300] =	vst v4;
	v63 =	vmul.f32 $2.500000000e-01, v61  }
.Ltmp6:
0x11b: {  	v2 =	vadd.f32 v3, v2;
	v3 =	vmul.f32 $2.500000000e-01, v62;
	[tilespmem:s14+$0x4180] =	vst v59;
	(pc) =	sbr.rel @p1 .LBB2_14-.Ltmp6, $4  }
0x11c: {  	v1 =	vmul.f32 $2.500000000e-01, v1;
	[tilespmem:s14+$0x4080] =	vst v63  }
0x11d: {  	v2 =	vmul.f32 $2.500000000e-01, v2;
	[tilespmem:s14+$0x4100] =	vst v3  }
0x11e: {  	[tilespmem:s14+$0x4000] =	vst v1  }
0x11f: {  	[tilespmem:s14+$0x4200] =	vst v2  }
0x120: {  	s10 =	simm.s32 $0x0  }
0x121: {  	s14 =	sand.u32 $0x70, s10;
	s10 =	sand.u32 $0x1C00, s10  }
0x122: {  	s14 =	sor.u32 s14, s10  }
0x123: {  	v1 =	vld [tilespmem:s14+$0x6200]  }
0x124: {  	v2 =	vld [tilespmem:s14+$0x6280]  }
0x125: {  	v3 =	vld [tilespmem:s14+$0x6300]  }
0x126: {  	v4 =	vld [tilespmem:s14+$0x6380];
	_ =	sdelay $0x1  }
0x127: {  	s19 =	simm.s32 $0x10;
	s15 =	simm.s32 $0x80;
	v1 =	vmul.f32 $1.333333370e+00, v1  }
0x128: {  	s16 =	sand.u32 $0x1C00, s15;
	s10 =	sand.u32 $0x70, s19;
	v2 =	vadd.f32 v2, v2  }
0x129: {  	s16 =	sor.u32 s10, s16;
	v5 =	vmul.f32 $4.000000000e+00, v3;
	[tilespmem:s14+$0x6200] =	vst v1  }
0x12a: {  	v3 =	vmul.f32 $0.0e+00, v4;
	v1 =	vld [tilespmem:s16+$0x6200];
	[tilespmem:s14+$0x6280] =	vst v2  }
0x12b: {  	s17 =	simm.s32 $0x20;
	v2 =	vld [tilespmem:s16+$0x6280];
	[tilespmem:s14+$0x6300] =	vst v5  }
.LBB2_12:
0x12c: {  	p1 =	sne.s32 s17, $0x3F0;
	v4 =	vld [tilespmem:s16+$0x6300];
	[tilespmem:s14+$0x6380] =	vst v3;
	s14 =	smov.u32 s16  }
0x12d: {  	v3 =	vld [tilespmem:s14+$0x6380];
	_ =	sdelay $0x1  }
.Ltmp7:
0x12e: {  	s15 =	sadd.s32 $0x80, s15;
	v1 =	vmul.f32 $1.333333370e+00, v1;
	(pc) =	sbr.rel @p1 .LBB2_12-.Ltmp7, $4  }
0x12f: {  	s10 =	sand.u32 $0x70, s17;
	s16 =	sand.u32 $0x1C00, s15;
	v2 =	vadd.f32 v2, v2  }
0x130: {  	s16 =	sor.u32 s10, s16;
	[tilespmem:s14+$0x6200] =	vst v1;
	v4 =	vmul.f32 $4.000000000e+00, v4  }
0x131: {  	v1 =	vld [tilespmem:s16+$0x6200];
	[tilespmem:s14+$0x6280] =	vst v2;
	v3 =	vmul.f32 $0.0e+00, v3  }
0x132: {  	s17 =	sadd.s32 $0x10, s17;
	v2 =	vld [tilespmem:s16+$0x6280];
	[tilespmem:s14+$0x6300] =	vst v4  }
0x133: {  	v4 =	vld [tilespmem:s16+$0x6300];
	[tilespmem:s14+$0x6380] =	vst v3  }
0x134: {  	v3 =	vld [tilespmem:s16+$0x6380];
	_ =	sdelay $0x1  }
0x135: {  	v1 =	vmul.f32 $1.333333370e+00, v1  }
0x136: {  	v2 =	vadd.f32 v2, v2  }
0x137: {  	[tilespmem:s16+$0x6200] =	vst v1;
	v1 =	vmul.f32 $4.000000000e+00, v4  }
0x138: {  	[tilespmem:s16+$0x6280] =	vst v2;
	v2 =	vmul.f32 $0.0e+00, v3  }
0x139: {  	[tilespmem:s16+$0x6300] =	vst v1  }
0x13a: {  	[tilespmem:s16+$0x6380] =	vst v2  }
.LBB2_14:
0x13b: {  	s10 =	sadd.s32 s13, s11;
	s2 =	simm.s32 $0x4000;
	p1 =	seq.s32 s25, $0x0  }
0x13c: {  	[hbm4b:s10+s4] =	stream.linear.scatter [tilespmem:s2], [sflag:$0x4], $0x4000, $0x38;
	[tilespmem:$0x1E000] =	vst v63  }
0x13d: {  	s10 =	simm.s32 @!p1 $0x6  }
0x13e: {  	_ =	swait.ge @!p1 [sflag:s10], $0x4000  }
0x13f: {  	[sflag:s10] =	ssyncset.done @!p1 $0x0  }
0x140: {  	[sflag:s10] =	ssyncadd.s32 @!p1 $0xFFFFC000  }
0x141: {  	_ =	swait.ge @!p1 [sflag:s10], $0x4000  }
0x142: {  	[sflag:s10] =	ssyncset.done @!p1 $0x0  }
0x143: {  	s18 =	sadd.s32 s13, s9;
	s14 =	simm.s32 $0x0;
	[sflag:s10] =	ssyncadd.s32 @!p1 $0xFFFFC000  }
0x144: {  	[tilespmem:s8], [sflag:$0x3] =	stream.linear.gather [hbm4b:s18+s14], $0x8000, $0x38;
	[tilespmem:$0x1E000] =	vst v63  }
0x145: {  	s10 =	sadd.s32 s31, s13  }
0x146: {  	[tilespmem:s22], [sflag:$0x3] =	stream.strided.gather [hbm4b:s10+s0], $0x0, s1, s0, $0x38;
	[tilespmem:$0x1E000] =	vst v63  }
0x147: {  	_ = 	snop  }
0x148: {  	[tilespmem:s22], [sflag:$0x3] =	stream.linear.gather [hbm4b:s10+s14], $0x200, $0x38;
	[tilespmem:$0x1E000] =	vst v63  }
0x149: {  	s19 =	simm.s32 $0x1C400;
	s13 =	sadd.s32 $0x80, s10  }
0x14a: {  	[tilespmem:s19], [sflag:$0x3] =	stream.linear.gather [hbm4b:s13+s14], $0x200, $0x38;
	[tilespmem:$0x1E000] =	vst v63  }
0x14b: {  	s15 =	simm.s32 $0x1C800;
	s2 =	sadd.s32 $0x100, s10  }
0x14c: {  	[tilespmem:s15], [sflag:$0x3] =	stream.linear.gather [hbm4b:s2+s14], $0x200, $0x38;
	[tilespmem:$0x1E000] =	vst v63  }
0x14d: {  	s17 =	simm.s32 $0x1CC00;
	s16 =	sadd.s32 $0x180, s10  }
0x14e: {  	[tilespmem:s17], [sflag:$0x3] =	stream.linear.gather [hbm4b:s16+s14], $0x200, $0x38;
	[tilespmem:$0x1E000] =	vst v63  }
0x14f: {  	s18 =	sadd.s32 $0x200, s10;
	s19 =	simm.s32 $0x1D000  }
0x150: {  	[tilespmem:s19], [sflag:$0x3] =	stream.linear.gather [hbm4b:s18+s14], $0x200, $0x38;
	[tilespmem:$0x1E000] =	vst v63  }
0x151: {  	s2 =	sadd.s32 $0x280, s10;
	s15 =	simm.s32 $0x1D400  }
0x152: {  	[tilespmem:s15], [sflag:$0x3] =	stream.linear.gather [hbm4b:s2+s14], $0x200, $0x38;
	[tilespmem:$0x1E000] =	vst v63  }
0x153: {  	s13 =	sadd.s32 s29, s5;
	s16 =	sadd.s32 $0x300, s10;
	s17 =	simm.s32 $0x1D800  }
0x154: {  	[tilespmem:s17], [sflag:$0x3] =	stream.linear.gather [hbm4b:s16+s14], $0x200, $0x38;
	[tilespmem:$0x1E000] =	vst v63  }
0x155: {  	s10 =	sadd.s32 $0x380, s10;
	s18 =	simm.s32 $0x1DC00;
	s19 =	sadd.s32 $0x20, s13  }
0x156: {  	[tilespmem:s18], [sflag:$0x3] =	stream.linear.gather [hbm4b:s10+s14], $0x200, $0x38;
	[tilespmem:$0x1E000] =	vst v63  }
0x157: {  	s10 =	sand.u32 $0xFE0, s19  }
0x158: {  	_ =	swait.ge [sflag:s24], $0x8000;
	p1 =	sne.s32 s10, $0x0  }
.Ltmp8:
0x159: {  	[sflag:s24] =	ssyncset.done $0x0;
	(pc) =	sbr.rel @p1 .LBB2_18-.Ltmp8, $4  }
0x15a: {  	[sflag:s24] =	ssyncadd.s32 $0xFFFF8000  }
0x15b: {  	_ =	swait.ge [sflag:s24], $0x1000  }
0x15c: {  	[sflag:s24] =	ssyncset.done $0x0  }
0x15d: {  	[sflag:s24] =	ssyncadd.s32 $0xFFFFF000  }
0x15e: {  	s10 =	sand.u32 $0x70, s14;
	s15 =	sand.u32 $0x1C00, s14  }
0x15f: {  	s16 =	sor.u32 s10, s15  }
0x160: {  	[tilespmem:s16+$0x12180] =	vst v0  }
0x161: {  	[tilespmem:s16+$0x12000] =	vst v0  }
0x162: {  	s15 =	sadd.s32 $0x10, s14;
	[tilespmem:s16+$0x12080] =	vst v0  }
.LBB2_16:
0x163: {  	s10 =	sand.u32 $0x70, s15;
	[tilespmem:s16+$0x12100] =	vst v0;
	s14 =	sadd.s32 $0x80, s14;
	p2 =	sne.s32 s15, $0x3F0  }
.Ltmp9:
0x164: {  	s15 =	sadd.s32 $0x10, s15;
	s16 =	sand.u32 $0x1C00, s14;
	(pc) =	sbr.rel @p2 .LBB2_16-.Ltmp9, $4  }
0x165: {  	s16 =	sor.u32 s10, s16  }
0x166: {  	[tilespmem:s16+$0x12180] =	vst v0  }
0x167: {  	[tilespmem:s16+$0x12000] =	vst v0  }
0x168: {  	[tilespmem:s16+$0x12080] =	vst v0  }
0x169: {  	[tilespmem:s16+$0x12100] =	vst v0  }
.LBB2_18:
0x16a: {  	s14 =	simm.s32 $0x0  }
0x16b: {  	s10 =	sand.u32 $0x70, s14;
	s15 =	sand.u32 $0x1C00, s14  }
0x16c: {  	s15 =	sor.u32 s10, s15  }
0x16d: {  	v1 =	vld [tilespmem:s15+$0xA300]  }
0x16e: {  	v2 =	vld [tilespmem:s15+$0xA200]  }
0x16f: {  	v3 =	vld [tilespmem:s15+$0xA100]  }
0x170: {  	v4 =	vld [tilespmem:s15+$0xA080]  }
0x171: {  	v5 =	vld [tilespmem:s15+$0xA180]  }
0x172: {  	v6 =	vld [tilespmem:s15+$0xA280];
	_ =	sdelay $0x3  }
0x173: {  	v4 =	vadd.f32 v3, v4;
	v7 =	vadd.f32 v2, v5  }
0x174: {  	v8 =	vadd.f32 v1, v6;
	v2 =	vadd.f32 v6, v2  }
0x175: {  	v3 =	vadd.f32 v5, v3;
	v4 =	vadd.f32 v7, v4  }
0x176: {  	v5 =	vadd.f32 v8, v7  }
0x177: {  	v3 =	vadd.f32 v2, v3;
	v4 =	vmul.f32 $2.500000000e-01, v4  }
0x178: {  	v5 =	vmul.f32 $2.500000000e-01, v5  }
0x179: {  	v3 =	vmul.f32 $2.500000000e-01, v3;
	[tilespmem:s15+$0xA000] =	vst v4  }
0x17a: {  	s19 =	sor.u32 s14, s14;
	[tilespmem:s15+$0xA100] =	vst v5  }
0x17b: {  	s10 =	sor.u32 $0x380, s19;
	[tilespmem:s15+$0xA080] =	vst v3  }
0x17c: {  	v5 =	vld [tilespmem:s10+$0xA000]  }
0x17d: {  	v4 =	vld [tilespmem:s15+$0xC000]  }
0x17e: {  	v6 =	vld [tilespmem:s15+$0xC080]  }
0x17f: {  	v7 =	vld [tilespmem:s15+$0xC100]  }
0x180: {  	v3 =	vld [tilespmem:s15+$0xC180]  }
0x181: {  	v1 =	vadd.f32 v5, v1  }
0x182: {  	v5 =	vadd.f32 v4, v5  }
0x183: {  	v4 =	vadd.f32 v6, v4;
	v9 =	vadd.f32 v1, v2  }
0x184: {  	v2 =	vadd.f32 v7, v6;
	v6 =	vadd.f32 v5, v8  }
0x185: {  	v63 =	vadd.f32 v4, v1;
	v1 =	vadd.f32 v3, v7;
	v9 =	vmul.f32 $2.500000000e-01, v9  }
0x186: {  	v5 =	vadd.f32 v2, v5;
	v6 =	vmul.f32 $2.500000000e-01, v6  }
0x187: {  	v7 =	vmul.f32 $2.500000000e-01, v63;
	v4 =	vadd.f32 v1, v4;
	[tilespmem:s15+$0xA180] =	vst v9  }
0x188: {  	v5 =	vmul.f32 $2.500000000e-01, v5;
	[tilespmem:s15+$0xA200] =	vst v6  }
0x189: {  	[tilespmem:s15+$0xA280] =	vst v7;
	v4 =	vmul.f32 $2.500000000e-01, v4  }
0x18a: {  	[tilespmem:s15+$0xA300] =	vst v5  }
0x18b: {  	[tilespmem:s10+$0xA000] =	vst v4  }
0x18c: {  	s16 =	simm.s32 $0x10;
	v4 =	vld [tilespmem:s15+$0xC380]  }
.LBB2_19:
0x18d: {  	p2 =	sne.s32 s16, $0x3F0  }
0x18e: {  	v5 =	vld [tilespmem:s15+$0xE080];
	s14 =	sadd.s32 $0x80, s14;
	s17 =	smov.u32 s16;
	s16 =	sadd.s32 $0x10, s16  }
0x18f: {  	v6 =	vld [tilespmem:s15+$0xC300]  }
0x190: {  	v7 =	vld [tilespmem:s15+$0xC200]  }
0x191: {  	v8 =	vld [tilespmem:s15+$0xE000]  }
0x192: {  	v9 =	vld [tilespmem:s15+$0xE100]  }
0x193: {  	s10 =	sand.u32 $0x70, s17;
	s18 =	sand.u32 $0x1C00, s14;
	v10 =	vld [tilespmem:s15+$0xC280]  }
0x194: {  	s18 =	sor.u32 s10, s18;
	v11 =	vld [tilespmem:s15+$0xE180]  }
0x195: {  	v13 =	vadd.f32 v4, v6;
	v12 =	vld [tilespmem:s18+$0xA300];
	v3 =	vadd.f32 v7, v3  }
0x196: {  	v14 =	vld [tilespmem:s18+$0xA200];
	v4 =	vadd.f32 v8, v4;
	v8 =	vadd.f32 v5, v8  }
0x197: {  	v15 =	vld [tilespmem:s18+$0xA100];
	v2 =	vadd.f32 v3, v2;
	v5 =	vadd.f32 v9, v5  }
0x198: {  	v16 =	vld [tilespmem:s18+$0xA080];
	v7 =	vadd.f32 v10, v7;
	v17 =	vadd.f32 v8, v13  }
0x199: {  	v6 =	vadd.f32 v6, v10;
	v18 =	vld [tilespmem:s18+$0xA280];
	v2 =	vmul.f32 $2.500000000e-01, v2;
	v9 =	vadd.f32 v11, v9  }
0x19a: {  	v10 =	vld [tilespmem:s18+$0xA180];
	v1 =	vadd.f32 v7, v1;
	v7 =	vadd.f32 v13, v7;
	v11 =	vmul.f32 $2.500000000e-01, v17  }
0x19b: {  	[tilespmem:s15+$0xC000] =	vst v2;
	v2 =	vadd.f32 v6, v3;
	v3 =	vadd.f32 v4, v6  }
0x19c: {  	v1 =	vmul.f32 $2.500000000e-01, v1;
	v6 =	vmul.f32 $2.500000000e-01, v7;
	[tilespmem:s15+$0xC280] =	vst v11;
	v7 =	vadd.f32 v9, v8  }
0x19d: {  	v8 =	vadd.f32 v15, v16;
	v2 =	vmul.f32 $2.500000000e-01, v2;
	v3 =	vmul.f32 $2.500000000e-01, v3  }
0x19e: {  	v9 =	vadd.f32 v18, v14;
	[tilespmem:s15+$0xC080] =	vst v1;
	v1 =	vadd.f32 v5, v4;
	v4 =	vmul.f32 $2.500000000e-01, v7  }
0x19f: {  	v5 =	vadd.f32 v10, v15;
	v7 =	vadd.f32 v14, v10;
	[tilespmem:s15+$0xC100] =	vst v2  }
0x1a0: {  	v10 =	vadd.f32 v12, v18;
	[tilespmem:s15+$0xC200] =	vst v3;
	v1 =	vmul.f32 $2.500000000e-01, v1  }
0x1a1: {  	v2 =	vadd.f32 v7, v8;
	v3 =	vadd.f32 v9, v5;
	[tilespmem:s15+$0xC180] =	vst v6  }
0x1a2: {  	v5 =	vadd.f32 v10, v7;
	[tilespmem:s15+$0xC300] =	vst v1  }
0x1a3: {  	v1 =	vmul.f32 $2.500000000e-01, v2;
	v2 =	vmul.f32 $2.500000000e-01, v3;
	[tilespmem:s15+$0xC380] =	vst v4;
	s15 =	smov.u32 s18  }
0x1a4: {  	v3 =	vmul.f32 $2.500000000e-01, v5  }
0x1a5: {  	[tilespmem:s15+$0xA000] =	vst v1  }
0x1a6: {  	s10 =	sor.u32 s14, s17;
	[tilespmem:s15+$0xA100] =	vst v3;
	v1 =	vld [tilespmem:s15+$0xC000]  }
0x1a7: {  	s10 =	sor.u32 $0x380, s10;
	[tilespmem:s15+$0xA080] =	vst v2;
	v2 =	vld [tilespmem:s15+$0xC080]  }
0x1a8: {  	v4 =	vld [tilespmem:s10+$0xA000]  }
0x1a9: {  	v5 =	vld [tilespmem:s15+$0xC100];
	_ =	sdelay $0x2  }
0x1aa: {  	v3 =	vld [tilespmem:s15+$0xC180]  }
0x1ab: {  	v6 =	vadd.f32 v4, v12;
	v4 =	vadd.f32 v1, v4  }
0x1ac: {  	v7 =	vadd.f32 v2, v1;
	v2 =	vadd.f32 v5, v2  }
0x1ad: {  	v1 =	vadd.f32 v6, v9;
	v8 =	vadd.f32 v4, v10  }
0x1ae: {  	v6 =	vadd.f32 v7, v6;
	v4 =	vadd.f32 v2, v4  }
0x1af: {  	v9 =	vmul.f32 $2.500000000e-01, v1;
	v8 =	vmul.f32 $2.500000000e-01, v8;
	v1 =	vadd.f32 v3, v5  }
0x1b0: {  	v5 =	vmul.f32 $2.500000000e-01, v6;
	v4 =	vmul.f32 $2.500000000e-01, v4  }
0x1b1: {  	[tilespmem:s15+$0xA180] =	vst v9;
	v6 =	vadd.f32 v1, v7  }
.Ltmp10:
0x1b2: {  	[tilespmem:s15+$0xA200] =	vst v8;
	(pc) =	sbr.rel @p2 .LBB2_19-.Ltmp10, $4  }
0x1b3: {  	[tilespmem:s15+$0xA280] =	vst v5;
	v5 =	vmul.f32 $2.500000000e-01, v6  }
0x1b4: {  	[tilespmem:s15+$0xA300] =	vst v4  }
0x1b5: {  	[tilespmem:s10+$0xA000] =	vst v5  }
0x1b6: {  	v4 =	vld [tilespmem:s15+$0xC380]  }
0x1b7: {  	v5 =	vld [tilespmem:s15+$0xE080]  }
0x1b8: {  	v6 =	vld [tilespmem:s15+$0xC300]  }
0x1b9: {  	v7 =	vld [tilespmem:s15+$0xC200]  }
0x1ba: {  	v8 =	vld [tilespmem:s15+$0xE000]  }
0x1bb: {  	v9 =	vld [tilespmem:s15+$0xC280];
	_ =	sdelay $0x2  }
0x1bc: {  	v3 =	vadd.f32 v7, v3  }
0x1bd: {  	v10 =	vld [tilespmem:s15+$0xE100];
	v11 =	vadd.f32 v4, v6;
	v12 =	vadd.f32 v5, v8  }
0x1be: {  	v13 =	vld [tilespmem:s15+$0xE180];
	v7 =	vadd.f32 v9, v7;
	v2 =	vadd.f32 v3, v2  }
0x1bf: {  	v6 =	vadd.f32 v6, v9;
	v14 =	vadd.f32 v12, v11  }
0x1c0: {  	v1 =	vadd.f32 v7, v1;
	v2 =	vmul.f32 $2.500000000e-01, v2  }
0x1c1: {  	v4 =	vadd.f32 v8, v4;
	v3 =	vadd.f32 v6, v3;
	v8 =	vmul.f32 $2.500000000e-01, v14  }
0x1c2: {  	v5 =	vadd.f32 v10, v5;
	v7 =	vadd.f32 v11, v7;
	v1 =	vmul.f32 $2.500000000e-01, v1;
	[tilespmem:s15+$0xC000] =	vst v2  }
0x1c3: {  	v3 =	vmul.f32 $2.500000000e-01, v3;
	v2 =	vadd.f32 v4, v6;
	v6 =	vadd.f32 v13, v10;
	[tilespmem:s15+$0xC280] =	vst v8  }
0x1c4: {  	[tilespmem:s15+$0xC080] =	vst v1;
	v1 =	vadd.f32 v5, v4;
	v4 =	vmul.f32 $2.500000000e-01, v7  }
0x1c5: {  	[tilespmem:s15+$0xC100] =	vst v3;
	v2 =	vmul.f32 $2.500000000e-01, v2;
	v5 =	vadd.f32 v6, v12  }
0x1c6: {  	v1 =	vmul.f32 $2.500000000e-01, v1;
	[tilespmem:s15+$0xC180] =	vst v4  }
0x1c7: {  	[tilespmem:s15+$0xC200] =	vst v2;
	v2 =	vmul.f32 $2.500000000e-01, v5  }
0x1c8: {  	s14 =	sshll.u32 s13, $0x7;
	s16 =	simm.s32 $0x0;
	[tilespmem:s15+$0xC300] =	vst v1  }
0x1c9: {  	s10 =	sadd.s32 s3, s14;
	s17 =	sand.u32 $0x70, s16;
	[tilespmem:s15+$0xC380] =	vst v2;
	s15 =	sand.u32 $0x1C00, s16  }
0x1ca: {  	[hbm4b:s10+s16] =	stream.linear.scatter [tilespmem:s20], [sflag:$0x5], $0x4000, $0x38;
	[tilespmem:$0x1E000] =	vst v63  }
0x1cb: {  	s16 =	sor.u32 s17, s15  }
0x1cc: {  	v1 =	vld [tilespmem:s16+$0x12000]  }
0x1cd: {  	v2 =	vld [tilespmem:s16+$0x12180]  }
0x1ce: {  	v5 =	vld [tilespmem:s16+$0x12100]  }
0x1cf: {  	v6 =	vld [tilespmem:s16+$0x12080]  }
0x1d0: {  	v7 =	vld [tilespmem:s16+$0x10180]  }
0x1d1: {  	v8 =	vld [tilespmem:s16+$0x10100]  }
0x1d2: {  	v9 =	vld [tilespmem:s16+$0x10200]  }
0x1d3: {  	v10 =	vld [tilespmem:s16+$0x10080]  }
0x1d4: {  	v3 =	vld [tilespmem:s16+$0x10380]  }
0x1d5: {  	v4 =	vld [tilespmem:s16+$0x10300];
	v2 =	vadd.f32 v2, v5;
	v14 =	vadd.f32 v6, v1  }
0x1d6: {  	v11 =	vld [tilespmem:s16+$0x10280]  }
0x1d7: {  	v12 =	vld [tilespmem:s16+$0xE180];
	v2 =	vadd.f32 v2, v14  }
0x1d8: {  	v13 =	vld [tilespmem:s16+$0x10000];
	v18 =	vadd.f32 v9, v7;
	v19 =	vadd.f32 v8, v10  }
0x1d9: {  	v15 =	vld [tilespmem:s16+$0xE300];
	v5 =	vadd.f32 v5, v6;
	v1 =	vadd.f32 v1, v3;
	v2 =	vmul.f32 $2.500000000e-01, v2  }
0x1da: {  	s18 =	simm.s32 $0x10;
	s19 =	simm.s32 $0x80;
	v16 =	vld [tilespmem:s16+$0xE380];
	v21 =	vadd.f32 v18, v19  }
0x1db: {  	s10 =	sand.u32 $0x70, s18;
	s15 =	sand.u32 $0x1C00, s19;
	v17 =	vld [tilespmem:s16+$0xE280];
	[tilespmem:s16+$0x10380] =	vst v2;
	v2 =	vadd.f32 v3, v4;
	v3 =	vadd.f32 v5, v1  }
0x1dc: {  	v20 =	vld [tilespmem:s16+$0xE100];
	s15 =	sor.u32 s10, s15;
	v7 =	vadd.f32 v7, v8;
	v8 =	vadd.f32 v11, v9;
	v5 =	vmul.f32 $2.500000000e-01, v21  }
0x1dd: {  	v63 =	vld [tilespmem:s15+$0x12000];
	v9 =	vadd.f32 v14, v2;
	v3 =	vmul.f32 $2.500000000e-01, v3  }
0x1de: {  	v23 =	vld [tilespmem:s15+$0x12180];
	[tilespmem:s16+$0x10000] =	vst v5;
	v5 =	vadd.f32 v8, v7  }
0x1df: {  	v14 =	vld [tilespmem:s15+$0x10380];
	v9 =	vmul.f32 $2.500000000e-01, v9;
	[tilespmem:s16+$0x10300] =	vst v3;
	v3 =	vadd.f32 v4, v11  }
0x1e0: {  	v22 =	vld [tilespmem:s16+$0xE200];
	v2 =	vadd.f32 v2, v8;
	v4 =	vmul.f32 $2.500000000e-01, v5  }
0x1e1: {  	v24 =	vld [tilespmem:s15+$0x10300];
	[tilespmem:s16+$0x10280] =	vst v9;
	v5 =	vadd.f32 v3, v18  }
0x1e2: {  	v2 =	vmul.f32 $2.500000000e-01, v2;
	v25 =	vld [tilespmem:s15+$0x12100];
	[tilespmem:s16+$0x10080] =	vst v4;
	v4 =	vadd.f32 v10, v13  }
0x1e3: {  	v6 =	vld [tilespmem:s16+$0xE080];
	v1 =	vadd.f32 v1, v3;
	v3 =	vmul.f32 $2.500000000e-01, v5  }
0x1e4: {  	v18 =	vld [tilespmem:s15+$0x12080];
	[tilespmem:s16+$0x10180] =	vst v2;
	v2 =	vadd.f32 v7, v4  }
0x1e5: {  	v8 =	vadd.f32 v17, v22;
	v1 =	vmul.f32 $2.500000000e-01, v1;
	v5 =	vld [tilespmem:s15+$0x10180];
	[tilespmem:s16+$0x10100] =	vst v3;
	v3 =	vadd.f32 v16, v15  }
0x1e6: {  	v9 =	vadd.f32 v13, v16;
	v2 =	vmul.f32 $2.500000000e-01, v2  }
0x1e7: {  	v13 =	vadd.f32 v15, v17;
	v10 =	vld [tilespmem:s15+$0x10100];
	[tilespmem:s16+$0x10200] =	vst v1;
	v1 =	vadd.f32 v3, v8  }
0x1e8: {  	v15 =	vadd.f32 v22, v12;
	v26 =	vld [tilespmem:s15+$0x10200];
	[tilespmem:s16+$0xE380] =	vst v2;
	v2 =	vadd.f32 v4, v3  }
0x1e9: {  	v3 =	vadd.f32 v12, v20;
	v4 =	vadd.f32 v19, v9;
	v1 =	vmul.f32 $2.500000000e-01, v1  }
0x1ea: {  	v6 =	vadd.f32 v20, v6;
	v7 =	vld [tilespmem:s15+$0x10080];
	v2 =	vmul.f32 $2.500000000e-01, v2  }
0x1eb: {  	v16 =	vadd.f32 v13, v15;
	v27 =	vld [tilespmem:s15+$0x10280];
	v11 =	vadd.f32 v8, v3;
	v4 =	vmul.f32 $2.500000000e-01, v4;
	[tilespmem:s16+$0xE180] =	vst v1  }
0x1ec: {  	v15 =	vadd.f32 v15, v6;
	v13 =	vadd.f32 v9, v13;
	v1 =	vld [tilespmem:s15+$0xE180];
	[tilespmem:s16+$0xE280] =	vst v2  }
0x1ed: {  	v12 =	vadd.f32 v18, v63;
	v18 =	vadd.f32 v25, v18;
	v11 =	vmul.f32 $2.500000000e-01, v11;
	v3 =	vld [tilespmem:s15+$0x10000];
	[tilespmem:s16+$0xE300] =	vst v4  }
0x1ee: {  	v17 =	vmul.f32 $2.500000000e-01, v13;
	v13 =	vadd.f32 v63, v14;
	v4 =	vadd.f32 v23, v25;
	v2 =	vld [tilespmem:s15+$0xE300]  }
0x1ef: {  	v16 =	vmul.f32 $2.500000000e-01, v16;
	v8 =	vadd.f32 v14, v24;
	v6 =	vld [tilespmem:s15+$0xE380];
	[tilespmem:s16+$0xE080] =	vst v11;
	v11 =	vadd.f32 v26, v5  }
0x1f0: {  	v20 =	vmul.f32 $2.500000000e-01, v15;
	v19 =	vadd.f32 v4, v12;
	v4 =	vadd.f32 v10, v7  }
0x1f1: {  	v9 =	vadd.f32 v5, v10;
	v15 =	vadd.f32 v27, v26;
	v5 =	vld [tilespmem:s15+$0xE280];
	[tilespmem:s16+$0xE100] =	vst v16  }
0x1f2: {  	s18 =	simm.s32 $0x20;
	s17 =	simm.s32 $0x100;
	v14 =	vadd.f32 v24, v27;
	v10 =	vld [tilespmem:s15+$0xE100];
	[tilespmem:s16+$0xE000] =	vst v20;
	v16 =	vmul.f32 $2.500000000e-01, v19;
	v19 =	vadd.f32 v11, v4  }
.LBB2_21:
0x1f3: {  	s10 =	sand.u32 $0x70, s18;
	v20 =	vld [tilespmem:s15+$0xE080];
	[tilespmem:s16+$0xE200] =	vst v17;
	s16 =	smov.u32 s18  }
0x1f4: {  	s2 =	sand.u32 $0x1C00, s17;
	v12 =	vadd.f32 v12, v8;
	v18 =	vadd.f32 v18, v13;
	s19 =	sadd.s32 $0x10, s18;
	s16 =	smov.u32 s15  }
0x1f5: {  	p2 =	sne.s32 s18, $0x3F0;
	v7 =	vadd.f32 v7, v3;
	v21 =	vadd.f32 v15, v9;
	s15 =	sor.u32 s10, s2;
	v19 =	vmul.f32 $2.500000000e-01, v19;
	v17 =	vld [tilespmem:s16+$0xE200];
	[tilespmem:s16+$0x10380] =	vst v16  }
0x1f6: {  	v8 =	vadd.f32 v8, v15;
	v12 =	vmul.f32 $2.500000000e-01, v12;
	v15 =	vmul.f32 $2.500000000e-01, v18;
	v22 =	vld [tilespmem:s15+$0x12000]  }
0x1f7: {  	v11 =	vadd.f32 v14, v11;
	v13 =	vadd.f32 v13, v14;
	v18 =	vmul.f32 $2.500000000e-01, v21;
	v16 =	vld [tilespmem:s15+$0x12180];
	[tilespmem:s16+$0x10000] =	vst v19  }
0x1f8: {  	v9 =	vadd.f32 v9, v7;
	v19 =	vadd.f32 v1, v10;
	v14 =	vld [tilespmem:s15+$0x10380];
	[tilespmem:s16+$0x10300] =	vst v15  }
0x1f9: {  	v8 =	vmul.f32 $2.500000000e-01, v8;
	v11 =	vmul.f32 $2.500000000e-01, v11;
	v15 =	vadd.f32 v6, v2;
	v21 =	vld [tilespmem:s15+$0x10300];
	[tilespmem:s16+$0x10280] =	vst v12  }
0x1fa: {  	v9 =	vmul.f32 $2.500000000e-01, v9;
	v10 =	vadd.f32 v10, v20;
	v23 =	vld [tilespmem:s15+$0x12100];
	v12 =	vadd.f32 v5, v17;
	[tilespmem:s16+$0x10080] =	vst v18  }
0x1fb: {  	v3 =	vadd.f32 v3, v6;
	v6 =	vadd.f32 v7, v15;
	v7 =	vmul.f32 $2.500000000e-01, v13;
	v18 =	vld [tilespmem:s15+$0x12080];
	[tilespmem:s16+$0x10180] =	vst v8  }
0x1fc: {  	v13 =	vld [tilespmem:s15+$0x10180];
	v19 =	vadd.f32 v12, v19;
	v8 =	vadd.f32 v15, v12;
	[tilespmem:s16+$0x10100] =	vst v11  }
0x1fd: {  	v4 =	vadd.f32 v4, v3;
	v2 =	vadd.f32 v2, v5;
	v15 =	vld [tilespmem:s15+$0x10100];
	[tilespmem:s16+$0x10200] =	vst v7  }
0x1fe: {  	v5 =	vadd.f32 v17, v1;
	v6 =	vmul.f32 $2.500000000e-01, v6;
	v20 =	vld [tilespmem:s15+$0x10200];
	v1 =	vmul.f32 $2.500000000e-01, v8;
	[tilespmem:s16+$0xE380] =	vst v9  }
0x1ff: {  	v4 =	vmul.f32 $2.500000000e-01, v4;
	v8 =	vadd.f32 v14, v21;
	v7 =	vld [tilespmem:s15+$0x10080];
	v11 =	vadd.f32 v16, v23  }
0x200: {  	v19 =	vmul.f32 $2.500000000e-01, v19;
	v16 =	vadd.f32 v2, v5;
	v24 =	vld [tilespmem:s15+$0x10280];
	v12 =	vadd.f32 v18, v22;
	[tilespmem:s16+$0xE180] =	vst v1  }
0x201: {  	v5 =	vadd.f32 v5, v10;
	v10 =	vadd.f32 v3, v2;
	v1 =	vld [tilespmem:s15+$0xE180];
	[tilespmem:s16+$0xE280] =	vst v6  }
.Ltmp11:
0x202: {  	v26 =	vmul.f32 $2.500000000e-01, v16;
	v3 =	vld [tilespmem:s15+$0x10000];
	v9 =	vadd.f32 v13, v15;
	v25 =	vadd.f32 v11, v12;
	[tilespmem:s16+$0xE300] =	vst v4;
	(pc) =	sbr.rel @p2 .LBB2_21-.Ltmp11, $4  }
0x203: {  	v27 =	vmul.f32 $2.500000000e-01, v5;
	v17 =	vmul.f32 $2.500000000e-01, v10;
	v2 =	vld [tilespmem:s15+$0xE300];
	v11 =	vadd.f32 v20, v13  }
0x204: {  	v18 =	vadd.f32 v23, v18;
	v6 =	vld [tilespmem:s15+$0xE380];
	v4 =	vadd.f32 v15, v7;
	v16 =	vmul.f32 $2.500000000e-01, v25;
	[tilespmem:s16+$0xE080] =	vst v19  }
0x205: {  	v13 =	vadd.f32 v22, v14;
	v5 =	vld [tilespmem:s15+$0xE280];
	v15 =	vadd.f32 v24, v20;
	[tilespmem:s16+$0xE100] =	vst v26  }
0x206: {  	s17 =	sadd.s32 $0x80, s17;
	s18 =	smov.u32 s19;
	v14 =	vadd.f32 v21, v24;
	v10 =	vld [tilespmem:s15+$0xE100];
	v19 =	vadd.f32 v11, v4;
	[tilespmem:s16+$0xE000] =	vst v27  }
0x207: {  	v47 =	vadd.f32 v18, v13  }
0x208: {  	v20 =	vld [tilespmem:s15+$0xE080];
	[tilespmem:s16+$0xE200] =	vst v17;
	v12 =	vadd.f32 v12, v8;
	v19 =	vmul.f32 $2.500000000e-01, v19  }
0x209: {  	v21 =	vadd.f32 v15, v9;
	v48 =	vld [tilespmem:s15+$0xE200];
	[tilespmem:s15+$0x10380] =	vst v16;
	v49 =	vmul.f32 $2.500000000e-01, v47  }
0x20a: {  	v7 =	vadd.f32 v7, v3;
	v50 =	vadd.f32 v8, v15;
	v12 =	vmul.f32 $2.500000000e-01, v12;
	[tilespmem:s15+$0x10000] =	vst v19  }
0x20b: {  	v11 =	vadd.f32 v14, v11;
	v52 =	vadd.f32 v13, v14;
	v51 =	vmul.f32 $2.500000000e-01, v21;
	[tilespmem:s15+$0x10300] =	vst v49  }
0x20c: {  	v53 =	vadd.f32 v6, v2;
	v8 =	vmul.f32 $2.500000000e-01, v50;
	v56 =	vadd.f32 v9, v7;
	[tilespmem:s15+$0x10280] =	vst v12  }
0x20d: {  	v3 =	vadd.f32 v3, v6;
	v11 =	vmul.f32 $2.500000000e-01, v11;
	v2 =	vadd.f32 v2, v5;
	[tilespmem:s15+$0x10080] =	vst v51  }
0x20e: {  	v57 =	vmul.f32 $2.500000000e-01, v52;
	[tilespmem:s15+$0x10180] =	vst v8;
	v7 =	vadd.f32 v7, v53;
	v54 =	vadd.f32 v5, v48  }
0x20f: {  	v55 =	vadd.f32 v1, v10;
	v9 =	vmul.f32 $2.500000000e-01, v56;
	v4 =	vadd.f32 v4, v3;
	[tilespmem:s15+$0x10100] =	vst v11  }
0x210: {  	[tilespmem:s15+$0x10200] =	vst v57;
	v1 =	vadd.f32 v48, v1;
	v7 =	vmul.f32 $2.500000000e-01, v7;
	v58 =	vadd.f32 v53, v54  }
0x211: {  	v60 =	vadd.f32 v10, v20;
	[tilespmem:s15+$0xE380] =	vst v9;
	v4 =	vmul.f32 $2.500000000e-01, v4;
	v61 =	vadd.f32 v54, v55  }
0x212: {  	v62 =	vadd.f32 v2, v1;
	[tilespmem:s15+$0xE280] =	vst v7;
	v59 =	vmul.f32 $2.500000000e-01, v58  }
0x213: {  	v1 =	vadd.f32 v1, v60;
	[tilespmem:s15+$0xE300] =	vst v4;
	v63 =	vmul.f32 $2.500000000e-01, v61  }
.Ltmp12:
0x214: {  	v2 =	vadd.f32 v3, v2;
	v3 =	vmul.f32 $2.500000000e-01, v62;
	[tilespmem:s15+$0xE180] =	vst v59;
	(pc) =	sbr.rel @p1 .LBB2_26-.Ltmp12, $4  }
0x215: {  	v1 =	vmul.f32 $2.500000000e-01, v1;
	[tilespmem:s15+$0xE080] =	vst v63  }
0x216: {  	v2 =	vmul.f32 $2.500000000e-01, v2;
	[tilespmem:s15+$0xE100] =	vst v3  }
0x217: {  	[tilespmem:s15+$0xE000] =	vst v1  }
0x218: {  	[tilespmem:s15+$0xE200] =	vst v2  }
0x219: {  	s2 =	simm.s32 $0x0  }
0x21a: {  	s10 =	sand.u32 $0x70, s2;
	s2 =	sand.u32 $0x1C00, s2  }
0x21b: {  	s15 =	sor.u32 s10, s2  }
0x21c: {  	v1 =	vld [tilespmem:s15+$0x10200]  }
0x21d: {  	v2 =	vld [tilespmem:s15+$0x10280]  }
0x21e: {  	v3 =	vld [tilespmem:s15+$0x10300]  }
0x21f: {  	v4 =	vld [tilespmem:s15+$0x10380];
	_ =	sdelay $0x1  }
0x220: {  	s18 =	simm.s32 $0x10;
	s16 =	simm.s32 $0x80;
	v1 =	vmul.f32 $1.333333370e+00, v1  }
0x221: {  	s19 =	sand.u32 $0x1C00, s16;
	s2 =	sand.u32 $0x70, s18;
	v2 =	vadd.f32 v2, v2  }
0x222: {  	s17 =	sor.u32 s2, s19;
	v5 =	vmul.f32 $4.000000000e+00, v3;
	[tilespmem:s15+$0x10200] =	vst v1  }
0x223: {  	v3 =	vmul.f32 $0.0e+00, v4;
	v1 =	vld [tilespmem:s17+$0x10200];
	[tilespmem:s15+$0x10280] =	vst v2  }
0x224: {  	s18 =	simm.s32 $0x20;
	v2 =	vld [tilespmem:s17+$0x10280];
	[tilespmem:s15+$0x10300] =	vst v5  }
.LBB2_24:
0x225: {  	p1 =	sne.s32 s18, $0x3F0;
	v4 =	vld [tilespmem:s17+$0x10300];
	[tilespmem:s15+$0x10380] =	vst v3;
	s15 =	smov.u32 s17  }
0x226: {  	v3 =	vld [tilespmem:s15+$0x10380];
	_ =	sdelay $0x1  }
.Ltmp13:
0x227: {  	s16 =	sadd.s32 $0x80, s16;
	v1 =	vmul.f32 $1.333333370e+00, v1;
	(pc) =	sbr.rel @p1 .LBB2_24-.Ltmp13, $4  }
0x228: {  	s2 =	sand.u32 $0x70, s18;
	s10 =	sand.u32 $0x1C00, s16;
	v2 =	vadd.f32 v2, v2  }
0x229: {  	s17 =	sor.u32 s2, s10;
	[tilespmem:s15+$0x10200] =	vst v1;
	v4 =	vmul.f32 $4.000000000e+00, v4  }
0x22a: {  	v1 =	vld [tilespmem:s17+$0x10200];
	[tilespmem:s15+$0x10280] =	vst v2;
	v3 =	vmul.f32 $0.0e+00, v3  }
0x22b: {  	s18 =	sadd.s32 $0x10, s18;
	v2 =	vld [tilespmem:s17+$0x10280];
	[tilespmem:s15+$0x10300] =	vst v4  }
0x22c: {  	v4 =	vld [tilespmem:s17+$0x10300];
	[tilespmem:s15+$0x10380] =	vst v3  }
0x22d: {  	v3 =	vld [tilespmem:s17+$0x10380];
	_ =	sdelay $0x1  }
0x22e: {  	v1 =	vmul.f32 $1.333333370e+00, v1  }
0x22f: {  	v2 =	vadd.f32 v2, v2  }
0x230: {  	[tilespmem:s17+$0x10200] =	vst v1;
	v1 =	vmul.f32 $4.000000000e+00, v4  }
0x231: {  	[tilespmem:s17+$0x10280] =	vst v2;
	v2 =	vmul.f32 $0.0e+00, v3  }
0x232: {  	[tilespmem:s17+$0x10300] =	vst v1  }
0x233: {  	[tilespmem:s17+$0x10380] =	vst v2  }
.LBB2_26:
0x234: {  	s2 =	sadd.s32 s14, s11;
	s15 =	simm.s32 $0x0;
	s10 =	simm.s32 $0xE000  }
0x235: {  	[hbm4b:s2+s15] =	stream.linear.scatter [tilespmem:s10], [sflag:$0x5], $0x4000, $0x38;
	[tilespmem:$0x1E000] =	vst v63  }
0x236: {  	_ =	swait.ge [sflag:s26], $0x4000  }
0x237: {  	p1 =	slt.s32 s13, $0x3F98;
	[sflag:s26] =	ssyncset.done $0x0  }
0x238: {  	s13 =	simm.s32 @!p1 $0x3F98;
	[sflag:s26] =	ssyncadd.s32 $0xFFFFC000  }
0x239: {  	s17 =	sshll.u32 s13, $0x7;
	_ =	swait.ge [sflag:s26], $0x4000  }
0x23a: {  	s2 =	sadd.s32 $0x3000, s17;
	[sflag:s26] =	ssyncset.done $0x0  }
0x23b: {  	s16 =	sadd.s32 s14, s9;
	s2 =	sand.u32 $0x1FFFFF80, s2;
	[sflag:s26] =	ssyncadd.s32 $0xFFFFC000  }
0x23c: {  	[tilespmem:s15], [sflag:$0x1] =	stream.linear.gather [hbm4b:s16+s15], $0x8000, $0x38;
	[tilespmem:$0x1E000] =	vst v63  }
0x23d: {  	s2 =	sadd.s32 s6, s2  }
0x23e: {  	[tilespmem:s7], [sflag:$0x1] =	stream.strided.gather [hbm4b:s2+s0], $0x0, s1, s0, $0x38;
	[tilespmem:$0x1E000] =	vst v63  }
0x23f: {  	_ = 	snop  }
0x240: {  	[tilespmem:s7], [sflag:$0x1] =	stream.linear.gather [hbm4b:s2+s15], $0x200, $0x38;
	[tilespmem:$0x1E000] =	vst v63  }
0x241: {  	s19 =	simm.s32 $0x8400;
	s18 =	sadd.s32 $0x80, s2  }
0x242: {  	[tilespmem:s19], [sflag:$0x1] =	stream.linear.gather [hbm4b:s18+s15], $0x200, $0x38;
	[tilespmem:$0x1E000] =	vst v63  }
0x243: {  	s14 =	simm.s32 $0x8800;
	s13 =	sadd.s32 $0x100, s2  }
0x244: {  	[tilespmem:s14], [sflag:$0x1] =	stream.linear.gather [hbm4b:s13+s15], $0x200, $0x38;
	[tilespmem:$0x1E000] =	vst v63  }
0x245: {  	s17 =	simm.s32 $0x8C00;
	s16 =	sadd.s32 $0x180, s2  }
0x246: {  	[tilespmem:s17], [sflag:$0x1] =	stream.linear.gather [hbm4b:s16+s15], $0x200, $0x38;
	[tilespmem:$0x1E000] =	vst v63  }
0x247: {  	s18 =	sadd.s32 $0x200, s2;
	s19 =	simm.s32 $0x9000  }
0x248: {  	[tilespmem:s19], [sflag:$0x1] =	stream.linear.gather [hbm4b:s18+s15], $0x200, $0x38;
	[tilespmem:$0x1E000] =	vst v63  }
0x249: {  	s13 =	sadd.s32 $0x280, s2;
	s14 =	simm.s32 $0x9400  }
0x24a: {  	[tilespmem:s14], [sflag:$0x1] =	stream.linear.gather [hbm4b:s13+s15], $0x200, $0x38;
	[tilespmem:$0x1E000] =	vst v63  }
0x24b: {  	s16 =	sadd.s32 $0x300, s2;
	s17 =	simm.s32 $0x9800  }
0x24c: {  	[tilespmem:s17], [sflag:$0x1] =	stream.linear.gather [hbm4b:s16+s15], $0x200, $0x38;
	[tilespmem:$0x1E000] =	vst v63  }
0x24d: {  	s2 =	sadd.s32 $0x380, s2;
	s18 =	simm.s32 $0x9C00  }
0x24e: {  	[tilespmem:s18], [sflag:$0x1] =	stream.linear.gather [hbm4b:s2+s15], $0x200, $0x38;
	[tilespmem:$0x1E000] =	vst v63  }
0x24f: {  	_ =	swait.ge [sflag:s28], $0x8000  }
0x250: {  	s19 =	rddreg [dreg:$0x6]  }
0x251: {  	s29 =	sadd.s32 s29, s19  }
0x252: {  	s2 =	sadd.s32 $0x20, s29  }
0x253: {  	s2 =	sand.u32 $0xFE0, s2  }
0x254: {  	p1 =	sne.s32 s2, $0x0  }
.Ltmp14:
0x255: {  	[sflag:s28] =	ssyncset.done $0x0;
	(pc) =	sbr.rel @p1 .LBB2_30-.Ltmp14, $4  }
0x256: {  	[sflag:s28] =	ssyncadd.s32 $0xFFFF8000  }
0x257: {  	_ =	swait.ge [sflag:s28], $0x1000  }
0x258: {  	[sflag:s28] =	ssyncset.done $0x0  }
0x259: {  	[sflag:s28] =	ssyncadd.s32 $0xFFFFF000  }
0x25a: {  	s2 =	sand.u32 $0x70, s15;
	s10 =	sand.u32 $0x1C00, s15  }
0x25b: {  	s14 =	sor.u32 s2, s10  }
0x25c: {  	[tilespmem:s14+$0x1C180] =	vst v0  }
0x25d: {  	[tilespmem:s14+$0x1C000] =	vst v0  }
0x25e: {  	s13 =	sadd.s32 $0x10, s15;
	[tilespmem:s14+$0x1C080] =	vst v0  }
.LBB2_28:
0x25f: {  	s2 =	sand.u32 $0x70, s13;
	[tilespmem:s14+$0x1C100] =	vst v0;
	s15 =	sadd.s32 $0x80, s15;
	p2 =	sne.s32 s13, $0x3F0  }
.Ltmp15:
0x260: {  	s13 =	sadd.s32 $0x10, s13;
	s10 =	sand.u32 $0x1C00, s15;
	(pc) =	sbr.rel @p2 .LBB2_28-.Ltmp15, $4  }
0x261: {  	s14 =	sor.u32 s2, s10  }
0x262: {  	[tilespmem:s14+$0x1C180] =	vst v0  }
0x263: {  	[tilespmem:s14+$0x1C000] =	vst v0  }
0x264: {  	[tilespmem:s14+$0x1C080] =	vst v0  }
0x265: {  	[tilespmem:s14+$0x1C100] =	vst v0  }
.LBB2_30:
0x266: {  	s13 =	simm.s32 $0x0  }
0x267: {  	s2 =	sand.u32 $0x70, s13;
	s10 =	sand.u32 $0x1C00, s13  }
0x268: {  	s14 =	sor.u32 s2, s10  }
0x269: {  	v1 =	vld [tilespmem:s14+$0x14300]  }
0x26a: {  	v2 =	vld [tilespmem:s14+$0x14200]  }
0x26b: {  	v3 =	vld [tilespmem:s14+$0x14100]  }
0x26c: {  	v4 =	vld [tilespmem:s14+$0x14080]  }
0x26d: {  	v5 =	vld [tilespmem:s14+$0x14180]  }
0x26e: {  	v6 =	vld [tilespmem:s14+$0x14280];
	_ =	sdelay $0x3  }
0x26f: {  	v4 =	vadd.f32 v3, v4;
	v7 =	vadd.f32 v2, v5  }
0x270: {  	v8 =	vadd.f32 v1, v6;
	v2 =	vadd.f32 v6, v2  }
0x271: {  	v3 =	vadd.f32 v5, v3;
	v4 =	vadd.f32 v7, v4  }
0x272: {  	v5 =	vadd.f32 v8, v7  }
0x273: {  	v3 =	vadd.f32 v2, v3;
	v4 =	vmul.f32 $2.500000000e-01, v4  }
0x274: {  	v5 =	vmul.f32 $2.500000000e-01, v5  }
0x275: {  	v3 =	vmul.f32 $2.500000000e-01, v3;
	[tilespmem:s14+$0x14000] =	vst v4  }
0x276: {  	s19 =	sor.u32 s13, s13;
	[tilespmem:s14+$0x14100] =	vst v5  }
0x277: {  	s2 =	sor.u32 $0x380, s19;
	[tilespmem:s14+$0x14080] =	vst v3  }
0x278: {  	v5 =	vld [tilespmem:s2+$0x14000]  }
0x279: {  	v4 =	vld [tilespmem:s14+$0x16000]  }
0x27a: {  	v6 =	vld [tilespmem:s14+$0x16080]  }
0x27b: {  	v7 =	vld [tilespmem:s14+$0x16100]  }
0x27c: {  	v3 =	vld [tilespmem:s14+$0x16180]  }
0x27d: {  	v1 =	vadd.f32 v5, v1  }
0x27e: {  	v5 =	vadd.f32 v4, v5  }
0x27f: {  	v4 =	vadd.f32 v6, v4;
	v9 =	vadd.f32 v1, v2  }
0x280: {  	v2 =	vadd.f32 v7, v6;
	v6 =	vadd.f32 v5, v8  }
0x281: {  	v63 =	vadd.f32 v4, v1;
	v1 =	vadd.f32 v3, v7;
	v9 =	vmul.f32 $2.500000000e-01, v9  }
0x282: {  	v5 =	vadd.f32 v2, v5;
	v6 =	vmul.f32 $2.500000000e-01, v6  }
0x283: {  	v7 =	vmul.f32 $2.500000000e-01, v63;
	v4 =	vadd.f32 v1, v4;
	[tilespmem:s14+$0x14180] =	vst v9  }
0x284: {  	v5 =	vmul.f32 $2.500000000e-01, v5;
	[tilespmem:s14+$0x14200] =	vst v6  }
0x285: {  	[tilespmem:s14+$0x14280] =	vst v7;
	v4 =	vmul.f32 $2.500000000e-01, v4  }
0x286: {  	[tilespmem:s14+$0x14300] =	vst v5  }
0x287: {  	[tilespmem:s2+$0x14000] =	vst v4  }
0x288: {  	s15 =	simm.s32 $0x10;
	v4 =	vld [tilespmem:s14+$0x16380]  }
.LBB2_31:
0x289: {  	p2 =	sne.s32 s15, $0x3F0  }
0x28a: {  	v5 =	vld [tilespmem:s14+$0x18080];
	s13 =	sadd.s32 $0x80, s13;
	s16 =	smov.u32 s15;
	s15 =	sadd.s32 $0x10, s15  }
0x28b: {  	v6 =	vld [tilespmem:s14+$0x16300]  }
0x28c: {  	v7 =	vld [tilespmem:s14+$0x16200]  }
0x28d: {  	v8 =	vld [tilespmem:s14+$0x18000]  }
0x28e: {  	v9 =	vld [tilespmem:s14+$0x18100]  }
0x28f: {  	s2 =	sand.u32 $0x70, s16;
	s10 =	sand.u32 $0x1C00, s13;
	v10 =	vld [tilespmem:s14+$0x16280]  }
0x290: {  	s17 =	sor.u32 s2, s10;
	v11 =	vld [tilespmem:s14+$0x18180]  }
0x291: {  	v13 =	vadd.f32 v4, v6;
	v12 =	vld [tilespmem:s17+$0x14300];
	v3 =	vadd.f32 v7, v3  }
0x292: {  	v14 =	vld [tilespmem:s17+$0x14200];
	v4 =	vadd.f32 v8, v4;
	v8 =	vadd.f32 v5, v8  }
0x293: {  	v15 =	vld [tilespmem:s17+$0x14100];
	v2 =	vadd.f32 v3, v2;
	v5 =	vadd.f32 v9, v5  }
0x294: {  	v16 =	vld [tilespmem:s17+$0x14080];
	v7 =	vadd.f32 v10, v7;
	v17 =	vadd.f32 v8, v13  }
0x295: {  	v6 =	vadd.f32 v6, v10;
	v18 =	vld [tilespmem:s17+$0x14280];
	v2 =	vmul.f32 $2.500000000e-01, v2;
	v9 =	vadd.f32 v11, v9  }
0x296: {  	v10 =	vld [tilespmem:s17+$0x14180];
	v1 =	vadd.f32 v7, v1;
	v7 =	vadd.f32 v13, v7;
	v11 =	vmul.f32 $2.500000000e-01, v17  }
0x297: {  	[tilespmem:s14+$0x16000] =	vst v2;
	v2 =	vadd.f32 v6, v3;
	v3 =	vadd.f32 v4, v6  }
0x298: {  	v1 =	vmul.f32 $2.500000000e-01, v1;
	v6 =	vmul.f32 $2.500000000e-01, v7;
	[tilespmem:s14+$0x16280] =	vst v11;
	v7 =	vadd.f32 v9, v8  }
0x299: {  	v8 =	vadd.f32 v15, v16;
	v2 =	vmul.f32 $2.500000000e-01, v2;
	v3 =	vmul.f32 $2.500000000e-01, v3  }
0x29a: {  	v9 =	vadd.f32 v18, v14;
	[tilespmem:s14+$0x16080] =	vst v1;
	v1 =	vadd.f32 v5, v4;
	v4 =	vmul.f32 $2.500000000e-01, v7  }
0x29b: {  	v5 =	vadd.f32 v10, v15;
	v7 =	vadd.f32 v14, v10;
	[tilespmem:s14+$0x16100] =	vst v2  }
0x29c: {  	v10 =	vadd.f32 v12, v18;
	[tilespmem:s14+$0x16200] =	vst v3;
	v1 =	vmul.f32 $2.500000000e-01, v1  }
0x29d: {  	v2 =	vadd.f32 v7, v8;
	v3 =	vadd.f32 v9, v5;
	[tilespmem:s14+$0x16180] =	vst v6  }
0x29e: {  	v5 =	vadd.f32 v10, v7;
	[tilespmem:s14+$0x16300] =	vst v1  }
0x29f: {  	v1 =	vmul.f32 $2.500000000e-01, v2;
	v2 =	vmul.f32 $2.500000000e-01, v3;
	[tilespmem:s14+$0x16380] =	vst v4;
	s14 =	smov.u32 s17  }
0x2a0: {  	v3 =	vmul.f32 $2.500000000e-01, v5  }
0x2a1: {  	[tilespmem:s14+$0x14000] =	vst v1  }
0x2a2: {  	s2 =	sor.u32 s13, s16;
	[tilespmem:s14+$0x14100] =	vst v3;
	v1 =	vld [tilespmem:s14+$0x16000]  }
0x2a3: {  	s2 =	sor.u32 $0x380, s2;
	[tilespmem:s14+$0x14080] =	vst v2;
	v2 =	vld [tilespmem:s14+$0x16080]  }
0x2a4: {  	v4 =	vld [tilespmem:s2+$0x14000]  }
0x2a5: {  	v5 =	vld [tilespmem:s14+$0x16100];
	_ =	sdelay $0x2  }
0x2a6: {  	v3 =	vld [tilespmem:s14+$0x16180]  }
0x2a7: {  	v6 =	vadd.f32 v4, v12;
	v4 =	vadd.f32 v1, v4  }
0x2a8: {  	v7 =	vadd.f32 v2, v1;
	v2 =	vadd.f32 v5, v2  }
0x2a9: {  	v1 =	vadd.f32 v6, v9;
	v8 =	vadd.f32 v4, v10  }
0x2aa: {  	v6 =	vadd.f32 v7, v6;
	v4 =	vadd.f32 v2, v4  }
0x2ab: {  	v9 =	vmul.f32 $2.500000000e-01, v1;
	v8 =	vmul.f32 $2.500000000e-01, v8;
	v1 =	vadd.f32 v3, v5  }
0x2ac: {  	v5 =	vmul.f32 $2.500000000e-01, v6;
	v4 =	vmul.f32 $2.500000000e-01, v4  }
0x2ad: {  	[tilespmem:s14+$0x14180] =	vst v9;
	v6 =	vadd.f32 v1, v7  }
.Ltmp16:
0x2ae: {  	[tilespmem:s14+$0x14200] =	vst v8;
	(pc) =	sbr.rel @p2 .LBB2_31-.Ltmp16, $4  }
0x2af: {  	[tilespmem:s14+$0x14280] =	vst v5;
	v5 =	vmul.f32 $2.500000000e-01, v6  }
0x2b0: {  	[tilespmem:s14+$0x14300] =	vst v4  }
0x2b1: {  	[tilespmem:s2+$0x14000] =	vst v5  }
0x2b2: {  	v4 =	vld [tilespmem:s14+$0x16380]  }
0x2b3: {  	v5 =	vld [tilespmem:s14+$0x18080]  }
0x2b4: {  	v6 =	vld [tilespmem:s14+$0x16300]  }
0x2b5: {  	v7 =	vld [tilespmem:s14+$0x16200]  }
0x2b6: {  	v8 =	vld [tilespmem:s14+$0x18000]  }
0x2b7: {  	v9 =	vld [tilespmem:s14+$0x16280];
	_ =	sdelay $0x2  }
0x2b8: {  	v3 =	vadd.f32 v7, v3  }
0x2b9: {  	v10 =	vld [tilespmem:s14+$0x18100];
	v11 =	vadd.f32 v4, v6;
	v12 =	vadd.f32 v5, v8  }
0x2ba: {  	v13 =	vld [tilespmem:s14+$0x18180];
	v7 =	vadd.f32 v9, v7;
	v2 =	vadd.f32 v3, v2  }
0x2bb: {  	v6 =	vadd.f32 v6, v9;
	v14 =	vadd.f32 v12, v11  }
0x2bc: {  	v1 =	vadd.f32 v7, v1;
	v2 =	vmul.f32 $2.500000000e-01, v2  }
0x2bd: {  	v4 =	vadd.f32 v8, v4;
	v3 =	vadd.f32 v6, v3;
	v8 =	vmul.f32 $2.500000000e-01, v14  }
0x2be: {  	v5 =	vadd.f32 v10, v5;
	v7 =	vadd.f32 v11, v7;
	v1 =	vmul.f32 $2.500000000e-01, v1;
	[tilespmem:s14+$0x16000] =	vst v2  }
0x2bf: {  	v3 =	vmul.f32 $2.500000000e-01, v3;
	v2 =	vadd.f32 v4, v6;
	v6 =	vadd.f32 v13, v10;
	[tilespmem:s14+$0x16280] =	vst v8  }
0x2c0: {  	[tilespmem:s14+$0x16080] =	vst v1;
	v1 =	vadd.f32 v5, v4;
	v4 =	vmul.f32 $2.500000000e-01, v7  }
0x2c1: {  	[tilespmem:s14+$0x16100] =	vst v3;
	v2 =	vmul.f32 $2.500000000e-01, v2;
	v5 =	vadd.f32 v6, v12  }
0x2c2: {  	v1 =	vmul.f32 $2.500000000e-01, v1;
	[tilespmem:s14+$0x16180] =	vst v4  }
0x2c3: {  	[tilespmem:s14+$0x16200] =	vst v2;
	v2 =	vmul.f32 $2.500000000e-01, v5  }
0x2c4: {  	s13 =	sshll.u32 s29, $0x7;
	[tilespmem:s14+$0x16300] =	vst v1  }
0x2c5: {  	s10 =	simm.s32 $0x0;
	s2 =	sadd.s32 s3, s13;
	[tilespmem:s14+$0x16380] =	vst v2  }
0x2c6: {  	[hbm4b:s2+s10] =	stream.linear.scatter [tilespmem:s8], [sflag:$0x6], $0x4000, $0x38;
	[tilespmem:$0x1E000] =	vst v63  }
0x2c7: {  	s17 =	sand.u32 $0x70, s10;
	s10 =	sand.u32 $0x1C00, s10  }
0x2c8: {  	s15 =	sor.u32 s17, s10  }
0x2c9: {  	v1 =	vld [tilespmem:s15+$0x1C000]  }
0x2ca: {  	v2 =	vld [tilespmem:s15+$0x1C180]  }
0x2cb: {  	v5 =	vld [tilespmem:s15+$0x1C100]  }
0x2cc: {  	v6 =	vld [tilespmem:s15+$0x1C080]  }
0x2cd: {  	v7 =	vld [tilespmem:s15+$0x1A180]  }
0x2ce: {  	v8 =	vld [tilespmem:s15+$0x1A100]  }
0x2cf: {  	v9 =	vld [tilespmem:s15+$0x1A200]  }
0x2d0: {  	v10 =	vld [tilespmem:s15+$0x1A080]  }
0x2d1: {  	v3 =	vld [tilespmem:s15+$0x1A380]  }
0x2d2: {  	v4 =	vld [tilespmem:s15+$0x1A300];
	v2 =	vadd.f32 v2, v5;
	v14 =	vadd.f32 v6, v1  }
0x2d3: {  	v11 =	vld [tilespmem:s15+$0x1A280]  }
0x2d4: {  	v12 =	vld [tilespmem:s15+$0x18180];
	v2 =	vadd.f32 v2, v14  }
0x2d5: {  	v13 =	vld [tilespmem:s15+$0x1A000];
	v18 =	vadd.f32 v9, v7;
	v19 =	vadd.f32 v8, v10  }
0x2d6: {  	v15 =	vld [tilespmem:s15+$0x18300];
	v5 =	vadd.f32 v5, v6;
	v1 =	vadd.f32 v1, v3;
	v2 =	vmul.f32 $2.500000000e-01, v2  }
0x2d7: {  	s18 =	simm.s32 $0x10;
	s19 =	simm.s32 $0x80;
	v16 =	vld [tilespmem:s15+$0x18380];
	v21 =	vadd.f32 v18, v19  }
0x2d8: {  	s2 =	sand.u32 $0x70, s18;
	s10 =	sand.u32 $0x1C00, s19;
	v17 =	vld [tilespmem:s15+$0x18280];
	[tilespmem:s15+$0x1A380] =	vst v2;
	v2 =	vadd.f32 v3, v4;
	v3 =	vadd.f32 v5, v1  }
0x2d9: {  	v20 =	vld [tilespmem:s15+$0x18100];
	s14 =	sor.u32 s2, s10;
	v7 =	vadd.f32 v7, v8;
	v8 =	vadd.f32 v11, v9;
	v5 =	vmul.f32 $2.500000000e-01, v21  }
0x2da: {  	v63 =	vld [tilespmem:s14+$0x1C000];
	v9 =	vadd.f32 v14, v2;
	v3 =	vmul.f32 $2.500000000e-01, v3  }
0x2db: {  	v23 =	vld [tilespmem:s14+$0x1C180];
	[tilespmem:s15+$0x1A000] =	vst v5;
	v5 =	vadd.f32 v8, v7  }
0x2dc: {  	v14 =	vld [tilespmem:s14+$0x1A380];
	v9 =	vmul.f32 $2.500000000e-01, v9;
	[tilespmem:s15+$0x1A300] =	vst v3;
	v3 =	vadd.f32 v4, v11  }
0x2dd: {  	v22 =	vld [tilespmem:s15+$0x18200];
	v2 =	vadd.f32 v2, v8;
	v4 =	vmul.f32 $2.500000000e-01, v5  }
0x2de: {  	v24 =	vld [tilespmem:s14+$0x1A300];
	[tilespmem:s15+$0x1A280] =	vst v9;
	v5 =	vadd.f32 v3, v18  }
0x2df: {  	v2 =	vmul.f32 $2.500000000e-01, v2;
	v25 =	vld [tilespmem:s14+$0x1C100];
	[tilespmem:s15+$0x1A080] =	vst v4;
	v4 =	vadd.f32 v10, v13  }
0x2e0: {  	v6 =	vld [tilespmem:s15+$0x18080];
	v1 =	vadd.f32 v1, v3;
	v3 =	vmul.f32 $2.500000000e-01, v5  }
0x2e1: {  	v18 =	vld [tilespmem:s14+$0x1C080];
	[tilespmem:s15+$0x1A180] =	vst v2;
	v2 =	vadd.f32 v7, v4  }
0x2e2: {  	v8 =	vadd.f32 v17, v22;
	v1 =	vmul.f32 $2.500000000e-01, v1;
	v5 =	vld [tilespmem:s14+$0x1A180];
	[tilespmem:s15+$0x1A100] =	vst v3;
	v3 =	vadd.f32 v16, v15  }
0x2e3: {  	v9 =	vadd.f32 v13, v16;
	v2 =	vmul.f32 $2.500000000e-01, v2  }
0x2e4: {  	v13 =	vadd.f32 v15, v17;
	v10 =	vld [tilespmem:s14+$0x1A100];
	[tilespmem:s15+$0x1A200] =	vst v1;
	v1 =	vadd.f32 v3, v8  }
0x2e5: {  	v15 =	vadd.f32 v22, v12;
	v26 =	vld [tilespmem:s14+$0x1A200];
	[tilespmem:s15+$0x18380] =	vst v2;
	v2 =	vadd.f32 v4, v3  }
0x2e6: {  	v3 =	vadd.f32 v12, v20;
	v4 =	vadd.f32 v19, v9;
	v1 =	vmul.f32 $2.500000000e-01, v1  }
0x2e7: {  	v6 =	vadd.f32 v20, v6;
	v7 =	vld [tilespmem:s14+$0x1A080];
	v2 =	vmul.f32 $2.500000000e-01, v2  }
0x2e8: {  	v16 =	vadd.f32 v13, v15;
	v27 =	vld [tilespmem:s14+$0x1A280];
	v11 =	vadd.f32 v8, v3;
	v4 =	vmul.f32 $2.500000000e-01, v4;
	[tilespmem:s15+$0x18180] =	vst v1  }
0x2e9: {  	v15 =	vadd.f32 v15, v6;
	v13 =	vadd.f32 v9, v13;
	v1 =	vld [tilespmem:s14+$0x18180];
	[tilespmem:s15+$0x18280] =	vst v2  }
0x2ea: {  	v12 =	vadd.f32 v18, v63;
	v18 =	vadd.f32 v25, v18;
	v11 =	vmul.f32 $2.500000000e-01, v11;
	v3 =	vld [tilespmem:s14+$0x1A000];
	[tilespmem:s15+$0x18300] =	vst v4  }
0x2eb: {  	v17 =	vmul.f32 $2.500000000e-01, v13;
	v13 =	vadd.f32 v63, v14;
	v4 =	vadd.f32 v23, v25;
	v2 =	vld [tilespmem:s14+$0x18300]  }
0x2ec: {  	v16 =	vmul.f32 $2.500000000e-01, v16;
	v8 =	vadd.f32 v14, v24;
	v6 =	vld [tilespmem:s14+$0x18380];
	[tilespmem:s15+$0x18080] =	vst v11;
	v11 =	vadd.f32 v26, v5  }
0x2ed: {  	v20 =	vmul.f32 $2.500000000e-01, v15;
	v19 =	vadd.f32 v4, v12;
	v4 =	vadd.f32 v10, v7  }
0x2ee: {  	v9 =	vadd.f32 v5, v10;
	v15 =	vadd.f32 v27, v26;
	v5 =	vld [tilespmem:s14+$0x18280];
	[tilespmem:s15+$0x18100] =	vst v16  }
0x2ef: {  	s16 =	simm.s32 $0x100;
	s18 =	simm.s32 $0x20;
	v14 =	vadd.f32 v24, v27;
	v10 =	vld [tilespmem:s14+$0x18100];
	[tilespmem:s15+$0x18000] =	vst v20;
	v16 =	vmul.f32 $2.500000000e-01, v19;
	v19 =	vadd.f32 v11, v4  }
.LBB2_33:
0x2f0: {  	s2 =	sand.u32 $0x70, s18;
	v20 =	vld [tilespmem:s14+$0x18080];
	[tilespmem:s15+$0x18200] =	vst v17;
	s15 =	smov.u32 s18  }
0x2f1: {  	s10 =	sand.u32 $0x1C00, s16;
	v12 =	vadd.f32 v12, v8;
	v18 =	vadd.f32 v18, v13;
	s17 =	sadd.s32 $0x10, s18;
	s15 =	smov.u32 s14  }
0x2f2: {  	p2 =	sne.s32 s18, $0x3F0;
	v7 =	vadd.f32 v7, v3;
	v21 =	vadd.f32 v15, v9;
	s14 =	sor.u32 s2, s10;
	v19 =	vmul.f32 $2.500000000e-01, v19;
	v17 =	vld [tilespmem:s15+$0x18200];
	[tilespmem:s15+$0x1A380] =	vst v16  }
0x2f3: {  	v8 =	vadd.f32 v8, v15;
	v12 =	vmul.f32 $2.500000000e-01, v12;
	v15 =	vmul.f32 $2.500000000e-01, v18;
	v22 =	vld [tilespmem:s14+$0x1C000]  }
0x2f4: {  	v11 =	vadd.f32 v14, v11;
	v13 =	vadd.f32 v13, v14;
	v18 =	vmul.f32 $2.500000000e-01, v21;
	v16 =	vld [tilespmem:s14+$0x1C180];
	[tilespmem:s15+$0x1A000] =	vst v19  }
0x2f5: {  	v9 =	vadd.f32 v9, v7;
	v19 =	vadd.f32 v1, v10;
	v14 =	vld [tilespmem:s14+$0x1A380];
	[tilespmem:s15+$0x1A300] =	vst v15  }
0x2f6: {  	v8 =	vmul.f32 $2.500000000e-01, v8;
	v11 =	vmul.f32 $2.500000000e-01, v11;
	v15 =	vadd.f32 v6, v2;
	v21 =	vld [tilespmem:s14+$0x1A300];
	[tilespmem:s15+$0x1A280] =	vst v12  }
0x2f7: {  	v9 =	vmul.f32 $2.500000000e-01, v9;
	v10 =	vadd.f32 v10, v20;
	v23 =	vld [tilespmem:s14+$0x1C100];
	v12 =	vadd.f32 v5, v17;
	[tilespmem:s15+$0x1A080] =	vst v18  }
0x2f8: {  	v3 =	vadd.f32 v3, v6;
	v6 =	vadd.f32 v7, v15;
	v7 =	vmul.f32 $2.500000000e-01, v13;
	v18 =	vld [tilespmem:s14+$0x1C080];
	[tilespmem:s15+$0x1A180] =	vst v8  }
0x2f9: {  	v13 =	vld [tilespmem:s14+$0x1A180];
	v19 =	vadd.f32 v12, v19;
	v8 =	vadd.f32 v15, v12;
	[tilespmem:s15+$0x1A100] =	vst v11  }
0x2fa: {  	v4 =	vadd.f32 v4, v3;
	v2 =	vadd.f32 v2, v5;
	v15 =	vld [tilespmem:s14+$0x1A100];
	[tilespmem:s15+$0x1A200] =	vst v7  }
0x2fb: {  	v5 =	vadd.f32 v17, v1;
	v6 =	vmul.f32 $2.500000000e-01, v6;
	v20 =	vld [tilespmem:s14+$0x1A200];
	v1 =	vmul.f32 $2.500000000e-01, v8;
	[tilespmem:s15+$0x18380] =	vst v9  }
0x2fc: {  	v4 =	vmul.f32 $2.500000000e-01, v4;
	v8 =	vadd.f32 v14, v21;
	v7 =	vld [tilespmem:s14+$0x1A080];
	v11 =	vadd.f32 v16, v23  }
0x2fd: {  	v19 =	vmul.f32 $2.500000000e-01, v19;
	v16 =	vadd.f32 v2, v5;
	v24 =	vld [tilespmem:s14+$0x1A280];
	v12 =	vadd.f32 v18, v22;
	[tilespmem:s15+$0x18180] =	vst v1  }
0x2fe: {  	v5 =	vadd.f32 v5, v10;
	v10 =	vadd.f32 v3, v2;
	v1 =	vld [tilespmem:s14+$0x18180];
	[tilespmem:s15+$0x18280] =	vst v6  }
.Ltmp17:
0x2ff: {  	v26 =	vmul.f32 $2.500000000e-01, v16;
	v3 =	vld [tilespmem:s14+$0x1A000];
	v9 =	vadd.f32 v13, v15;
	v25 =	vadd.f32 v11, v12;
	[tilespmem:s15+$0x18300] =	vst v4;
	(pc) =	sbr.rel @p2 .LBB2_33-.Ltmp17, $4  }
0x300: {  	v27 =	vmul.f32 $2.500000000e-01, v5;
	v17 =	vmul.f32 $2.500000000e-01, v10;
	v2 =	vld [tilespmem:s14+$0x18300];
	v11 =	vadd.f32 v20, v13  }
0x301: {  	v18 =	vadd.f32 v23, v18;
	v6 =	vld [tilespmem:s14+$0x18380];
	v4 =	vadd.f32 v15, v7;
	v16 =	vmul.f32 $2.500000000e-01, v25;
	[tilespmem:s15+$0x18080] =	vst v19  }
0x302: {  	v13 =	vadd.f32 v22, v14;
	v5 =	vld [tilespmem:s14+$0x18280];
	v15 =	vadd.f32 v24, v20;
	[tilespmem:s15+$0x18100] =	vst v26  }
0x303: {  	s16 =	sadd.s32 $0x80, s16;
	s18 =	smov.u32 s17;
	v14 =	vadd.f32 v21, v24;
	v10 =	vld [tilespmem:s14+$0x18100];
	v19 =	vadd.f32 v11, v4;
	[tilespmem:s15+$0x18000] =	vst v27  }
0x304: {  	v47 =	vadd.f32 v18, v13  }
0x305: {  	v20 =	vld [tilespmem:s14+$0x18080];
	[tilespmem:s15+$0x18200] =	vst v17;
	v12 =	vadd.f32 v12, v8;
	v19 =	vmul.f32 $2.500000000e-01, v19  }
0x306: {  	v21 =	vadd.f32 v15, v9;
	v48 =	vld [tilespmem:s14+$0x18200];
	[tilespmem:s14+$0x1A380] =	vst v16;
	v49 =	vmul.f32 $2.500000000e-01, v47  }
0x307: {  	v7 =	vadd.f32 v7, v3;
	v50 =	vadd.f32 v8, v15;
	v12 =	vmul.f32 $2.500000000e-01, v12;
	[tilespmem:s14+$0x1A000] =	vst v19  }
0x308: {  	v11 =	vadd.f32 v14, v11;
	v52 =	vadd.f32 v13, v14;
	v51 =	vmul.f32 $2.500000000e-01, v21;
	[tilespmem:s14+$0x1A300] =	vst v49  }
0x309: {  	v53 =	vadd.f32 v6, v2;
	v8 =	vmul.f32 $2.500000000e-01, v50;
	v56 =	vadd.f32 v9, v7;
	[tilespmem:s14+$0x1A280] =	vst v12  }
0x30a: {  	v3 =	vadd.f32 v3, v6;
	v11 =	vmul.f32 $2.500000000e-01, v11;
	v2 =	vadd.f32 v2, v5;
	[tilespmem:s14+$0x1A080] =	vst v51  }
0x30b: {  	v57 =	vmul.f32 $2.500000000e-01, v52;
	[tilespmem:s14+$0x1A180] =	vst v8;
	v7 =	vadd.f32 v7, v53;
	v54 =	vadd.f32 v5, v48  }
0x30c: {  	v55 =	vadd.f32 v1, v10;
	v9 =	vmul.f32 $2.500000000e-01, v56;
	v4 =	vadd.f32 v4, v3;
	[tilespmem:s14+$0x1A100] =	vst v11  }
0x30d: {  	[tilespmem:s14+$0x1A200] =	vst v57;
	v1 =	vadd.f32 v48, v1;
	v7 =	vmul.f32 $2.500000000e-01, v7;
	v58 =	vadd.f32 v53, v54  }
0x30e: {  	v60 =	vadd.f32 v10, v20;
	[tilespmem:s14+$0x18380] =	vst v9;
	v4 =	vmul.f32 $2.500000000e-01, v4;
	v61 =	vadd.f32 v54, v55  }
0x30f: {  	v62 =	vadd.f32 v2, v1;
	[tilespmem:s14+$0x18280] =	vst v7;
	v59 =	vmul.f32 $2.500000000e-01, v58  }
0x310: {  	v1 =	vadd.f32 v1, v60;
	[tilespmem:s14+$0x18300] =	vst v4;
	v63 =	vmul.f32 $2.500000000e-01, v61  }
.Ltmp18:
0x311: {  	v2 =	vadd.f32 v3, v2;
	v3 =	vmul.f32 $2.500000000e-01, v62;
	[tilespmem:s14+$0x18180] =	vst v59;
	(pc) =	sbr.rel @p1 .LBB2_38-.Ltmp18, $4  }
0x312: {  	v1 =	vmul.f32 $2.500000000e-01, v1;
	[tilespmem:s14+$0x18080] =	vst v63  }
0x313: {  	v2 =	vmul.f32 $2.500000000e-01, v2;
	[tilespmem:s14+$0x18100] =	vst v3  }
0x314: {  	[tilespmem:s14+$0x18000] =	vst v1  }
0x315: {  	[tilespmem:s14+$0x18200] =	vst v2  }
0x316: {  	s2 =	simm.s32 $0x0  }
0x317: {  	s10 =	sand.u32 $0x70, s2;
	s2 =	sand.u32 $0x1C00, s2  }
0x318: {  	s14 =	sor.u32 s10, s2  }
0x319: {  	v1 =	vld [tilespmem:s14+$0x1A200]  }
0x31a: {  	v2 =	vld [tilespmem:s14+$0x1A280]  }
0x31b: {  	v3 =	vld [tilespmem:s14+$0x1A300]  }
0x31c: {  	v4 =	vld [tilespmem:s14+$0x1A380];
	_ =	sdelay $0x1  }
0x31d: {  	s18 =	simm.s32 $0x10;
	s15 =	simm.s32 $0x80;
	v1 =	vmul.f32 $1.333333370e+00, v1  }
0x31e: {  	s19 =	sand.u32 $0x1C00, s15;
	s2 =	sand.u32 $0x70, s18;
	v2 =	vadd.f32 v2, v2  }
0x31f: {  	s16 =	sor.u32 s2, s19;
	v5 =	vmul.f32 $4.000000000e+00, v3;
	[tilespmem:s14+$0x1A200] =	vst v1  }
0x320: {  	v3 =	vmul.f32 $0.0e+00, v4;
	v1 =	vld [tilespmem:s16+$0x1A200];
	[tilespmem:s14+$0x1A280] =	vst v2  }
0x321: {  	s17 =	simm.s32 $0x20;
	v2 =	vld [tilespmem:s16+$0x1A280];
	[tilespmem:s14+$0x1A300] =	vst v5  }
.LBB2_36:
0x322: {  	p1 =	sne.s32 s17, $0x3F0;
	v4 =	vld [tilespmem:s16+$0x1A300];
	[tilespmem:s14+$0x1A380] =	vst v3;
	s14 =	smov.u32 s16  }
0x323: {  	v3 =	vld [tilespmem:s14+$0x1A380];
	_ =	sdelay $0x1  }
.Ltmp19:
0x324: {  	s15 =	sadd.s32 $0x80, s15;
	v1 =	vmul.f32 $1.333333370e+00, v1;
	(pc) =	sbr.rel @p1 .LBB2_36-.Ltmp19, $4  }
0x325: {  	s2 =	sand.u32 $0x70, s17;
	s10 =	sand.u32 $0x1C00, s15;
	v2 =	vadd.f32 v2, v2  }
0x326: {  	s16 =	sor.u32 s2, s10;
	[tilespmem:s14+$0x1A200] =	vst v1;
	v4 =	vmul.f32 $4.000000000e+00, v4  }
0x327: {  	v1 =	vld [tilespmem:s16+$0x1A200];
	[tilespmem:s14+$0x1A280] =	vst v2;
	v3 =	vmul.f32 $0.0e+00, v3  }
0x328: {  	s17 =	sadd.s32 $0x10, s17;
	v2 =	vld [tilespmem:s16+$0x1A280];
	[tilespmem:s14+$0x1A300] =	vst v4  }
0x329: {  	v4 =	vld [tilespmem:s16+$0x1A300];
	[tilespmem:s14+$0x1A380] =	vst v3  }
0x32a: {  	v3 =	vld [tilespmem:s16+$0x1A380];
	_ =	sdelay $0x1  }
0x32b: {  	v1 =	vmul.f32 $1.333333370e+00, v1  }
0x32c: {  	v2 =	vadd.f32 v2, v2  }
0x32d: {  	[tilespmem:s16+$0x1A200] =	vst v1;
	v1 =	vmul.f32 $4.000000000e+00, v4  }
0x32e: {  	[tilespmem:s16+$0x1A280] =	vst v2;
	v2 =	vmul.f32 $0.0e+00, v3  }
0x32f: {  	[tilespmem:s16+$0x1A300] =	vst v1  }
0x330: {  	[tilespmem:s16+$0x1A380] =	vst v2  }
.LBB2_38:
0x331: {  	s2 =	sadd.s32 s13, s11;
	s10 =	simm.s32 $0x18000  }
0x332: {  	[hbm4b:s2+s4] =	stream.linear.scatter [tilespmem:s10], [sflag:$0x6], $0x4000, $0x38;
	[tilespmem:$0x1E000] =	vst v63  }
0x333: {  	p1 =	seq.s32 s25, $0x4;
	_ =	swait.ge [sflag:s23], $0x4000  }
.Ltmp20:
0x334: {  	[sflag:s23] =	ssyncset.done $0x0;
	(pc) =	sbr.rel @p1 .LBB2_40-.Ltmp20, $4  }
0x335: {  	[sflag:s23] =	ssyncadd.s32 $0xFFFFC000  }
0x336: {  	_ =	swait.ge [sflag:s23], $0x4000  }
0x337: {  	[sflag:s23] =	ssyncset.done $0x0  }
0x338: {  	[sflag:s23] =	ssyncadd.s32 $0xFFFFC000  }
0x339: {  	s2 =	sadd.s32 s13, s9;
	p1 =	slt.s32 s29, $0x3F98  }
0x33a: {  	[tilespmem:s20], [sflag:$0x2] =	stream.linear.gather [hbm4b:s2+s4], $0x8000, $0x38;
	[tilespmem:$0x1E000] =	vst v63  }
0x33b: {  	s29 =	simm.s32 @!p1 $0x3F98  }
0x33c: {  	s15 =	sshll.u32 s29, $0x7  }
0x33d: {  	s2 =	sadd.s32 $0x3000, s15  }
0x33e: {  	s2 =	sand.u32 $0x1FFFFF80, s2  }
0x33f: {  	s2 =	sadd.s32 s6, s2  }
0x340: {  	[tilespmem:s21], [sflag:$0x2] =	stream.strided.gather [hbm4b:s2+s0], $0x0, s1, s0, $0x38;
	[tilespmem:$0x1E000] =	vst v63  }
0x341: {  	_ = 	snop  }
0x342: {  	[tilespmem:s21], [sflag:$0x2] =	stream.linear.gather [hbm4b:s2+s4], $0x200, $0x38;
	[tilespmem:$0x1E000] =	vst v63  }
0x343: {  	s16 =	simm.s32 $0x12400;
	s10 =	sadd.s32 $0x80, s2  }
0x344: {  	[tilespmem:s16], [sflag:$0x2] =	stream.linear.gather [hbm4b:s10+s4], $0x200, $0x38;
	[tilespmem:$0x1E000] =	vst v63  }
0x345: {  	s18 =	simm.s32 $0x12800;
	s17 =	sadd.s32 $0x100, s2  }
0x346: {  	[tilespmem:s18], [sflag:$0x2] =	stream.linear.gather [hbm4b:s17+s4], $0x200, $0x38;
	[tilespmem:$0x1E000] =	vst v63  }
0x347: {  	s29 =	simm.s32 $0x12C00;
	s19 =	sadd.s32 $0x180, s2  }
0x348: {  	[tilespmem:s29], [sflag:$0x2] =	stream.linear.gather [hbm4b:s19+s4], $0x200, $0x38;
	[tilespmem:$0x1E000] =	vst v63  }
0x349: {  	s15 =	simm.s32 $0x13000;
	s14 =	sadd.s32 $0x200, s2  }
0x34a: {  	[tilespmem:s15], [sflag:$0x2] =	stream.linear.gather [hbm4b:s14+s4], $0x200, $0x38;
	[tilespmem:$0x1E000] =	vst v63  }
0x34b: {  	s16 =	sadd.s32 $0x280, s2;
	s17 =	simm.s32 $0x13400  }
0x34c: {  	[tilespmem:s17], [sflag:$0x2] =	stream.linear.gather [hbm4b:s16+s4], $0x200, $0x38;
	[tilespmem:$0x1E000] =	vst v63  }
.Ltmp21:
0x34d: {  	_ = 	snop;
	(pc) =	sbr.rel .LBB2_2-.Ltmp21, $4  }
0x34e: {  	s18 =	sadd.s32 $0x300, s2;
	s19 =	simm.s32 $0x13800  }
0x34f: {  	[tilespmem:s19], [sflag:$0x2] =	stream.linear.gather [hbm4b:s18+s4], $0x200, $0x38;
	[tilespmem:$0x1E000] =	vst v63  }
0x350: {  	s25 =	sadd.s32 $0x1, s25;
	s2 =	sadd.s32 $0x380, s2;
	s29 =	simm.s32 $0x13C00  }
0x351: {  	[tilespmem:s29], [sflag:$0x2] =	stream.linear.gather [hbm4b:s2+s4], $0x200, $0x38;
	[tilespmem:$0x1E000] =	vst v63  }
.LBB2_40:
0x352: {  	_ =	swait.ge [sflag:s30], $0x8000  }
.Ltmp22:
0x353: {  	[sflag:s30] =	ssyncset.done $0x0;
	(pc) =	sbr.rel @p0 .LBB2_44-.Ltmp22, $4  }
0x354: {  	[sflag:s30] =	ssyncadd.s32 $0xFFFF8000  }
0x355: {  	_ =	swait.ge [sflag:s30], $0x1000  }
0x356: {  	[sflag:s30] =	ssyncset.done $0x0  }
0x357: {  	[sflag:s30] =	ssyncadd.s32 $0xFFFFF000  }
0x358: {  	s13 =	simm.s32 $0x0  }
0x359: {  	s2 =	sand.u32 $0x70, s13;
	s10 =	sand.u32 $0x1C00, s13  }
0x35a: {  	s15 =	sor.u32 s2, s10  }
0x35b: {  	[tilespmem:s15+$0x8180] =	vst v0  }
0x35c: {  	[tilespmem:s15+$0x8000] =	vst v0  }
0x35d: {  	s14 =	simm.s32 $0x10;
	[tilespmem:s15+$0x8080] =	vst v0  }
.LBB2_42:
0x35e: {  	s2 =	sand.u32 $0x70, s14;
	[tilespmem:s15+$0x8100] =	vst v0;
	s13 =	sadd.s32 $0x80, s13;
	p1 =	sne.s32 s14, $0x3F0  }
.Ltmp23:
0x35f: {  	s14 =	sadd.s32 $0x10, s14;
	s10 =	sand.u32 $0x1C00, s13;
	(pc) =	sbr.rel @p1 .LBB2_42-.Ltmp23, $4  }
0x360: {  	s15 =	sor.u32 s2, s10  }
0x361: {  	[tilespmem:s15+$0x8180] =	vst v0  }
0x362: {  	[tilespmem:s15+$0x8000] =	vst v0  }
0x363: {  	[tilespmem:s15+$0x8080] =	vst v0  }
0x364: {  	[tilespmem:s15+$0x8100] =	vst v0  }
.LBB2_44:
0x365: {  	s14 =	simm.s32 $0x0  }
0x366: {  	s2 =	sand.u32 $0x70, s14;
	s10 =	sand.u32 $0x1C00, s14  }
0x367: {  	s13 =	sor.u32 s2, s10  }
0x368: {  	v1 =	vld [tilespmem:s13+$0x300]  }
0x369: {  	v2 =	vld [tilespmem:s13+$0x200]  }
0x36a: {  	v3 =	vld [tilespmem:s13+$0x100]  }
0x36b: {  	v4 =	vld [tilespmem:s13+$0x80]  }
0x36c: {  	v5 =	vld [tilespmem:s13+$0x180]  }
0x36d: {  	v6 =	vld [tilespmem:s13+$0x280];
	_ =	sdelay $0x3  }
0x36e: {  	v4 =	vadd.f32 v3, v4;
	v7 =	vadd.f32 v2, v5  }
0x36f: {  	v8 =	vadd.f32 v1, v6;
	v2 =	vadd.f32 v6, v2  }
0x370: {  	v3 =	vadd.f32 v5, v3;
	v4 =	vadd.f32 v7, v4  }
0x371: {  	v5 =	vadd.f32 v8, v7  }
0x372: {  	v3 =	vadd.f32 v2, v3;
	v4 =	vmul.f32 $2.500000000e-01, v4  }
0x373: {  	v5 =	vmul.f32 $2.500000000e-01, v5  }
0x374: {  	v3 =	vmul.f32 $2.500000000e-01, v3;
	[tilespmem:s13+$0x0] =	vst v4  }
0x375: {  	s29 =	sor.u32 s14, s14;
	[tilespmem:s13+$0x100] =	vst v5  }
0x376: {  	s2 =	sor.u32 $0x380, s29;
	[tilespmem:s13+$0x80] =	vst v3  }
0x377: {  	v5 =	vld [tilespmem:s2+$0x0]  }
0x378: {  	v4 =	vld [tilespmem:s13+$0x2000]  }
0x379: {  	v6 =	vld [tilespmem:s13+$0x2080]  }
0x37a: {  	v7 =	vld [tilespmem:s13+$0x2100]  }
0x37b: {  	v3 =	vld [tilespmem:s13+$0x2180]  }
0x37c: {  	v1 =	vadd.f32 v5, v1  }
0x37d: {  	v5 =	vadd.f32 v4, v5  }
0x37e: {  	v4 =	vadd.f32 v6, v4;
	v9 =	vadd.f32 v1, v2  }
0x37f: {  	v2 =	vadd.f32 v7, v6;
	v6 =	vadd.f32 v5, v8  }
0x380: {  	v63 =	vadd.f32 v4, v1;
	v1 =	vadd.f32 v3, v7;
	v9 =	vmul.f32 $2.500000000e-01, v9  }
0x381: {  	v5 =	vadd.f32 v2, v5;
	v6 =	vmul.f32 $2.500000000e-01, v6  }
0x382: {  	v7 =	vmul.f32 $2.500000000e-01, v63;
	v4 =	vadd.f32 v1, v4;
	[tilespmem:s13+$0x180] =	vst v9  }
0x383: {  	v5 =	vmul.f32 $2.500000000e-01, v5;
	[tilespmem:s13+$0x200] =	vst v6  }
0x384: {  	[tilespmem:s13+$0x280] =	vst v7;
	v4 =	vmul.f32 $2.500000000e-01, v4  }
0x385: {  	[tilespmem:s13+$0x300] =	vst v5  }
0x386: {  	[tilespmem:s2+$0x0] =	vst v4  }
0x387: {  	s15 =	simm.s32 $0x10;
	v4 =	vld [tilespmem:s13+$0x2380]  }
.LBB2_45:
0x388: {  	p1 =	sne.s32 s15, $0x3F0  }
0x389: {  	v5 =	vld [tilespmem:s13+$0x4080];
	s14 =	sadd.s32 $0x80, s14;
	s16 =	smov.u32 s15;
	s15 =	sadd.s32 $0x10, s15  }
0x38a: {  	v6 =	vld [tilespmem:s13+$0x2300]  }
0x38b: {  	v7 =	vld [tilespmem:s13+$0x2200]  }
0x38c: {  	v8 =	vld [tilespmem:s13+$0x4000]  }
0x38d: {  	v9 =	vld [tilespmem:s13+$0x4100]  }
0x38e: {  	s2 =	sand.u32 $0x70, s16;
	s10 =	sand.u32 $0x1C00, s14;
	v10 =	vld [tilespmem:s13+$0x2280]  }
0x38f: {  	s17 =	sor.u32 s2, s10;
	v11 =	vld [tilespmem:s13+$0x4180]  }
0x390: {  	v13 =	vadd.f32 v4, v6;
	v12 =	vld [tilespmem:s17+$0x300];
	v3 =	vadd.f32 v7, v3  }
0x391: {  	v14 =	vld [tilespmem:s17+$0x200];
	v4 =	vadd.f32 v8, v4;
	v8 =	vadd.f32 v5, v8  }
0x392: {  	v15 =	vld [tilespmem:s17+$0x100];
	v2 =	vadd.f32 v3, v2;
	v5 =	vadd.f32 v9, v5  }
0x393: {  	v16 =	vld [tilespmem:s17+$0x80];
	v7 =	vadd.f32 v10, v7;
	v17 =	vadd.f32 v8, v13  }
0x394: {  	v6 =	vadd.f32 v6, v10;
	v18 =	vld [tilespmem:s17+$0x280];
	v2 =	vmul.f32 $2.500000000e-01, v2;
	v9 =	vadd.f32 v11, v9  }
0x395: {  	v10 =	vld [tilespmem:s17+$0x180];
	v1 =	vadd.f32 v7, v1;
	v7 =	vadd.f32 v13, v7;
	v11 =	vmul.f32 $2.500000000e-01, v17  }
0x396: {  	[tilespmem:s13+$0x2000] =	vst v2;
	v2 =	vadd.f32 v6, v3;
	v3 =	vadd.f32 v4, v6  }
0x397: {  	v1 =	vmul.f32 $2.500000000e-01, v1;
	v6 =	vmul.f32 $2.500000000e-01, v7;
	[tilespmem:s13+$0x2280] =	vst v11;
	v7 =	vadd.f32 v9, v8  }
0x398: {  	v8 =	vadd.f32 v15, v16;
	v2 =	vmul.f32 $2.500000000e-01, v2;
	v3 =	vmul.f32 $2.500000000e-01, v3  }
0x399: {  	v9 =	vadd.f32 v18, v14;
	[tilespmem:s13+$0x2080] =	vst v1;
	v1 =	vadd.f32 v5, v4;
	v4 =	vmul.f32 $2.500000000e-01, v7  }
0x39a: {  	v5 =	vadd.f32 v10, v15;
	v7 =	vadd.f32 v14, v10;
	[tilespmem:s13+$0x2100] =	vst v2  }
0x39b: {  	v10 =	vadd.f32 v12, v18;
	[tilespmem:s13+$0x2200] =	vst v3;
	v1 =	vmul.f32 $2.500000000e-01, v1  }
0x39c: {  	v2 =	vadd.f32 v7, v8;
	v3 =	vadd.f32 v9, v5;
	[tilespmem:s13+$0x2180] =	vst v6  }
0x39d: {  	v5 =	vadd.f32 v10, v7;
	[tilespmem:s13+$0x2300] =	vst v1  }
0x39e: {  	v1 =	vmul.f32 $2.500000000e-01, v2;
	v2 =	vmul.f32 $2.500000000e-01, v3;
	[tilespmem:s13+$0x2380] =	vst v4;
	s13 =	smov.u32 s17  }
0x39f: {  	v3 =	vmul.f32 $2.500000000e-01, v5  }
0x3a0: {  	[tilespmem:s13+$0x0] =	vst v1  }
0x3a1: {  	s2 =	sor.u32 s14, s16;
	[tilespmem:s13+$0x100] =	vst v3;
	v1 =	vld [tilespmem:s13+$0x2000]  }
0x3a2: {  	s2 =	sor.u32 $0x380, s2;
	[tilespmem:s13+$0x80] =	vst v2;
	v2 =	vld [tilespmem:s13+$0x2080]  }
0x3a3: {  	v4 =	vld [tilespmem:s2+$0x0]  }
0x3a4: {  	v5 =	vld [tilespmem:s13+$0x2100];
	_ =	sdelay $0x2  }
0x3a5: {  	v3 =	vld [tilespmem:s13+$0x2180]  }
0x3a6: {  	v6 =	vadd.f32 v4, v12;
	v4 =	vadd.f32 v1, v4  }
0x3a7: {  	v7 =	vadd.f32 v2, v1;
	v2 =	vadd.f32 v5, v2  }
0x3a8: {  	v1 =	vadd.f32 v6, v9;
	v8 =	vadd.f32 v4, v10  }
0x3a9: {  	v6 =	vadd.f32 v7, v6;
	v4 =	vadd.f32 v2, v4  }
0x3aa: {  	v9 =	vmul.f32 $2.500000000e-01, v1;
	v8 =	vmul.f32 $2.500000000e-01, v8;
	v1 =	vadd.f32 v3, v5  }
0x3ab: {  	v5 =	vmul.f32 $2.500000000e-01, v6;
	v4 =	vmul.f32 $2.500000000e-01, v4  }
0x3ac: {  	[tilespmem:s13+$0x180] =	vst v9;
	v6 =	vadd.f32 v1, v7  }
.Ltmp24:
0x3ad: {  	[tilespmem:s13+$0x200] =	vst v8;
	(pc) =	sbr.rel @p1 .LBB2_45-.Ltmp24, $4  }
0x3ae: {  	[tilespmem:s13+$0x280] =	vst v5;
	v5 =	vmul.f32 $2.500000000e-01, v6  }
0x3af: {  	[tilespmem:s13+$0x300] =	vst v4  }
0x3b0: {  	[tilespmem:s2+$0x0] =	vst v5  }
0x3b1: {  	v4 =	vld [tilespmem:s13+$0x2380]  }
0x3b2: {  	v5 =	vld [tilespmem:s13+$0x4080]  }
0x3b3: {  	v6 =	vld [tilespmem:s13+$0x2300]  }
0x3b4: {  	v7 =	vld [tilespmem:s13+$0x2200]  }
0x3b5: {  	v8 =	vld [tilespmem:s13+$0x4000]  }
0x3b6: {  	v9 =	vld [tilespmem:s13+$0x2280];
	_ =	sdelay $0x2  }
0x3b7: {  	v3 =	vadd.f32 v7, v3  }
0x3b8: {  	v10 =	vld [tilespmem:s13+$0x4100];
	v11 =	vadd.f32 v4, v6;
	v12 =	vadd.f32 v5, v8  }
0x3b9: {  	v13 =	vld [tilespmem:s13+$0x4180];
	v7 =	vadd.f32 v9, v7;
	v2 =	vadd.f32 v3, v2  }
0x3ba: {  	v6 =	vadd.f32 v6, v9;
	v14 =	vadd.f32 v12, v11  }
0x3bb: {  	v1 =	vadd.f32 v7, v1;
	v2 =	vmul.f32 $2.500000000e-01, v2  }
0x3bc: {  	v4 =	vadd.f32 v8, v4;
	v3 =	vadd.f32 v6, v3;
	v8 =	vmul.f32 $2.500000000e-01, v14  }
0x3bd: {  	v5 =	vadd.f32 v10, v5;
	v7 =	vadd.f32 v11, v7;
	v1 =	vmul.f32 $2.500000000e-01, v1;
	[tilespmem:s13+$0x2000] =	vst v2  }
0x3be: {  	v3 =	vmul.f32 $2.500000000e-01, v3;
	v2 =	vadd.f32 v4, v6;
	v6 =	vadd.f32 v13, v10;
	[tilespmem:s13+$0x2280] =	vst v8  }
0x3bf: {  	[tilespmem:s13+$0x2080] =	vst v1;
	v1 =	vadd.f32 v5, v4;
	v4 =	vmul.f32 $2.500000000e-01, v7  }
0x3c0: {  	[tilespmem:s13+$0x2100] =	vst v3;
	v2 =	vmul.f32 $2.500000000e-01, v2;
	v5 =	vadd.f32 v6, v12  }
0x3c1: {  	v1 =	vmul.f32 $2.500000000e-01, v1;
	[tilespmem:s13+$0x2180] =	vst v4  }
0x3c2: {  	[tilespmem:s13+$0x2200] =	vst v2;
	v2 =	vmul.f32 $2.500000000e-01, v5  }
0x3c3: {  	[tilespmem:s13+$0x2300] =	vst v1  }
0x3c4: {  	s2 =	simm.s32 $0x0;
	s10 =	rddreg [dreg:$0x7];
	[tilespmem:s13+$0x2380] =	vst v2  }
0x3c5: {  	[hbm4b:s10+s2] =	stream.linear.scatter [tilespmem:s2], [sflag:$0x4], $0x4000, $0x38;
	[tilespmem:$0x1E000] =	vst v63  }
0x3c6: {  	s19 =	sand.u32 $0x70, s2;
	s2 =	sand.u32 $0x1C00, s2  }
0x3c7: {  	s14 =	sor.u32 s19, s2  }
0x3c8: {  	v1 =	vld [tilespmem:s14+$0x8000]  }
0x3c9: {  	v2 =	vld [tilespmem:s14+$0x8180]  }
0x3ca: {  	v5 =	vld [tilespmem:s14+$0x8100]  }
0x3cb: {  	v6 =	vld [tilespmem:s14+$0x8080]  }
0x3cc: {  	v7 =	vld [tilespmem:s14+$0x6180]  }
0x3cd: {  	v8 =	vld [tilespmem:s14+$0x6100]  }
0x3ce: {  	v9 =	vld [tilespmem:s14+$0x6200]  }
0x3cf: {  	v10 =	vld [tilespmem:s14+$0x6080]  }
0x3d0: {  	v3 =	vld [tilespmem:s14+$0x6380]  }
0x3d1: {  	v4 =	vld [tilespmem:s14+$0x6300];
	v2 =	vadd.f32 v2, v5;
	v14 =	vadd.f32 v6, v1  }
0x3d2: {  	v11 =	vld [tilespmem:s14+$0x6280]  }
0x3d3: {  	v12 =	vld [tilespmem:s14+$0x4180];
	v2 =	vadd.f32 v2, v14  }
0x3d4: {  	v13 =	vld [tilespmem:s14+$0x6000];
	v18 =	vadd.f32 v9, v7;
	v19 =	vadd.f32 v8, v10  }
0x3d5: {  	v15 =	vld [tilespmem:s14+$0x4300];
	v5 =	vadd.f32 v5, v6;
	v1 =	vadd.f32 v1, v3;
	v2 =	vmul.f32 $2.500000000e-01, v2  }
0x3d6: {  	s25 =	simm.s32 $0x10;
	s29 =	simm.s32 $0x80;
	v16 =	vld [tilespmem:s14+$0x4380];
	v21 =	vadd.f32 v18, v19  }
0x3d7: {  	s10 =	sand.u32 $0x1C00, s29;
	s2 =	sand.u32 $0x70, s25;
	v17 =	vld [tilespmem:s14+$0x4280];
	[tilespmem:s14+$0x6380] =	vst v2;
	v2 =	vadd.f32 v3, v4;
	v3 =	vadd.f32 v5, v1  }
0x3d8: {  	v20 =	vld [tilespmem:s14+$0x4100];
	s13 =	sor.u32 s2, s10;
	v7 =	vadd.f32 v7, v8;
	v8 =	vadd.f32 v11, v9;
	v5 =	vmul.f32 $2.500000000e-01, v21  }
0x3d9: {  	v63 =	vld [tilespmem:s13+$0x8000];
	v9 =	vadd.f32 v14, v2;
	v3 =	vmul.f32 $2.500000000e-01, v3  }
0x3da: {  	v23 =	vld [tilespmem:s13+$0x8180];
	[tilespmem:s14+$0x6000] =	vst v5;
	v5 =	vadd.f32 v8, v7  }
0x3db: {  	v14 =	vld [tilespmem:s13+$0x6380];
	v9 =	vmul.f32 $2.500000000e-01, v9;
	[tilespmem:s14+$0x6300] =	vst v3;
	v3 =	vadd.f32 v4, v11  }
0x3dc: {  	v22 =	vld [tilespmem:s14+$0x4200];
	v2 =	vadd.f32 v2, v8;
	v4 =	vmul.f32 $2.500000000e-01, v5  }
0x3dd: {  	v24 =	vld [tilespmem:s13+$0x6300];
	[tilespmem:s14+$0x6280] =	vst v9;
	v5 =	vadd.f32 v3, v18  }
0x3de: {  	v2 =	vmul.f32 $2.500000000e-01, v2;
	v25 =	vld [tilespmem:s13+$0x8100];
	[tilespmem:s14+$0x6080] =	vst v4;
	v4 =	vadd.f32 v10, v13  }
0x3df: {  	v6 =	vld [tilespmem:s14+$0x4080];
	v1 =	vadd.f32 v1, v3;
	v3 =	vmul.f32 $2.500000000e-01, v5  }
0x3e0: {  	v18 =	vld [tilespmem:s13+$0x8080];
	[tilespmem:s14+$0x6180] =	vst v2;
	v2 =	vadd.f32 v7, v4  }
0x3e1: {  	v8 =	vadd.f32 v17, v22;
	v1 =	vmul.f32 $2.500000000e-01, v1;
	v5 =	vld [tilespmem:s13+$0x6180];
	[tilespmem:s14+$0x6100] =	vst v3;
	v3 =	vadd.f32 v16, v15  }
0x3e2: {  	v9 =	vadd.f32 v13, v16;
	v2 =	vmul.f32 $2.500000000e-01, v2  }
0x3e3: {  	v13 =	vadd.f32 v15, v17;
	v10 =	vld [tilespmem:s13+$0x6100];
	[tilespmem:s14+$0x6200] =	vst v1;
	v1 =	vadd.f32 v3, v8  }
0x3e4: {  	v15 =	vadd.f32 v22, v12;
	v26 =	vld [tilespmem:s13+$0x6200];
	[tilespmem:s14+$0x4380] =	vst v2;
	v2 =	vadd.f32 v4, v3  }
0x3e5: {  	v3 =	vadd.f32 v12, v20;
	v4 =	vadd.f32 v19, v9;
	v1 =	vmul.f32 $2.500000000e-01, v1  }
0x3e6: {  	v6 =	vadd.f32 v20, v6;
	v7 =	vld [tilespmem:s13+$0x6080];
	v2 =	vmul.f32 $2.500000000e-01, v2  }
0x3e7: {  	v16 =	vadd.f32 v13, v15;
	v27 =	vld [tilespmem:s13+$0x6280];
	v11 =	vadd.f32 v8, v3;
	v4 =	vmul.f32 $2.500000000e-01, v4;
	[tilespmem:s14+$0x4180] =	vst v1  }
0x3e8: {  	v15 =	vadd.f32 v15, v6;
	v13 =	vadd.f32 v9, v13;
	v1 =	vld [tilespmem:s13+$0x4180];
	[tilespmem:s14+$0x4280] =	vst v2  }
0x3e9: {  	v12 =	vadd.f32 v18, v63;
	v18 =	vadd.f32 v25, v18;
	v11 =	vmul.f32 $2.500000000e-01, v11;
	v3 =	vld [tilespmem:s13+$0x6000];
	[tilespmem:s14+$0x4300] =	vst v4  }
0x3ea: {  	v17 =	vmul.f32 $2.500000000e-01, v13;
	v13 =	vadd.f32 v63, v14;
	v4 =	vadd.f32 v23, v25;
	v2 =	vld [tilespmem:s13+$0x4300]  }
0x3eb: {  	v16 =	vmul.f32 $2.500000000e-01, v16;
	v8 =	vadd.f32 v14, v24;
	v6 =	vld [tilespmem:s13+$0x4380];
	[tilespmem:s14+$0x4080] =	vst v11;
	v11 =	vadd.f32 v26, v5  }
0x3ec: {  	v20 =	vmul.f32 $2.500000000e-01, v15;
	v19 =	vadd.f32 v4, v12;
	v4 =	vadd.f32 v10, v7  }
0x3ed: {  	v9 =	vadd.f32 v5, v10;
	v15 =	vadd.f32 v27, v26;
	v5 =	vld [tilespmem:s13+$0x4280];
	[tilespmem:s14+$0x4100] =	vst v16  }
0x3ee: {  	s17 =	simm.s32 $0x20;
	s15 =	simm.s32 $0x100;
	v14 =	vadd.f32 v24, v27;
	v10 =	vld [tilespmem:s13+$0x4100];
	[tilespmem:s14+$0x4000] =	vst v20;
	v16 =	vmul.f32 $2.500000000e-01, v19;
	v19 =	vadd.f32 v11, v4  }
.LBB2_47:
0x3ef: {  	s2 =	sand.u32 $0x70, s17;
	v20 =	vld [tilespmem:s13+$0x4080];
	[tilespmem:s14+$0x4200] =	vst v17;
	s14 =	smov.u32 s17  }
0x3f0: {  	s10 =	sand.u32 $0x1C00, s15;
	v12 =	vadd.f32 v12, v8;
	v18 =	vadd.f32 v18, v13;
	s16 =	sadd.s32 $0x10, s17;
	s14 =	smov.u32 s13  }
0x3f1: {  	p1 =	sne.s32 s17, $0x3F0;
	v7 =	vadd.f32 v7, v3;
	v21 =	vadd.f32 v15, v9;
	s13 =	sor.u32 s2, s10;
	v19 =	vmul.f32 $2.500000000e-01, v19;
	v17 =	vld [tilespmem:s14+$0x4200];
	[tilespmem:s14+$0x6380] =	vst v16  }
0x3f2: {  	v8 =	vadd.f32 v8, v15;
	v12 =	vmul.f32 $2.500000000e-01, v12;
	v15 =	vmul.f32 $2.500000000e-01, v18;
	v22 =	vld [tilespmem:s13+$0x8000]  }
0x3f3: {  	v11 =	vadd.f32 v14, v11;
	v13 =	vadd.f32 v13, v14;
	v18 =	vmul.f32 $2.500000000e-01, v21;
	v16 =	vld [tilespmem:s13+$0x8180];
	[tilespmem:s14+$0x6000] =	vst v19  }
0x3f4: {  	v9 =	vadd.f32 v9, v7;
	v19 =	vadd.f32 v1, v10;
	v14 =	vld [tilespmem:s13+$0x6380];
	[tilespmem:s14+$0x6300] =	vst v15  }
0x3f5: {  	v8 =	vmul.f32 $2.500000000e-01, v8;
	v11 =	vmul.f32 $2.500000000e-01, v11;
	v15 =	vadd.f32 v6, v2;
	v21 =	vld [tilespmem:s13+$0x6300];
	[tilespmem:s14+$0x6280] =	vst v12  }
0x3f6: {  	v9 =	vmul.f32 $2.500000000e-01, v9;
	v10 =	vadd.f32 v10, v20;
	v23 =	vld [tilespmem:s13+$0x8100];
	v12 =	vadd.f32 v5, v17;
	[tilespmem:s14+$0x6080] =	vst v18  }
0x3f7: {  	v3 =	vadd.f32 v3, v6;
	v6 =	vadd.f32 v7, v15;
	v7 =	vmul.f32 $2.500000000e-01, v13;
	v18 =	vld [tilespmem:s13+$0x8080];
	[tilespmem:s14+$0x6180] =	vst v8  }
0x3f8: {  	v13 =	vld [tilespmem:s13+$0x6180];
	v19 =	vadd.f32 v12, v19;
	v8 =	vadd.f32 v15, v12;
	[tilespmem:s14+$0x6100] =	vst v11  }
0x3f9: {  	v4 =	vadd.f32 v4, v3;
	v2 =	vadd.f32 v2, v5;
	v15 =	vld [tilespmem:s13+$0x6100];
	[tilespmem:s14+$0x6200] =	vst v7  }
0x3fa: {  	v5 =	vadd.f32 v17, v1;
	v6 =	vmul.f32 $2.500000000e-01, v6;
	v20 =	vld [tilespmem:s13+$0x6200];
	v1 =	vmul.f32 $2.500000000e-01, v8;
	[tilespmem:s14+$0x4380] =	vst v9  }
0x3fb: {  	v4 =	vmul.f32 $2.500000000e-01, v4;
	v8 =	vadd.f32 v14, v21;
	v7 =	vld [tilespmem:s13+$0x6080];
	v11 =	vadd.f32 v16, v23  }
0x3fc: {  	v19 =	vmul.f32 $2.500000000e-01, v19;
	v16 =	vadd.f32 v2, v5;
	v24 =	vld [tilespmem:s13+$0x6280];
	v12 =	vadd.f32 v18, v22;
	[tilespmem:s14+$0x4180] =	vst v1  }
0x3fd: {  	v5 =	vadd.f32 v5, v10;
	v10 =	vadd.f32 v3, v2;
	v1 =	vld [tilespmem:s13+$0x4180];
	[tilespmem:s14+$0x4280] =	vst v6  }
.Ltmp25:
0x3fe: {  	v26 =	vmul.f32 $2.500000000e-01, v16;
	v3 =	vld [tilespmem:s13+$0x6000];
	v9 =	vadd.f32 v13, v15;
	v25 =	vadd.f32 v11, v12;
	[tilespmem:s14+$0x4300] =	vst v4;
	(pc) =	sbr.rel @p1 .LBB2_47-.Ltmp25, $4  }
0x3ff: {  	v27 =	vmul.f32 $2.500000000e-01, v5;
	v17 =	vmul.f32 $2.500000000e-01, v10;
	v2 =	vld [tilespmem:s13+$0x4300];
	v11 =	vadd.f32 v20, v13  }
0x400: {  	v18 =	vadd.f32 v23, v18;
	v6 =	vld [tilespmem:s13+$0x4380];
	v4 =	vadd.f32 v15, v7;
	v16 =	vmul.f32 $2.500000000e-01, v25;
	[tilespmem:s14+$0x4080] =	vst v19  }
0x401: {  	v13 =	vadd.f32 v22, v14;
	v5 =	vld [tilespmem:s13+$0x4280];
	v15 =	vadd.f32 v24, v20;
	[tilespmem:s14+$0x4100] =	vst v26  }
0x402: {  	s15 =	sadd.s32 $0x80, s15;
	s17 =	smov.u32 s16;
	v14 =	vadd.f32 v21, v24;
	v10 =	vld [tilespmem:s13+$0x4100];
	v19 =	vadd.f32 v11, v4;
	[tilespmem:s14+$0x4000] =	vst v27  }
0x403: {  	v47 =	vadd.f32 v18, v13  }
0x404: {  	v20 =	vld [tilespmem:s13+$0x4080];
	[tilespmem:s14+$0x4200] =	vst v17;
	v12 =	vadd.f32 v12, v8;
	v19 =	vmul.f32 $2.500000000e-01, v19  }
0x405: {  	v21 =	vadd.f32 v15, v9;
	v48 =	vld [tilespmem:s13+$0x4200];
	[tilespmem:s13+$0x6380] =	vst v16;
	v49 =	vmul.f32 $2.500000000e-01, v47  }
0x406: {  	v7 =	vadd.f32 v7, v3;
	v50 =	vadd.f32 v8, v15;
	v12 =	vmul.f32 $2.500000000e-01, v12;
	[tilespmem:s13+$0x6000] =	vst v19  }
0x407: {  	v11 =	vadd.f32 v14, v11;
	v52 =	vadd.f32 v13, v14;
	v51 =	vmul.f32 $2.500000000e-01, v21;
	[tilespmem:s13+$0x6300] =	vst v49  }
0x408: {  	v53 =	vadd.f32 v6, v2;
	v8 =	vmul.f32 $2.500000000e-01, v50;
	v56 =	vadd.f32 v9, v7;
	[tilespmem:s13+$0x6280] =	vst v12  }
0x409: {  	v3 =	vadd.f32 v3, v6;
	v11 =	vmul.f32 $2.500000000e-01, v11;
	v2 =	vadd.f32 v2, v5;
	[tilespmem:s13+$0x6080] =	vst v51  }
0x40a: {  	v57 =	vmul.f32 $2.500000000e-01, v52;
	[tilespmem:s13+$0x6180] =	vst v8;
	v7 =	vadd.f32 v7, v53;
	v54 =	vadd.f32 v5, v48  }
0x40b: {  	v55 =	vadd.f32 v1, v10;
	v9 =	vmul.f32 $2.500000000e-01, v56;
	v4 =	vadd.f32 v4, v3;
	[tilespmem:s13+$0x6100] =	vst v11  }
0x40c: {  	[tilespmem:s13+$0x6200] =	vst v57;
	v1 =	vadd.f32 v48, v1;
	v7 =	vmul.f32 $2.500000000e-01, v7;
	v58 =	vadd.f32 v53, v54  }
0x40d: {  	v60 =	vadd.f32 v10, v20;
	[tilespmem:s13+$0x4380] =	vst v9;
	v4 =	vmul.f32 $2.500000000e-01, v4;
	v61 =	vadd.f32 v54, v55  }
0x40e: {  	v62 =	vadd.f32 v2, v1;
	[tilespmem:s13+$0x4280] =	vst v7;
	v59 =	vmul.f32 $2.500000000e-01, v58  }
0x40f: {  	v1 =	vadd.f32 v1, v60;
	[tilespmem:s13+$0x4300] =	vst v4;
	v63 =	vmul.f32 $2.500000000e-01, v61  }
.Ltmp26:
0x410: {  	v2 =	vadd.f32 v3, v2;
	v3 =	vmul.f32 $2.500000000e-01, v62;
	[tilespmem:s13+$0x4180] =	vst v59;
	(pc) =	sbr.rel @p0 .LBB2_52-.Ltmp26, $4  }
0x411: {  	v1 =	vmul.f32 $2.500000000e-01, v1;
	[tilespmem:s13+$0x4080] =	vst v63  }
0x412: {  	v2 =	vmul.f32 $2.500000000e-01, v2;
	[tilespmem:s13+$0x4100] =	vst v3  }
0x413: {  	[tilespmem:s13+$0x4000] =	vst v1  }
0x414: {  	[tilespmem:s13+$0x4200] =	vst v2;
	s13 =	rddreg [dreg:$0x18]  }
0x415: {  	s2 =	simm.s32 $0x0  }
0x416: {  	s10 =	sand.u32 $0x70, s2;
	s2 =	sand.u32 $0x1C00, s2  }
0x417: {  	s13 =	sor.u32 s10, s2  }
0x418: {  	v1 =	vld [tilespmem:s13+$0x6200]  }
0x419: {  	v2 =	vld [tilespmem:s13+$0x6280]  }
0x41a: {  	v3 =	vld [tilespmem:s13+$0x6300]  }
0x41b: {  	v4 =	vld [tilespmem:s13+$0x6380];
	_ =	sdelay $0x1  }
0x41c: {  	s25 =	simm.s32 $0x10;
	s14 =	simm.s32 $0x80;
	v1 =	vmul.f32 $1.333333370e+00, v1  }
0x41d: {  	s29 =	sand.u32 $0x1C00, s14;
	s2 =	sand.u32 $0x70, s25;
	v2 =	vadd.f32 v2, v2  }
0x41e: {  	s15 =	sor.u32 s2, s29;
	v5 =	vmul.f32 $4.000000000e+00, v3;
	[tilespmem:s13+$0x6200] =	vst v1  }
0x41f: {  	v3 =	vmul.f32 $0.0e+00, v4;
	v1 =	vld [tilespmem:s15+$0x6200];
	[tilespmem:s13+$0x6280] =	vst v2  }
0x420: {  	s16 =	simm.s32 $0x20;
	v2 =	vld [tilespmem:s15+$0x6280];
	[tilespmem:s13+$0x6300] =	vst v5  }
.LBB2_50:
0x421: {  	p1 =	sne.s32 s16, $0x3F0;
	v4 =	vld [tilespmem:s15+$0x6300];
	[tilespmem:s13+$0x6380] =	vst v3;
	s13 =	smov.u32 s15  }
0x422: {  	v3 =	vld [tilespmem:s13+$0x6380];
	_ =	sdelay $0x1  }
.Ltmp27:
0x423: {  	s14 =	sadd.s32 $0x80, s14;
	v1 =	vmul.f32 $1.333333370e+00, v1;
	(pc) =	sbr.rel @p1 .LBB2_50-.Ltmp27, $4  }
0x424: {  	s2 =	sand.u32 $0x70, s16;
	s10 =	sand.u32 $0x1C00, s14;
	v2 =	vadd.f32 v2, v2  }
0x425: {  	s15 =	sor.u32 s2, s10;
	[tilespmem:s13+$0x6200] =	vst v1;
	v4 =	vmul.f32 $4.000000000e+00, v4  }
0x426: {  	v1 =	vld [tilespmem:s15+$0x6200];
	[tilespmem:s13+$0x6280] =	vst v2;
	v3 =	vmul.f32 $0.0e+00, v3  }
0x427: {  	s16 =	sadd.s32 $0x10, s16;
	v2 =	vld [tilespmem:s15+$0x6280];
	[tilespmem:s13+$0x6300] =	vst v4  }
0x428: {  	v4 =	vld [tilespmem:s15+$0x6300];
	[tilespmem:s13+$0x6380] =	vst v3  }
0x429: {  	v3 =	vld [tilespmem:s15+$0x6380];
	_ =	sdelay $0x1  }
0x42a: {  	v1 =	vmul.f32 $1.333333370e+00, v1  }
.Ltmp28:
0x42b: {  	v2 =	vadd.f32 v2, v2;
	(pc) =	sbr.rel .LBB2_52-.Ltmp28, $4  }
0x42c: {  	[tilespmem:s15+$0x6200] =	vst v1;
	v1 =	vmul.f32 $4.000000000e+00, v4  }
0x42d: {  	[tilespmem:s15+$0x6280] =	vst v2;
	v2 =	vmul.f32 $0.0e+00, v3  }
0x42e: {  	[tilespmem:s15+$0x6300] =	vst v1  }
0x42f: {  	s13 =	rddreg [dreg:$0x18];
	[tilespmem:s15+$0x6380] =	vst v2  }
.LBB2_53:
0x430: {  	_ =	sfence.sel $0x180000  }
0x431: {  	[bflag:$0x0] =	sbarrier.arrive $0xFFFF  }
0x432: {  	_ =	strace $0x90000047  }
0x433: {  	s0 =	stileid.u32;
	[bflag:$0x2] =	sbarrier.arrive $0xFFFF  }
0x434: {  	p0 =	sne.s32 s0, $0x0;
	s0 =	rddreg [dreg:$0x2]  }
0x435: {  	s0 =	sadd.s32 @!p0 $0x100000, s0  }
0x436: {  	[sflag:s0] =	ssyncadd.tile.s32 @!p0 $0x1;
	_ =	shalt  }
.Lfunc_end2:
_tile_overlayer_lowered:
.L_overlay_start_2:
0x437: {  	(tag) =	ssettag $0x2  }
0x438: {  	s0 =	rddreg [dreg:$0x0];
	s2 =	stileid.u32  }
0x439: {  	s1 =	rddreg [dreg:$0x1];
	p0 =	sne.s32 s2, $0x0  }
0x43a: {  	s3 =	rddreg [dreg:$0x2];
	[bflag:$0x3] =	sbarrier.arrive $0xFFFF;
	s2 =	simm.s32 @!p0 $0x1C07  }
0x43b: {  	[timem:s3], [sflag:s2] =	dma.local @!p0 [hbm:s0], s1  }
0x43c: {  	s0 =	simm.s32 @!p0 $0x7  }
0x43d: {  	_ =	swait.ge @!p0 [sflag:s0], s1  }
0x43e: {  	s1 =	ssub.s32 @!p0 $0x0, s1;
	[sflag:s0] =	ssyncset.done @!p0 $0x0  }
0x43f: {  	[sflag:s0] =	ssyncadd.s32 @!p0 s1  }
0x440: {  	[bflag:$0x3] =	sbarrier.arrive $0xFFFF  }
0x441: {  	_ =	shalt  }

</sc_bundles>
